<compile_context>
chip_gen: v7x
topology: tpu7x:2x2x1
jax: 0.10.2.dev20260603
libtpu: 0.0.44.dev20260713+nightly
codegen_flags: <defaults>
</compile_context>

<pallas_src>
import functools

import jax
import jax.numpy as jnp
from jax import lax
from jax.experimental import pallas as pl
from jax.experimental.pallas import tpu as pltpu
from jax.experimental.pallas import tpu_sc as plsc

_NC = 2
_NS = 16
_K = 128
_Q = 6


def _sc_aggregate(table2d, ei3, z2d, n, w):
    nch = ei3.shape[1]
    ch = nch // (_NC * _NS)
    nx = nch - ch * _NC * _NS
    chm = ch // _Q * _Q
    per = (n // _NS) // 8 * 8
    last = n - (_NS - 1) * per
    mesh = plsc.VectorSubcoreMesh(core_axis_name="c", subcore_axis_name="s")

    @functools.partial(
        pl.kernel,
        out_type=jax.ShapeDtypeStruct((_NC, n, w), jnp.float32),
        mesh=mesh,
        scratch_types=[
            pltpu.VMEM((ch + 1, _K), jnp.int32),
            pltpu.VMEM((ch + 1, _K), jnp.int32),
            pltpu.VMEM((_Q, _K, w), jnp.float32),
            pltpu.SemaphoreType.DMA((_Q,)),
            pltpu.SemaphoreType.DMA((_Q,)),
            pltpu.VMEM_SHARED((n, w), jnp.float32),
        ],
        compiler_params=pltpu.CompilerParams(use_tc_tiling_on_sc=False),
    )
    def agg(table_hbm, ei_hbm, z_hbm, out_hbm, sidx, didx,
            rows, gsem, ssem, acc):
        cid = lax.axis_index("c")
        sid = lax.axis_index("s")
        wid = cid * _NS + sid
        base = sid * per
        tbl = table_hbm
        out = out_hbm
        zr = z_hbm
        src2 = ei_hbm.at[0]
        dst2 = ei_hbm.at[1]

        @pl.when(sid < _NS - 1)
        def _():
            pltpu.sync_copy(zr.at[pl.ds(0, per)], acc.at[pl.ds(base, per)])

        @pl.when(sid == _NS - 1)
        def _():
            pltpu.sync_copy(zr, acc.at[pl.ds(base, last)])

        pltpu.sync_copy(src2.at[pl.ds(wid * ch, ch)], sidx.at[pl.ds(0, ch)])
        pltpu.sync_copy(dst2.at[pl.ds(wid * ch, ch)], didx.at[pl.ds(0, ch)])

        @pl.when(wid < nx)
        def _():
            xrow = _NC * _NS * ch + wid
            pltpu.sync_copy(src2.at[pl.ds(xrow, 1)], sidx.at[pl.ds(ch, 1)])
            pltpu.sync_copy(dst2.at[pl.ds(xrow, 1)], didx.at[pl.ds(ch, 1)])

        plsc.subcore_barrier()

        for b in range(_Q):
            pltpu.async_copy(tbl.at[sidx.at[b]], rows.at[b], gsem.at[b])

        @pl.loop(0, chm, step=_Q)
        def _(j):
            descs = []
            for b in range(_Q):
                pltpu.make_async_copy(tbl.at[sidx.at[j + b]],
                                      rows.at[b], gsem.at[b]).wait()
                descs.append(pltpu.async_copy(
                    rows.at[b], acc.at[didx.at[j + b]], ssem.at[b], add=True))
            for b in range(_Q):
                @pl.when(j + _Q + b < chm)
                def _(b=b):
                    descs[b].wait()
                    pltpu.async_copy(tbl.at[sidx.at[j + _Q + b]],
                                     rows.at[b], gsem.at[b])

        for b in range(_Q):
            pltpu.make_async_copy(rows.at[b], acc.at[didx.at[chm - _Q + b]],
                                  ssem.at[b]).wait()

        @pl.loop(chm, ch)
        def _(j):
            pltpu.sync_copy(tbl.at[sidx.at[j]], rows.at[0])
            pltpu.sync_copy(rows.at[0], acc.at[didx.at[j]], add=True)

        @pl.when(wid < nx)
        def _():
            pltpu.sync_copy(tbl.at[sidx.at[ch]], rows.at[1])
            pltpu.sync_copy(rows.at[1], acc.at[didx.at[ch]], add=True)

        plsc.subcore_barrier()

        @pl.when(sid < _NS - 1)
        def _():
            pltpu.sync_copy(acc.at[pl.ds(base, per)],
                            out.at[cid, pl.ds(base, per)])

        @pl.when(sid == _NS - 1)
        def _():
            pltpu.sync_copy(acc.at[pl.ds(base, last)],
                            out.at[cid, pl.ds(base, last)])

    return agg(table2d, ei3, z2d)


def _pack(v, f):
    n, w = v.shape
    t2 = v.reshape(n // f, f, w)
    lanes = f * w
    li = lax.broadcasted_iota(jnp.int32, (w, lanes), 1)
    ji = lax.broadcasted_iota(jnp.int32, (w, lanes), 0)
    out = None
    for q in range(f):
        sq = (li == q * w + ji).astype(jnp.float32)
        term = jnp.dot(t2[:, q, :], sq, preferred_element_type=jnp.float32)
        out = term if out is None else out + term
    return out


def _tc1_body(x_ref, wlt_ref, wrt_ref, table_ref, r1_ref):
    d, h = wlt_ref.shape
    n = x_ref.shape[0]
    x4 = x_ref[...].reshape(n // 4, 4, d)
    wlt = wlt_ref[...]
    wrt = wrt_ref[...]
    zg = jnp.zeros((d, 2 * h), jnp.float32)
    out = None
    for q in range(4):
        blocks = [zg] * q + [jnp.concatenate([wlt, jnp.zeros_like(wlt)], axis=1)]             + [zg] * (3 - q) + [jnp.zeros((d, h * q), jnp.float32), wrt,
                                jnp.zeros((d, h * (3 - q)), jnp.float32)]
        wq = jnp.concatenate([b for b in blocks if b.shape[1]], axis=1)
        term = jnp.dot(x4[:, q, :], wq, preferred_element_type=jnp.float32)
        out = term if out is None else out + term
    li = lax.broadcasted_iota(jnp.int32, (n // 4, 8 * h), 1)
    ones_mask = ((li % (2 * h)) >= h).astype(jnp.float32)
    table_ref[...] = out[:, :8 * h] + ones_mask
    r1_ref[...] = out[:, 8 * h:]


def _tc2_body(acc_ref, r1_ref, b1_ref, h_ref, inv_ref):
    a = acc_ref[...]
    s = a[0] + a[1]
    r1p = r1_ref[...]
    h = 16
    hs, invs = [], []
    for q in range(4):
        inv_q = 1.0 / jnp.maximum(s[:, 32 * q + h:32 * q + h + 1], 1.0)
        h_q = jnp.maximum(s[:, 32 * q:32 * q + h] * inv_q
                          + b1_ref[...][None, :]
                          + r1p[:, h * q:h * (q + 1)], 0.0)
        hs.append(h_q)
        invs.append(jnp.broadcast_to(inv_q, inv_q.shape[:1] + (h,)))
    h_ref[...] = _pack(jnp.concatenate(hs, axis=1), 2)
    inv_ref[...] = _pack(jnp.concatenate(invs, axis=1), 2)


def _bd(w_t, f):
    h, c = w_t.shape
    row = jnp.concatenate([w_t] * f, axis=1)
    big = jnp.concatenate([row] * f, axis=0)
    li = lax.broadcasted_iota(jnp.int32, (f * h, f * c), 0)
    mi = lax.broadcasted_iota(jnp.int32, (f * h, f * c), 1)
    return jnp.where((li // h) == (mi // c), big, 0.0)


def _tc3_body(acc2_ref, h_ref, inv_ref, w2l_ref, w2r_ref, b2_ref, o_ref):
    c, hd = w2l_ref.shape
    a2 = acc2_ref[...]
    meanp = (a2[0] + a2[1]) * inv_ref[...]
    zp = (jnp.dot(meanp, _bd(w2l_ref[...].T, 8),
                  preferred_element_type=jnp.float32)
          + jnp.dot(h_ref[...], _bd(w2r_ref[...].T, 8),
                    preferred_element_type=jnp.float32))
    zs = []
    for u in range(8):
        z = zp[:, c * u:c * (u + 1)] + b2_ref[...][None, :]
        z = z - jnp.max(z, axis=1, keepdims=True)
        zs.append(z - jnp.log(jnp.sum(jnp.exp(z), axis=1, keepdims=True)))
    m = zs[0].shape[0]
    o_ref[...] = jnp.stack(zs, axis=1).reshape(m * 8, c)


def kernel(x, edge_index, W1_l, b1_l, W1_r, W2_l, b2_l, W2_r):
    n, d = x.shape
    h = W1_l.shape[0]
    c = W2_l.shape[0]

    e = edge_index.shape[1]
    ei3 = edge_index.reshape(2, e // _K, _K)
    zrows = n - (_NS - 1) * ((n // _NS) // 8 * 8)
    z1 = jnp.zeros((zrows, 2 * h), jnp.float32)
    z2 = jnp.zeros((zrows, h), jnp.float32)

    table1, r1 = pl.pallas_call(
        _tc1_body,
        out_shape=[
            jax.ShapeDtypeStruct((n // 4, 128), jnp.float32),
            jax.ShapeDtypeStruct((n // 4, 4 * h), jnp.float32),
        ],
    )(x, W1_l.T, W1_r.T)
    table1 = table1.reshape(n, 2 * h)

    acc1 = _sc_aggregate(table1, ei3, z1, n, 2 * h)

    hfeat, invc = pl.pallas_call(
        _tc2_body,
        out_shape=[jax.ShapeDtypeStruct((n // 8, 128), jnp.float32),
                   jax.ShapeDtypeStruct((n // 8, 128), jnp.float32)],
    )(acc1.reshape(_NC, n // 4, 128), r1, b1_l)

    acc2 = _sc_aggregate(hfeat.reshape(n, h), ei3, z2, n, h)

    out = pl.pallas_call(
        _tc3_body,
        out_shape=jax.ShapeDtypeStruct((n, c), jnp.float32),
    )(acc2.reshape(_NC, n // 8, 128), hfeat, invc, W2_l, W2_r, b2_l)

    return out

# --- scband reference (transcript-rebuilt; emitter-appended) ---
"""Pipeline reference for scband-sagenet-81312320848105 (READ-ONLY COPY).

The authoritative reference and input builder live on the scoring server;
editing this copy changes nothing except your own understanding.
"""

import jax, jax.numpy as jnp
import numpy as np

N = 10000
E = 320000
D = 128
H = 16
C = 64


def setup_inputs(seed: int = 0) -> dict:
    key = jax.random.key(seed)
    ks = jax.random.split(key, 8)
    x = jax.random.normal(ks[0], (N, D), dtype=jnp.float32)
    edge_index = jax.random.randint(ks[1], (2, E), 0, N, dtype=jnp.int32)
    # SAGEConv params (PyG semantics, normalize=False, bias=True):
    #   lin_l: applied to mean-aggregated neighbor features (has bias)
    #   lin_r: applied to root features (no bias)
    W1_l = jax.random.normal(ks[2], (H, D), dtype=jnp.float32) / np.sqrt(D)
    b1_l = jnp.zeros((H,), dtype=jnp.float32)
    W1_r = jax.random.normal(ks[3], (H, D), dtype=jnp.float32) / np.sqrt(D)
    W2_l = jax.random.normal(ks[4], (C, H), dtype=jnp.float32) / np.sqrt(H)
    b2_l = jnp.zeros((C,), dtype=jnp.float32)
    W2_r = jax.random.normal(ks[5], (C, H), dtype=jnp.float32) / np.sqrt(H)
    return {
        "x": x,
        "edge_index": edge_index,
        "W1_l": W1_l,
        "b1_l": b1_l,
        "W1_r": W1_r,
        "W2_l": W2_l,
        "b2_l": b2_l,
        "W2_r": W2_r,
    }


def _sage_conv(x, edge_index, W_l, b_l, W_r):
    src = edge_index[0]
    dst = edge_index[1]
    n = x.shape[0]
    msgs = jnp.take(x, src, axis=0)  # gather x_j
    summed = jax.ops.segment_sum(msgs, dst, num_segments=n)  # scatter-add
    cnt = jax.ops.segment_sum(jnp.ones((edge_index.shape[1],), dtype=x.dtype), dst, num_segments=n)
    mean = summed / jnp.clip(cnt, 1.0, None)[:, None]  # mean aggregation (zero-degree safe)
    return mean @ W_l.T + b_l + x @ W_r.T


def reference(x, edge_index, W1_l, b1_l, W1_r, W2_l, b2_l, W2_r):
    h = jax.nn.relu(_sage_conv(x, edge_index, W1_l, b1_l, W1_r))
    # dropout p=0.5 is identity in eval mode
    out = _sage_conv(h, edge_index, W2_l, b2_l, W2_r)
    return jax.nn.log_softmax(out, axis=1)

if __name__ == "__main__":
    import jax
    _d = setup_inputs()
    print(jax.jit(kernel)(*tuple(_d.values())))

</pallas_src>

<mosaic_0001>
#map = affine_map<(d0, d1) -> (0, 0)>
#map1 = affine_map<(d0, d1) -> (0, 0, 0)>
module attributes {stable_mosaic.version = 14 : i64} {
  func.func @agg(%arg0: i32, %arg1: i32, %arg2: memref<10000x32xf32, #tpu.memory_space<hbm>>, %arg3: memref<2x2500x128xi32, #tpu.memory_space<hbm>>, %arg4: memref<640x32xf32, #tpu.memory_space<hbm>>, %arg5: memref<2x10000x32xf32, #tpu.memory_space<hbm>>, %arg6: memref<79x128xi32, #tpu.memory_space<vmem>>, %arg7: memref<79x128xi32, #tpu.memory_space<vmem>>, %arg8: memref<6x128x32xf32, #tpu.memory_space<vmem>>, %arg9: memref<6x!tpu.dma_semaphore, #tpu.memory_space<semaphore_mem>>, %arg10: memref<6x!tpu.dma_semaphore, #tpu.memory_space<semaphore_mem>>, %arg11: memref<10000x32xf32, #tpu.memory_space<vmem_shared>>) attributes {dimension_semantics = [#tpu.dimension_semantics<core_parallel>, #tpu.dimension_semantics<subcore_parallel>], iteration_bounds = array<i64: 2, 16>, scalar_prefetch = 0 : i64, scratch_operands = 6 : i64, tpu.core_type = #tpu.core_type<sc_vector_subcore>, window_params = [{transform_indices = #map}, {transform_indices = #map1}, {transform_indices = #map}, {transform_indices = #map1}]} {
    %mul3A = arith.constant 16 : i32
    %mul3A_0 = arith.muli %arg0, %mul3A : i32
    %add3A = arith.addi %mul3A_0, %arg1 : i32
    %mul3A_1 = arith.constant 624 : i32
    %mul3A_2 = arith.muli %arg1, %mul3A_1 : i32
    %lt3A = arith.constant 15 : i32
    %lt3A_3 = arith.cmpi slt, %arg1, %lt3A : i32
    %convert_element_type3A = arith.extui %lt3A_3 : i1 to i32
    %cond3A = arith.constant 0 : i32
    %cond3A_4 = arith.cmpi ne, %convert_element_type3A, %cond3A : i32
    scf.if %cond3A_4 {
      "tpu.region"() ({
        %run_scoped3A_223 = tpu.sem_alloc : memref<!tpu.dma_semaphore, #tpu.memory_space<semaphore_mem>>
        %dma_start3A_224 = arith.constant 0 : i32
        %dma_start3A_225 = tpu.memref_slice %arg11[%mul3A_2, %dma_start3A_224] : memref<10000x32xf32, #tpu.memory_space<vmem_shared>> -> memref<624x32xf32, #tpu.memory_space<vmem_shared>>
        %dma_start3A_226 = arith.constant 0 : i32
        %dma_start3A_227 = arith.constant 0 : i32
        %dma_start3A_228 = tpu.memref_slice %arg4[%dma_start3A_226, %dma_start3A_227] : memref<640x32xf32, #tpu.memory_space<hbm>> -> memref<624x32xf32, #tpu.memory_space<hbm>>
        tpu.enqueue_dma source(%dma_start3A_228 : memref<624x32xf32, #tpu.memory_space<hbm>>) target(%dma_start3A_225 : memref<624x32xf32, #tpu.memory_space<vmem_shared>>) target_semaphore(%run_scoped3A_223 : memref<!tpu.dma_semaphore, #tpu.memory_space<semaphore_mem>>)
        %dma_wait3A_229 = arith.constant 0 : i32
        %dma_wait3A_230 = tpu.memref_slice %arg11[%mul3A_2, %dma_wait3A_229] : memref<10000x32xf32, #tpu.memory_space<vmem_shared>> -> memref<624x32xf32, #tpu.memory_space<vmem_shared>>
        %dma_wait3A_231 = arith.constant 0 : i32
        %dma_wait3A_232 = arith.constant 0 : i32
        %dma_wait3A_233 = tpu.memref_slice %arg4[%dma_wait3A_231, %dma_wait3A_232] : memref<640x32xf32, #tpu.memory_space<hbm>> -> memref<624x32xf32, #tpu.memory_space<hbm>>
        tpu.wait_dma2 semaphore(%run_scoped3A_223 : memref<!tpu.dma_semaphore, #tpu.memory_space<semaphore_mem>>) src(%dma_wait3A_233 : memref<624x32xf32, #tpu.memory_space<hbm>>) dst(%dma_wait3A_230 : memref<624x32xf32, #tpu.memory_space<vmem_shared>>)
        tpu.yield
      }) : () -> ()
    } else {
    }
    %eq3A = arith.constant 15 : i32
    %eq3A_5 = arith.cmpi eq, %arg1, %eq3A : i32
    %convert_element_type3A_6 = arith.extui %eq3A_5 : i1 to i32
    %cond3A_7 = arith.constant 0 : i32
    %cond3A_8 = arith.cmpi ne, %convert_element_type3A_6, %cond3A_7 : i32
    scf.if %cond3A_8 {
      "tpu.region"() ({
        %run_scoped3A_223 = tpu.sem_alloc : memref<!tpu.dma_semaphore, #tpu.memory_space<semaphore_mem>>
        %dma_start3A_224 = arith.constant 0 : i32
        %dma_start3A_225 = tpu.memref_slice %arg11[%mul3A_2, %dma_start3A_224] : memref<10000x32xf32, #tpu.memory_space<vmem_shared>> -> memref<640x32xf32, #tpu.memory_space<vmem_shared>>
        tpu.enqueue_dma source(%arg4 : memref<640x32xf32, #tpu.memory_space<hbm>>) target(%dma_start3A_225 : memref<640x32xf32, #tpu.memory_space<vmem_shared>>) target_semaphore(%run_scoped3A_223 : memref<!tpu.dma_semaphore, #tpu.memory_space<semaphore_mem>>)
        %dma_wait3A_226 = arith.constant 0 : i32
        %dma_wait3A_227 = tpu.memref_slice %arg11[%mul3A_2, %dma_wait3A_226] : memref<10000x32xf32, #tpu.memory_space<vmem_shared>> -> memref<640x32xf32, #tpu.memory_space<vmem_shared>>
        tpu.wait_dma2 semaphore(%run_scoped3A_223 : memref<!tpu.dma_semaphore, #tpu.memory_space<semaphore_mem>>) src(%arg4 : memref<640x32xf32, #tpu.memory_space<hbm>>) dst(%dma_wait3A_227 : memref<640x32xf32, #tpu.memory_space<vmem_shared>>)
        tpu.yield
      }) : () -> ()
    } else {
    }
    %mul3A_9 = arith.constant 78 : i32
    %mul3A_10 = arith.muli %add3A, %mul3A_9 : i32
    %run_scoped3A = arith.constant 0 : i32
    "tpu.region"() ({
      %run_scoped3A_223 = tpu.sem_alloc : memref<!tpu.dma_semaphore, #tpu.memory_space<semaphore_mem>>
      %dma_start3A_224 = arith.constant 0 : i32
      %dma_start3A_225 = arith.constant 0 : i32
      %dma_start3A_226 = tpu.memref_slice %arg6[%dma_start3A_224, %dma_start3A_225] : memref<79x128xi32, #tpu.memory_space<vmem>> -> memref<78x128xi32, #tpu.memory_space<vmem>>
      %dma_start3A_227 = arith.constant 0 : i32
      %dma_start3A_228 = arith.constant 0 : i32
      %dma_start3A_229 = tpu.memref_slice %arg3[%run_scoped3A, %dma_start3A_227, %dma_start3A_228] : memref<2x2500x128xi32, #tpu.memory_space<hbm>> -> memref<1x2500x128xi32, #tpu.memory_space<hbm>>
      %dma_start3A_230 = tpu.memref_squeeze %dma_start3A_229 : memref<1x2500x128xi32, #tpu.memory_space<hbm>> -> memref<2500x128xi32, #tpu.memory_space<hbm>>
      %dma_start3A_231 = arith.constant 0 : i32
      %dma_start3A_232 = tpu.memref_slice %dma_start3A_230[%mul3A_10, %dma_start3A_231] : memref<2500x128xi32, #tpu.memory_space<hbm>> -> memref<78x128xi32, #tpu.memory_space<hbm>>
      %dma_start3A_233 = arith.constant 0 : i32
      %dma_start3A_234 = arith.constant 0 : i32
      %dma_start3A_235 = tpu.memref_slice %arg6[%dma_start3A_233, %dma_start3A_234] : memref<79x128xi32, #tpu.memory_space<vmem>> -> memref<78x128xi32, #tpu.memory_space<vmem>>
      %dma_start3A_236 = arith.constant 0 : i32
      %dma_start3A_237 = arith.constant 0 : i32
      %dma_start3A_238 = tpu.memref_slice %arg3[%run_scoped3A, %dma_start3A_236, %dma_start3A_237] : memref<2x2500x128xi32, #tpu.memory_space<hbm>> -> memref<1x2500x128xi32, #tpu.memory_space<hbm>>
      %dma_start3A_239 = tpu.memref_squeeze %dma_start3A_238 : memref<1x2500x128xi32, #tpu.memory_space<hbm>> -> memref<2500x128xi32, #tpu.memory_space<hbm>>
      %dma_start3A_240 = arith.constant 0 : i32
      %dma_start3A_241 = tpu.memref_slice %dma_start3A_239[%mul3A_10, %dma_start3A_240] : memref<2500x128xi32, #tpu.memory_space<hbm>> -> memref<78x128xi32, #tpu.memory_space<hbm>>
      tpu.enqueue_dma source(%dma_start3A_241 : memref<78x128xi32, #tpu.memory_space<hbm>>) target(%dma_start3A_235 : memref<78x128xi32, #tpu.memory_space<vmem>>) target_semaphore(%run_scoped3A_223 : memref<!tpu.dma_semaphore, #tpu.memory_space<semaphore_mem>>)
      %dma_wait3A_242 = arith.constant 0 : i32
      %dma_wait3A_243 = arith.constant 0 : i32
      %dma_wait3A_244 = tpu.memref_slice %arg6[%dma_wait3A_242, %dma_wait3A_243] : memref<79x128xi32, #tpu.memory_space<vmem>> -> memref<78x128xi32, #tpu.memory_space<vmem>>
      %dma_wait3A_245 = arith.constant 0 : i32
      %dma_wait3A_246 = arith.constant 0 : i32
      %dma_wait3A_247 = tpu.memref_slice %arg3[%run_scoped3A, %dma_wait3A_245, %dma_wait3A_246] : memref<2x2500x128xi32, #tpu.memory_space<hbm>> -> memref<1x2500x128xi32, #tpu.memory_space<hbm>>
      %dma_wait3A_248 = tpu.memref_squeeze %dma_wait3A_247 : memref<1x2500x128xi32, #tpu.memory_space<hbm>> -> memref<2500x128xi32, #tpu.memory_space<hbm>>
      %dma_wait3A_249 = arith.constant 0 : i32
      %dma_wait3A_250 = tpu.memref_slice %dma_wait3A_248[%mul3A_10, %dma_wait3A_249] : memref<2500x128xi32, #tpu.memory_space<hbm>> -> memref<78x128xi32, #tpu.memory_space<hbm>>
      %dma_wait3A_251 = arith.constant 0 : i32
      %dma_wait3A_252 = arith.constant 0 : i32
      %dma_wait3A_253 = tpu.memref_slice %arg6[%dma_wait3A_251, %dma_wait3A_252] : memref<79x128xi32, #tpu.memory_space<vmem>> -> memref<78x128xi32, #tpu.memory_space<vmem>>
      %dma_wait3A_254 = arith.constant 0 : i32
      %dma_wait3A_255 = arith.constant 0 : i32
      %dma_wait3A_256 = tpu.memref_slice %arg3[%run_scoped3A, %dma_wait3A_254, %dma_wait3A_255] : memref<2x2500x128xi32, #tpu.memory_space<hbm>> -> memref<1x2500x128xi32, #tpu.memory_space<hbm>>
      %dma_wait3A_257 = tpu.memref_squeeze %dma_wait3A_256 : memref<1x2500x128xi32, #tpu.memory_space<hbm>> -> memref<2500x128xi32, #tpu.memory_space<hbm>>
      %dma_wait3A_258 = arith.constant 0 : i32
      %dma_wait3A_259 = tpu.memref_slice %dma_wait3A_257[%mul3A_10, %dma_wait3A_258] : memref<2500x128xi32, #tpu.memory_space<hbm>> -> memref<78x128xi32, #tpu.memory_space<hbm>>
      tpu.wait_dma2 semaphore(%run_scoped3A_223 : memref<!tpu.dma_semaphore, #tpu.memory_space<semaphore_mem>>) src(%dma_wait3A_259 : memref<78x128xi32, #tpu.memory_space<hbm>>) dst(%dma_wait3A_253 : memref<78x128xi32, #tpu.memory_space<vmem>>)
      tpu.yield
    }) : () -> ()
    %mul3A_11 = arith.constant 78 : i32
    %mul3A_12 = arith.muli %add3A, %mul3A_11 : i32
    %run_scoped3A_13 = arith.constant 1 : i32
    "tpu.region"() ({
      %run_scoped3A_223 = tpu.sem_alloc : memref<!tpu.dma_semaphore, #tpu.memory_space<semaphore_mem>>
      %dma_start3A_224 = arith.constant 0 : i32
      %dma_start3A_225 = arith.constant 0 : i32
      %dma_start3A_226 = tpu.memref_slice %arg7[%dma_start3A_224, %dma_start3A_225] : memref<79x128xi32, #tpu.memory_space<vmem>> -> memref<78x128xi32, #tpu.memory_space<vmem>>
      %dma_start3A_227 = arith.constant 0 : i32
      %dma_start3A_228 = arith.constant 0 : i32
      %dma_start3A_229 = tpu.memref_slice %arg3[%run_scoped3A_13, %dma_start3A_227, %dma_start3A_228] : memref<2x2500x128xi32, #tpu.memory_space<hbm>> -> memref<1x2500x128xi32, #tpu.memory_space<hbm>>
      %dma_start3A_230 = tpu.memref_squeeze %dma_start3A_229 : memref<1x2500x128xi32, #tpu.memory_space<hbm>> -> memref<2500x128xi32, #tpu.memory_space<hbm>>
      %dma_start3A_231 = arith.constant 0 : i32
      %dma_start3A_232 = tpu.memref_slice %dma_start3A_230[%mul3A_12, %dma_start3A_231] : memref<2500x128xi32, #tpu.memory_space<hbm>> -> memref<78x128xi32, #tpu.memory_space<hbm>>
      %dma_start3A_233 = arith.constant 0 : i32
      %dma_start3A_234 = arith.constant 0 : i32
      %dma_start3A_235 = tpu.memref_slice %arg7[%dma_start3A_233, %dma_start3A_234] : memref<79x128xi32, #tpu.memory_space<vmem>> -> memref<78x128xi32, #tpu.memory_space<vmem>>
      %dma_start3A_236 = arith.constant 0 : i32
      %dma_start3A_237 = arith.constant 0 : i32
      %dma_start3A_238 = tpu.memref_slice %arg3[%run_scoped3A_13, %dma_start3A_236, %dma_start3A_237] : memref<2x2500x128xi32, #tpu.memory_space<hbm>> -> memref<1x2500x128xi32, #tpu.memory_space<hbm>>
      %dma_start3A_239 = tpu.memref_squeeze %dma_start3A_238 : memref<1x2500x128xi32, #tpu.memory_space<hbm>> -> memref<2500x128xi32, #tpu.memory_space<hbm>>
      %dma_start3A_240 = arith.constant 0 : i32
      %dma_start3A_241 = tpu.memref_slice %dma_start3A_239[%mul3A_12, %dma_start3A_240] : memref<2500x128xi32, #tpu.memory_space<hbm>> -> memref<78x128xi32, #tpu.memory_space<hbm>>
      tpu.enqueue_dma source(%dma_start3A_241 : memref<78x128xi32, #tpu.memory_space<hbm>>) target(%dma_start3A_235 : memref<78x128xi32, #tpu.memory_space<vmem>>) target_semaphore(%run_scoped3A_223 : memref<!tpu.dma_semaphore, #tpu.memory_space<semaphore_mem>>)
      %dma_wait3A_242 = arith.constant 0 : i32
      %dma_wait3A_243 = arith.constant 0 : i32
      %dma_wait3A_244 = tpu.memref_slice %arg7[%dma_wait3A_242, %dma_wait3A_243] : memref<79x128xi32, #tpu.memory_space<vmem>> -> memref<78x128xi32, #tpu.memory_space<vmem>>
      %dma_wait3A_245 = arith.constant 0 : i32
      %dma_wait3A_246 = arith.constant 0 : i32
      %dma_wait3A_247 = tpu.memref_slice %arg3[%run_scoped3A_13, %dma_wait3A_245, %dma_wait3A_246] : memref<2x2500x128xi32, #tpu.memory_space<hbm>> -> memref<1x2500x128xi32, #tpu.memory_space<hbm>>
      %dma_wait3A_248 = tpu.memref_squeeze %dma_wait3A_247 : memref<1x2500x128xi32, #tpu.memory_space<hbm>> -> memref<2500x128xi32, #tpu.memory_space<hbm>>
      %dma_wait3A_249 = arith.constant 0 : i32
      %dma_wait3A_250 = tpu.memref_slice %dma_wait3A_248[%mul3A_12, %dma_wait3A_249] : memref<2500x128xi32, #tpu.memory_space<hbm>> -> memref<78x128xi32, #tpu.memory_space<hbm>>
      %dma_wait3A_251 = arith.constant 0 : i32
      %dma_wait3A_252 = arith.constant 0 : i32
      %dma_wait3A_253 = tpu.memref_slice %arg7[%dma_wait3A_251, %dma_wait3A_252] : memref<79x128xi32, #tpu.memory_space<vmem>> -> memref<78x128xi32, #tpu.memory_space<vmem>>
      %dma_wait3A_254 = arith.constant 0 : i32
      %dma_wait3A_255 = arith.constant 0 : i32
      %dma_wait3A_256 = tpu.memref_slice %arg3[%run_scoped3A_13, %dma_wait3A_254, %dma_wait3A_255] : memref<2x2500x128xi32, #tpu.memory_space<hbm>> -> memref<1x2500x128xi32, #tpu.memory_space<hbm>>
      %dma_wait3A_257 = tpu.memref_squeeze %dma_wait3A_256 : memref<1x2500x128xi32, #tpu.memory_space<hbm>> -> memref<2500x128xi32, #tpu.memory_space<hbm>>
      %dma_wait3A_258 = arith.constant 0 : i32
      %dma_wait3A_259 = tpu.memref_slice %dma_wait3A_257[%mul3A_12, %dma_wait3A_258] : memref<2500x128xi32, #tpu.memory_space<hbm>> -> memref<78x128xi32, #tpu.memory_space<hbm>>
      tpu.wait_dma2 semaphore(%run_scoped3A_223 : memref<!tpu.dma_semaphore, #tpu.memory_space<semaphore_mem>>) src(%dma_wait3A_259 : memref<78x128xi32, #tpu.memory_space<hbm>>) dst(%dma_wait3A_253 : memref<78x128xi32, #tpu.memory_space<vmem>>)
      tpu.yield
    }) : () -> ()
    %lt3A_14 = arith.constant 4 : i32
    %lt3A_15 = arith.cmpi slt, %add3A, %lt3A_14 : i32
    %convert_element_type3A_16 = arith.extui %lt3A_15 : i1 to i32
    %cond3A_17 = arith.constant 0 : i32
    %cond3A_18 = arith.constant 1 : i32
    %cond3A_19 = arith.constant 0 : i32
    %cond3A_20 = arith.cmpi ne, %convert_element_type3A_16, %cond3A_19 : i32
    scf.if %cond3A_20 {
      %add3A_223 = arith.constant 2496 : i32
      %add3A_224 = arith.addi %add3A_223, %add3A : i32
      "tpu.region"() ({
        %run_scoped3A_225 = tpu.sem_alloc : memref<!tpu.dma_semaphore, #tpu.memory_space<semaphore_mem>>
        %dma_start3A_226 = arith.constant 78 : i32
        %dma_start3A_227 = arith.constant 0 : i32
        %dma_start3A_228 = tpu.memref_slice %arg6[%dma_start3A_226, %dma_start3A_227] : memref<79x128xi32, #tpu.memory_space<vmem>> -> memref<1x128xi32, #tpu.memory_space<vmem>>
        %dma_start3A_229 = arith.constant 0 : i32
        %dma_start3A_230 = arith.constant 0 : i32
        %dma_start3A_231 = tpu.memref_slice %arg3[%cond3A_17, %dma_start3A_229, %dma_start3A_230] : memref<2x2500x128xi32, #tpu.memory_space<hbm>> -> memref<1x2500x128xi32, #tpu.memory_space<hbm>>
        %dma_start3A_232 = tpu.memref_squeeze %dma_start3A_231 : memref<1x2500x128xi32, #tpu.memory_space<hbm>> -> memref<2500x128xi32, #tpu.memory_space<hbm>>
        %dma_start3A_233 = arith.constant 0 : i32
        %dma_start3A_234 = tpu.memref_slice %dma_start3A_232[%add3A_224, %dma_start3A_233] : memref<2500x128xi32, #tpu.memory_space<hbm>> -> memref<1x128xi32, #tpu.memory_space<hbm>>
        %dma_start3A_235 = arith.constant 78 : i32
        %dma_start3A_236 = arith.constant 0 : i32
        %dma_start3A_237 = tpu.memref_slice %arg6[%dma_start3A_235, %dma_start3A_236] : memref<79x128xi32, #tpu.memory_space<vmem>> -> memref<1x128xi32, #tpu.memory_space<vmem>>
        %dma_start3A_238 = arith.constant 0 : i32
        %dma_start3A_239 = arith.constant 0 : i32
        %dma_start3A_240 = tpu.memref_slice %arg3[%cond3A_17, %dma_start3A_238, %dma_start3A_239] : memref<2x2500x128xi32, #tpu.memory_space<hbm>> -> memref<1x2500x128xi32, #tpu.memory_space<hbm>>
        %dma_start3A_241 = tpu.memref_squeeze %dma_start3A_240 : memref<1x2500x128xi32, #tpu.memory_space<hbm>> -> memref<2500x128xi32, #tpu.memory_space<hbm>>
        %dma_start3A_242 = arith.constant 0 : i32
        %dma_start3A_243 = tpu.memref_slice %dma_start3A_241[%add3A_224, %dma_start3A_242] : memref<2500x128xi32, #tpu.memory_space<hbm>> -> memref<1x128xi32, #tpu.memory_space<hbm>>
        tpu.enqueue_dma source(%dma_start3A_243 : memref<1x128xi32, #tpu.memory_space<hbm>>) target(%dma_start3A_237 : memref<1x128xi32, #tpu.memory_space<vmem>>) target_semaphore(%run_scoped3A_225 : memref<!tpu.dma_semaphore, #tpu.memory_space<semaphore_mem>>)
        %dma_wait3A_244 = arith.constant 78 : i32
        %dma_wait3A_245 = arith.constant 0 : i32
        %dma_wait3A_246 = tpu.memref_slice %arg6[%dma_wait3A_244, %dma_wait3A_245] : memref<79x128xi32, #tpu.memory_space<vmem>> -> memref<1x128xi32, #tpu.memory_space<vmem>>
        %dma_wait3A_247 = arith.constant 0 : i32
        %dma_wait3A_248 = arith.constant 0 : i32
        %dma_wait3A_249 = tpu.memref_slice %arg3[%cond3A_17, %dma_wait3A_247, %dma_wait3A_248] : memref<2x2500x128xi32, #tpu.memory_space<hbm>> -> memref<1x2500x128xi32, #tpu.memory_space<hbm>>
        %dma_wait3A_250 = tpu.memref_squeeze %dma_wait3A_249 : memref<1x2500x128xi32, #tpu.memory_space<hbm>> -> memref<2500x128xi32, #tpu.memory_space<hbm>>
        %dma_wait3A_251 = arith.constant 0 : i32
        %dma_wait3A_252 = tpu.memref_slice %dma_wait3A_250[%add3A_224, %dma_wait3A_251] : memref<2500x128xi32, #tpu.memory_space<hbm>> -> memref<1x128xi32, #tpu.memory_space<hbm>>
        %dma_wait3A_253 = arith.constant 78 : i32
        %dma_wait3A_254 = arith.constant 0 : i32
        %dma_wait3A_255 = tpu.memref_slice %arg6[%dma_wait3A_253, %dma_wait3A_254] : memref<79x128xi32, #tpu.memory_space<vmem>> -> memref<1x128xi32, #tpu.memory_space<vmem>>
        %dma_wait3A_256 = arith.constant 0 : i32
        %dma_wait3A_257 = arith.constant 0 : i32
        %dma_wait3A_258 = tpu.memref_slice %arg3[%cond3A_17, %dma_wait3A_256, %dma_wait3A_257] : memref<2x2500x128xi32, #tpu.memory_space<hbm>> -> memref<1x2500x128xi32, #tpu.memory_space<hbm>>
        %dma_wait3A_259 = tpu.memref_squeeze %dma_wait3A_258 : memref<1x2500x128xi32, #tpu.memory_space<hbm>> -> memref<2500x128xi32, #tpu.memory_space<hbm>>
        %dma_wait3A_260 = arith.constant 0 : i32
        %dma_wait3A_261 = tpu.memref_slice %dma_wait3A_259[%add3A_224, %dma_wait3A_260] : memref<2500x128xi32, #tpu.memory_space<hbm>> -> memref<1x128xi32, #tpu.memory_space<hbm>>
        tpu.wait_dma2 semaphore(%run_scoped3A_225 : memref<!tpu.dma_semaphore, #tpu.memory_space<semaphore_mem>>) src(%dma_wait3A_261 : memref<1x128xi32, #tpu.memory_space<hbm>>) dst(%dma_wait3A_255 : memref<1x128xi32, #tpu.memory_space<vmem>>)
        tpu.yield
      }) : () -> ()
      "tpu.region"() ({
        %run_scoped3A_225 = tpu.sem_alloc : memref<!tpu.dma_semaphore, #tpu.memory_space<semaphore_mem>>
        %dma_start3A_226 = arith.constant 78 : i32
        %dma_start3A_227 = arith.constant 0 : i32
        %dma_start3A_228 = tpu.memref_slice %arg7[%dma_start3A_226, %dma_start3A_227] : memref<79x128xi32, #tpu.memory_space<vmem>> -> memref<1x128xi32, #tpu.memory_space<vmem>>
        %dma_start3A_229 = arith.constant 0 : i32
        %dma_start3A_230 = arith.constant 0 : i32
        %dma_start3A_231 = tpu.memref_slice %arg3[%cond3A_18, %dma_start3A_229, %dma_start3A_230] : memref<2x2500x128xi32, #tpu.memory_space<hbm>> -> memref<1x2500x128xi32, #tpu.memory_space<hbm>>
        %dma_start3A_232 = tpu.memref_squeeze %dma_start3A_231 : memref<1x2500x128xi32, #tpu.memory_space<hbm>> -> memref<2500x128xi32, #tpu.memory_space<hbm>>
        %dma_start3A_233 = arith.constant 0 : i32
        %dma_start3A_234 = tpu.memref_slice %dma_start3A_232[%add3A_224, %dma_start3A_233] : memref<2500x128xi32, #tpu.memory_space<hbm>> -> memref<1x128xi32, #tpu.memory_space<hbm>>
        %dma_start3A_235 = arith.constant 78 : i32
        %dma_start3A_236 = arith.constant 0 : i32
        %dma_start3A_237 = tpu.memref_slice %arg7[%dma_start3A_235, %dma_start3A_236] : memref<79x128xi32, #tpu.memory_space<vmem>> -> memref<1x128xi32, #tpu.memory_space<vmem>>
        %dma_start3A_238 = arith.constant 0 : i32
        %dma_start3A_239 = arith.constant 0 : i32
        %dma_start3A_240 = tpu.memref_slice %arg3[%cond3A_18, %dma_start3A_238, %dma_start3A_239] : memref<2x2500x128xi32, #tpu.memory_space<hbm>> -> memref<1x2500x128xi32, #tpu.memory_space<hbm>>
        %dma_start3A_241 = tpu.memref_squeeze %dma_start3A_240 : memref<1x2500x128xi32, #tpu.memory_space<hbm>> -> memref<2500x128xi32, #tpu.memory_space<hbm>>
        %dma_start3A_242 = arith.constant 0 : i32
        %dma_start3A_243 = tpu.memref_slice %dma_start3A_241[%add3A_224, %dma_start3A_242] : memref<2500x128xi32, #tpu.memory_space<hbm>> -> memref<1x128xi32, #tpu.memory_space<hbm>>
        tpu.enqueue_dma source(%dma_start3A_243 : memref<1x128xi32, #tpu.memory_space<hbm>>) target(%dma_start3A_237 : memref<1x128xi32, #tpu.memory_space<vmem>>) target_semaphore(%run_scoped3A_225 : memref<!tpu.dma_semaphore, #tpu.memory_space<semaphore_mem>>)
        %dma_wait3A_244 = arith.constant 78 : i32
        %dma_wait3A_245 = arith.constant 0 : i32
        %dma_wait3A_246 = tpu.memref_slice %arg7[%dma_wait3A_244, %dma_wait3A_245] : memref<79x128xi32, #tpu.memory_space<vmem>> -> memref<1x128xi32, #tpu.memory_space<vmem>>
        %dma_wait3A_247 = arith.constant 0 : i32
        %dma_wait3A_248 = arith.constant 0 : i32
        %dma_wait3A_249 = tpu.memref_slice %arg3[%cond3A_18, %dma_wait3A_247, %dma_wait3A_248] : memref<2x2500x128xi32, #tpu.memory_space<hbm>> -> memref<1x2500x128xi32, #tpu.memory_space<hbm>>
        %dma_wait3A_250 = tpu.memref_squeeze %dma_wait3A_249 : memref<1x2500x128xi32, #tpu.memory_space<hbm>> -> memref<2500x128xi32, #tpu.memory_space<hbm>>
        %dma_wait3A_251 = arith.constant 0 : i32
        %dma_wait3A_252 = tpu.memref_slice %dma_wait3A_250[%add3A_224, %dma_wait3A_251] : memref<2500x128xi32, #tpu.memory_space<hbm>> -> memref<1x128xi32, #tpu.memory_space<hbm>>
        %dma_wait3A_253 = arith.constant 78 : i32
        %dma_wait3A_254 = arith.constant 0 : i32
        %dma_wait3A_255 = tpu.memref_slice %arg7[%dma_wait3A_253, %dma_wait3A_254] : memref<79x128xi32, #tpu.memory_space<vmem>> -> memref<1x128xi32, #tpu.memory_space<vmem>>
        %dma_wait3A_256 = arith.constant 0 : i32
        %dma_wait3A_257 = arith.constant 0 : i32
        %dma_wait3A_258 = tpu.memref_slice %arg3[%cond3A_18, %dma_wait3A_256, %dma_wait3A_257] : memref<2x2500x128xi32, #tpu.memory_space<hbm>> -> memref<1x2500x128xi32, #tpu.memory_space<hbm>>
        %dma_wait3A_259 = tpu.memref_squeeze %dma_wait3A_258 : memref<1x2500x128xi32, #tpu.memory_space<hbm>> -> memref<2500x128xi32, #tpu.memory_space<hbm>>
        %dma_wait3A_260 = arith.constant 0 : i32
        %dma_wait3A_261 = tpu.memref_slice %dma_wait3A_259[%add3A_224, %dma_wait3A_260] : memref<2500x128xi32, #tpu.memory_space<hbm>> -> memref<1x128xi32, #tpu.memory_space<hbm>>
        tpu.wait_dma2 semaphore(%run_scoped3A_225 : memref<!tpu.dma_semaphore, #tpu.memory_space<semaphore_mem>>) src(%dma_wait3A_261 : memref<1x128xi32, #tpu.memory_space<hbm>>) dst(%dma_wait3A_255 : memref<1x128xi32, #tpu.memory_space<vmem>>)
        tpu.yield
      }) : () -> ()
    } else {
    }
    %barrier3A = arith.constant 0 : index
    tpu.barrier barrier_id(%barrier3A)
    %dma_start3A = arith.constant 0 : i32
    %dma_start3A_21 = arith.constant 0 : i32
    %dma_start3A_22 = arith.constant 0 : i32
    %dma_start3A_23 = arith.constant 0 : i32
    %dma_start3A_24 = arith.constant 0 : i32
    %dma_start3A_25 = tpu.memref_slice %arg8[%dma_start3A_21, %dma_start3A_23, %dma_start3A_24] : memref<6x128x32xf32, #tpu.memory_space<vmem>> -> memref<1x128x32xf32, #tpu.memory_space<vmem>>
    %dma_start3A_26 = tpu.memref_squeeze %dma_start3A_25 : memref<1x128x32xf32, #tpu.memory_space<vmem>> -> memref<128x32xf32, #tpu.memory_space<vmem>>
    %dma_start3A_27 = arith.constant 0 : i32
    %dma_start3A_28 = tpu.memref_slice %arg6[%dma_start3A, %dma_start3A_27] : memref<79x128xi32, #tpu.memory_space<vmem>> -> memref<1x128xi32, #tpu.memory_space<vmem>>
    %dma_start3A_29 = tpu.memref_squeeze %dma_start3A_28 : memref<1x128xi32, #tpu.memory_space<vmem>> -> memref<128xi32, #tpu.memory_space<vmem>>
    %dma_start3A_30 = arith.constant 0 : i32
    %dma_start3A_31 = arith.constant 0 : i32
    %dma_start3A_32 = tpu.memref_slice %arg2[%dma_start3A_30, %dma_start3A_31] : memref<10000x32xf32, #tpu.memory_space<hbm>> -> memref<10000x32xf32, #tpu.memory_space<hbm>>
    %dma_start3A_33 = tpu.memref_slice %arg9[%dma_start3A_22] : memref<6x!tpu.dma_semaphore, #tpu.memory_space<semaphore_mem>> -> memref<1x!tpu.dma_semaphore, #tpu.memory_space<semaphore_mem>>
    %dma_start3A_34 = tpu.memref_squeeze %dma_start3A_33 : memref<1x!tpu.dma_semaphore, #tpu.memory_space<semaphore_mem>> -> memref<!tpu.dma_semaphore, #tpu.memory_space<semaphore_mem>>
    tpu.enqueue_indirect_dma source(%dma_start3A_32 : memref<10000x32xf32, #tpu.memory_space<hbm>>) target(%dma_start3A_26 : memref<128x32xf32, #tpu.memory_space<vmem>>) offsets(%dma_start3A_29 : memref<128xi32, #tpu.memory_space<vmem>>) semaphore(%dma_start3A_34 : memref<!tpu.dma_semaphore, #tpu.memory_space<semaphore_mem>>)
    %dma_start3A_35 = arith.constant 1 : i32
    %dma_start3A_36 = arith.constant 1 : i32
    %dma_start3A_37 = arith.constant 1 : i32
    %dma_start3A_38 = arith.constant 0 : i32
    %dma_start3A_39 = arith.constant 0 : i32
    %dma_start3A_40 = tpu.memref_slice %arg8[%dma_start3A_36, %dma_start3A_38, %dma_start3A_39] : memref<6x128x32xf32, #tpu.memory_space<vmem>> -> memref<1x128x32xf32, #tpu.memory_space<vmem>>
    %dma_start3A_41 = tpu.memref_squeeze %dma_start3A_40 : memref<1x128x32xf32, #tpu.memory_space<vmem>> -> memref<128x32xf32, #tpu.memory_space<vmem>>
    %dma_start3A_42 = arith.constant 0 : i32
    %dma_start3A_43 = tpu.memref_slice %arg6[%dma_start3A_35, %dma_start3A_42] : memref<79x128xi32, #tpu.memory_space<vmem>> -> memref<1x128xi32, #tpu.memory_space<vmem>>
    %dma_start3A_44 = tpu.memref_squeeze %dma_start3A_43 : memref<1x128xi32, #tpu.memory_space<vmem>> -> memref<128xi32, #tpu.memory_space<vmem>>
    %dma_start3A_45 = arith.constant 0 : i32
    %dma_start3A_46 = arith.constant 0 : i32
    %dma_start3A_47 = tpu.memref_slice %arg2[%dma_start3A_45, %dma_start3A_46] : memref<10000x32xf32, #tpu.memory_space<hbm>> -> memref<10000x32xf32, #tpu.memory_space<hbm>>
    %dma_start3A_48 = tpu.memref_slice %arg9[%dma_start3A_37] : memref<6x!tpu.dma_semaphore, #tpu.memory_space<semaphore_mem>> -> memref<1x!tpu.dma_semaphore, #tpu.memory_space<semaphore_mem>>
    %dma_start3A_49 = tpu.memref_squeeze %dma_start3A_48 : memref<1x!tpu.dma_semaphore, #tpu.memory_space<semaphore_mem>> -> memref<!tpu.dma_semaphore, #tpu.memory_space<semaphore_mem>>
    tpu.enqueue_indirect_dma source(%dma_start3A_47 : memref<10000x32xf32, #tpu.memory_space<hbm>>) target(%dma_start3A_41 : memref<128x32xf32, #tpu.memory_space<vmem>>) offsets(%dma_start3A_44 : memref<128xi32, #tpu.memory_space<vmem>>) semaphore(%dma_start3A_49 : memref<!tpu.dma_semaphore, #tpu.memory_space<semaphore_mem>>)
    %dma_start3A_50 = arith.constant 2 : i32
    %dma_start3A_51 = arith.constant 2 : i32
    %dma_start3A_52 = arith.constant 2 : i32
    %dma_start3A_53 = arith.constant 0 : i32
    %dma_start3A_54 = arith.constant 0 : i32
    %dma_start3A_55 = tpu.memref_slice %arg8[%dma_start3A_51, %dma_start3A_53, %dma_start3A_54] : memref<6x128x32xf32, #tpu.memory_space<vmem>> -> memref<1x128x32xf32, #tpu.memory_space<vmem>>
    %dma_start3A_56 = tpu.memref_squeeze %dma_start3A_55 : memref<1x128x32xf32, #tpu.memory_space<vmem>> -> memref<128x32xf32, #tpu.memory_space<vmem>>
    %dma_start3A_57 = arith.constant 0 : i32
    %dma_start3A_58 = tpu.memref_slice %arg6[%dma_start3A_50, %dma_start3A_57] : memref<79x128xi32, #tpu.memory_space<vmem>> -> memref<1x128xi32, #tpu.memory_space<vmem>>
    %dma_start3A_59 = tpu.memref_squeeze %dma_start3A_58 : memref<1x128xi32, #tpu.memory_space<vmem>> -> memref<128xi32, #tpu.memory_space<vmem>>
    %dma_start3A_60 = arith.constant 0 : i32
    %dma_start3A_61 = arith.constant 0 : i32
    %dma_start3A_62 = tpu.memref_slice %arg2[%dma_start3A_60, %dma_start3A_61] : memref<10000x32xf32, #tpu.memory_space<hbm>> -> memref<10000x32xf32, #tpu.memory_space<hbm>>
    %dma_start3A_63 = tpu.memref_slice %arg9[%dma_start3A_52] : memref<6x!tpu.dma_semaphore, #tpu.memory_space<semaphore_mem>> -> memref<1x!tpu.dma_semaphore, #tpu.memory_space<semaphore_mem>>
    %dma_start3A_64 = tpu.memref_squeeze %dma_start3A_63 : memref<1x!tpu.dma_semaphore, #tpu.memory_space<semaphore_mem>> -> memref<!tpu.dma_semaphore, #tpu.memory_space<semaphore_mem>>
    tpu.enqueue_indirect_dma source(%dma_start3A_62 : memref<10000x32xf32, #tpu.memory_space<hbm>>) target(%dma_start3A_56 : memref<128x32xf32, #tpu.memory_space<vmem>>) offsets(%dma_start3A_59 : memref<128xi32, #tpu.memory_space<vmem>>) semaphore(%dma_start3A_64 : memref<!tpu.dma_semaphore, #tpu.memory_space<semaphore_mem>>)
    %dma_start3A_65 = arith.constant 3 : i32
    %dma_start3A_66 = arith.constant 3 : i32
    %dma_start3A_67 = arith.constant 3 : i32
    %dma_start3A_68 = arith.constant 0 : i32
    %dma_start3A_69 = arith.constant 0 : i32
    %dma_start3A_70 = tpu.memref_slice %arg8[%dma_start3A_66, %dma_start3A_68, %dma_start3A_69] : memref<6x128x32xf32, #tpu.memory_space<vmem>> -> memref<1x128x32xf32, #tpu.memory_space<vmem>>
    %dma_start3A_71 = tpu.memref_squeeze %dma_start3A_70 : memref<1x128x32xf32, #tpu.memory_space<vmem>> -> memref<128x32xf32, #tpu.memory_space<vmem>>
    %dma_start3A_72 = arith.constant 0 : i32
    %dma_start3A_73 = tpu.memref_slice %arg6[%dma_start3A_65, %dma_start3A_72] : memref<79x128xi32, #tpu.memory_space<vmem>> -> memref<1x128xi32, #tpu.memory_space<vmem>>
    %dma_start3A_74 = tpu.memref_squeeze %dma_start3A_73 : memref<1x128xi32, #tpu.memory_space<vmem>> -> memref<128xi32, #tpu.memory_space<vmem>>
    %dma_start3A_75 = arith.constant 0 : i32
    %dma_start3A_76 = arith.constant 0 : i32
    %dma_start3A_77 = tpu.memref_slice %arg2[%dma_start3A_75, %dma_start3A_76] : memref<10000x32xf32, #tpu.memory_space<hbm>> -> memref<10000x32xf32, #tpu.memory_space<hbm>>
    %dma_start3A_78 = tpu.memref_slice %arg9[%dma_start3A_67] : memref<6x!tpu.dma_semaphore, #tpu.memory_space<semaphore_mem>> -> memref<1x!tpu.dma_semaphore, #tpu.memory_space<semaphore_mem>>
    %dma_start3A_79 = tpu.memref_squeeze %dma_start3A_78 : memref<1x!tpu.dma_semaphore, #tpu.memory_space<semaphore_mem>> -> memref<!tpu.dma_semaphore, #tpu.memory_space<semaphore_mem>>
    tpu.enqueue_indirect_dma source(%dma_start3A_77 : memref<10000x32xf32, #tpu.memory_space<hbm>>) target(%dma_start3A_71 : memref<128x32xf32, #tpu.memory_space<vmem>>) offsets(%dma_start3A_74 : memref<128xi32, #tpu.memory_space<vmem>>) semaphore(%dma_start3A_79 : memref<!tpu.dma_semaphore, #tpu.memory_space<semaphore_mem>>)
    %dma_start3A_80 = arith.constant 4 : i32
    %dma_start3A_81 = arith.constant 4 : i32
    %dma_start3A_82 = arith.constant 4 : i32
    %dma_start3A_83 = arith.constant 0 : i32
    %dma_start3A_84 = arith.constant 0 : i32
    %dma_start3A_85 = tpu.memref_slice %arg8[%dma_start3A_81, %dma_start3A_83, %dma_start3A_84] : memref<6x128x32xf32, #tpu.memory_space<vmem>> -> memref<1x128x32xf32, #tpu.memory_space<vmem>>
    %dma_start3A_86 = tpu.memref_squeeze %dma_start3A_85 : memref<1x128x32xf32, #tpu.memory_space<vmem>> -> memref<128x32xf32, #tpu.memory_space<vmem>>
    %dma_start3A_87 = arith.constant 0 : i32
    %dma_start3A_88 = tpu.memref_slice %arg6[%dma_start3A_80, %dma_start3A_87] : memref<79x128xi32, #tpu.memory_space<vmem>> -> memref<1x128xi32, #tpu.memory_space<vmem>>
    %dma_start3A_89 = tpu.memref_squeeze %dma_start3A_88 : memref<1x128xi32, #tpu.memory_space<vmem>> -> memref<128xi32, #tpu.memory_space<vmem>>
    %dma_start3A_90 = arith.constant 0 : i32
    %dma_start3A_91 = arith.constant 0 : i32
    %dma_start3A_92 = tpu.memref_slice %arg2[%dma_start3A_90, %dma_start3A_91] : memref<10000x32xf32, #tpu.memory_space<hbm>> -> memref<10000x32xf32, #tpu.memory_space<hbm>>
    %dma_start3A_93 = tpu.memref_slice %arg9[%dma_start3A_82] : memref<6x!tpu.dma_semaphore, #tpu.memory_space<semaphore_mem>> -> memref<1x!tpu.dma_semaphore, #tpu.memory_space<semaphore_mem>>
    %dma_start3A_94 = tpu.memref_squeeze %dma_start3A_93 : memref<1x!tpu.dma_semaphore, #tpu.memory_space<semaphore_mem>> -> memref<!tpu.dma_semaphore, #tpu.memory_space<semaphore_mem>>
    tpu.enqueue_indirect_dma source(%dma_start3A_92 : memref<10000x32xf32, #tpu.memory_space<hbm>>) target(%dma_start3A_86 : memref<128x32xf32, #tpu.memory_space<vmem>>) offsets(%dma_start3A_89 : memref<128xi32, #tpu.memory_space<vmem>>) semaphore(%dma_start3A_94 : memref<!tpu.dma_semaphore, #tpu.memory_space<semaphore_mem>>)
    %dma_start3A_95 = arith.constant 5 : i32
    %dma_start3A_96 = arith.constant 5 : i32
    %dma_start3A_97 = arith.constant 5 : i32
    %dma_start3A_98 = arith.constant 0 : i32
    %dma_start3A_99 = arith.constant 0 : i32
    %dma_start3A_100 = tpu.memref_slice %arg8[%dma_start3A_96, %dma_start3A_98, %dma_start3A_99] : memref<6x128x32xf32, #tpu.memory_space<vmem>> -> memref<1x128x32xf32, #tpu.memory_space<vmem>>
    %dma_start3A_101 = tpu.memref_squeeze %dma_start3A_100 : memref<1x128x32xf32, #tpu.memory_space<vmem>> -> memref<128x32xf32, #tpu.memory_space<vmem>>
    %dma_start3A_102 = arith.constant 0 : i32
    %dma_start3A_103 = tpu.memref_slice %arg6[%dma_start3A_95, %dma_start3A_102] : memref<79x128xi32, #tpu.memory_space<vmem>> -> memref<1x128xi32, #tpu.memory_space<vmem>>
    %dma_start3A_104 = tpu.memref_squeeze %dma_start3A_103 : memref<1x128xi32, #tpu.memory_space<vmem>> -> memref<128xi32, #tpu.memory_space<vmem>>
    %dma_start3A_105 = arith.constant 0 : i32
    %dma_start3A_106 = arith.constant 0 : i32
    %dma_start3A_107 = tpu.memref_slice %arg2[%dma_start3A_105, %dma_start3A_106] : memref<10000x32xf32, #tpu.memory_space<hbm>> -> memref<10000x32xf32, #tpu.memory_space<hbm>>
    %dma_start3A_108 = tpu.memref_slice %arg9[%dma_start3A_97] : memref<6x!tpu.dma_semaphore, #tpu.memory_space<semaphore_mem>> -> memref<1x!tpu.dma_semaphore, #tpu.memory_space<semaphore_mem>>
    %dma_start3A_109 = tpu.memref_squeeze %dma_start3A_108 : memref<1x!tpu.dma_semaphore, #tpu.memory_space<semaphore_mem>> -> memref<!tpu.dma_semaphore, #tpu.memory_space<semaphore_mem>>
    tpu.enqueue_indirect_dma source(%dma_start3A_107 : memref<10000x32xf32, #tpu.memory_space<hbm>>) target(%dma_start3A_101 : memref<128x32xf32, #tpu.memory_space<vmem>>) offsets(%dma_start3A_104 : memref<128xi32, #tpu.memory_space<vmem>>) semaphore(%dma_start3A_109 : memref<!tpu.dma_semaphore, #tpu.memory_space<semaphore_mem>>)
    %scan3A = arith.constant 0 : i32
    %scan3A_110 = arith.constant 13 : i32
    %scan3A_111 = arith.addi %scan3A, %scan3A_110 : i32
    %scan3A_112 = arith.constant 1 : i32
    scf.for %scan3A_223 = %scan3A to %scan3A_111 step %scan3A_112  : i32 {
      %mul3A_224 = arith.constant 6 : i32
      %mul3A_225 = arith.muli %scan3A_223, %mul3A_224 : i32
      %add3A_226 = arith.constant 0 : i32
      %add3A_227 = arith.addi %add3A_226, %mul3A_225 : i32
      %add3A_228 = arith.constant 0 : i32
      %add3A_229 = arith.addi %add3A_227, %add3A_228 : i32
      %dma_wait3A_230 = arith.constant 0 : i32
      %dma_wait3A_231 = arith.constant 0 : i32
      %dma_wait3A_232 = arith.constant 0 : i32
      %dma_wait3A_233 = arith.constant 0 : i32
      %dma_wait3A_234 = tpu.memref_slice %arg8[%dma_wait3A_230, %dma_wait3A_232, %dma_wait3A_233] : memref<6x128x32xf32, #tpu.memory_space<vmem>> -> memref<1x128x32xf32, #tpu.memory_space<vmem>>
      %dma_wait3A_235 = tpu.memref_squeeze %dma_wait3A_234 : memref<1x128x32xf32, #tpu.memory_space<vmem>> -> memref<128x32xf32, #tpu.memory_space<vmem>>
      %dma_wait3A_236 = arith.constant 0 : i32
      %dma_wait3A_237 = tpu.memref_slice %arg6[%add3A_229, %dma_wait3A_236] : memref<79x128xi32, #tpu.memory_space<vmem>> -> memref<1x128xi32, #tpu.memory_space<vmem>>
      %dma_wait3A_238 = tpu.memref_squeeze %dma_wait3A_237 : memref<1x128xi32, #tpu.memory_space<vmem>> -> memref<128xi32, #tpu.memory_space<vmem>>
      %dma_wait3A_239 = arith.constant 0 : i32
      %dma_wait3A_240 = arith.constant 0 : i32
      %dma_wait3A_241 = tpu.memref_slice %arg2[%dma_wait3A_239, %dma_wait3A_240] : memref<10000x32xf32, #tpu.memory_space<hbm>> -> memref<10000x32xf32, #tpu.memory_space<hbm>>
      %dma_wait3A_242 = tpu.memref_slice %arg9[%dma_wait3A_231] : memref<6x!tpu.dma_semaphore, #tpu.memory_space<semaphore_mem>> -> memref<1x!tpu.dma_semaphore, #tpu.memory_space<semaphore_mem>>
      %dma_wait3A_243 = tpu.memref_squeeze %dma_wait3A_242 : memref<1x!tpu.dma_semaphore, #tpu.memory_space<semaphore_mem>> -> memref<!tpu.dma_semaphore, #tpu.memory_space<semaphore_mem>>
      tpu.wait_indirect_dma semaphore(%dma_wait3A_243 : memref<!tpu.dma_semaphore, #tpu.memory_space<semaphore_mem>>) src(%dma_wait3A_241 : memref<10000x32xf32, #tpu.memory_space<hbm>>) dst(%dma_wait3A_235 : memref<128x32xf32, #tpu.memory_space<vmem>>)
      %add3A_244 = arith.constant 0 : i32
      %add3A_245 = arith.addi %add3A_227, %add3A_244 : i32
      %dma_start3A_246 = arith.constant 0 : i32
      %dma_start3A_247 = arith.constant 0 : i32
      %dma_start3A_248 = arith.constant 0 : i32
      %dma_start3A_249 = arith.constant 0 : i32
      %dma_start3A_250 = tpu.memref_slice %arg8[%dma_start3A_246, %dma_start3A_248, %dma_start3A_249] : memref<6x128x32xf32, #tpu.memory_space<vmem>> -> memref<1x128x32xf32, #tpu.memory_space<vmem>>
      %dma_start3A_251 = tpu.memref_squeeze %dma_start3A_250 : memref<1x128x32xf32, #tpu.memory_space<vmem>> -> memref<128x32xf32, #tpu.memory_space<vmem>>
      %dma_start3A_252 = arith.constant 0 : i32
      %dma_start3A_253 = tpu.memref_slice %arg7[%add3A_245, %dma_start3A_252] : memref<79x128xi32, #tpu.memory_space<vmem>> -> memref<1x128xi32, #tpu.memory_space<vmem>>
      %dma_start3A_254 = tpu.memref_squeeze %dma_start3A_253 : memref<1x128xi32, #tpu.memory_space<vmem>> -> memref<128xi32, #tpu.memory_space<vmem>>
      %dma_start3A_255 = arith.constant 0 : i32
      %dma_start3A_256 = arith.constant 0 : i32
      %dma_start3A_257 = tpu.memref_slice %arg11[%dma_start3A_255, %dma_start3A_256] : memref<10000x32xf32, #tpu.memory_space<vmem_shared>> -> memref<10000x32xf32, #tpu.memory_space<vmem_shared>>
      %dma_start3A_258 = tpu.memref_slice %arg10[%dma_start3A_247] : memref<6x!tpu.dma_semaphore, #tpu.memory_space<semaphore_mem>> -> memref<1x!tpu.dma_semaphore, #tpu.memory_space<semaphore_mem>>
      %dma_start3A_259 = tpu.memref_squeeze %dma_start3A_258 : memref<1x!tpu.dma_semaphore, #tpu.memory_space<semaphore_mem>> -> memref<!tpu.dma_semaphore, #tpu.memory_space<semaphore_mem>>
      tpu.enqueue_indirect_dma source(%dma_start3A_251 : memref<128x32xf32, #tpu.memory_space<vmem>>) target(%dma_start3A_257 : memref<10000x32xf32, #tpu.memory_space<vmem_shared>>) offsets(%dma_start3A_254 : memref<128xi32, #tpu.memory_space<vmem>>) semaphore(%dma_start3A_259 : memref<!tpu.dma_semaphore, #tpu.memory_space<semaphore_mem>>) {add = true}
      %add3A_260 = arith.constant 1 : i32
      %add3A_261 = arith.addi %add3A_227, %add3A_260 : i32
      %dma_wait3A_262 = arith.constant 1 : i32
      %dma_wait3A_263 = arith.constant 1 : i32
      %dma_wait3A_264 = arith.constant 0 : i32
      %dma_wait3A_265 = arith.constant 0 : i32
      %dma_wait3A_266 = tpu.memref_slice %arg8[%dma_wait3A_262, %dma_wait3A_264, %dma_wait3A_265] : memref<6x128x32xf32, #tpu.memory_space<vmem>> -> memref<1x128x32xf32, #tpu.memory_space<vmem>>
      %dma_wait3A_267 = tpu.memref_squeeze %dma_wait3A_266 : memref<1x128x32xf32, #tpu.memory_space<vmem>> -> memref<128x32xf32, #tpu.memory_space<vmem>>
      %dma_wait3A_268 = arith.constant 0 : i32
      %dma_wait3A_269 = tpu.memref_slice %arg6[%add3A_261, %dma_wait3A_268] : memref<79x128xi32, #tpu.memory_space<vmem>> -> memref<1x128xi32, #tpu.memory_space<vmem>>
      %dma_wait3A_270 = tpu.memref_squeeze %dma_wait3A_269 : memref<1x128xi32, #tpu.memory_space<vmem>> -> memref<128xi32, #tpu.memory_space<vmem>>
      %dma_wait3A_271 = arith.constant 0 : i32
      %dma_wait3A_272 = arith.constant 0 : i32
      %dma_wait3A_273 = tpu.memref_slice %arg2[%dma_wait3A_271, %dma_wait3A_272] : memref<10000x32xf32, #tpu.memory_space<hbm>> -> memref<10000x32xf32, #tpu.memory_space<hbm>>
      %dma_wait3A_274 = tpu.memref_slice %arg9[%dma_wait3A_263] : memref<6x!tpu.dma_semaphore, #tpu.memory_space<semaphore_mem>> -> memref<1x!tpu.dma_semaphore, #tpu.memory_space<semaphore_mem>>
      %dma_wait3A_275 = tpu.memref_squeeze %dma_wait3A_274 : memref<1x!tpu.dma_semaphore, #tpu.memory_space<semaphore_mem>> -> memref<!tpu.dma_semaphore, #tpu.memory_space<semaphore_mem>>
      tpu.wait_indirect_dma semaphore(%dma_wait3A_275 : memref<!tpu.dma_semaphore, #tpu.memory_space<semaphore_mem>>) src(%dma_wait3A_273 : memref<10000x32xf32, #tpu.memory_space<hbm>>) dst(%dma_wait3A_267 : memref<128x32xf32, #tpu.memory_space<vmem>>)
      %add3A_276 = arith.constant 1 : i32
      %add3A_277 = arith.addi %add3A_227, %add3A_276 : i32
      %dma_start3A_278 = arith.constant 1 : i32
      %dma_start3A_279 = arith.constant 1 : i32
      %dma_start3A_280 = arith.constant 0 : i32
      %dma_start3A_281 = arith.constant 0 : i32
      %dma_start3A_282 = tpu.memref_slice %arg8[%dma_start3A_278, %dma_start3A_280, %dma_start3A_281] : memref<6x128x32xf32, #tpu.memory_space<vmem>> -> memref<1x128x32xf32, #tpu.memory_space<vmem>>
      %dma_start3A_283 = tpu.memref_squeeze %dma_start3A_282 : memref<1x128x32xf32, #tpu.memory_space<vmem>> -> memref<128x32xf32, #tpu.memory_space<vmem>>
      %dma_start3A_284 = arith.constant 0 : i32
      %dma_start3A_285 = tpu.memref_slice %arg7[%add3A_277, %dma_start3A_284] : memref<79x128xi32, #tpu.memory_space<vmem>> -> memref<1x128xi32, #tpu.memory_space<vmem>>
      %dma_start3A_286 = tpu.memref_squeeze %dma_start3A_285 : memref<1x128xi32, #tpu.memory_space<vmem>> -> memref<128xi32, #tpu.memory_space<vmem>>
      %dma_start3A_287 = arith.constant 0 : i32
      %dma_start3A_288 = arith.constant 0 : i32
      %dma_start3A_289 = tpu.memref_slice %arg11[%dma_start3A_287, %dma_start3A_288] : memref<10000x32xf32, #tpu.memory_space<vmem_shared>> -> memref<10000x32xf32, #tpu.memory_space<vmem_shared>>
      %dma_start3A_290 = tpu.memref_slice %arg10[%dma_start3A_279] : memref<6x!tpu.dma_semaphore, #tpu.memory_space<semaphore_mem>> -> memref<1x!tpu.dma_semaphore, #tpu.memory_space<semaphore_mem>>
      %dma_start3A_291 = tpu.memref_squeeze %dma_start3A_290 : memref<1x!tpu.dma_semaphore, #tpu.memory_space<semaphore_mem>> -> memref<!tpu.dma_semaphore, #tpu.memory_space<semaphore_mem>>
      tpu.enqueue_indirect_dma source(%dma_start3A_283 : memref<128x32xf32, #tpu.memory_space<vmem>>) target(%dma_start3A_289 : memref<10000x32xf32, #tpu.memory_space<vmem_shared>>) offsets(%dma_start3A_286 : memref<128xi32, #tpu.memory_space<vmem>>) semaphore(%dma_start3A_291 : memref<!tpu.dma_semaphore, #tpu.memory_space<semaphore_mem>>) {add = true}
      %add3A_292 = arith.constant 2 : i32
      %add3A_293 = arith.addi %add3A_227, %add3A_292 : i32
      %dma_wait3A_294 = arith.constant 2 : i32
      %dma_wait3A_295 = arith.constant 2 : i32
      %dma_wait3A_296 = arith.constant 0 : i32
      %dma_wait3A_297 = arith.constant 0 : i32
      %dma_wait3A_298 = tpu.memref_slice %arg8[%dma_wait3A_294, %dma_wait3A_296, %dma_wait3A_297] : memref<6x128x32xf32, #tpu.memory_space<vmem>> -> memref<1x128x32xf32, #tpu.memory_space<vmem>>
      %dma_wait3A_299 = tpu.memref_squeeze %dma_wait3A_298 : memref<1x128x32xf32, #tpu.memory_space<vmem>> -> memref<128x32xf32, #tpu.memory_space<vmem>>
      %dma_wait3A_300 = arith.constant 0 : i32
      %dma_wait3A_301 = tpu.memref_slice %arg6[%add3A_293, %dma_wait3A_300] : memref<79x128xi32, #tpu.memory_space<vmem>> -> memref<1x128xi32, #tpu.memory_space<vmem>>
      %dma_wait3A_302 = tpu.memref_squeeze %dma_wait3A_301 : memref<1x128xi32, #tpu.memory_space<vmem>> -> memref<128xi32, #tpu.memory_space<vmem>>
      %dma_wait3A_303 = arith.constant 0 : i32
      %dma_wait3A_304 = arith.constant 0 : i32
      %dma_wait3A_305 = tpu.memref_slice %arg2[%dma_wait3A_303, %dma_wait3A_304] : memref<10000x32xf32, #tpu.memory_space<hbm>> -> memref<10000x32xf32, #tpu.memory_space<hbm>>
      %dma_wait3A_306 = tpu.memref_slice %arg9[%dma_wait3A_295] : memref<6x!tpu.dma_semaphore, #tpu.memory_space<semaphore_mem>> -> memref<1x!tpu.dma_semaphore, #tpu.memory_space<semaphore_mem>>
      %dma_wait3A_307 = tpu.memref_squeeze %dma_wait3A_306 : memref<1x!tpu.dma_semaphore, #tpu.memory_space<semaphore_mem>> -> memref<!tpu.dma_semaphore, #tpu.memory_space<semaphore_mem>>
      tpu.wait_indirect_dma semaphore(%dma_wait3A_307 : memref<!tpu.dma_semaphore, #tpu.memory_space<semaphore_mem>>) src(%dma_wait3A_305 : memref<10000x32xf32, #tpu.memory_space<hbm>>) dst(%dma_wait3A_299 : memref<128x32xf32, #tpu.memory_space<vmem>>)
      %add3A_308 = arith.constant 2 : i32
      %add3A_309 = arith.addi %add3A_227, %add3A_308 : i32
      %dma_start3A_310 = arith.constant 2 : i32
      %dma_start3A_311 = arith.constant 2 : i32
      %dma_start3A_312 = arith.constant 0 : i32
      %dma_start3A_313 = arith.constant 0 : i32
      %dma_start3A_314 = tpu.memref_slice %arg8[%dma_start3A_310, %dma_start3A_312, %dma_start3A_313] : memref<6x128x32xf32, #tpu.memory_space<vmem>> -> memref<1x128x32xf32, #tpu.memory_space<vmem>>
      %dma_start3A_315 = tpu.memref_squeeze %dma_start3A_314 : memref<1x128x32xf32, #tpu.memory_space<vmem>> -> memref<128x32xf32, #tpu.memory_space<vmem>>
      %dma_start3A_316 = arith.constant 0 : i32
      %dma_start3A_317 = tpu.memref_slice %arg7[%add3A_309, %dma_start3A_316] : memref<79x128xi32, #tpu.memory_space<vmem>> -> memref<1x128xi32, #tpu.memory_space<vmem>>
      %dma_start3A_318 = tpu.memref_squeeze %dma_start3A_317 : memref<1x128xi32, #tpu.memory_space<vmem>> -> memref<128xi32, #tpu.memory_space<vmem>>
      %dma_start3A_319 = arith.constant 0 : i32
      %dma_start3A_320 = arith.constant 0 : i32
      %dma_start3A_321 = tpu.memref_slice %arg11[%dma_start3A_319, %dma_start3A_320] : memref<10000x32xf32, #tpu.memory_space<vmem_shared>> -> memref<10000x32xf32, #tpu.memory_space<vmem_shared>>
      %dma_start3A_322 = tpu.memref_slice %arg10[%dma_start3A_311] : memref<6x!tpu.dma_semaphore, #tpu.memory_space<semaphore_mem>> -> memref<1x!tpu.dma_semaphore, #tpu.memory_space<semaphore_mem>>
      %dma_start3A_323 = tpu.memref_squeeze %dma_start3A_322 : memref<1x!tpu.dma_semaphore, #tpu.memory_space<semaphore_mem>> -> memref<!tpu.dma_semaphore, #tpu.memory_space<semaphore_mem>>
      tpu.enqueue_indirect_dma source(%dma_start3A_315 : memref<128x32xf32, #tpu.memory_space<vmem>>) target(%dma_start3A_321 : memref<10000x32xf32, #tpu.memory_space<vmem_shared>>) offsets(%dma_start3A_318 : memref<128xi32, #tpu.memory_space<vmem>>) semaphore(%dma_start3A_323 : memref<!tpu.dma_semaphore, #tpu.memory_space<semaphore_mem>>) {add = true}
      %add3A_324 = arith.constant 3 : i32
      %add3A_325 = arith.addi %add3A_227, %add3A_324 : i32
      %dma_wait3A_326 = arith.constant 3 : i32
      %dma_wait3A_327 = arith.constant 3 : i32
      %dma_wait3A_328 = arith.constant 0 : i32
      %dma_wait3A_329 = arith.constant 0 : i32
      %dma_wait3A_330 = tpu.memref_slice %arg8[%dma_wait3A_326, %dma_wait3A_328, %dma_wait3A_329] : memref<6x128x32xf32, #tpu.memory_space<vmem>> -> memref<1x128x32xf32, #tpu.memory_space<vmem>>
      %dma_wait3A_331 = tpu.memref_squeeze %dma_wait3A_330 : memref<1x128x32xf32, #tpu.memory_space<vmem>> -> memref<128x32xf32, #tpu.memory_space<vmem>>
      %dma_wait3A_332 = arith.constant 0 : i32
      %dma_wait3A_333 = tpu.memref_slice %arg6[%add3A_325, %dma_wait3A_332] : memref<79x128xi32, #tpu.memory_space<vmem>> -> memref<1x128xi32, #tpu.memory_space<vmem>>
      %dma_wait3A_334 = tpu.memref_squeeze %dma_wait3A_333 : memref<1x128xi32, #tpu.memory_space<vmem>> -> memref<128xi32, #tpu.memory_space<vmem>>
      %dma_wait3A_335 = arith.constant 0 : i32
      %dma_wait3A_336 = arith.constant 0 : i32
      %dma_wait3A_337 = tpu.memref_slice %arg2[%dma_wait3A_335, %dma_wait3A_336] : memref<10000x32xf32, #tpu.memory_space<hbm>> -> memref<10000x32xf32, #tpu.memory_space<hbm>>
      %dma_wait3A_338 = tpu.memref_slice %arg9[%dma_wait3A_327] : memref<6x!tpu.dma_semaphore, #tpu.memory_space<semaphore_mem>> -> memref<1x!tpu.dma_semaphore, #tpu.memory_space<semaphore_mem>>
      %dma_wait3A_339 = tpu.memref_squeeze %dma_wait3A_338 : memref<1x!tpu.dma_semaphore, #tpu.memory_space<semaphore_mem>> -> memref<!tpu.dma_semaphore, #tpu.memory_space<semaphore_mem>>
      tpu.wait_indirect_dma semaphore(%dma_wait3A_339 : memref<!tpu.dma_semaphore, #tpu.memory_space<semaphore_mem>>) src(%dma_wait3A_337 : memref<10000x32xf32, #tpu.memory_space<hbm>>) dst(%dma_wait3A_331 : memref<128x32xf32, #tpu.memory_space<vmem>>)
      %add3A_340 = arith.constant 3 : i32
      %add3A_341 = arith.addi %add3A_227, %add3A_340 : i32
      %dma_start3A_342 = arith.constant 3 : i32
      %dma_start3A_343 = arith.constant 3 : i32
      %dma_start3A_344 = arith.constant 0 : i32
      %dma_start3A_345 = arith.constant 0 : i32
      %dma_start3A_346 = tpu.memref_slice %arg8[%dma_start3A_342, %dma_start3A_344, %dma_start3A_345] : memref<6x128x32xf32, #tpu.memory_space<vmem>> -> memref<1x128x32xf32, #tpu.memory_space<vmem>>
      %dma_start3A_347 = tpu.memref_squeeze %dma_start3A_346 : memref<1x128x32xf32, #tpu.memory_space<vmem>> -> memref<128x32xf32, #tpu.memory_space<vmem>>
      %dma_start3A_348 = arith.constant 0 : i32
      %dma_start3A_349 = tpu.memref_slice %arg7[%add3A_341, %dma_start3A_348] : memref<79x128xi32, #tpu.memory_space<vmem>> -> memref<1x128xi32, #tpu.memory_space<vmem>>
      %dma_start3A_350 = tpu.memref_squeeze %dma_start3A_349 : memref<1x128xi32, #tpu.memory_space<vmem>> -> memref<128xi32, #tpu.memory_space<vmem>>
      %dma_start3A_351 = arith.constant 0 : i32
      %dma_start3A_352 = arith.constant 0 : i32
      %dma_start3A_353 = tpu.memref_slice %arg11[%dma_start3A_351, %dma_start3A_352] : memref<10000x32xf32, #tpu.memory_space<vmem_shared>> -> memref<10000x32xf32, #tpu.memory_space<vmem_shared>>
      %dma_start3A_354 = tpu.memref_slice %arg10[%dma_start3A_343] : memref<6x!tpu.dma_semaphore, #tpu.memory_space<semaphore_mem>> -> memref<1x!tpu.dma_semaphore, #tpu.memory_space<semaphore_mem>>
      %dma_start3A_355 = tpu.memref_squeeze %dma_start3A_354 : memref<1x!tpu.dma_semaphore, #tpu.memory_space<semaphore_mem>> -> memref<!tpu.dma_semaphore, #tpu.memory_space<semaphore_mem>>
      tpu.enqueue_indirect_dma source(%dma_start3A_347 : memref<128x32xf32, #tpu.memory_space<vmem>>) target(%dma_start3A_353 : memref<10000x32xf32, #tpu.memory_space<vmem_shared>>) offsets(%dma_start3A_350 : memref<128xi32, #tpu.memory_space<vmem>>) semaphore(%dma_start3A_355 : memref<!tpu.dma_semaphore, #tpu.memory_space<semaphore_mem>>) {add = true}
      %add3A_356 = arith.constant 4 : i32
      %add3A_357 = arith.addi %add3A_227, %add3A_356 : i32
      %dma_wait3A_358 = arith.constant 4 : i32
      %dma_wait3A_359 = arith.constant 4 : i32
      %dma_wait3A_360 = arith.constant 0 : i32
      %dma_wait3A_361 = arith.constant 0 : i32
      %dma_wait3A_362 = tpu.memref_slice %arg8[%dma_wait3A_358, %dma_wait3A_360, %dma_wait3A_361] : memref<6x128x32xf32, #tpu.memory_space<vmem>> -> memref<1x128x32xf32, #tpu.memory_space<vmem>>
      %dma_wait3A_363 = tpu.memref_squeeze %dma_wait3A_362 : memref<1x128x32xf32, #tpu.memory_space<vmem>> -> memref<128x32xf32, #tpu.memory_space<vmem>>
      %dma_wait3A_364 = arith.constant 0 : i32
      %dma_wait3A_365 = tpu.memref_slice %arg6[%add3A_357, %dma_wait3A_364] : memref<79x128xi32, #tpu.memory_space<vmem>> -> memref<1x128xi32, #tpu.memory_space<vmem>>
      %dma_wait3A_366 = tpu.memref_squeeze %dma_wait3A_365 : memref<1x128xi32, #tpu.memory_space<vmem>> -> memref<128xi32, #tpu.memory_space<vmem>>
      %dma_wait3A_367 = arith.constant 0 : i32
      %dma_wait3A_368 = arith.constant 0 : i32
      %dma_wait3A_369 = tpu.memref_slice %arg2[%dma_wait3A_367, %dma_wait3A_368] : memref<10000x32xf32, #tpu.memory_space<hbm>> -> memref<10000x32xf32, #tpu.memory_space<hbm>>
      %dma_wait3A_370 = tpu.memref_slice %arg9[%dma_wait3A_359] : memref<6x!tpu.dma_semaphore, #tpu.memory_space<semaphore_mem>> -> memref<1x!tpu.dma_semaphore, #tpu.memory_space<semaphore_mem>>
      %dma_wait3A_371 = tpu.memref_squeeze %dma_wait3A_370 : memref<1x!tpu.dma_semaphore, #tpu.memory_space<semaphore_mem>> -> memref<!tpu.dma_semaphore, #tpu.memory_space<semaphore_mem>>
      tpu.wait_indirect_dma semaphore(%dma_wait3A_371 : memref<!tpu.dma_semaphore, #tpu.memory_space<semaphore_mem>>) src(%dma_wait3A_369 : memref<10000x32xf32, #tpu.memory_space<hbm>>) dst(%dma_wait3A_363 : memref<128x32xf32, #tpu.memory_space<vmem>>)
      %add3A_372 = arith.constant 4 : i32
      %add3A_373 = arith.addi %add3A_227, %add3A_372 : i32
      %dma_start3A_374 = arith.constant 4 : i32
      %dma_start3A_375 = arith.constant 4 : i32
      %dma_start3A_376 = arith.constant 0 : i32
      %dma_start3A_377 = arith.constant 0 : i32
      %dma_start3A_378 = tpu.memref_slice %arg8[%dma_start3A_374, %dma_start3A_376, %dma_start3A_377] : memref<6x128x32xf32, #tpu.memory_space<vmem>> -> memref<1x128x32xf32, #tpu.memory_space<vmem>>
      %dma_start3A_379 = tpu.memref_squeeze %dma_start3A_378 : memref<1x128x32xf32, #tpu.memory_space<vmem>> -> memref<128x32xf32, #tpu.memory_space<vmem>>
      %dma_start3A_380 = arith.constant 0 : i32
      %dma_start3A_381 = tpu.memref_slice %arg7[%add3A_373, %dma_start3A_380] : memref<79x128xi32, #tpu.memory_space<vmem>> -> memref<1x128xi32, #tpu.memory_space<vmem>>
      %dma_start3A_382 = tpu.memref_squeeze %dma_start3A_381 : memref<1x128xi32, #tpu.memory_space<vmem>> -> memref<128xi32, #tpu.memory_space<vmem>>
      %dma_start3A_383 = arith.constant 0 : i32
      %dma_start3A_384 = arith.constant 0 : i32
      %dma_start3A_385 = tpu.memref_slice %arg11[%dma_start3A_383, %dma_start3A_384] : memref<10000x32xf32, #tpu.memory_space<vmem_shared>> -> memref<10000x32xf32, #tpu.memory_space<vmem_shared>>
      %dma_start3A_386 = tpu.memref_slice %arg10[%dma_start3A_375] : memref<6x!tpu.dma_semaphore, #tpu.memory_space<semaphore_mem>> -> memref<1x!tpu.dma_semaphore, #tpu.memory_space<semaphore_mem>>
      %dma_start3A_387 = tpu.memref_squeeze %dma_start3A_386 : memref<1x!tpu.dma_semaphore, #tpu.memory_space<semaphore_mem>> -> memref<!tpu.dma_semaphore, #tpu.memory_space<semaphore_mem>>
      tpu.enqueue_indirect_dma source(%dma_start3A_379 : memref<128x32xf32, #tpu.memory_space<vmem>>) target(%dma_start3A_385 : memref<10000x32xf32, #tpu.memory_space<vmem_shared>>) offsets(%dma_start3A_382 : memref<128xi32, #tpu.memory_space<vmem>>) semaphore(%dma_start3A_387 : memref<!tpu.dma_semaphore, #tpu.memory_space<semaphore_mem>>) {add = true}
      %add3A_388 = arith.constant 5 : i32
      %add3A_389 = arith.addi %add3A_227, %add3A_388 : i32
      %dma_wait3A_390 = arith.constant 5 : i32
      %dma_wait3A_391 = arith.constant 5 : i32
      %dma_wait3A_392 = arith.constant 0 : i32
      %dma_wait3A_393 = arith.constant 0 : i32
      %dma_wait3A_394 = tpu.memref_slice %arg8[%dma_wait3A_390, %dma_wait3A_392, %dma_wait3A_393] : memref<6x128x32xf32, #tpu.memory_space<vmem>> -> memref<1x128x32xf32, #tpu.memory_space<vmem>>
      %dma_wait3A_395 = tpu.memref_squeeze %dma_wait3A_394 : memref<1x128x32xf32, #tpu.memory_space<vmem>> -> memref<128x32xf32, #tpu.memory_space<vmem>>
      %dma_wait3A_396 = arith.constant 0 : i32
      %dma_wait3A_397 = tpu.memref_slice %arg6[%add3A_389, %dma_wait3A_396] : memref<79x128xi32, #tpu.memory_space<vmem>> -> memref<1x128xi32, #tpu.memory_space<vmem>>
      %dma_wait3A_398 = tpu.memref_squeeze %dma_wait3A_397 : memref<1x128xi32, #tpu.memory_space<vmem>> -> memref<128xi32, #tpu.memory_space<vmem>>
      %dma_wait3A_399 = arith.constant 0 : i32
      %dma_wait3A_400 = arith.constant 0 : i32
      %dma_wait3A_401 = tpu.memref_slice %arg2[%dma_wait3A_399, %dma_wait3A_400] : memref<10000x32xf32, #tpu.memory_space<hbm>> -> memref<10000x32xf32, #tpu.memory_space<hbm>>
      %dma_wait3A_402 = tpu.memref_slice %arg9[%dma_wait3A_391] : memref<6x!tpu.dma_semaphore, #tpu.memory_space<semaphore_mem>> -> memref<1x!tpu.dma_semaphore, #tpu.memory_space<semaphore_mem>>
      %dma_wait3A_403 = tpu.memref_squeeze %dma_wait3A_402 : memref<1x!tpu.dma_semaphore, #tpu.memory_space<semaphore_mem>> -> memref<!tpu.dma_semaphore, #tpu.memory_space<semaphore_mem>>
      tpu.wait_indirect_dma semaphore(%dma_wait3A_403 : memref<!tpu.dma_semaphore, #tpu.memory_space<semaphore_mem>>) src(%dma_wait3A_401 : memref<10000x32xf32, #tpu.memory_space<hbm>>) dst(%dma_wait3A_395 : memref<128x32xf32, #tpu.memory_space<vmem>>)
      %add3A_404 = arith.constant 5 : i32
      %add3A_405 = arith.addi %add3A_227, %add3A_404 : i32
      %dma_start3A_406 = arith.constant 5 : i32
      %dma_start3A_407 = arith.constant 5 : i32
      %dma_start3A_408 = arith.constant 0 : i32
      %dma_start3A_409 = arith.constant 0 : i32
      %dma_start3A_410 = tpu.memref_slice %arg8[%dma_start3A_406, %dma_start3A_408, %dma_start3A_409] : memref<6x128x32xf32, #tpu.memory_space<vmem>> -> memref<1x128x32xf32, #tpu.memory_space<vmem>>
      %dma_start3A_411 = tpu.memref_squeeze %dma_start3A_410 : memref<1x128x32xf32, #tpu.memory_space<vmem>> -> memref<128x32xf32, #tpu.memory_space<vmem>>
      %dma_start3A_412 = arith.constant 0 : i32
      %dma_start3A_413 = tpu.memref_slice %arg7[%add3A_405, %dma_start3A_412] : memref<79x128xi32, #tpu.memory_space<vmem>> -> memref<1x128xi32, #tpu.memory_space<vmem>>
      %dma_start3A_414 = tpu.memref_squeeze %dma_start3A_413 : memref<1x128xi32, #tpu.memory_space<vmem>> -> memref<128xi32, #tpu.memory_space<vmem>>
      %dma_start3A_415 = arith.constant 0 : i32
      %dma_start3A_416 = arith.constant 0 : i32
      %dma_start3A_417 = tpu.memref_slice %arg11[%dma_start3A_415, %dma_start3A_416] : memref<10000x32xf32, #tpu.memory_space<vmem_shared>> -> memref<10000x32xf32, #tpu.memory_space<vmem_shared>>
      %dma_start3A_418 = tpu.memref_slice %arg10[%dma_start3A_407] : memref<6x!tpu.dma_semaphore, #tpu.memory_space<semaphore_mem>> -> memref<1x!tpu.dma_semaphore, #tpu.memory_space<semaphore_mem>>
      %dma_start3A_419 = tpu.memref_squeeze %dma_start3A_418 : memref<1x!tpu.dma_semaphore, #tpu.memory_space<semaphore_mem>> -> memref<!tpu.dma_semaphore, #tpu.memory_space<semaphore_mem>>
      tpu.enqueue_indirect_dma source(%dma_start3A_411 : memref<128x32xf32, #tpu.memory_space<vmem>>) target(%dma_start3A_417 : memref<10000x32xf32, #tpu.memory_space<vmem_shared>>) offsets(%dma_start3A_414 : memref<128xi32, #tpu.memory_space<vmem>>) semaphore(%dma_start3A_419 : memref<!tpu.dma_semaphore, #tpu.memory_space<semaphore_mem>>) {add = true}
      %add3A_420 = arith.constant 6 : i32
      %add3A_421 = arith.addi %add3A_227, %add3A_420 : i32
      %add3A_422 = arith.constant 0 : i32
      %add3A_423 = arith.addi %add3A_421, %add3A_422 : i32
      %lt3A_424 = arith.constant 78 : i32
      %lt3A_425 = arith.cmpi slt, %add3A_423, %lt3A_424 : i32
      %convert_element_type3A_426 = arith.extui %lt3A_425 : i1 to i32
      %cond3A_427 = arith.constant 0 : i32
      %cond3A_428 = arith.constant 0 : i32
      %cond3A_429 = arith.constant 0 : i32
      %cond3A_430 = arith.cmpi ne, %convert_element_type3A_426, %cond3A_429 : i32
      scf.if %cond3A_430 {
        %dma_wait3A_486 = arith.constant 0 : i32
        %dma_wait3A_487 = arith.constant 0 : i32
        %dma_wait3A_488 = tpu.memref_slice %arg8[%cond3A_427, %dma_wait3A_486, %dma_wait3A_487] : memref<6x128x32xf32, #tpu.memory_space<vmem>> -> memref<1x128x32xf32, #tpu.memory_space<vmem>>
        %dma_wait3A_489 = tpu.memref_squeeze %dma_wait3A_488 : memref<1x128x32xf32, #tpu.memory_space<vmem>> -> memref<128x32xf32, #tpu.memory_space<vmem>>
        %dma_wait3A_490 = arith.constant 0 : i32
        %dma_wait3A_491 = tpu.memref_slice %arg7[%add3A_245, %dma_wait3A_490] : memref<79x128xi32, #tpu.memory_space<vmem>> -> memref<1x128xi32, #tpu.memory_space<vmem>>
        %dma_wait3A_492 = tpu.memref_squeeze %dma_wait3A_491 : memref<1x128xi32, #tpu.memory_space<vmem>> -> memref<128xi32, #tpu.memory_space<vmem>>
        %dma_wait3A_493 = arith.constant 0 : i32
        %dma_wait3A_494 = arith.constant 0 : i32
        %dma_wait3A_495 = tpu.memref_slice %arg11[%dma_wait3A_493, %dma_wait3A_494] : memref<10000x32xf32, #tpu.memory_space<vmem_shared>> -> memref<10000x32xf32, #tpu.memory_space<vmem_shared>>
        %dma_wait3A_496 = tpu.memref_slice %arg10[%cond3A_428] : memref<6x!tpu.dma_semaphore, #tpu.memory_space<semaphore_mem>> -> memref<1x!tpu.dma_semaphore, #tpu.memory_space<semaphore_mem>>
        %dma_wait3A_497 = tpu.memref_squeeze %dma_wait3A_496 : memref<1x!tpu.dma_semaphore, #tpu.memory_space<semaphore_mem>> -> memref<!tpu.dma_semaphore, #tpu.memory_space<semaphore_mem>>
        tpu.wait_indirect_dma semaphore(%dma_wait3A_497 : memref<!tpu.dma_semaphore, #tpu.memory_space<semaphore_mem>>) src(%dma_wait3A_489 : memref<128x32xf32, #tpu.memory_space<vmem>>) dst(%dma_wait3A_495 : memref<10000x32xf32, #tpu.memory_space<vmem_shared>>)
        %add3A_498 = arith.constant 6 : i32
        %add3A_499 = arith.addi %add3A_227, %add3A_498 : i32
        %add3A_500 = arith.constant 0 : i32
        %add3A_501 = arith.addi %add3A_499, %add3A_500 : i32
        %dma_start3A_502 = arith.constant 0 : i32
        %dma_start3A_503 = arith.constant 0 : i32
        %dma_start3A_504 = arith.constant 0 : i32
        %dma_start3A_505 = arith.constant 0 : i32
        %dma_start3A_506 = tpu.memref_slice %arg8[%dma_start3A_502, %dma_start3A_504, %dma_start3A_505] : memref<6x128x32xf32, #tpu.memory_space<vmem>> -> memref<1x128x32xf32, #tpu.memory_space<vmem>>
        %dma_start3A_507 = tpu.memref_squeeze %dma_start3A_506 : memref<1x128x32xf32, #tpu.memory_space<vmem>> -> memref<128x32xf32, #tpu.memory_space<vmem>>
        %dma_start3A_508 = arith.constant 0 : i32
        %dma_start3A_509 = tpu.memref_slice %arg6[%add3A_501, %dma_start3A_508] : memref<79x128xi32, #tpu.memory_space<vmem>> -> memref<1x128xi32, #tpu.memory_space<vmem>>
        %dma_start3A_510 = tpu.memref_squeeze %dma_start3A_509 : memref<1x128xi32, #tpu.memory_space<vmem>> -> memref<128xi32, #tpu.memory_space<vmem>>
        %dma_start3A_511 = arith.constant 0 : i32
        %dma_start3A_512 = arith.constant 0 : i32
        %dma_start3A_513 = tpu.memref_slice %arg2[%dma_start3A_511, %dma_start3A_512] : memref<10000x32xf32, #tpu.memory_space<hbm>> -> memref<10000x32xf32, #tpu.memory_space<hbm>>
        %dma_start3A_514 = tpu.memref_slice %arg9[%dma_start3A_503] : memref<6x!tpu.dma_semaphore, #tpu.memory_space<semaphore_mem>> -> memref<1x!tpu.dma_semaphore, #tpu.memory_space<semaphore_mem>>
        %dma_start3A_515 = tpu.memref_squeeze %dma_start3A_514 : memref<1x!tpu.dma_semaphore, #tpu.memory_space<semaphore_mem>> -> memref<!tpu.dma_semaphore, #tpu.memory_space<semaphore_mem>>
        tpu.enqueue_indirect_dma source(%dma_start3A_513 : memref<10000x32xf32, #tpu.memory_space<hbm>>) target(%dma_start3A_507 : memref<128x32xf32, #tpu.memory_space<vmem>>) offsets(%dma_start3A_510 : memref<128xi32, #tpu.memory_space<vmem>>) semaphore(%dma_start3A_515 : memref<!tpu.dma_semaphore, #tpu.memory_space<semaphore_mem>>)
      } else {
      }
      %add3A_431 = arith.constant 6 : i32
      %add3A_432 = arith.addi %add3A_227, %add3A_431 : i32
      %add3A_433 = arith.constant 1 : i32
      %add3A_434 = arith.addi %add3A_432, %add3A_433 : i32
      %lt3A_435 = arith.constant 78 : i32
      %lt3A_436 = arith.cmpi slt, %add3A_434, %lt3A_435 : i32
      %convert_element_type3A_437 = arith.extui %lt3A_436 : i1 to i32
      %cond3A_438 = arith.constant 1 : i32
      %cond3A_439 = arith.constant 1 : i32
      %cond3A_440 = arith.constant 0 : i32
      %cond3A_441 = arith.cmpi ne, %convert_element_type3A_437, %cond3A_440 : i32
      scf.if %cond3A_441 {
        %dma_wait3A_486 = arith.constant 0 : i32
        %dma_wait3A_487 = arith.constant 0 : i32
        %dma_wait3A_488 = tpu.memref_slice %arg8[%cond3A_438, %dma_wait3A_486, %dma_wait3A_487] : memref<6x128x32xf32, #tpu.memory_space<vmem>> -> memref<1x128x32xf32, #tpu.memory_space<vmem>>
        %dma_wait3A_489 = tpu.memref_squeeze %dma_wait3A_488 : memref<1x128x32xf32, #tpu.memory_space<vmem>> -> memref<128x32xf32, #tpu.memory_space<vmem>>
        %dma_wait3A_490 = arith.constant 0 : i32
        %dma_wait3A_491 = tpu.memref_slice %arg7[%add3A_277, %dma_wait3A_490] : memref<79x128xi32, #tpu.memory_space<vmem>> -> memref<1x128xi32, #tpu.memory_space<vmem>>
        %dma_wait3A_492 = tpu.memref_squeeze %dma_wait3A_491 : memref<1x128xi32, #tpu.memory_space<vmem>> -> memref<128xi32, #tpu.memory_space<vmem>>
        %dma_wait3A_493 = arith.constant 0 : i32
        %dma_wait3A_494 = arith.constant 0 : i32
        %dma_wait3A_495 = tpu.memref_slice %arg11[%dma_wait3A_493, %dma_wait3A_494] : memref<10000x32xf32, #tpu.memory_space<vmem_shared>> -> memref<10000x32xf32, #tpu.memory_space<vmem_shared>>
        %dma_wait3A_496 = tpu.memref_slice %arg10[%cond3A_439] : memref<6x!tpu.dma_semaphore, #tpu.memory_space<semaphore_mem>> -> memref<1x!tpu.dma_semaphore, #tpu.memory_space<semaphore_mem>>
        %dma_wait3A_497 = tpu.memref_squeeze %dma_wait3A_496 : memref<1x!tpu.dma_semaphore, #tpu.memory_space<semaphore_mem>> -> memref<!tpu.dma_semaphore, #tpu.memory_space<semaphore_mem>>
        tpu.wait_indirect_dma semaphore(%dma_wait3A_497 : memref<!tpu.dma_semaphore, #tpu.memory_space<semaphore_mem>>) src(%dma_wait3A_489 : memref<128x32xf32, #tpu.memory_space<vmem>>) dst(%dma_wait3A_495 : memref<10000x32xf32, #tpu.memory_space<vmem_shared>>)
        %add3A_498 = arith.constant 6 : i32
        %add3A_499 = arith.addi %add3A_227, %add3A_498 : i32
        %add3A_500 = arith.constant 1 : i32
        %add3A_501 = arith.addi %add3A_499, %add3A_500 : i32
        %dma_start3A_502 = arith.constant 1 : i32
        %dma_start3A_503 = arith.constant 1 : i32
        %dma_start3A_504 = arith.constant 0 : i32
        %dma_start3A_505 = arith.constant 0 : i32
        %dma_start3A_506 = tpu.memref_slice %arg8[%dma_start3A_502, %dma_start3A_504, %dma_start3A_505] : memref<6x128x32xf32, #tpu.memory_space<vmem>> -> memref<1x128x32xf32, #tpu.memory_space<vmem>>
        %dma_start3A_507 = tpu.memref_squeeze %dma_start3A_506 : memref<1x128x32xf32, #tpu.memory_space<vmem>> -> memref<128x32xf32, #tpu.memory_space<vmem>>
        %dma_start3A_508 = arith.constant 0 : i32
        %dma_start3A_509 = tpu.memref_slice %arg6[%add3A_501, %dma_start3A_508] : memref<79x128xi32, #tpu.memory_space<vmem>> -> memref<1x128xi32, #tpu.memory_space<vmem>>
        %dma_start3A_510 = tpu.memref_squeeze %dma_start3A_509 : memref<1x128xi32, #tpu.memory_space<vmem>> -> memref<128xi32, #tpu.memory_space<vmem>>
        %dma_start3A_511 = arith.constant 0 : i32
        %dma_start3A_512 = arith.constant 0 : i32
        %dma_start3A_513 = tpu.memref_slice %arg2[%dma_start3A_511, %dma_start3A_512] : memref<10000x32xf32, #tpu.memory_space<hbm>> -> memref<10000x32xf32, #tpu.memory_space<hbm>>
        %dma_start3A_514 = tpu.memref_slice %arg9[%dma_start3A_503] : memref<6x!tpu.dma_semaphore, #tpu.memory_space<semaphore_mem>> -> memref<1x!tpu.dma_semaphore, #tpu.memory_space<semaphore_mem>>
        %dma_start3A_515 = tpu.memref_squeeze %dma_start3A_514 : memref<1x!tpu.dma_semaphore, #tpu.memory_space<semaphore_mem>> -> memref<!tpu.dma_semaphore, #tpu.memory_space<semaphore_mem>>
        tpu.enqueue_indirect_dma source(%dma_start3A_513 : memref<10000x32xf32, #tpu.memory_space<hbm>>) target(%dma_start3A_507 : memref<128x32xf32, #tpu.memory_space<vmem>>) offsets(%dma_start3A_510 : memref<128xi32, #tpu.memory_space<vmem>>) semaphore(%dma_start3A_515 : memref<!tpu.dma_semaphore, #tpu.memory_space<semaphore_mem>>)
      } else {
      }
      %add3A_442 = arith.constant 6 : i32
      %add3A_443 = arith.addi %add3A_227, %add3A_442 : i32
      %add3A_444 = arith.constant 2 : i32
      %add3A_445 = arith.addi %add3A_443, %add3A_444 : i32
      %lt3A_446 = arith.constant 78 : i32
      %lt3A_447 = arith.cmpi slt, %add3A_445, %lt3A_446 : i32
      %convert_element_type3A_448 = arith.extui %lt3A_447 : i1 to i32
      %cond3A_449 = arith.constant 2 : i32
      %cond3A_450 = arith.constant 2 : i32
      %cond3A_451 = arith.constant 0 : i32
      %cond3A_452 = arith.cmpi ne, %convert_element_type3A_448, %cond3A_451 : i32
      scf.if %cond3A_452 {
        %dma_wait3A_486 = arith.constant 0 : i32
        %dma_wait3A_487 = arith.constant 0 : i32
        %dma_wait3A_488 = tpu.memref_slice %arg8[%cond3A_449, %dma_wait3A_486, %dma_wait3A_487] : memref<6x128x32xf32, #tpu.memory_space<vmem>> -> memref<1x128x32xf32, #tpu.memory_space<vmem>>
        %dma_wait3A_489 = tpu.memref_squeeze %dma_wait3A_488 : memref<1x128x32xf32, #tpu.memory_space<vmem>> -> memref<128x32xf32, #tpu.memory_space<vmem>>
        %dma_wait3A_490 = arith.constant 0 : i32
        %dma_wait3A_491 = tpu.memref_slice %arg7[%add3A_309, %dma_wait3A_490] : memref<79x128xi32, #tpu.memory_space<vmem>> -> memref<1x128xi32, #tpu.memory_space<vmem>>
        %dma_wait3A_492 = tpu.memref_squeeze %dma_wait3A_491 : memref<1x128xi32, #tpu.memory_space<vmem>> -> memref<128xi32, #tpu.memory_space<vmem>>
        %dma_wait3A_493 = arith.constant 0 : i32
        %dma_wait3A_494 = arith.constant 0 : i32
        %dma_wait3A_495 = tpu.memref_slice %arg11[%dma_wait3A_493, %dma_wait3A_494] : memref<10000x32xf32, #tpu.memory_space<vmem_shared>> -> memref<10000x32xf32, #tpu.memory_space<vmem_shared>>
        %dma_wait3A_496 = tpu.memref_slice %arg10[%cond3A_450] : memref<6x!tpu.dma_semaphore, #tpu.memory_space<semaphore_mem>> -> memref<1x!tpu.dma_semaphore, #tpu.memory_space<semaphore_mem>>
        %dma_wait3A_497 = tpu.memref_squeeze %dma_wait3A_496 : memref<1x!tpu.dma_semaphore, #tpu.memory_space<semaphore_mem>> -> memref<!tpu.dma_semaphore, #tpu.memory_space<semaphore_mem>>
        tpu.wait_indirect_dma semaphore(%dma_wait3A_497 : memref<!tpu.dma_semaphore, #tpu.memory_space<semaphore_mem>>) src(%dma_wait3A_489 : memref<128x32xf32, #tpu.memory_space<vmem>>) dst(%dma_wait3A_495 : memref<10000x32xf32, #tpu.memory_space<vmem_shared>>)
        %add3A_498 = arith.constant 6 : i32
        %add3A_499 = arith.addi %add3A_227, %add3A_498 : i32
        %add3A_500 = arith.constant 2 : i32
        %add3A_501 = arith.addi %add3A_499, %add3A_500 : i32
        %dma_start3A_502 = arith.constant 2 : i32
        %dma_start3A_503 = arith.constant 2 : i32
        %dma_start3A_504 = arith.constant 0 : i32
        %dma_start3A_505 = arith.constant 0 : i32
        %dma_start3A_506 = tpu.memref_slice %arg8[%dma_start3A_502, %dma_start3A_504, %dma_start3A_505] : memref<6x128x32xf32, #tpu.memory_space<vmem>> -> memref<1x128x32xf32, #tpu.memory_space<vmem>>
        %dma_start3A_507 = tpu.memref_squeeze %dma_start3A_506 : memref<1x128x32xf32, #tpu.memory_space<vmem>> -> memref<128x32xf32, #tpu.memory_space<vmem>>
        %dma_start3A_508 = arith.constant 0 : i32
        %dma_start3A_509 = tpu.memref_slice %arg6[%add3A_501, %dma_start3A_508] : memref<79x128xi32, #tpu.memory_space<vmem>> -> memref<1x128xi32, #tpu.memory_space<vmem>>
        %dma_start3A_510 = tpu.memref_squeeze %dma_start3A_509 : memref<1x128xi32, #tpu.memory_space<vmem>> -> memref<128xi32, #tpu.memory_space<vmem>>
        %dma_start3A_511 = arith.constant 0 : i32
        %dma_start3A_512 = arith.constant 0 : i32
        %dma_start3A_513 = tpu.memref_slice %arg2[%dma_start3A_511, %dma_start3A_512] : memref<10000x32xf32, #tpu.memory_space<hbm>> -> memref<10000x32xf32, #tpu.memory_space<hbm>>
        %dma_start3A_514 = tpu.memref_slice %arg9[%dma_start3A_503] : memref<6x!tpu.dma_semaphore, #tpu.memory_space<semaphore_mem>> -> memref<1x!tpu.dma_semaphore, #tpu.memory_space<semaphore_mem>>
        %dma_start3A_515 = tpu.memref_squeeze %dma_start3A_514 : memref<1x!tpu.dma_semaphore, #tpu.memory_space<semaphore_mem>> -> memref<!tpu.dma_semaphore, #tpu.memory_space<semaphore_mem>>
        tpu.enqueue_indirect_dma source(%dma_start3A_513 : memref<10000x32xf32, #tpu.memory_space<hbm>>) target(%dma_start3A_507 : memref<128x32xf32, #tpu.memory_space<vmem>>) offsets(%dma_start3A_510 : memref<128xi32, #tpu.memory_space<vmem>>) semaphore(%dma_start3A_515 : memref<!tpu.dma_semaphore, #tpu.memory_space<semaphore_mem>>)
      } else {
      }
      %add3A_453 = arith.constant 6 : i32
      %add3A_454 = arith.addi %add3A_227, %add3A_453 : i32
      %add3A_455 = arith.constant 3 : i32
      %add3A_456 = arith.addi %add3A_454, %add3A_455 : i32
      %lt3A_457 = arith.constant 78 : i32
      %lt3A_458 = arith.cmpi slt, %add3A_456, %lt3A_457 : i32
      %convert_element_type3A_459 = arith.extui %lt3A_458 : i1 to i32
      %cond3A_460 = arith.constant 3 : i32
      %cond3A_461 = arith.constant 3 : i32
      %cond3A_462 = arith.constant 0 : i32
      %cond3A_463 = arith.cmpi ne, %convert_element_type3A_459, %cond3A_462 : i32
      scf.if %cond3A_463 {
        %dma_wait3A_486 = arith.constant 0 : i32
        %dma_wait3A_487 = arith.constant 0 : i32
        %dma_wait3A_488 = tpu.memref_slice %arg8[%cond3A_460, %dma_wait3A_486, %dma_wait3A_487] : memref<6x128x32xf32, #tpu.memory_space<vmem>> -> memref<1x128x32xf32, #tpu.memory_space<vmem>>
        %dma_wait3A_489 = tpu.memref_squeeze %dma_wait3A_488 : memref<1x128x32xf32, #tpu.memory_space<vmem>> -> memref<128x32xf32, #tpu.memory_space<vmem>>
        %dma_wait3A_490 = arith.constant 0 : i32
        %dma_wait3A_491 = tpu.memref_slice %arg7[%add3A_341, %dma_wait3A_490] : memref<79x128xi32, #tpu.memory_space<vmem>> -> memref<1x128xi32, #tpu.memory_space<vmem>>
        %dma_wait3A_492 = tpu.memref_squeeze %dma_wait3A_491 : memref<1x128xi32, #tpu.memory_space<vmem>> -> memref<128xi32, #tpu.memory_space<vmem>>
        %dma_wait3A_493 = arith.constant 0 : i32
        %dma_wait3A_494 = arith.constant 0 : i32
        %dma_wait3A_495 = tpu.memref_slice %arg11[%dma_wait3A_493, %dma_wait3A_494] : memref<10000x32xf32, #tpu.memory_space<vmem_shared>> -> memref<10000x32xf32, #tpu.memory_space<vmem_shared>>
        %dma_wait3A_496 = tpu.memref_slice %arg10[%cond3A_461] : memref<6x!tpu.dma_semaphore, #tpu.memory_space<semaphore_mem>> -> memref<1x!tpu.dma_semaphore, #tpu.memory_space<semaphore_mem>>
        %dma_wait3A_497 = tpu.memref_squeeze %dma_wait3A_496 : memref<1x!tpu.dma_semaphore, #tpu.memory_space<semaphore_mem>> -> memref<!tpu.dma_semaphore, #tpu.memory_space<semaphore_mem>>
        tpu.wait_indirect_dma semaphore(%dma_wait3A_497 : memref<!tpu.dma_semaphore, #tpu.memory_space<semaphore_mem>>) src(%dma_wait3A_489 : memref<128x32xf32, #tpu.memory_space<vmem>>) dst(%dma_wait3A_495 : memref<10000x32xf32, #tpu.memory_space<vmem_shared>>)
        %add3A_498 = arith.constant 6 : i32
        %add3A_499 = arith.addi %add3A_227, %add3A_498 : i32
        %add3A_500 = arith.constant 3 : i32
        %add3A_501 = arith.addi %add3A_499, %add3A_500 : i32
        %dma_start3A_502 = arith.constant 3 : i32
        %dma_start3A_503 = arith.constant 3 : i32
        %dma_start3A_504 = arith.constant 0 : i32
        %dma_start3A_505 = arith.constant 0 : i32
        %dma_start3A_506 = tpu.memref_slice %arg8[%dma_start3A_502, %dma_start3A_504, %dma_start3A_505] : memref<6x128x32xf32, #tpu.memory_space<vmem>> -> memref<1x128x32xf32, #tpu.memory_space<vmem>>
        %dma_start3A_507 = tpu.memref_squeeze %dma_start3A_506 : memref<1x128x32xf32, #tpu.memory_space<vmem>> -> memref<128x32xf32, #tpu.memory_space<vmem>>
        %dma_start3A_508 = arith.constant 0 : i32
        %dma_start3A_509 = tpu.memref_slice %arg6[%add3A_501, %dma_start3A_508] : memref<79x128xi32, #tpu.memory_space<vmem>> -> memref<1x128xi32, #tpu.memory_space<vmem>>
        %dma_start3A_510 = tpu.memref_squeeze %dma_start3A_509 : memref<1x128xi32, #tpu.memory_space<vmem>> -> memref<128xi32, #tpu.memory_space<vmem>>
        %dma_start3A_511 = arith.constant 0 : i32
        %dma_start3A_512 = arith.constant 0 : i32
        %dma_start3A_513 = tpu.memref_slice %arg2[%dma_start3A_511, %dma_start3A_512] : memref<10000x32xf32, #tpu.memory_space<hbm>> -> memref<10000x32xf32, #tpu.memory_space<hbm>>
        %dma_start3A_514 = tpu.memref_slice %arg9[%dma_start3A_503] : memref<6x!tpu.dma_semaphore, #tpu.memory_space<semaphore_mem>> -> memref<1x!tpu.dma_semaphore, #tpu.memory_space<semaphore_mem>>
        %dma_start3A_515 = tpu.memref_squeeze %dma_start3A_514 : memref<1x!tpu.dma_semaphore, #tpu.memory_space<semaphore_mem>> -> memref<!tpu.dma_semaphore, #tpu.memory_space<semaphore_mem>>
        tpu.enqueue_indirect_dma source(%dma_start3A_513 : memref<10000x32xf32, #tpu.memory_space<hbm>>) target(%dma_start3A_507 : memref<128x32xf32, #tpu.memory_space<vmem>>) offsets(%dma_start3A_510 : memref<128xi32, #tpu.memory_space<vmem>>) semaphore(%dma_start3A_515 : memref<!tpu.dma_semaphore, #tpu.memory_space<semaphore_mem>>)
      } else {
      }
      %add3A_464 = arith.constant 6 : i32
      %add3A_465 = arith.addi %add3A_227, %add3A_464 : i32
      %add3A_466 = arith.constant 4 : i32
      %add3A_467 = arith.addi %add3A_465, %add3A_466 : i32
      %lt3A_468 = arith.constant 78 : i32
      %lt3A_469 = arith.cmpi slt, %add3A_467, %lt3A_468 : i32
      %convert_element_type3A_470 = arith.extui %lt3A_469 : i1 to i32
      %cond3A_471 = arith.constant 4 : i32
      %cond3A_472 = arith.constant 4 : i32
      %cond3A_473 = arith.constant 0 : i32
      %cond3A_474 = arith.cmpi ne, %convert_element_type3A_470, %cond3A_473 : i32
      scf.if %cond3A_474 {
        %dma_wait3A_486 = arith.constant 0 : i32
        %dma_wait3A_487 = arith.constant 0 : i32
        %dma_wait3A_488 = tpu.memref_slice %arg8[%cond3A_471, %dma_wait3A_486, %dma_wait3A_487] : memref<6x128x32xf32, #tpu.memory_space<vmem>> -> memref<1x128x32xf32, #tpu.memory_space<vmem>>
        %dma_wait3A_489 = tpu.memref_squeeze %dma_wait3A_488 : memref<1x128x32xf32, #tpu.memory_space<vmem>> -> memref<128x32xf32, #tpu.memory_space<vmem>>
        %dma_wait3A_490 = arith.constant 0 : i32
        %dma_wait3A_491 = tpu.memref_slice %arg7[%add3A_373, %dma_wait3A_490] : memref<79x128xi32, #tpu.memory_space<vmem>> -> memref<1x128xi32, #tpu.memory_space<vmem>>
        %dma_wait3A_492 = tpu.memref_squeeze %dma_wait3A_491 : memref<1x128xi32, #tpu.memory_space<vmem>> -> memref<128xi32, #tpu.memory_space<vmem>>
        %dma_wait3A_493 = arith.constant 0 : i32
        %dma_wait3A_494 = arith.constant 0 : i32
        %dma_wait3A_495 = tpu.memref_slice %arg11[%dma_wait3A_493, %dma_wait3A_494] : memref<10000x32xf32, #tpu.memory_space<vmem_shared>> -> memref<10000x32xf32, #tpu.memory_space<vmem_shared>>
        %dma_wait3A_496 = tpu.memref_slice %arg10[%cond3A_472] : memref<6x!tpu.dma_semaphore, #tpu.memory_space<semaphore_mem>> -> memref<1x!tpu.dma_semaphore, #tpu.memory_space<semaphore_mem>>
        %dma_wait3A_497 = tpu.memref_squeeze %dma_wait3A_496 : memref<1x!tpu.dma_semaphore, #tpu.memory_space<semaphore_mem>> -> memref<!tpu.dma_semaphore, #tpu.memory_space<semaphore_mem>>
        tpu.wait_indirect_dma semaphore(%dma_wait3A_497 : memref<!tpu.dma_semaphore, #tpu.memory_space<semaphore_mem>>) src(%dma_wait3A_489 : memref<128x32xf32, #tpu.memory_space<vmem>>) dst(%dma_wait3A_495 : memref<10000x32xf32, #tpu.memory_space<vmem_shared>>)
        %add3A_498 = arith.constant 6 : i32
        %add3A_499 = arith.addi %add3A_227, %add3A_498 : i32
        %add3A_500 = arith.constant 4 : i32
        %add3A_501 = arith.addi %add3A_499, %add3A_500 : i32
        %dma_start3A_502 = arith.constant 4 : i32
        %dma_start3A_503 = arith.constant 4 : i32
        %dma_start3A_504 = arith.constant 0 : i32
        %dma_start3A_505 = arith.constant 0 : i32
        %dma_start3A_506 = tpu.memref_slice %arg8[%dma_start3A_502, %dma_start3A_504, %dma_start3A_505] : memref<6x128x32xf32, #tpu.memory_space<vmem>> -> memref<1x128x32xf32, #tpu.memory_space<vmem>>
        %dma_start3A_507 = tpu.memref_squeeze %dma_start3A_506 : memref<1x128x32xf32, #tpu.memory_space<vmem>> -> memref<128x32xf32, #tpu.memory_space<vmem>>
        %dma_start3A_508 = arith.constant 0 : i32
        %dma_start3A_509 = tpu.memref_slice %arg6[%add3A_501, %dma_start3A_508] : memref<79x128xi32, #tpu.memory_space<vmem>> -> memref<1x128xi32, #tpu.memory_space<vmem>>
        %dma_start3A_510 = tpu.memref_squeeze %dma_start3A_509 : memref<1x128xi32, #tpu.memory_space<vmem>> -> memref<128xi32, #tpu.memory_space<vmem>>
        %dma_start3A_511 = arith.constant 0 : i32
        %dma_start3A_512 = arith.constant 0 : i32
        %dma_start3A_513 = tpu.memref_slice %arg2[%dma_start3A_511, %dma_start3A_512] : memref<10000x32xf32, #tpu.memory_space<hbm>> -> memref<10000x32xf32, #tpu.memory_space<hbm>>
        %dma_start3A_514 = tpu.memref_slice %arg9[%dma_start3A_503] : memref<6x!tpu.dma_semaphore, #tpu.memory_space<semaphore_mem>> -> memref<1x!tpu.dma_semaphore, #tpu.memory_space<semaphore_mem>>
        %dma_start3A_515 = tpu.memref_squeeze %dma_start3A_514 : memref<1x!tpu.dma_semaphore, #tpu.memory_space<semaphore_mem>> -> memref<!tpu.dma_semaphore, #tpu.memory_space<semaphore_mem>>
        tpu.enqueue_indirect_dma source(%dma_start3A_513 : memref<10000x32xf32, #tpu.memory_space<hbm>>) target(%dma_start3A_507 : memref<128x32xf32, #tpu.memory_space<vmem>>) offsets(%dma_start3A_510 : memref<128xi32, #tpu.memory_space<vmem>>) semaphore(%dma_start3A_515 : memref<!tpu.dma_semaphore, #tpu.memory_space<semaphore_mem>>)
      } else {
      }
      %add3A_475 = arith.constant 6 : i32
      %add3A_476 = arith.addi %add3A_227, %add3A_475 : i32
      %add3A_477 = arith.constant 5 : i32
      %add3A_478 = arith.addi %add3A_476, %add3A_477 : i32
      %lt3A_479 = arith.constant 78 : i32
      %lt3A_480 = arith.cmpi slt, %add3A_478, %lt3A_479 : i32
      %convert_element_type3A_481 = arith.extui %lt3A_480 : i1 to i32
      %cond3A_482 = arith.constant 5 : i32
      %cond3A_483 = arith.constant 5 : i32
      %cond3A_484 = arith.constant 0 : i32
      %cond3A_485 = arith.cmpi ne, %convert_element_type3A_481, %cond3A_484 : i32
      scf.if %cond3A_485 {
        %dma_wait3A_486 = arith.constant 0 : i32
        %dma_wait3A_487 = arith.constant 0 : i32
        %dma_wait3A_488 = tpu.memref_slice %arg8[%cond3A_482, %dma_wait3A_486, %dma_wait3A_487] : memref<6x128x32xf32, #tpu.memory_space<vmem>> -> memref<1x128x32xf32, #tpu.memory_space<vmem>>
        %dma_wait3A_489 = tpu.memref_squeeze %dma_wait3A_488 : memref<1x128x32xf32, #tpu.memory_space<vmem>> -> memref<128x32xf32, #tpu.memory_space<vmem>>
        %dma_wait3A_490 = arith.constant 0 : i32
        %dma_wait3A_491 = tpu.memref_slice %arg7[%add3A_405, %dma_wait3A_490] : memref<79x128xi32, #tpu.memory_space<vmem>> -> memref<1x128xi32, #tpu.memory_space<vmem>>
        %dma_wait3A_492 = tpu.memref_squeeze %dma_wait3A_491 : memref<1x128xi32, #tpu.memory_space<vmem>> -> memref<128xi32, #tpu.memory_space<vmem>>
        %dma_wait3A_493 = arith.constant 0 : i32
        %dma_wait3A_494 = arith.constant 0 : i32
        %dma_wait3A_495 = tpu.memref_slice %arg11[%dma_wait3A_493, %dma_wait3A_494] : memref<10000x32xf32, #tpu.memory_space<vmem_shared>> -> memref<10000x32xf32, #tpu.memory_space<vmem_shared>>
        %dma_wait3A_496 = tpu.memref_slice %arg10[%cond3A_483] : memref<6x!tpu.dma_semaphore, #tpu.memory_space<semaphore_mem>> -> memref<1x!tpu.dma_semaphore, #tpu.memory_space<semaphore_mem>>
        %dma_wait3A_497 = tpu.memref_squeeze %dma_wait3A_496 : memref<1x!tpu.dma_semaphore, #tpu.memory_space<semaphore_mem>> -> memref<!tpu.dma_semaphore, #tpu.memory_space<semaphore_mem>>
        tpu.wait_indirect_dma semaphore(%dma_wait3A_497 : memref<!tpu.dma_semaphore, #tpu.memory_space<semaphore_mem>>) src(%dma_wait3A_489 : memref<128x32xf32, #tpu.memory_space<vmem>>) dst(%dma_wait3A_495 : memref<10000x32xf32, #tpu.memory_space<vmem_shared>>)
        %add3A_498 = arith.constant 6 : i32
        %add3A_499 = arith.addi %add3A_227, %add3A_498 : i32
        %add3A_500 = arith.constant 5 : i32
        %add3A_501 = arith.addi %add3A_499, %add3A_500 : i32
        %dma_start3A_502 = arith.constant 5 : i32
        %dma_start3A_503 = arith.constant 5 : i32
        %dma_start3A_504 = arith.constant 0 : i32
        %dma_start3A_505 = arith.constant 0 : i32
        %dma_start3A_506 = tpu.memref_slice %arg8[%dma_start3A_502, %dma_start3A_504, %dma_start3A_505] : memref<6x128x32xf32, #tpu.memory_space<vmem>> -> memref<1x128x32xf32, #tpu.memory_space<vmem>>
        %dma_start3A_507 = tpu.memref_squeeze %dma_start3A_506 : memref<1x128x32xf32, #tpu.memory_space<vmem>> -> memref<128x32xf32, #tpu.memory_space<vmem>>
        %dma_start3A_508 = arith.constant 0 : i32
        %dma_start3A_509 = tpu.memref_slice %arg6[%add3A_501, %dma_start3A_508] : memref<79x128xi32, #tpu.memory_space<vmem>> -> memref<1x128xi32, #tpu.memory_space<vmem>>
        %dma_start3A_510 = tpu.memref_squeeze %dma_start3A_509 : memref<1x128xi32, #tpu.memory_space<vmem>> -> memref<128xi32, #tpu.memory_space<vmem>>
        %dma_start3A_511 = arith.constant 0 : i32
        %dma_start3A_512 = arith.constant 0 : i32
        %dma_start3A_513 = tpu.memref_slice %arg2[%dma_start3A_511, %dma_start3A_512] : memref<10000x32xf32, #tpu.memory_space<hbm>> -> memref<10000x32xf32, #tpu.memory_space<hbm>>
        %dma_start3A_514 = tpu.memref_slice %arg9[%dma_start3A_503] : memref<6x!tpu.dma_semaphore, #tpu.memory_space<semaphore_mem>> -> memref<1x!tpu.dma_semaphore, #tpu.memory_space<semaphore_mem>>
        %dma_start3A_515 = tpu.memref_squeeze %dma_start3A_514 : memref<1x!tpu.dma_semaphore, #tpu.memory_space<semaphore_mem>> -> memref<!tpu.dma_semaphore, #tpu.memory_space<semaphore_mem>>
        tpu.enqueue_indirect_dma source(%dma_start3A_513 : memref<10000x32xf32, #tpu.memory_space<hbm>>) target(%dma_start3A_507 : memref<128x32xf32, #tpu.memory_space<vmem>>) offsets(%dma_start3A_510 : memref<128xi32, #tpu.memory_space<vmem>>) semaphore(%dma_start3A_515 : memref<!tpu.dma_semaphore, #tpu.memory_space<semaphore_mem>>)
      } else {
      }
    }
    %scan3A_113 = arith.constant 13 : i32
    %dma_wait3A = arith.constant 0 : i32
    %dma_wait3A_114 = arith.constant 72 : i32
    %dma_wait3A_115 = arith.constant 0 : i32
    %dma_wait3A_116 = arith.constant 0 : i32
    %dma_wait3A_117 = arith.constant 0 : i32
    %dma_wait3A_118 = tpu.memref_slice %arg8[%dma_wait3A, %dma_wait3A_116, %dma_wait3A_117] : memref<6x128x32xf32, #tpu.memory_space<vmem>> -> memref<1x128x32xf32, #tpu.memory_space<vmem>>
    %dma_wait3A_119 = tpu.memref_squeeze %dma_wait3A_118 : memref<1x128x32xf32, #tpu.memory_space<vmem>> -> memref<128x32xf32, #tpu.memory_space<vmem>>
    %dma_wait3A_120 = arith.constant 0 : i32
    %dma_wait3A_121 = tpu.memref_slice %arg7[%dma_wait3A_114, %dma_wait3A_120] : memref<79x128xi32, #tpu.memory_space<vmem>> -> memref<1x128xi32, #tpu.memory_space<vmem>>
    %dma_wait3A_122 = tpu.memref_squeeze %dma_wait3A_121 : memref<1x128xi32, #tpu.memory_space<vmem>> -> memref<128xi32, #tpu.memory_space<vmem>>
    %dma_wait3A_123 = arith.constant 0 : i32
    %dma_wait3A_124 = arith.constant 0 : i32
    %dma_wait3A_125 = tpu.memref_slice %arg11[%dma_wait3A_123, %dma_wait3A_124] : memref<10000x32xf32, #tpu.memory_space<vmem_shared>> -> memref<10000x32xf32, #tpu.memory_space<vmem_shared>>
    %dma_wait3A_126 = tpu.memref_slice %arg10[%dma_wait3A_115] : memref<6x!tpu.dma_semaphore, #tpu.memory_space<semaphore_mem>> -> memref<1x!tpu.dma_semaphore, #tpu.memory_space<semaphore_mem>>
    %dma_wait3A_127 = tpu.memref_squeeze %dma_wait3A_126 : memref<1x!tpu.dma_semaphore, #tpu.memory_space<semaphore_mem>> -> memref<!tpu.dma_semaphore, #tpu.memory_space<semaphore_mem>>
    tpu.wait_indirect_dma semaphore(%dma_wait3A_127 : memref<!tpu.dma_semaphore, #tpu.memory_space<semaphore_mem>>) src(%dma_wait3A_119 : memref<128x32xf32, #tpu.memory_space<vmem>>) dst(%dma_wait3A_125 : memref<10000x32xf32, #tpu.memory_space<vmem_shared>>)
    %dma_wait3A_128 = arith.constant 1 : i32
    %dma_wait3A_129 = arith.constant 73 : i32
    %dma_wait3A_130 = arith.constant 1 : i32
    %dma_wait3A_131 = arith.constant 0 : i32
    %dma_wait3A_132 = arith.constant 0 : i32
    %dma_wait3A_133 = tpu.memref_slice %arg8[%dma_wait3A_128, %dma_wait3A_131, %dma_wait3A_132] : memref<6x128x32xf32, #tpu.memory_space<vmem>> -> memref<1x128x32xf32, #tpu.memory_space<vmem>>
    %dma_wait3A_134 = tpu.memref_squeeze %dma_wait3A_133 : memref<1x128x32xf32, #tpu.memory_space<vmem>> -> memref<128x32xf32, #tpu.memory_space<vmem>>
    %dma_wait3A_135 = arith.constant 0 : i32
    %dma_wait3A_136 = tpu.memref_slice %arg7[%dma_wait3A_129, %dma_wait3A_135] : memref<79x128xi32, #tpu.memory_space<vmem>> -> memref<1x128xi32, #tpu.memory_space<vmem>>
    %dma_wait3A_137 = tpu.memref_squeeze %dma_wait3A_136 : memref<1x128xi32, #tpu.memory_space<vmem>> -> memref<128xi32, #tpu.memory_space<vmem>>
    %dma_wait3A_138 = arith.constant 0 : i32
    %dma_wait3A_139 = arith.constant 0 : i32
    %dma_wait3A_140 = tpu.memref_slice %arg11[%dma_wait3A_138, %dma_wait3A_139] : memref<10000x32xf32, #tpu.memory_space<vmem_shared>> -> memref<10000x32xf32, #tpu.memory_space<vmem_shared>>
    %dma_wait3A_141 = tpu.memref_slice %arg10[%dma_wait3A_130] : memref<6x!tpu.dma_semaphore, #tpu.memory_space<semaphore_mem>> -> memref<1x!tpu.dma_semaphore, #tpu.memory_space<semaphore_mem>>
    %dma_wait3A_142 = tpu.memref_squeeze %dma_wait3A_141 : memref<1x!tpu.dma_semaphore, #tpu.memory_space<semaphore_mem>> -> memref<!tpu.dma_semaphore, #tpu.memory_space<semaphore_mem>>
    tpu.wait_indirect_dma semaphore(%dma_wait3A_142 : memref<!tpu.dma_semaphore, #tpu.memory_space<semaphore_mem>>) src(%dma_wait3A_134 : memref<128x32xf32, #tpu.memory_space<vmem>>) dst(%dma_wait3A_140 : memref<10000x32xf32, #tpu.memory_space<vmem_shared>>)
    %dma_wait3A_143 = arith.constant 2 : i32
    %dma_wait3A_144 = arith.constant 74 : i32
    %dma_wait3A_145 = arith.constant 2 : i32
    %dma_wait3A_146 = arith.constant 0 : i32
    %dma_wait3A_147 = arith.constant 0 : i32
    %dma_wait3A_148 = tpu.memref_slice %arg8[%dma_wait3A_143, %dma_wait3A_146, %dma_wait3A_147] : memref<6x128x32xf32, #tpu.memory_space<vmem>> -> memref<1x128x32xf32, #tpu.memory_space<vmem>>
    %dma_wait3A_149 = tpu.memref_squeeze %dma_wait3A_148 : memref<1x128x32xf32, #tpu.memory_space<vmem>> -> memref<128x32xf32, #tpu.memory_space<vmem>>
    %dma_wait3A_150 = arith.constant 0 : i32
    %dma_wait3A_151 = tpu.memref_slice %arg7[%dma_wait3A_144, %dma_wait3A_150] : memref<79x128xi32, #tpu.memory_space<vmem>> -> memref<1x128xi32, #tpu.memory_space<vmem>>
    %dma_wait3A_152 = tpu.memref_squeeze %dma_wait3A_151 : memref<1x128xi32, #tpu.memory_space<vmem>> -> memref<128xi32, #tpu.memory_space<vmem>>
    %dma_wait3A_153 = arith.constant 0 : i32
    %dma_wait3A_154 = arith.constant 0 : i32
    %dma_wait3A_155 = tpu.memref_slice %arg11[%dma_wait3A_153, %dma_wait3A_154] : memref<10000x32xf32, #tpu.memory_space<vmem_shared>> -> memref<10000x32xf32, #tpu.memory_space<vmem_shared>>
    %dma_wait3A_156 = tpu.memref_slice %arg10[%dma_wait3A_145] : memref<6x!tpu.dma_semaphore, #tpu.memory_space<semaphore_mem>> -> memref<1x!tpu.dma_semaphore, #tpu.memory_space<semaphore_mem>>
    %dma_wait3A_157 = tpu.memref_squeeze %dma_wait3A_156 : memref<1x!tpu.dma_semaphore, #tpu.memory_space<semaphore_mem>> -> memref<!tpu.dma_semaphore, #tpu.memory_space<semaphore_mem>>
    tpu.wait_indirect_dma semaphore(%dma_wait3A_157 : memref<!tpu.dma_semaphore, #tpu.memory_space<semaphore_mem>>) src(%dma_wait3A_149 : memref<128x32xf32, #tpu.memory_space<vmem>>) dst(%dma_wait3A_155 : memref<10000x32xf32, #tpu.memory_space<vmem_shared>>)
    %dma_wait3A_158 = arith.constant 3 : i32
    %dma_wait3A_159 = arith.constant 75 : i32
    %dma_wait3A_160 = arith.constant 3 : i32
    %dma_wait3A_161 = arith.constant 0 : i32
    %dma_wait3A_162 = arith.constant 0 : i32
    %dma_wait3A_163 = tpu.memref_slice %arg8[%dma_wait3A_158, %dma_wait3A_161, %dma_wait3A_162] : memref<6x128x32xf32, #tpu.memory_space<vmem>> -> memref<1x128x32xf32, #tpu.memory_space<vmem>>
    %dma_wait3A_164 = tpu.memref_squeeze %dma_wait3A_163 : memref<1x128x32xf32, #tpu.memory_space<vmem>> -> memref<128x32xf32, #tpu.memory_space<vmem>>
    %dma_wait3A_165 = arith.constant 0 : i32
    %dma_wait3A_166 = tpu.memref_slice %arg7[%dma_wait3A_159, %dma_wait3A_165] : memref<79x128xi32, #tpu.memory_space<vmem>> -> memref<1x128xi32, #tpu.memory_space<vmem>>
    %dma_wait3A_167 = tpu.memref_squeeze %dma_wait3A_166 : memref<1x128xi32, #tpu.memory_space<vmem>> -> memref<128xi32, #tpu.memory_space<vmem>>
    %dma_wait3A_168 = arith.constant 0 : i32
    %dma_wait3A_169 = arith.constant 0 : i32
    %dma_wait3A_170 = tpu.memref_slice %arg11[%dma_wait3A_168, %dma_wait3A_169] : memref<10000x32xf32, #tpu.memory_space<vmem_shared>> -> memref<10000x32xf32, #tpu.memory_space<vmem_shared>>
    %dma_wait3A_171 = tpu.memref_slice %arg10[%dma_wait3A_160] : memref<6x!tpu.dma_semaphore, #tpu.memory_space<semaphore_mem>> -> memref<1x!tpu.dma_semaphore, #tpu.memory_space<semaphore_mem>>
    %dma_wait3A_172 = tpu.memref_squeeze %dma_wait3A_171 : memref<1x!tpu.dma_semaphore, #tpu.memory_space<semaphore_mem>> -> memref<!tpu.dma_semaphore, #tpu.memory_space<semaphore_mem>>
    tpu.wait_indirect_dma semaphore(%dma_wait3A_172 : memref<!tpu.dma_semaphore, #tpu.memory_space<semaphore_mem>>) src(%dma_wait3A_164 : memref<128x32xf32, #tpu.memory_space<vmem>>) dst(%dma_wait3A_170 : memref<10000x32xf32, #tpu.memory_space<vmem_shared>>)
    %dma_wait3A_173 = arith.constant 4 : i32
    %dma_wait3A_174 = arith.constant 76 : i32
    %dma_wait3A_175 = arith.constant 4 : i32
    %dma_wait3A_176 = arith.constant 0 : i32
    %dma_wait3A_177 = arith.constant 0 : i32
    %dma_wait3A_178 = tpu.memref_slice %arg8[%dma_wait3A_173, %dma_wait3A_176, %dma_wait3A_177] : memref<6x128x32xf32, #tpu.memory_space<vmem>> -> memref<1x128x32xf32, #tpu.memory_space<vmem>>
    %dma_wait3A_179 = tpu.memref_squeeze %dma_wait3A_178 : memref<1x128x32xf32, #tpu.memory_space<vmem>> -> memref<128x32xf32, #tpu.memory_space<vmem>>
    %dma_wait3A_180 = arith.constant 0 : i32
    %dma_wait3A_181 = tpu.memref_slice %arg7[%dma_wait3A_174, %dma_wait3A_180] : memref<79x128xi32, #tpu.memory_space<vmem>> -> memref<1x128xi32, #tpu.memory_space<vmem>>
    %dma_wait3A_182 = tpu.memref_squeeze %dma_wait3A_181 : memref<1x128xi32, #tpu.memory_space<vmem>> -> memref<128xi32, #tpu.memory_space<vmem>>
    %dma_wait3A_183 = arith.constant 0 : i32
    %dma_wait3A_184 = arith.constant 0 : i32
    %dma_wait3A_185 = tpu.memref_slice %arg11[%dma_wait3A_183, %dma_wait3A_184] : memref<10000x32xf32, #tpu.memory_space<vmem_shared>> -> memref<10000x32xf32, #tpu.memory_space<vmem_shared>>
    %dma_wait3A_186 = tpu.memref_slice %arg10[%dma_wait3A_175] : memref<6x!tpu.dma_semaphore, #tpu.memory_space<semaphore_mem>> -> memref<1x!tpu.dma_semaphore, #tpu.memory_space<semaphore_mem>>
    %dma_wait3A_187 = tpu.memref_squeeze %dma_wait3A_186 : memref<1x!tpu.dma_semaphore, #tpu.memory_space<semaphore_mem>> -> memref<!tpu.dma_semaphore, #tpu.memory_space<semaphore_mem>>
    tpu.wait_indirect_dma semaphore(%dma_wait3A_187 : memref<!tpu.dma_semaphore, #tpu.memory_space<semaphore_mem>>) src(%dma_wait3A_179 : memref<128x32xf32, #tpu.memory_space<vmem>>) dst(%dma_wait3A_185 : memref<10000x32xf32, #tpu.memory_space<vmem_shared>>)
    %dma_wait3A_188 = arith.constant 5 : i32
    %dma_wait3A_189 = arith.constant 77 : i32
    %dma_wait3A_190 = arith.constant 5 : i32
    %dma_wait3A_191 = arith.constant 0 : i32
    %dma_wait3A_192 = arith.constant 0 : i32
    %dma_wait3A_193 = tpu.memref_slice %arg8[%dma_wait3A_188, %dma_wait3A_191, %dma_wait3A_192] : memref<6x128x32xf32, #tpu.memory_space<vmem>> -> memref<1x128x32xf32, #tpu.memory_space<vmem>>
    %dma_wait3A_194 = tpu.memref_squeeze %dma_wait3A_193 : memref<1x128x32xf32, #tpu.memory_space<vmem>> -> memref<128x32xf32, #tpu.memory_space<vmem>>
    %dma_wait3A_195 = arith.constant 0 : i32
    %dma_wait3A_196 = tpu.memref_slice %arg7[%dma_wait3A_189, %dma_wait3A_195] : memref<79x128xi32, #tpu.memory_space<vmem>> -> memref<1x128xi32, #tpu.memory_space<vmem>>
    %dma_wait3A_197 = tpu.memref_squeeze %dma_wait3A_196 : memref<1x128xi32, #tpu.memory_space<vmem>> -> memref<128xi32, #tpu.memory_space<vmem>>
    %dma_wait3A_198 = arith.constant 0 : i32
    %dma_wait3A_199 = arith.constant 0 : i32
    %dma_wait3A_200 = tpu.memref_slice %arg11[%dma_wait3A_198, %dma_wait3A_199] : memref<10000x32xf32, #tpu.memory_space<vmem_shared>> -> memref<10000x32xf32, #tpu.memory_space<vmem_shared>>
    %dma_wait3A_201 = tpu.memref_slice %arg10[%dma_wait3A_190] : memref<6x!tpu.dma_semaphore, #tpu.memory_space<semaphore_mem>> -> memref<1x!tpu.dma_semaphore, #tpu.memory_space<semaphore_mem>>
    %dma_wait3A_202 = tpu.memref_squeeze %dma_wait3A_201 : memref<1x!tpu.dma_semaphore, #tpu.memory_space<semaphore_mem>> -> memref<!tpu.dma_semaphore, #tpu.memory_space<semaphore_mem>>
    tpu.wait_indirect_dma semaphore(%dma_wait3A_202 : memref<!tpu.dma_semaphore, #tpu.memory_space<semaphore_mem>>) src(%dma_wait3A_194 : memref<128x32xf32, #tpu.memory_space<vmem>>) dst(%dma_wait3A_200 : memref<10000x32xf32, #tpu.memory_space<vmem_shared>>)
    %scan3A_203 = arith.constant 0 : i32
    %scan3A_204 = arith.constant 0 : i32
    %scan3A_205 = arith.addi %scan3A_203, %scan3A_204 : i32
    %scan3A_206 = arith.constant 0 : i32
    %lt3A_207 = arith.constant 4 : i32
    %lt3A_208 = arith.cmpi slt, %add3A, %lt3A_207 : i32
    %convert_element_type3A_209 = arith.extui %lt3A_208 : i1 to i32
    %cond3A_210 = arith.constant 0 : i32
    %cond3A_211 = arith.cmpi ne, %convert_element_type3A_209, %cond3A_210 : i32
    scf.if %cond3A_211 {
      %run_scoped3A_223 = arith.constant 78 : i32
      %run_scoped3A_224 = arith.constant 1 : i32
      "tpu.region"() ({
        %run_scoped3A_227 = tpu.sem_alloc : memref<!tpu.dma_semaphore, #tpu.memory_space<semaphore_mem>>
        %dma_start3A_228 = arith.constant 0 : i32
        %dma_start3A_229 = arith.constant 0 : i32
        %dma_start3A_230 = tpu.memref_slice %arg8[%run_scoped3A_224, %dma_start3A_228, %dma_start3A_229] : memref<6x128x32xf32, #tpu.memory_space<vmem>> -> memref<1x128x32xf32, #tpu.memory_space<vmem>>
        %dma_start3A_231 = tpu.memref_squeeze %dma_start3A_230 : memref<1x128x32xf32, #tpu.memory_space<vmem>> -> memref<128x32xf32, #tpu.memory_space<vmem>>
        %dma_start3A_232 = arith.constant 0 : i32
        %dma_start3A_233 = tpu.memref_slice %arg6[%run_scoped3A_223, %dma_start3A_232] : memref<79x128xi32, #tpu.memory_space<vmem>> -> memref<1x128xi32, #tpu.memory_space<vmem>>
        %dma_start3A_234 = tpu.memref_squeeze %dma_start3A_233 : memref<1x128xi32, #tpu.memory_space<vmem>> -> memref<128xi32, #tpu.memory_space<vmem>>
        %dma_start3A_235 = arith.constant 0 : i32
        %dma_start3A_236 = arith.constant 0 : i32
        %dma_start3A_237 = tpu.memref_slice %arg2[%dma_start3A_235, %dma_start3A_236] : memref<10000x32xf32, #tpu.memory_space<hbm>> -> memref<10000x32xf32, #tpu.memory_space<hbm>>
        tpu.enqueue_indirect_dma source(%dma_start3A_237 : memref<10000x32xf32, #tpu.memory_space<hbm>>) target(%dma_start3A_231 : memref<128x32xf32, #tpu.memory_space<vmem>>) offsets(%dma_start3A_234 : memref<128xi32, #tpu.memory_space<vmem>>) semaphore(%run_scoped3A_227 : memref<!tpu.dma_semaphore, #tpu.memory_space<semaphore_mem>>)
        %dma_wait3A_238 = arith.constant 0 : i32
        %dma_wait3A_239 = arith.constant 0 : i32
        %dma_wait3A_240 = tpu.memref_slice %arg8[%run_scoped3A_224, %dma_wait3A_238, %dma_wait3A_239] : memref<6x128x32xf32, #tpu.memory_space<vmem>> -> memref<1x128x32xf32, #tpu.memory_space<vmem>>
        %dma_wait3A_241 = tpu.memref_squeeze %dma_wait3A_240 : memref<1x128x32xf32, #tpu.memory_space<vmem>> -> memref<128x32xf32, #tpu.memory_space<vmem>>
        %dma_wait3A_242 = arith.constant 0 : i32
        %dma_wait3A_243 = tpu.memref_slice %arg6[%run_scoped3A_223, %dma_wait3A_242] : memref<79x128xi32, #tpu.memory_space<vmem>> -> memref<1x128xi32, #tpu.memory_space<vmem>>
        %dma_wait3A_244 = tpu.memref_squeeze %dma_wait3A_243 : memref<1x128xi32, #tpu.memory_space<vmem>> -> memref<128xi32, #tpu.memory_space<vmem>>
        %dma_wait3A_245 = arith.constant 0 : i32
        %dma_wait3A_246 = arith.constant 0 : i32
        %dma_wait3A_247 = tpu.memref_slice %arg2[%dma_wait3A_245, %dma_wait3A_246] : memref<10000x32xf32, #tpu.memory_space<hbm>> -> memref<10000x32xf32, #tpu.memory_space<hbm>>
        tpu.wait_indirect_dma semaphore(%run_scoped3A_227 : memref<!tpu.dma_semaphore, #tpu.memory_space<semaphore_mem>>) src(%dma_wait3A_247 : memref<10000x32xf32, #tpu.memory_space<hbm>>) dst(%dma_wait3A_241 : memref<128x32xf32, #tpu.memory_space<vmem>>)
        tpu.yield
      }) : () -> ()
      %run_scoped3A_225 = arith.constant 1 : i32
      %run_scoped3A_226 = arith.constant 78 : i32
      "tpu.region"() ({
        %run_scoped3A_227 = tpu.sem_alloc : memref<!tpu.dma_semaphore, #tpu.memory_space<semaphore_mem>>
        %dma_start3A_228 = arith.constant 0 : i32
        %dma_start3A_229 = arith.constant 0 : i32
        %dma_start3A_230 = tpu.memref_slice %arg8[%run_scoped3A_225, %dma_start3A_228, %dma_start3A_229] : memref<6x128x32xf32, #tpu.memory_space<vmem>> -> memref<1x128x32xf32, #tpu.memory_space<vmem>>
        %dma_start3A_231 = tpu.memref_squeeze %dma_start3A_230 : memref<1x128x32xf32, #tpu.memory_space<vmem>> -> memref<128x32xf32, #tpu.memory_space<vmem>>
        %dma_start3A_232 = arith.constant 0 : i32
        %dma_start3A_233 = tpu.memref_slice %arg7[%run_scoped3A_226, %dma_start3A_232] : memref<79x128xi32, #tpu.memory_space<vmem>> -> memref<1x128xi32, #tpu.memory_space<vmem>>
        %dma_start3A_234 = tpu.memref_squeeze %dma_start3A_233 : memref<1x128xi32, #tpu.memory_space<vmem>> -> memref<128xi32, #tpu.memory_space<vmem>>
        %dma_start3A_235 = arith.constant 0 : i32
        %dma_start3A_236 = arith.constant 0 : i32
        %dma_start3A_237 = tpu.memref_slice %arg11[%dma_start3A_235, %dma_start3A_236] : memref<10000x32xf32, #tpu.memory_space<vmem_shared>> -> memref<10000x32xf32, #tpu.memory_space<vmem_shared>>
        tpu.enqueue_indirect_dma source(%dma_start3A_231 : memref<128x32xf32, #tpu.memory_space<vmem>>) target(%dma_start3A_237 : memref<10000x32xf32, #tpu.memory_space<vmem_shared>>) offsets(%dma_start3A_234 : memref<128xi32, #tpu.memory_space<vmem>>) semaphore(%run_scoped3A_227 : memref<!tpu.dma_semaphore, #tpu.memory_space<semaphore_mem>>) {add = true}
        %dma_wait3A_238 = arith.constant 0 : i32
        %dma_wait3A_239 = arith.constant 0 : i32
        %dma_wait3A_240 = tpu.memref_slice %arg8[%run_scoped3A_225, %dma_wait3A_238, %dma_wait3A_239] : memref<6x128x32xf32, #tpu.memory_space<vmem>> -> memref<1x128x32xf32, #tpu.memory_space<vmem>>
        %dma_wait3A_241 = tpu.memref_squeeze %dma_wait3A_240 : memref<1x128x32xf32, #tpu.memory_space<vmem>> -> memref<128x32xf32, #tpu.memory_space<vmem>>
        %dma_wait3A_242 = arith.constant 0 : i32
        %dma_wait3A_243 = tpu.memref_slice %arg7[%run_scoped3A_226, %dma_wait3A_242] : memref<79x128xi32, #tpu.memory_space<vmem>> -> memref<1x128xi32, #tpu.memory_space<vmem>>
        %dma_wait3A_244 = tpu.memref_squeeze %dma_wait3A_243 : memref<1x128xi32, #tpu.memory_space<vmem>> -> memref<128xi32, #tpu.memory_space<vmem>>
        %dma_wait3A_245 = arith.constant 0 : i32
        %dma_wait3A_246 = arith.constant 0 : i32
        %dma_wait3A_247 = tpu.memref_slice %arg11[%dma_wait3A_245, %dma_wait3A_246] : memref<10000x32xf32, #tpu.memory_space<vmem_shared>> -> memref<10000x32xf32, #tpu.memory_space<vmem_shared>>
        tpu.wait_indirect_dma semaphore(%run_scoped3A_227 : memref<!tpu.dma_semaphore, #tpu.memory_space<semaphore_mem>>) src(%dma_wait3A_241 : memref<128x32xf32, #tpu.memory_space<vmem>>) dst(%dma_wait3A_247 : memref<10000x32xf32, #tpu.memory_space<vmem_shared>>)
        tpu.yield
      }) : () -> ()
    } else {
    }
    %barrier3A_212 = arith.constant 0 : index
    tpu.barrier barrier_id(%barrier3A_212)
    %lt3A_213 = arith.constant 15 : i32
    %lt3A_214 = arith.cmpi slt, %arg1, %lt3A_213 : i32
    %convert_element_type3A_215 = arith.extui %lt3A_214 : i1 to i32
    %cond3A_216 = arith.constant 0 : i32
    %cond3A_217 = arith.cmpi ne, %convert_element_type3A_215, %cond3A_216 : i32
    scf.if %cond3A_217 {
      "tpu.region"() ({
        %run_scoped3A_223 = tpu.sem_alloc : memref<!tpu.dma_semaphore, #tpu.memory_space<semaphore_mem>>
        %dma_start3A_224 = arith.constant 0 : i32
        %dma_start3A_225 = tpu.memref_slice %arg5[%arg0, %mul3A_2, %dma_start3A_224] : memref<2x10000x32xf32, #tpu.memory_space<hbm>> -> memref<1x624x32xf32, #tpu.memory_space<hbm>>
        %dma_start3A_226 = tpu.memref_squeeze %dma_start3A_225 : memref<1x624x32xf32, #tpu.memory_space<hbm>> -> memref<624x32xf32, #tpu.memory_space<hbm>>
        %dma_start3A_227 = arith.constant 0 : i32
        %dma_start3A_228 = tpu.memref_slice %arg11[%mul3A_2, %dma_start3A_227] : memref<10000x32xf32, #tpu.memory_space<vmem_shared>> -> memref<624x32xf32, #tpu.memory_space<vmem_shared>>
        tpu.enqueue_dma source(%dma_start3A_228 : memref<624x32xf32, #tpu.memory_space<vmem_shared>>) target(%dma_start3A_226 : memref<624x32xf32, #tpu.memory_space<hbm>>) target_semaphore(%run_scoped3A_223 : memref<!tpu.dma_semaphore, #tpu.memory_space<semaphore_mem>>)
        %dma_wait3A_229 = arith.constant 0 : i32
        %dma_wait3A_230 = tpu.memref_slice %arg5[%arg0, %mul3A_2, %dma_wait3A_229] : memref<2x10000x32xf32, #tpu.memory_space<hbm>> -> memref<1x624x32xf32, #tpu.memory_space<hbm>>
        %dma_wait3A_231 = tpu.memref_squeeze %dma_wait3A_230 : memref<1x624x32xf32, #tpu.memory_space<hbm>> -> memref<624x32xf32, #tpu.memory_space<hbm>>
        %dma_wait3A_232 = arith.constant 0 : i32
        %dma_wait3A_233 = tpu.memref_slice %arg11[%mul3A_2, %dma_wait3A_232] : memref<10000x32xf32, #tpu.memory_space<vmem_shared>> -> memref<624x32xf32, #tpu.memory_space<vmem_shared>>
        tpu.wait_dma2 semaphore(%run_scoped3A_223 : memref<!tpu.dma_semaphore, #tpu.memory_space<semaphore_mem>>) src(%dma_wait3A_233 : memref<624x32xf32, #tpu.memory_space<vmem_shared>>) dst(%dma_wait3A_231 : memref<624x32xf32, #tpu.memory_space<hbm>>)
        tpu.yield
      }) : () -> ()
    } else {
    }
    %eq3A_218 = arith.constant 15 : i32
    %eq3A_219 = arith.cmpi eq, %arg1, %eq3A_218 : i32
    %convert_element_type3A_220 = arith.extui %eq3A_219 : i1 to i32
    %cond3A_221 = arith.constant 0 : i32
    %cond3A_222 = arith.cmpi ne, %convert_element_type3A_220, %cond3A_221 : i32
    scf.if %cond3A_222 {
      "tpu.region"() ({
        %run_scoped3A_223 = tpu.sem_alloc : memref<!tpu.dma_semaphore, #tpu.memory_space<semaphore_mem>>
        %dma_start3A_224 = arith.constant 0 : i32
        %dma_start3A_225 = tpu.memref_slice %arg5[%arg0, %mul3A_2, %dma_start3A_224] : memref<2x10000x32xf32, #tpu.memory_space<hbm>> -> memref<1x640x32xf32, #tpu.memory_space<hbm>>
        %dma_start3A_226 = tpu.memref_squeeze %dma_start3A_225 : memref<1x640x32xf32, #tpu.memory_space<hbm>> -> memref<640x32xf32, #tpu.memory_space<hbm>>
        %dma_start3A_227 = arith.constant 0 : i32
        %dma_start3A_228 = tpu.memref_slice %arg11[%mul3A_2, %dma_start3A_227] : memref<10000x32xf32, #tpu.memory_space<vmem_shared>> -> memref<640x32xf32, #tpu.memory_space<vmem_shared>>
        tpu.enqueue_dma source(%dma_start3A_228 : memref<640x32xf32, #tpu.memory_space<vmem_shared>>) target(%dma_start3A_226 : memref<640x32xf32, #tpu.memory_space<hbm>>) target_semaphore(%run_scoped3A_223 : memref<!tpu.dma_semaphore, #tpu.memory_space<semaphore_mem>>)
        %dma_wait3A_229 = arith.constant 0 : i32
        %dma_wait3A_230 = tpu.memref_slice %arg5[%arg0, %mul3A_2, %dma_wait3A_229] : memref<2x10000x32xf32, #tpu.memory_space<hbm>> -> memref<1x640x32xf32, #tpu.memory_space<hbm>>
        %dma_wait3A_231 = tpu.memref_squeeze %dma_wait3A_230 : memref<1x640x32xf32, #tpu.memory_space<hbm>> -> memref<640x32xf32, #tpu.memory_space<hbm>>
        %dma_wait3A_232 = arith.constant 0 : i32
        %dma_wait3A_233 = tpu.memref_slice %arg11[%mul3A_2, %dma_wait3A_232] : memref<10000x32xf32, #tpu.memory_space<vmem_shared>> -> memref<640x32xf32, #tpu.memory_space<vmem_shared>>
        tpu.wait_dma2 semaphore(%run_scoped3A_223 : memref<!tpu.dma_semaphore, #tpu.memory_space<semaphore_mem>>) src(%dma_wait3A_233 : memref<640x32xf32, #tpu.memory_space<vmem_shared>>) dst(%dma_wait3A_231 : memref<640x32xf32, #tpu.memory_space<hbm>>)
        tpu.yield
      }) : () -> ()
    } else {
    }
    return
  }
}

#map = affine_map<(d0, d1) -> (0, 0)>
#map1 = affine_map<(d0, d1) -> (0, 0, 0)>
module attributes {stable_mosaic.version = 14 : i64} {
  func.func @agg(%arg0: i32, %arg1: i32, %arg2: memref<10000x16xf32, #tpu.memory_space<hbm>>, %arg3: memref<2x2500x128xi32, #tpu.memory_space<hbm>>, %arg4: memref<640x16xf32, #tpu.memory_space<hbm>>, %arg5: memref<2x10000x16xf32, #tpu.memory_space<hbm>>, %arg6: memref<79x128xi32, #tpu.memory_space<vmem>>, %arg7: memref<79x128xi32, #tpu.memory_space<vmem>>, %arg8: memref<6x128x16xf32, #tpu.memory_space<vmem>>, %arg9: memref<6x!tpu.dma_semaphore, #tpu.memory_space<semaphore_mem>>, %arg10: memref<6x!tpu.dma_semaphore, #tpu.memory_space<semaphore_mem>>, %arg11: memref<10000x16xf32, #tpu.memory_space<vmem_shared>>) attributes {dimension_semantics = [#tpu.dimension_semantics<core_parallel>, #tpu.dimension_semantics<subcore_parallel>], iteration_bounds = array<i64: 2, 16>, scalar_prefetch = 0 : i64, scratch_operands = 6 : i64, tpu.core_type = #tpu.core_type<sc_vector_subcore>, window_params = [{transform_indices = #map}, {transform_indices = #map1}, {transform_indices = #map}, {transform_indices = #map1}]} {
    %mul3A = arith.constant 16 : i32
    %mul3A_0 = arith.muli %arg0, %mul3A : i32
    %add3A = arith.addi %mul3A_0, %arg1 : i32
    %mul3A_1 = arith.constant 624 : i32
    %mul3A_2 = arith.muli %arg1, %mul3A_1 : i32
    %lt3A = arith.constant 15 : i32
    %lt3A_3 = arith.cmpi slt, %arg1, %lt3A : i32
    %convert_element_type3A = arith.extui %lt3A_3 : i1 to i32
    %cond3A = arith.constant 0 : i32
    %cond3A_4 = arith.cmpi ne, %convert_element_type3A, %cond3A : i32
    scf.if %cond3A_4 {
      "tpu.region"() ({
        %run_scoped3A_223 = tpu.sem_alloc : memref<!tpu.dma_semaphore, #tpu.memory_space<semaphore_mem>>
        %dma_start3A_224 = arith.constant 0 : i32
        %dma_start3A_225 = tpu.memref_slice %arg11[%mul3A_2, %dma_start3A_224] : memref<10000x16xf32, #tpu.memory_space<vmem_shared>> -> memref<624x16xf32, #tpu.memory_space<vmem_shared>>
        %dma_start3A_226 = arith.constant 0 : i32
        %dma_start3A_227 = arith.constant 0 : i32
        %dma_start3A_228 = tpu.memref_slice %arg4[%dma_start3A_226, %dma_start3A_227] : memref<640x16xf32, #tpu.memory_space<hbm>> -> memref<624x16xf32, #tpu.memory_space<hbm>>
        tpu.enqueue_dma source(%dma_start3A_228 : memref<624x16xf32, #tpu.memory_space<hbm>>) target(%dma_start3A_225 : memref<624x16xf32, #tpu.memory_space<vmem_shared>>) target_semaphore(%run_scoped3A_223 : memref<!tpu.dma_semaphore, #tpu.memory_space<semaphore_mem>>)
        %dma_wait3A_229 = arith.constant 0 : i32
        %dma_wait3A_230 = tpu.memref_slice %arg11[%mul3A_2, %dma_wait3A_229] : memref<10000x16xf32, #tpu.memory_space<vmem_shared>> -> memref<624x16xf32, #tpu.memory_space<vmem_shared>>
        %dma_wait3A_231 = arith.constant 0 : i32
        %dma_wait3A_232 = arith.constant 0 : i32
        %dma_wait3A_233 = tpu.memref_slice %arg4[%dma_wait3A_231, %dma_wait3A_232] : memref<640x16xf32, #tpu.memory_space<hbm>> -> memref<624x16xf32, #tpu.memory_space<hbm>>
        tpu.wait_dma2 semaphore(%run_scoped3A_223 : memref<!tpu.dma_semaphore, #tpu.memory_space<semaphore_mem>>) src(%dma_wait3A_233 : memref<624x16xf32, #tpu.memory_space<hbm>>) dst(%dma_wait3A_230 : memref<624x16xf32, #tpu.memory_space<vmem_shared>>)
        tpu.yield
      }) : () -> ()
    } else {
    }
    %eq3A = arith.constant 15 : i32
    %eq3A_5 = arith.cmpi eq, %arg1, %eq3A : i32
    %convert_element_type3A_6 = arith.extui %eq3A_5 : i1 to i32
    %cond3A_7 = arith.constant 0 : i32
    %cond3A_8 = arith.cmpi ne, %convert_element_type3A_6, %cond3A_7 : i32
    scf.if %cond3A_8 {
      "tpu.region"() ({
        %run_scoped3A_223 = tpu.sem_alloc : memref<!tpu.dma_semaphore, #tpu.memory_space<semaphore_mem>>
        %dma_start3A_224 = arith.constant 0 : i32
        %dma_start3A_225 = tpu.memref_slice %arg11[%mul3A_2, %dma_start3A_224] : memref<10000x16xf32, #tpu.memory_space<vmem_shared>> -> memref<640x16xf32, #tpu.memory_space<vmem_shared>>
        tpu.enqueue_dma source(%arg4 : memref<640x16xf32, #tpu.memory_space<hbm>>) target(%dma_start3A_225 : memref<640x16xf32, #tpu.memory_space<vmem_shared>>) target_semaphore(%run_scoped3A_223 : memref<!tpu.dma_semaphore, #tpu.memory_space<semaphore_mem>>)
        %dma_wait3A_226 = arith.constant 0 : i32
        %dma_wait3A_227 = tpu.memref_slice %arg11[%mul3A_2, %dma_wait3A_226] : memref<10000x16xf32, #tpu.memory_space<vmem_shared>> -> memref<640x16xf32, #tpu.memory_space<vmem_shared>>
        tpu.wait_dma2 semaphore(%run_scoped3A_223 : memref<!tpu.dma_semaphore, #tpu.memory_space<semaphore_mem>>) src(%arg4 : memref<640x16xf32, #tpu.memory_space<hbm>>) dst(%dma_wait3A_227 : memref<640x16xf32, #tpu.memory_space<vmem_shared>>)
        tpu.yield
      }) : () -> ()
    } else {
    }
    %mul3A_9 = arith.constant 78 : i32
    %mul3A_10 = arith.muli %add3A, %mul3A_9 : i32
    %run_scoped3A = arith.constant 0 : i32
    "tpu.region"() ({
      %run_scoped3A_223 = tpu.sem_alloc : memref<!tpu.dma_semaphore, #tpu.memory_space<semaphore_mem>>
      %dma_start3A_224 = arith.constant 0 : i32
      %dma_start3A_225 = arith.constant 0 : i32
      %dma_start3A_226 = tpu.memref_slice %arg6[%dma_start3A_224, %dma_start3A_225] : memref<79x128xi32, #tpu.memory_space<vmem>> -> memref<78x128xi32, #tpu.memory_space<vmem>>
      %dma_start3A_227 = arith.constant 0 : i32
      %dma_start3A_228 = arith.constant 0 : i32
      %dma_start3A_229 = tpu.memref_slice %arg3[%run_scoped3A, %dma_start3A_227, %dma_start3A_228] : memref<2x2500x128xi32, #tpu.memory_space<hbm>> -> memref<1x2500x128xi32, #tpu.memory_space<hbm>>
      %dma_start3A_230 = tpu.memref_squeeze %dma_start3A_229 : memref<1x2500x128xi32, #tpu.memory_space<hbm>> -> memref<2500x128xi32, #tpu.memory_space<hbm>>
      %dma_start3A_231 = arith.constant 0 : i32
      %dma_start3A_232 = tpu.memref_slice %dma_start3A_230[%mul3A_10, %dma_start3A_231] : memref<2500x128xi32, #tpu.memory_space<hbm>> -> memref<78x128xi32, #tpu.memory_space<hbm>>
      %dma_start3A_233 = arith.constant 0 : i32
      %dma_start3A_234 = arith.constant 0 : i32
      %dma_start3A_235 = tpu.memref_slice %arg6[%dma_start3A_233, %dma_start3A_234] : memref<79x128xi32, #tpu.memory_space<vmem>> -> memref<78x128xi32, #tpu.memory_space<vmem>>
      %dma_start3A_236 = arith.constant 0 : i32
      %dma_start3A_237 = arith.constant 0 : i32
      %dma_start3A_238 = tpu.memref_slice %arg3[%run_scoped3A, %dma_start3A_236, %dma_start3A_237] : memref<2x2500x128xi32, #tpu.memory_space<hbm>> -> memref<1x2500x128xi32, #tpu.memory_space<hbm>>
      %dma_start3A_239 = tpu.memref_squeeze %dma_start3A_238 : memref<1x2500x128xi32, #tpu.memory_space<hbm>> -> memref<2500x128xi32, #tpu.memory_space<hbm>>
      %dma_start3A_240 = arith.constant 0 : i32
      %dma_start3A_241 = tpu.memref_slice %dma_start3A_239[%mul3A_10, %dma_start3A_240] : memref<2500x128xi32, #tpu.memory_space<hbm>> -> memref<78x128xi32, #tpu.memory_space<hbm>>
      tpu.enqueue_dma source(%dma_start3A_241 : memref<78x128xi32, #tpu.memory_space<hbm>>) target(%dma_start3A_235 : memref<78x128xi32, #tpu.memory_space<vmem>>) target_semaphore(%run_scoped3A_223 : memref<!tpu.dma_semaphore, #tpu.memory_space<semaphore_mem>>)
      %dma_wait3A_242 = arith.constant 0 : i32
      %dma_wait3A_243 = arith.constant 0 : i32
      %dma_wait3A_244 = tpu.memref_slice %arg6[%dma_wait3A_242, %dma_wait3A_243] : memref<79x128xi32, #tpu.memory_space<vmem>> -> memref<78x128xi32, #tpu.memory_space<vmem>>
      %dma_wait3A_245 = arith.constant 0 : i32
      %dma_wait3A_246 = arith.constant 0 : i32
      %dma_wait3A_247 = tpu.memref_slice %arg3[%run_scoped3A, %dma_wait3A_245, %dma_wait3A_246] : memref<2x2500x128xi32, #tpu.memory_space<hbm>> -> memref<1x2500x128xi32, #tpu.memory_space<hbm>>
      %dma_wait3A_248 = tpu.memref_squeeze %dma_wait3A_247 : memref<1x2500x128xi32, #tpu.memory_space<hbm>> -> memref<2500x128xi32, #tpu.memory_space<hbm>>
      %dma_wait3A_249 = arith.constant 0 : i32
      %dma_wait3A_250 = tpu.memref_slice %dma_wait3A_248[%mul3A_10, %dma_wait3A_249] : memref<2500x128xi32, #tpu.memory_space<hbm>> -> memref<78x128xi32, #tpu.memory_space<hbm>>
      %dma_wait3A_251 = arith.constant 0 : i32
      %dma_wait3A_252 = arith.constant 0 : i32
      %dma_wait3A_253 = tpu.memref_slice %arg6[%dma_wait3A_251, %dma_wait3A_252] : memref<79x128xi32, #tpu.memory_space<vmem>> -> memref<78x128xi32, #tpu.memory_space<vmem>>
      %dma_wait3A_254 = arith.constant 0 : i32
      %dma_wait3A_255 = arith.constant 0 : i32
      %dma_wait3A_256 = tpu.memref_slice %arg3[%run_scoped3A, %dma_wait3A_254, %dma_wait3A_255] : memref<2x2500x128xi32, #tpu.memory_space<hbm>> -> memref<1x2500x128xi32, #tpu.memory_space<hbm>>
      %dma_wait3A_257 = tpu.memref_squeeze %dma_wait3A_256 : memref<1x2500x128xi32, #tpu.memory_space<hbm>> -> memref<2500x128xi32, #tpu.memory_space<hbm>>
      %dma_wait3A_258 = arith.constant 0 : i32
      %dma_wait3A_259 = tpu.memref_slice %dma_wait3A_257[%mul3A_10, %dma_wait3A_258] : memref<2500x128xi32, #tpu.memory_space<hbm>> -> memref<78x128xi32, #tpu.memory_space<hbm>>
      tpu.wait_dma2 semaphore(%run_scoped3A_223 : memref<!tpu.dma_semaphore, #tpu.memory_space<semaphore_mem>>) src(%dma_wait3A_259 : memref<78x128xi32, #tpu.memory_space<hbm>>) dst(%dma_wait3A_253 : memref<78x128xi32, #tpu.memory_space<vmem>>)
      tpu.yield
    }) : () -> ()
    %mul3A_11 = arith.constant 78 : i32
    %mul3A_12 = arith.muli %add3A, %mul3A_11 : i32
    %run_scoped3A_13 = arith.constant 1 : i32
    "tpu.region"() ({
      %run_scoped3A_223 = tpu.sem_alloc : memref<!tpu.dma_semaphore, #tpu.memory_space<semaphore_mem>>
      %dma_start3A_224 = arith.constant 0 : i32
      %dma_start3A_225 = arith.constant 0 : i32
      %dma_start3A_226 = tpu.memref_slice %arg7[%dma_start3A_224, %dma_start3A_225] : memref<79x128xi32, #tpu.memory_space<vmem>> -> memref<78x128xi32, #tpu.memory_space<vmem>>
      %dma_start3A_227 = arith.constant 0 : i32
      %dma_start3A_228 = arith.constant 0 : i32
      %dma_start3A_229 = tpu.memref_slice %arg3[%run_scoped3A_13, %dma_start3A_227, %dma_start3A_228] : memref<2x2500x128xi32, #tpu.memory_space<hbm>> -> memref<1x2500x128xi32, #tpu.memory_space<hbm>>
      %dma_start3A_230 = tpu.memref_squeeze %dma_start3A_229 : memref<1x2500x128xi32, #tpu.memory_space<hbm>> -> memref<2500x128xi32, #tpu.memory_space<hbm>>
      %dma_start3A_231 = arith.constant 0 : i32
      %dma_start3A_232 = tpu.memref_slice %dma_start3A_230[%mul3A_12, %dma_start3A_231] : memref<2500x128xi32, #tpu.memory_space<hbm>> -> memref<78x128xi32, #tpu.memory_space<hbm>>
      %dma_start3A_233 = arith.constant 0 : i32
      %dma_start3A_234 = arith.constant 0 : i32
      %dma_start3A_235 = tpu.memref_slice %arg7[%dma_start3A_233, %dma_start3A_234] : memref<79x128xi32, #tpu.memory_space<vmem>> -> memref<78x128xi32, #tpu.memory_space<vmem>>
      %dma_start3A_236 = arith.constant 0 : i32
      %dma_start3A_237 = arith.constant 0 : i32
      %dma_start3A_238 = tpu.memref_slice %arg3[%run_scoped3A_13, %dma_start3A_236, %dma_start3A_237] : memref<2x2500x128xi32, #tpu.memory_space<hbm>> -> memref<1x2500x128xi32, #tpu.memory_space<hbm>>
      %dma_start3A_239 = tpu.memref_squeeze %dma_start3A_238 : memref<1x2500x128xi32, #tpu.memory_space<hbm>> -> memref<2500x128xi32, #tpu.memory_space<hbm>>
      %dma_start3A_240 = arith.constant 0 : i32
      %dma_start3A_241 = tpu.memref_slice %dma_start3A_239[%mul3A_12, %dma_start3A_240] : memref<2500x128xi32, #tpu.memory_space<hbm>> -> memref<78x128xi32, #tpu.memory_space<hbm>>
      tpu.enqueue_dma source(%dma_start3A_241 : memref<78x128xi32, #tpu.memory_space<hbm>>) target(%dma_start3A_235 : memref<78x128xi32, #tpu.memory_space<vmem>>) target_semaphore(%run_scoped3A_223 : memref<!tpu.dma_semaphore, #tpu.memory_space<semaphore_mem>>)
      %dma_wait3A_242 = arith.constant 0 : i32
      %dma_wait3A_243 = arith.constant 0 : i32
      %dma_wait3A_244 = tpu.memref_slice %arg7[%dma_wait3A_242, %dma_wait3A_243] : memref<79x128xi32, #tpu.memory_space<vmem>> -> memref<78x128xi32, #tpu.memory_space<vmem>>
      %dma_wait3A_245 = arith.constant 0 : i32
      %dma_wait3A_246 = arith.constant 0 : i32
      %dma_wait3A_247 = tpu.memref_slice %arg3[%run_scoped3A_13, %dma_wait3A_245, %dma_wait3A_246] : memref<2x2500x128xi32, #tpu.memory_space<hbm>> -> memref<1x2500x128xi32, #tpu.memory_space<hbm>>
      %dma_wait3A_248 = tpu.memref_squeeze %dma_wait3A_247 : memref<1x2500x128xi32, #tpu.memory_space<hbm>> -> memref<2500x128xi32, #tpu.memory_space<hbm>>
      %dma_wait3A_249 = arith.constant 0 : i32
      %dma_wait3A_250 = tpu.memref_slice %dma_wait3A_248[%mul3A_12, %dma_wait3A_249] : memref<2500x128xi32, #tpu.memory_space<hbm>> -> memref<78x128xi32, #tpu.memory_space<hbm>>
      %dma_wait3A_251 = arith.constant 0 : i32
      %dma_wait3A_252 = arith.constant 0 : i32
      %dma_wait3A_253 = tpu.memref_slice %arg7[%dma_wait3A_251, %dma_wait3A_252] : memref<79x128xi32, #tpu.memory_space<vmem>> -> memref<78x128xi32, #tpu.memory_space<vmem>>
      %dma_wait3A_254 = arith.constant 0 : i32
      %dma_wait3A_255 = arith.constant 0 : i32
      %dma_wait3A_256 = tpu.memref_slice %arg3[%run_scoped3A_13, %dma_wait3A_254, %dma_wait3A_255] : memref<2x2500x128xi32, #tpu.memory_space<hbm>> -> memref<1x2500x128xi32, #tpu.memory_space<hbm>>
      %dma_wait3A_257 = tpu.memref_squeeze %dma_wait3A_256 : memref<1x2500x128xi32, #tpu.memory_space<hbm>> -> memref<2500x128xi32, #tpu.memory_space<hbm>>
      %dma_wait3A_258 = arith.constant 0 : i32
      %dma_wait3A_259 = tpu.memref_slice %dma_wait3A_257[%mul3A_12, %dma_wait3A_258] : memref<2500x128xi32, #tpu.memory_space<hbm>> -> memref<78x128xi32, #tpu.memory_space<hbm>>
      tpu.wait_dma2 semaphore(%run_scoped3A_223 : memref<!tpu.dma_semaphore, #tpu.memory_space<semaphore_mem>>) src(%dma_wait3A_259 : memref<78x128xi32, #tpu.memory_space<hbm>>) dst(%dma_wait3A_253 : memref<78x128xi32, #tpu.memory_space<vmem>>)
      tpu.yield
    }) : () -> ()
    %lt3A_14 = arith.constant 4 : i32
    %lt3A_15 = arith.cmpi slt, %add3A, %lt3A_14 : i32
    %convert_element_type3A_16 = arith.extui %lt3A_15 : i1 to i32
    %cond3A_17 = arith.constant 0 : i32
    %cond3A_18 = arith.constant 1 : i32
    %cond3A_19 = arith.constant 0 : i32
    %cond3A_20 = arith.cmpi ne, %convert_element_type3A_16, %cond3A_19 : i32
    scf.if %cond3A_20 {
      %add3A_223 = arith.constant 2496 : i32
      %add3A_224 = arith.addi %add3A_223, %add3A : i32
      "tpu.region"() ({
        %run_scoped3A_225 = tpu.sem_alloc : memref<!tpu.dma_semaphore, #tpu.memory_space<semaphore_mem>>
        %dma_start3A_226 = arith.constant 78 : i32
        %dma_start3A_227 = arith.constant 0 : i32
        %dma_start3A_228 = tpu.memref_slice %arg6[%dma_start3A_226, %dma_start3A_227] : memref<79x128xi32, #tpu.memory_space<vmem>> -> memref<1x128xi32, #tpu.memory_space<vmem>>
        %dma_start3A_229 = arith.constant 0 : i32
        %dma_start3A_230 = arith.constant 0 : i32
        %dma_start3A_231 = tpu.memref_slice %arg3[%cond3A_17, %dma_start3A_229, %dma_start3A_230] : memref<2x2500x128xi32, #tpu.memory_space<hbm>> -> memref<1x2500x128xi32, #tpu.memory_space<hbm>>
        %dma_start3A_232 = tpu.memref_squeeze %dma_start3A_231 : memref<1x2500x128xi32, #tpu.memory_space<hbm>> -> memref<2500x128xi32, #tpu.memory_space<hbm>>
        %dma_start3A_233 = arith.constant 0 : i32
        %dma_start3A_234 = tpu.memref_slice %dma_start3A_232[%add3A_224, %dma_start3A_233] : memref<2500x128xi32, #tpu.memory_space<hbm>> -> memref<1x128xi32, #tpu.memory_space<hbm>>
        %dma_start3A_235 = arith.constant 78 : i32
        %dma_start3A_236 = arith.constant 0 : i32
        %dma_start3A_237 = tpu.memref_slice %arg6[%dma_start3A_235, %dma_start3A_236] : memref<79x128xi32, #tpu.memory_space<vmem>> -> memref<1x128xi32, #tpu.memory_space<vmem>>
        %dma_start3A_238 = arith.constant 0 : i32
        %dma_start3A_239 = arith.constant 0 : i32
        %dma_start3A_240 = tpu.memref_slice %arg3[%cond3A_17, %dma_start3A_238, %dma_start3A_239] : memref<2x2500x128xi32, #tpu.memory_space<hbm>> -> memref<1x2500x128xi32, #tpu.memory_space<hbm>>
        %dma_start3A_241 = tpu.memref_squeeze %dma_start3A_240 : memref<1x2500x128xi32, #tpu.memory_space<hbm>> -> memref<2500x128xi32, #tpu.memory_space<hbm>>
        %dma_start3A_242 = arith.constant 0 : i32
        %dma_start3A_243 = tpu.memref_slice %dma_start3A_241[%add3A_224, %dma_start3A_242] : memref<2500x128xi32, #tpu.memory_space<hbm>> -> memref<1x128xi32, #tpu.memory_space<hbm>>
        tpu.enqueue_dma source(%dma_start3A_243 : memref<1x128xi32, #tpu.memory_space<hbm>>) target(%dma_start3A_237 : memref<1x128xi32, #tpu.memory_space<vmem>>) target_semaphore(%run_scoped3A_225 : memref<!tpu.dma_semaphore, #tpu.memory_space<semaphore_mem>>)
        %dma_wait3A_244 = arith.constant 78 : i32
        %dma_wait3A_245 = arith.constant 0 : i32
        %dma_wait3A_246 = tpu.memref_slice %arg6[%dma_wait3A_244, %dma_wait3A_245] : memref<79x128xi32, #tpu.memory_space<vmem>> -> memref<1x128xi32, #tpu.memory_space<vmem>>
        %dma_wait3A_247 = arith.constant 0 : i32
        %dma_wait3A_248 = arith.constant 0 : i32
        %dma_wait3A_249 = tpu.memref_slice %arg3[%cond3A_17, %dma_wait3A_247, %dma_wait3A_248] : memref<2x2500x128xi32, #tpu.memory_space<hbm>> -> memref<1x2500x128xi32, #tpu.memory_space<hbm>>
        %dma_wait3A_250 = tpu.memref_squeeze %dma_wait3A_249 : memref<1x2500x128xi32, #tpu.memory_space<hbm>> -> memref<2500x128xi32, #tpu.memory_space<hbm>>
        %dma_wait3A_251 = arith.constant 0 : i32
        %dma_wait3A_252 = tpu.memref_slice %dma_wait3A_250[%add3A_224, %dma_wait3A_251] : memref<2500x128xi32, #tpu.memory_space<hbm>> -> memref<1x128xi32, #tpu.memory_space<hbm>>
        %dma_wait3A_253 = arith.constant 78 : i32
        %dma_wait3A_254 = arith.constant 0 : i32
        %dma_wait3A_255 = tpu.memref_slice %arg6[%dma_wait3A_253, %dma_wait3A_254] : memref<79x128xi32, #tpu.memory_space<vmem>> -> memref<1x128xi32, #tpu.memory_space<vmem>>
        %dma_wait3A_256 = arith.constant 0 : i32
        %dma_wait3A_257 = arith.constant 0 : i32
        %dma_wait3A_258 = tpu.memref_slice %arg3[%cond3A_17, %dma_wait3A_256, %dma_wait3A_257] : memref<2x2500x128xi32, #tpu.memory_space<hbm>> -> memref<1x2500x128xi32, #tpu.memory_space<hbm>>
        %dma_wait3A_259 = tpu.memref_squeeze %dma_wait3A_258 : memref<1x2500x128xi32, #tpu.memory_space<hbm>> -> memref<2500x128xi32, #tpu.memory_space<hbm>>
        %dma_wait3A_260 = arith.constant 0 : i32
        %dma_wait3A_261 = tpu.memref_slice %dma_wait3A_259[%add3A_224, %dma_wait3A_260] : memref<2500x128xi32, #tpu.memory_space<hbm>> -> memref<1x128xi32, #tpu.memory_space<hbm>>
        tpu.wait_dma2 semaphore(%run_scoped3A_225 : memref<!tpu.dma_semaphore, #tpu.memory_space<semaphore_mem>>) src(%dma_wait3A_261 : memref<1x128xi32, #tpu.memory_space<hbm>>) dst(%dma_wait3A_255 : memref<1x128xi32, #tpu.memory_space<vmem>>)
        tpu.yield
      }) : () -> ()
      "tpu.region"() ({
        %run_scoped3A_225 = tpu.sem_alloc : memref<!tpu.dma_semaphore, #tpu.memory_space<semaphore_mem>>
        %dma_start3A_226 = arith.constant 78 : i32
        %dma_start3A_227 = arith.constant 0 : i32
        %dma_start3A_228 = tpu.memref_slice %arg7[%dma_start3A_226, %dma_start3A_227] : memref<79x128xi32, #tpu.memory_space<vmem>> -> memref<1x128xi32, #tpu.memory_space<vmem>>
        %dma_start3A_229 = arith.constant 0 : i32
        %dma_start3A_230 = arith.constant 0 : i32
        %dma_start3A_231 = tpu.memref_slice %arg3[%cond3A_18, %dma_start3A_229, %dma_start3A_230] : memref<2x2500x128xi32, #tpu.memory_space<hbm>> -> memref<1x2500x128xi32, #tpu.memory_space<hbm>>
        %dma_start3A_232 = tpu.memref_squeeze %dma_start3A_231 : memref<1x2500x128xi32, #tpu.memory_space<hbm>> -> memref<2500x128xi32, #tpu.memory_space<hbm>>
        %dma_start3A_233 = arith.constant 0 : i32
        %dma_start3A_234 = tpu.memref_slice %dma_start3A_232[%add3A_224, %dma_start3A_233] : memref<2500x128xi32, #tpu.memory_space<hbm>> -> memref<1x128xi32, #tpu.memory_space<hbm>>
        %dma_start3A_235 = arith.constant 78 : i32
        %dma_start3A_236 = arith.constant 0 : i32
        %dma_start3A_237 = tpu.memref_slice %arg7[%dma_start3A_235, %dma_start3A_236] : memref<79x128xi32, #tpu.memory_space<vmem>> -> memref<1x128xi32, #tpu.memory_space<vmem>>
        %dma_start3A_238 = arith.constant 0 : i32
        %dma_start3A_239 = arith.constant 0 : i32
        %dma_start3A_240 = tpu.memref_slice %arg3[%cond3A_18, %dma_start3A_238, %dma_start3A_239] : memref<2x2500x128xi32, #tpu.memory_space<hbm>> -> memref<1x2500x128xi32, #tpu.memory_space<hbm>>
        %dma_start3A_241 = tpu.memref_squeeze %dma_start3A_240 : memref<1x2500x128xi32, #tpu.memory_space<hbm>> -> memref<2500x128xi32, #tpu.memory_space<hbm>>
        %dma_start3A_242 = arith.constant 0 : i32
        %dma_start3A_243 = tpu.memref_slice %dma_start3A_241[%add3A_224, %dma_start3A_242] : memref<2500x128xi32, #tpu.memory_space<hbm>> -> memref<1x128xi32, #tpu.memory_space<hbm>>
        tpu.enqueue_dma source(%dma_start3A_243 : memref<1x128xi32, #tpu.memory_space<hbm>>) target(%dma_start3A_237 : memref<1x128xi32, #tpu.memory_space<vmem>>) target_semaphore(%run_scoped3A_225 : memref<!tpu.dma_semaphore, #tpu.memory_space<semaphore_mem>>)
        %dma_wait3A_244 = arith.constant 78 : i32
        %dma_wait3A_245 = arith.constant 0 : i32
        %dma_wait3A_246 = tpu.memref_slice %arg7[%dma_wait3A_244, %dma_wait3A_245] : memref<79x128xi32, #tpu.memory_space<vmem>> -> memref<1x128xi32, #tpu.memory_space<vmem>>
        %dma_wait3A_247 = arith.constant 0 : i32
        %dma_wait3A_248 = arith.constant 0 : i32
        %dma_wait3A_249 = tpu.memref_slice %arg3[%cond3A_18, %dma_wait3A_247, %dma_wait3A_248] : memref<2x2500x128xi32, #tpu.memory_space<hbm>> -> memref<1x2500x128xi32, #tpu.memory_space<hbm>>
        %dma_wait3A_250 = tpu.memref_squeeze %dma_wait3A_249 : memref<1x2500x128xi32, #tpu.memory_space<hbm>> -> memref<2500x128xi32, #tpu.memory_space<hbm>>
        %dma_wait3A_251 = arith.constant 0 : i32
        %dma_wait3A_252 = tpu.memref_slice %dma_wait3A_250[%add3A_224, %dma_wait3A_251] : memref<2500x128xi32, #tpu.memory_space<hbm>> -> memref<1x128xi32, #tpu.memory_space<hbm>>
        %dma_wait3A_253 = arith.constant 78 : i32
        %dma_wait3A_254 = arith.constant 0 : i32
        %dma_wait3A_255 = tpu.memref_slice %arg7[%dma_wait3A_253, %dma_wait3A_254] : memref<79x128xi32, #tpu.memory_space<vmem>> -> memref<1x128xi32, #tpu.memory_space<vmem>>
        %dma_wait3A_256 = arith.constant 0 : i32
        %dma_wait3A_257 = arith.constant 0 : i32
        %dma_wait3A_258 = tpu.memref_slice %arg3[%cond3A_18, %dma_wait3A_256, %dma_wait3A_257] : memref<2x2500x128xi32, #tpu.memory_space<hbm>> -> memref<1x2500x128xi32, #tpu.memory_space<hbm>>
        %dma_wait3A_259 = tpu.memref_squeeze %dma_wait3A_258 : memref<1x2500x128xi32, #tpu.memory_space<hbm>> -> memref<2500x128xi32, #tpu.memory_space<hbm>>
        %dma_wait3A_260 = arith.constant 0 : i32
        %dma_wait3A_261 = tpu.memref_slice %dma_wait3A_259[%add3A_224, %dma_wait3A_260] : memref<2500x128xi32, #tpu.memory_space<hbm>> -> memref<1x128xi32, #tpu.memory_space<hbm>>
        tpu.wait_dma2 semaphore(%run_scoped3A_225 : memref<!tpu.dma_semaphore, #tpu.memory_space<semaphore_mem>>) src(%dma_wait3A_261 : memref<1x128xi32, #tpu.memory_space<hbm>>) dst(%dma_wait3A_255 : memref<1x128xi32, #tpu.memory_space<vmem>>)
        tpu.yield
      }) : () -> ()
    } else {
    }
    %barrier3A = arith.constant 0 : index
    tpu.barrier barrier_id(%barrier3A)
    %dma_start3A = arith.constant 0 : i32
    %dma_start3A_21 = arith.constant 0 : i32
    %dma_start3A_22 = arith.constant 0 : i32
    %dma_start3A_23 = arith.constant 0 : i32
    %dma_start3A_24 = arith.constant 0 : i32
    %dma_start3A_25 = tpu.memref_slice %arg8[%dma_start3A_21, %dma_start3A_23, %dma_start3A_24] : memref<6x128x16xf32, #tpu.memory_space<vmem>> -> memref<1x128x16xf32, #tpu.memory_space<vmem>>
    %dma_start3A_26 = tpu.memref_squeeze %dma_start3A_25 : memref<1x128x16xf32, #tpu.memory_space<vmem>> -> memref<128x16xf32, #tpu.memory_space<vmem>>
    %dma_start3A_27 = arith.constant 0 : i32
    %dma_start3A_28 = tpu.memref_slice %arg6[%dma_start3A, %dma_start3A_27] : memref<79x128xi32, #tpu.memory_space<vmem>> -> memref<1x128xi32, #tpu.memory_space<vmem>>
    %dma_start3A_29 = tpu.memref_squeeze %dma_start3A_28 : memref<1x128xi32, #tpu.memory_space<vmem>> -> memref<128xi32, #tpu.memory_space<vmem>>
    %dma_start3A_30 = arith.constant 0 : i32
    %dma_start3A_31 = arith.constant 0 : i32
    %dma_start3A_32 = tpu.memref_slice %arg2[%dma_start3A_30, %dma_start3A_31] : memref<10000x16xf32, #tpu.memory_space<hbm>> -> memref<10000x16xf32, #tpu.memory_space<hbm>>
    %dma_start3A_33 = tpu.memref_slice %arg9[%dma_start3A_22] : memref<6x!tpu.dma_semaphore, #tpu.memory_space<semaphore_mem>> -> memref<1x!tpu.dma_semaphore, #tpu.memory_space<semaphore_mem>>
    %dma_start3A_34 = tpu.memref_squeeze %dma_start3A_33 : memref<1x!tpu.dma_semaphore, #tpu.memory_space<semaphore_mem>> -> memref<!tpu.dma_semaphore, #tpu.memory_space<semaphore_mem>>
    tpu.enqueue_indirect_dma source(%dma_start3A_32 : memref<10000x16xf32, #tpu.memory_space<hbm>>) target(%dma_start3A_26 : memref<128x16xf32, #tpu.memory_space<vmem>>) offsets(%dma_start3A_29 : memref<128xi32, #tpu.memory_space<vmem>>) semaphore(%dma_start3A_34 : memref<!tpu.dma_semaphore, #tpu.memory_space<semaphore_mem>>)
    %dma_start3A_35 = arith.constant 1 : i32
    %dma_start3A_36 = arith.constant 1 : i32
    %dma_start3A_37 = arith.constant 1 : i32
    %dma_start3A_38 = arith.constant 0 : i32
    %dma_start3A_39 = arith.constant 0 : i32
    %dma_start3A_40 = tpu.memref_slice %arg8[%dma_start3A_36, %dma_start3A_38, %dma_start3A_39] : memref<6x128x16xf32, #tpu.memory_space<vmem>> -> memref<1x128x16xf32, #tpu.memory_space<vmem>>
    %dma_start3A_41 = tpu.memref_squeeze %dma_start3A_40 : memref<1x128x16xf32, #tpu.memory_space<vmem>> -> memref<128x16xf32, #tpu.memory_space<vmem>>
    %dma_start3A_42 = arith.constant 0 : i32
    %dma_start3A_43 = tpu.memref_slice %arg6[%dma_start3A_35, %dma_start3A_42] : memref<79x128xi32, #tpu.memory_space<vmem>> -> memref<1x128xi32, #tpu.memory_space<vmem>>
    %dma_start3A_44 = tpu.memref_squeeze %dma_start3A_43 : memref<1x128xi32, #tpu.memory_space<vmem>> -> memref<128xi32, #tpu.memory_space<vmem>>
    %dma_start3A_45 = arith.constant 0 : i32
    %dma_start3A_46 = arith.constant 0 : i32
    %dma_start3A_47 = tpu.memref_slice %arg2[%dma_start3A_45, %dma_start3A_46] : memref<10000x16xf32, #tpu.memory_space<hbm>> -> memref<10000x16xf32, #tpu.memory_space<hbm>>
    %dma_start3A_48 = tpu.memref_slice %arg9[%dma_start3A_37] : memref<6x!tpu.dma_semaphore, #tpu.memory_space<semaphore_mem>> -> memref<1x!tpu.dma_semaphore, #tpu.memory_space<semaphore_mem>>
    %dma_start3A_49 = tpu.memref_squeeze %dma_start3A_48 : memref<1x!tpu.dma_semaphore, #tpu.memory_space<semaphore_mem>> -> memref<!tpu.dma_semaphore, #tpu.memory_space<semaphore_mem>>
    tpu.enqueue_indirect_dma source(%dma_start3A_47 : memref<10000x16xf32, #tpu.memory_space<hbm>>) target(%dma_start3A_41 : memref<128x16xf32, #tpu.memory_space<vmem>>) offsets(%dma_start3A_44 : memref<128xi32, #tpu.memory_space<vmem>>) semaphore(%dma_start3A_49 : memref<!tpu.dma_semaphore, #tpu.memory_space<semaphore_mem>>)
    %dma_start3A_50 = arith.constant 2 : i32
    %dma_start3A_51 = arith.constant 2 : i32
    %dma_start3A_52 = arith.constant 2 : i32
    %dma_start3A_53 = arith.constant 0 : i32
    %dma_start3A_54 = arith.constant 0 : i32
    %dma_start3A_55 = tpu.memref_slice %arg8[%dma_start3A_51, %dma_start3A_53, %dma_start3A_54] : memref<6x128x16xf32, #tpu.memory_space<vmem>> -> memref<1x128x16xf32, #tpu.memory_space<vmem>>
    %dma_start3A_56 = tpu.memref_squeeze %dma_start3A_55 : memref<1x128x16xf32, #tpu.memory_space<vmem>> -> memref<128x16xf32, #tpu.memory_space<vmem>>
    %dma_start3A_57 = arith.constant 0 : i32
    %dma_start3A_58 = tpu.memref_slice %arg6[%dma_start3A_50, %dma_start3A_57] : memref<79x128xi32, #tpu.memory_space<vmem>> -> memref<1x128xi32, #tpu.memory_space<vmem>>
    %dma_start3A_59 = tpu.memref_squeeze %dma_start3A_58 : memref<1x128xi32, #tpu.memory_space<vmem>> -> memref<128xi32, #tpu.memory_space<vmem>>
    %dma_start3A_60 = arith.constant 0 : i32
    %dma_start3A_61 = arith.constant 0 : i32
    %dma_start3A_62 = tpu.memref_slice %arg2[%dma_start3A_60, %dma_start3A_61] : memref<10000x16xf32, #tpu.memory_space<hbm>> -> memref<10000x16xf32, #tpu.memory_space<hbm>>
    %dma_start3A_63 = tpu.memref_slice %arg9[%dma_start3A_52] : memref<6x!tpu.dma_semaphore, #tpu.memory_space<semaphore_mem>> -> memref<1x!tpu.dma_semaphore, #tpu.memory_space<semaphore_mem>>
    %dma_start3A_64 = tpu.memref_squeeze %dma_start3A_63 : memref<1x!tpu.dma_semaphore, #tpu.memory_space<semaphore_mem>> -> memref<!tpu.dma_semaphore, #tpu.memory_space<semaphore_mem>>
    tpu.enqueue_indirect_dma source(%dma_start3A_62 : memref<10000x16xf32, #tpu.memory_space<hbm>>) target(%dma_start3A_56 : memref<128x16xf32, #tpu.memory_space<vmem>>) offsets(%dma_start3A_59 : memref<128xi32, #tpu.memory_space<vmem>>) semaphore(%dma_start3A_64 : memref<!tpu.dma_semaphore, #tpu.memory_space<semaphore_mem>>)
    %dma_start3A_65 = arith.constant 3 : i32
    %dma_start3A_66 = arith.constant 3 : i32
    %dma_start3A_67 = arith.constant 3 : i32
    %dma_start3A_68 = arith.constant 0 : i32
    %dma_start3A_69 = arith.constant 0 : i32
    %dma_start3A_70 = tpu.memref_slice %arg8[%dma_start3A_66, %dma_start3A_68, %dma_start3A_69] : memref<6x128x16xf32, #tpu.memory_space<vmem>> -> memref<1x128x16xf32, #tpu.memory_space<vmem>>
    %dma_start3A_71 = tpu.memref_squeeze %dma_start3A_70 : memref<1x128x16xf32, #tpu.memory_space<vmem>> -> memref<128x16xf32, #tpu.memory_space<vmem>>
    %dma_start3A_72 = arith.constant 0 : i32
    %dma_start3A_73 = tpu.memref_slice %arg6[%dma_start3A_65, %dma_start3A_72] : memref<79x128xi32, #tpu.memory_space<vmem>> -> memref<1x128xi32, #tpu.memory_space<vmem>>
    %dma_start3A_74 = tpu.memref_squeeze %dma_start3A_73 : memref<1x128xi32, #tpu.memory_space<vmem>> -> memref<128xi32, #tpu.memory_space<vmem>>
    %dma_start3A_75 = arith.constant 0 : i32
    %dma_start3A_76 = arith.constant 0 : i32
    %dma_start3A_77 = tpu.memref_slice %arg2[%dma_start3A_75, %dma_start3A_76] : memref<10000x16xf32, #tpu.memory_space<hbm>> -> memref<10000x16xf32, #tpu.memory_space<hbm>>
    %dma_start3A_78 = tpu.memref_slice %arg9[%dma_start3A_67] : memref<6x!tpu.dma_semaphore, #tpu.memory_space<semaphore_mem>> -> memref<1x!tpu.dma_semaphore, #tpu.memory_space<semaphore_mem>>
    %dma_start3A_79 = tpu.memref_squeeze %dma_start3A_78 : memref<1x!tpu.dma_semaphore, #tpu.memory_space<semaphore_mem>> -> memref<!tpu.dma_semaphore, #tpu.memory_space<semaphore_mem>>
    tpu.enqueue_indirect_dma source(%dma_start3A_77 : memref<10000x16xf32, #tpu.memory_space<hbm>>) target(%dma_start3A_71 : memref<128x16xf32, #tpu.memory_space<vmem>>) offsets(%dma_start3A_74 : memref<128xi32, #tpu.memory_space<vmem>>) semaphore(%dma_start3A_79 : memref<!tpu.dma_semaphore, #tpu.memory_space<semaphore_mem>>)
    %dma_start3A_80 = arith.constant 4 : i32
    %dma_start3A_81 = arith.constant 4 : i32
    %dma_start3A_82 = arith.constant 4 : i32
    %dma_start3A_83 = arith.constant 0 : i32
    %dma_start3A_84 = arith.constant 0 : i32
    %dma_start3A_85 = tpu.memref_slice %arg8[%dma_start3A_81, %dma_start3A_83, %dma_start3A_84] : memref<6x128x16xf32, #tpu.memory_space<vmem>> -> memref<1x128x16xf32, #tpu.memory_space<vmem>>
    %dma_start3A_86 = tpu.memref_squeeze %dma_start3A_85 : memref<1x128x16xf32, #tpu.memory_space<vmem>> -> memref<128x16xf32, #tpu.memory_space<vmem>>
    %dma_start3A_87 = arith.constant 0 : i32
    %dma_start3A_88 = tpu.memref_slice %arg6[%dma_start3A_80, %dma_start3A_87] : memref<79x128xi32, #tpu.memory_space<vmem>> -> memref<1x128xi32, #tpu.memory_space<vmem>>
    %dma_start3A_89 = tpu.memref_squeeze %dma_start3A_88 : memref<1x128xi32, #tpu.memory_space<vmem>> -> memref<128xi32, #tpu.memory_space<vmem>>
    %dma_start3A_90 = arith.constant 0 : i32
    %dma_start3A_91 = arith.constant 0 : i32
    %dma_start3A_92 = tpu.memref_slice %arg2[%dma_start3A_90, %dma_start3A_91] : memref<10000x16xf32, #tpu.memory_space<hbm>> -> memref<10000x16xf32, #tpu.memory_space<hbm>>
    %dma_start3A_93 = tpu.memref_slice %arg9[%dma_start3A_82] : memref<6x!tpu.dma_semaphore, #tpu.memory_space<semaphore_mem>> -> memref<1x!tpu.dma_semaphore, #tpu.memory_space<semaphore_mem>>
    %dma_start3A_94 = tpu.memref_squeeze %dma_start3A_93 : memref<1x!tpu.dma_semaphore, #tpu.memory_space<semaphore_mem>> -> memref<!tpu.dma_semaphore, #tpu.memory_space<semaphore_mem>>
    tpu.enqueue_indirect_dma source(%dma_start3A_92 : memref<10000x16xf32, #tpu.memory_space<hbm>>) target(%dma_start3A_86 : memref<128x16xf32, #tpu.memory_space<vmem>>) offsets(%dma_start3A_89 : memref<128xi32, #tpu.memory_space<vmem>>) semaphore(%dma_start3A_94 : memref<!tpu.dma_semaphore, #tpu.memory_space<semaphore_mem>>)
    %dma_start3A_95 = arith.constant 5 : i32
    %dma_start3A_96 = arith.constant 5 : i32
    %dma_start3A_97 = arith.constant 5 : i32
    %dma_start3A_98 = arith.constant 0 : i32
    %dma_start3A_99 = arith.constant 0 : i32
    %dma_start3A_100 = tpu.memref_slice %arg8[%dma_start3A_96, %dma_start3A_98, %dma_start3A_99] : memref<6x128x16xf32, #tpu.memory_space<vmem>> -> memref<1x128x16xf32, #tpu.memory_space<vmem>>
    %dma_start3A_101 = tpu.memref_squeeze %dma_start3A_100 : memref<1x128x16xf32, #tpu.memory_space<vmem>> -> memref<128x16xf32, #tpu.memory_space<vmem>>
    %dma_start3A_102 = arith.constant 0 : i32
    %dma_start3A_103 = tpu.memref_slice %arg6[%dma_start3A_95, %dma_start3A_102] : memref<79x128xi32, #tpu.memory_space<vmem>> -> memref<1x128xi32, #tpu.memory_space<vmem>>
    %dma_start3A_104 = tpu.memref_squeeze %dma_start3A_103 : memref<1x128xi32, #tpu.memory_space<vmem>> -> memref<128xi32, #tpu.memory_space<vmem>>
    %dma_start3A_105 = arith.constant 0 : i32
    %dma_start3A_106 = arith.constant 0 : i32
    %dma_start3A_107 = tpu.memref_slice %arg2[%dma_start3A_105, %dma_start3A_106] : memref<10000x16xf32, #tpu.memory_space<hbm>> -> memref<10000x16xf32, #tpu.memory_space<hbm>>
    %dma_start3A_108 = tpu.memref_slice %arg9[%dma_start3A_97] : memref<6x!tpu.dma_semaphore, #tpu.memory_space<semaphore_mem>> -> memref<1x!tpu.dma_semaphore, #tpu.memory_space<semaphore_mem>>
    %dma_start3A_109 = tpu.memref_squeeze %dma_start3A_108 : memref<1x!tpu.dma_semaphore, #tpu.memory_space<semaphore_mem>> -> memref<!tpu.dma_semaphore, #tpu.memory_space<semaphore_mem>>
    tpu.enqueue_indirect_dma source(%dma_start3A_107 : memref<10000x16xf32, #tpu.memory_space<hbm>>) target(%dma_start3A_101 : memref<128x16xf32, #tpu.memory_space<vmem>>) offsets(%dma_start3A_104 : memref<128xi32, #tpu.memory_space<vmem>>) semaphore(%dma_start3A_109 : memref<!tpu.dma_semaphore, #tpu.memory_space<semaphore_mem>>)
    %scan3A = arith.constant 0 : i32
    %scan3A_110 = arith.constant 13 : i32
    %scan3A_111 = arith.addi %scan3A, %scan3A_110 : i32
    %scan3A_112 = arith.constant 1 : i32
    scf.for %scan3A_223 = %scan3A to %scan3A_111 step %scan3A_112  : i32 {
      %mul3A_224 = arith.constant 6 : i32
      %mul3A_225 = arith.muli %scan3A_223, %mul3A_224 : i32
      %add3A_226 = arith.constant 0 : i32
      %add3A_227 = arith.addi %add3A_226, %mul3A_225 : i32
      %add3A_228 = arith.constant 0 : i32
      %add3A_229 = arith.addi %add3A_227, %add3A_228 : i32
      %dma_wait3A_230 = arith.constant 0 : i32
      %dma_wait3A_231 = arith.constant 0 : i32
      %dma_wait3A_232 = arith.constant 0 : i32
      %dma_wait3A_233 = arith.constant 0 : i32
      %dma_wait3A_234 = tpu.memref_slice %arg8[%dma_wait3A_230, %dma_wait3A_232, %dma_wait3A_233] : memref<6x128x16xf32, #tpu.memory_space<vmem>> -> memref<1x128x16xf32, #tpu.memory_space<vmem>>
      %dma_wait3A_235 = tpu.memref_squeeze %dma_wait3A_234 : memref<1x128x16xf32, #tpu.memory_space<vmem>> -> memref<128x16xf32, #tpu.memory_space<vmem>>
      %dma_wait3A_236 = arith.constant 0 : i32
      %dma_wait3A_237 = tpu.memref_slice %arg6[%add3A_229, %dma_wait3A_236] : memref<79x128xi32, #tpu.memory_space<vmem>> -> memref<1x128xi32, #tpu.memory_space<vmem>>
      %dma_wait3A_238 = tpu.memref_squeeze %dma_wait3A_237 : memref<1x128xi32, #tpu.memory_space<vmem>> -> memref<128xi32, #tpu.memory_space<vmem>>
      %dma_wait3A_239 = arith.constant 0 : i32
      %dma_wait3A_240 = arith.constant 0 : i32
      %dma_wait3A_241 = tpu.memref_slice %arg2[%dma_wait3A_239, %dma_wait3A_240] : memref<10000x16xf32, #tpu.memory_space<hbm>> -> memref<10000x16xf32, #tpu.memory_space<hbm>>
      %dma_wait3A_242 = tpu.memref_slice %arg9[%dma_wait3A_231] : memref<6x!tpu.dma_semaphore, #tpu.memory_space<semaphore_mem>> -> memref<1x!tpu.dma_semaphore, #tpu.memory_space<semaphore_mem>>
      %dma_wait3A_243 = tpu.memref_squeeze %dma_wait3A_242 : memref<1x!tpu.dma_semaphore, #tpu.memory_space<semaphore_mem>> -> memref<!tpu.dma_semaphore, #tpu.memory_space<semaphore_mem>>
      tpu.wait_indirect_dma semaphore(%dma_wait3A_243 : memref<!tpu.dma_semaphore, #tpu.memory_space<semaphore_mem>>) src(%dma_wait3A_241 : memref<10000x16xf32, #tpu.memory_space<hbm>>) dst(%dma_wait3A_235 : memref<128x16xf32, #tpu.memory_space<vmem>>)
      %add3A_244 = arith.constant 0 : i32
      %add3A_245 = arith.addi %add3A_227, %add3A_244 : i32
      %dma_start3A_246 = arith.constant 0 : i32
      %dma_start3A_247 = arith.constant 0 : i32
      %dma_start3A_248 = arith.constant 0 : i32
      %dma_start3A_249 = arith.constant 0 : i32
      %dma_start3A_250 = tpu.memref_slice %arg8[%dma_start3A_246, %dma_start3A_248, %dma_start3A_249] : memref<6x128x16xf32, #tpu.memory_space<vmem>> -> memref<1x128x16xf32, #tpu.memory_space<vmem>>
      %dma_start3A_251 = tpu.memref_squeeze %dma_start3A_250 : memref<1x128x16xf32, #tpu.memory_space<vmem>> -> memref<128x16xf32, #tpu.memory_space<vmem>>
      %dma_start3A_252 = arith.constant 0 : i32
      %dma_start3A_253 = tpu.memref_slice %arg7[%add3A_245, %dma_start3A_252] : memref<79x128xi32, #tpu.memory_space<vmem>> -> memref<1x128xi32, #tpu.memory_space<vmem>>
      %dma_start3A_254 = tpu.memref_squeeze %dma_start3A_253 : memref<1x128xi32, #tpu.memory_space<vmem>> -> memref<128xi32, #tpu.memory_space<vmem>>
      %dma_start3A_255 = arith.constant 0 : i32
      %dma_start3A_256 = arith.constant 0 : i32
      %dma_start3A_257 = tpu.memref_slice %arg11[%dma_start3A_255, %dma_start3A_256] : memref<10000x16xf32, #tpu.memory_space<vmem_shared>> -> memref<10000x16xf32, #tpu.memory_space<vmem_shared>>
      %dma_start3A_258 = tpu.memref_slice %arg10[%dma_start3A_247] : memref<6x!tpu.dma_semaphore, #tpu.memory_space<semaphore_mem>> -> memref<1x!tpu.dma_semaphore, #tpu.memory_space<semaphore_mem>>
      %dma_start3A_259 = tpu.memref_squeeze %dma_start3A_258 : memref<1x!tpu.dma_semaphore, #tpu.memory_space<semaphore_mem>> -> memref<!tpu.dma_semaphore, #tpu.memory_space<semaphore_mem>>
      tpu.enqueue_indirect_dma source(%dma_start3A_251 : memref<128x16xf32, #tpu.memory_space<vmem>>) target(%dma_start3A_257 : memref<10000x16xf32, #tpu.memory_space<vmem_shared>>) offsets(%dma_start3A_254 : memref<128xi32, #tpu.memory_space<vmem>>) semaphore(%dma_start3A_259 : memref<!tpu.dma_semaphore, #tpu.memory_space<semaphore_mem>>) {add = true}
      %add3A_260 = arith.constant 1 : i32
      %add3A_261 = arith.addi %add3A_227, %add3A_260 : i32
      %dma_wait3A_262 = arith.constant 1 : i32
      %dma_wait3A_263 = arith.constant 1 : i32
      %dma_wait3A_264 = arith.constant 0 : i32
      %dma_wait3A_265 = arith.constant 0 : i32
      %dma_wait3A_266 = tpu.memref_slice %arg8[%dma_wait3A_262, %dma_wait3A_264, %dma_wait3A_265] : memref<6x128x16xf32, #tpu.memory_space<vmem>> -> memref<1x128x16xf32, #tpu.memory_space<vmem>>
      %dma_wait3A_267 = tpu.memref_squeeze %dma_wait3A_266 : memref<1x128x16xf32, #tpu.memory_space<vmem>> -> memref<128x16xf32, #tpu.memory_space<vmem>>
      %dma_wait3A_268 = arith.constant 0 : i32
      %dma_wait3A_269 = tpu.memref_slice %arg6[%add3A_261, %dma_wait3A_268] : memref<79x128xi32, #tpu.memory_space<vmem>> -> memref<1x128xi32, #tpu.memory_space<vmem>>
      %dma_wait3A_270 = tpu.memref_squeeze %dma_wait3A_269 : memref<1x128xi32, #tpu.memory_space<vmem>> -> memref<128xi32, #tpu.memory_space<vmem>>
      %dma_wait3A_271 = arith.constant 0 : i32
      %dma_wait3A_272 = arith.constant 0 : i32
      %dma_wait3A_273 = tpu.memref_slice %arg2[%dma_wait3A_271, %dma_wait3A_272] : memref<10000x16xf32, #tpu.memory_space<hbm>> -> memref<10000x16xf32, #tpu.memory_space<hbm>>
      %dma_wait3A_274 = tpu.memref_slice %arg9[%dma_wait3A_263] : memref<6x!tpu.dma_semaphore, #tpu.memory_space<semaphore_mem>> -> memref<1x!tpu.dma_semaphore, #tpu.memory_space<semaphore_mem>>
      %dma_wait3A_275 = tpu.memref_squeeze %dma_wait3A_274 : memref<1x!tpu.dma_semaphore, #tpu.memory_space<semaphore_mem>> -> memref<!tpu.dma_semaphore, #tpu.memory_space<semaphore_mem>>
      tpu.wait_indirect_dma semaphore(%dma_wait3A_275 : memref<!tpu.dma_semaphore, #tpu.memory_space<semaphore_mem>>) src(%dma_wait3A_273 : memref<10000x16xf32, #tpu.memory_space<hbm>>) dst(%dma_wait3A_267 : memref<128x16xf32, #tpu.memory_space<vmem>>)
      %add3A_276 = arith.constant 1 : i32
      %add3A_277 = arith.addi %add3A_227, %add3A_276 : i32
      %dma_start3A_278 = arith.constant 1 : i32
      %dma_start3A_279 = arith.constant 1 : i32
      %dma_start3A_280 = arith.constant 0 : i32
      %dma_start3A_281 = arith.constant 0 : i32
      %dma_start3A_282 = tpu.memref_slice %arg8[%dma_start3A_278, %dma_start3A_280, %dma_start3A_281] : memref<6x128x16xf32, #tpu.memory_space<vmem>> -> memref<1x128x16xf32, #tpu.memory_space<vmem>>
      %dma_start3A_283 = tpu.memref_squeeze %dma_start3A_282 : memref<1x128x16xf32, #tpu.memory_space<vmem>> -> memref<128x16xf32, #tpu.memory_space<vmem>>
      %dma_start3A_284 = arith.constant 0 : i32
      %dma_start3A_285 = tpu.memref_slice %arg7[%add3A_277, %dma_start3A_284] : memref<79x128xi32, #tpu.memory_space<vmem>> -> memref<1x128xi32, #tpu.memory_space<vmem>>
      %dma_start3A_286 = tpu.memref_squeeze %dma_start3A_285 : memref<1x128xi32, #tpu.memory_space<vmem>> -> memref<128xi32, #tpu.memory_space<vmem>>
      %dma_start3A_287 = arith.constant 0 : i32
      %dma_start3A_288 = arith.constant 0 : i32
      %dma_start3A_289 = tpu.memref_slice %arg11[%dma_start3A_287, %dma_start3A_288] : memref<10000x16xf32, #tpu.memory_space<vmem_shared>> -> memref<10000x16xf32, #tpu.memory_space<vmem_shared>>
      %dma_start3A_290 = tpu.memref_slice %arg10[%dma_start3A_279] : memref<6x!tpu.dma_semaphore, #tpu.memory_space<semaphore_mem>> -> memref<1x!tpu.dma_semaphore, #tpu.memory_space<semaphore_mem>>
      %dma_start3A_291 = tpu.memref_squeeze %dma_start3A_290 : memref<1x!tpu.dma_semaphore, #tpu.memory_space<semaphore_mem>> -> memref<!tpu.dma_semaphore, #tpu.memory_space<semaphore_mem>>
      tpu.enqueue_indirect_dma source(%dma_start3A_283 : memref<128x16xf32, #tpu.memory_space<vmem>>) target(%dma_start3A_289 : memref<10000x16xf32, #tpu.memory_space<vmem_shared>>) offsets(%dma_start3A_286 : memref<128xi32, #tpu.memory_space<vmem>>) semaphore(%dma_start3A_291 : memref<!tpu.dma_semaphore, #tpu.memory_space<semaphore_mem>>) {add = true}
      %add3A_292 = arith.constant 2 : i32
      %add3A_293 = arith.addi %add3A_227, %add3A_292 : i32
      %dma_wait3A_294 = arith.constant 2 : i32
      %dma_wait3A_295 = arith.constant 2 : i32
      %dma_wait3A_296 = arith.constant 0 : i32
      %dma_wait3A_297 = arith.constant 0 : i32
      %dma_wait3A_298 = tpu.memref_slice %arg8[%dma_wait3A_294, %dma_wait3A_296, %dma_wait3A_297] : memref<6x128x16xf32, #tpu.memory_space<vmem>> -> memref<1x128x16xf32, #tpu.memory_space<vmem>>
      %dma_wait3A_299 = tpu.memref_squeeze %dma_wait3A_298 : memref<1x128x16xf32, #tpu.memory_space<vmem>> -> memref<128x16xf32, #tpu.memory_space<vmem>>
      %dma_wait3A_300 = arith.constant 0 : i32
      %dma_wait3A_301 = tpu.memref_slice %arg6[%add3A_293, %dma_wait3A_300] : memref<79x128xi32, #tpu.memory_space<vmem>> -> memref<1x128xi32, #tpu.memory_space<vmem>>
      %dma_wait3A_302 = tpu.memref_squeeze %dma_wait3A_301 : memref<1x128xi32, #tpu.memory_space<vmem>> -> memref<128xi32, #tpu.memory_space<vmem>>
      %dma_wait3A_303 = arith.constant 0 : i32
      %dma_wait3A_304 = arith.constant 0 : i32
      %dma_wait3A_305 = tpu.memref_slice %arg2[%dma_wait3A_303, %dma_wait3A_304] : memref<10000x16xf32, #tpu.memory_space<hbm>> -> memref<10000x16xf32, #tpu.memory_space<hbm>>
      %dma_wait3A_306 = tpu.memref_slice %arg9[%dma_wait3A_295] : memref<6x!tpu.dma_semaphore, #tpu.memory_space<semaphore_mem>> -> memref<1x!tpu.dma_semaphore, #tpu.memory_space<semaphore_mem>>
      %dma_wait3A_307 = tpu.memref_squeeze %dma_wait3A_306 : memref<1x!tpu.dma_semaphore, #tpu.memory_space<semaphore_mem>> -> memref<!tpu.dma_semaphore, #tpu.memory_space<semaphore_mem>>
      tpu.wait_indirect_dma semaphore(%dma_wait3A_307 : memref<!tpu.dma_semaphore, #tpu.memory_space<semaphore_mem>>) src(%dma_wait3A_305 : memref<10000x16xf32, #tpu.memory_space<hbm>>) dst(%dma_wait3A_299 : memref<128x16xf32, #tpu.memory_space<vmem>>)
      %add3A_308 = arith.constant 2 : i32
      %add3A_309 = arith.addi %add3A_227, %add3A_308 : i32
      %dma_start3A_310 = arith.constant 2 : i32
      %dma_start3A_311 = arith.constant 2 : i32
      %dma_start3A_312 = arith.constant 0 : i32
      %dma_start3A_313 = arith.constant 0 : i32
      %dma_start3A_314 = tpu.memref_slice %arg8[%dma_start3A_310, %dma_start3A_312, %dma_start3A_313] : memref<6x128x16xf32, #tpu.memory_space<vmem>> -> memref<1x128x16xf32, #tpu.memory_space<vmem>>
      %dma_start3A_315 = tpu.memref_squeeze %dma_start3A_314 : memref<1x128x16xf32, #tpu.memory_space<vmem>> -> memref<128x16xf32, #tpu.memory_space<vmem>>
      %dma_start3A_316 = arith.constant 0 : i32
      %dma_start3A_317 = tpu.memref_slice %arg7[%add3A_309, %dma_start3A_316] : memref<79x128xi32, #tpu.memory_space<vmem>> -> memref<1x128xi32, #tpu.memory_space<vmem>>
      %dma_start3A_318 = tpu.memref_squeeze %dma_start3A_317 : memref<1x128xi32, #tpu.memory_space<vmem>> -> memref<128xi32, #tpu.memory_space<vmem>>
      %dma_start3A_319 = arith.constant 0 : i32
      %dma_start3A_320 = arith.constant 0 : i32
      %dma_start3A_321 = tpu.memref_slice %arg11[%dma_start3A_319, %dma_start3A_320] : memref<10000x16xf32, #tpu.memory_space<vmem_shared>> -> memref<10000x16xf32, #tpu.memory_space<vmem_shared>>
      %dma_start3A_322 = tpu.memref_slice %arg10[%dma_start3A_311] : memref<6x!tpu.dma_semaphore, #tpu.memory_space<semaphore_mem>> -> memref<1x!tpu.dma_semaphore, #tpu.memory_space<semaphore_mem>>
      %dma_start3A_323 = tpu.memref_squeeze %dma_start3A_322 : memref<1x!tpu.dma_semaphore, #tpu.memory_space<semaphore_mem>> -> memref<!tpu.dma_semaphore, #tpu.memory_space<semaphore_mem>>
      tpu.enqueue_indirect_dma source(%dma_start3A_315 : memref<128x16xf32, #tpu.memory_space<vmem>>) target(%dma_start3A_321 : memref<10000x16xf32, #tpu.memory_space<vmem_shared>>) offsets(%dma_start3A_318 : memref<128xi32, #tpu.memory_space<vmem>>) semaphore(%dma_start3A_323 : memref<!tpu.dma_semaphore, #tpu.memory_space<semaphore_mem>>) {add = true}
      %add3A_324 = arith.constant 3 : i32
      %add3A_325 = arith.addi %add3A_227, %add3A_324 : i32
      %dma_wait3A_326 = arith.constant 3 : i32
      %dma_wait3A_327 = arith.constant 3 : i32
      %dma_wait3A_328 = arith.constant 0 : i32
      %dma_wait3A_329 = arith.constant 0 : i32
      %dma_wait3A_330 = tpu.memref_slice %arg8[%dma_wait3A_326, %dma_wait3A_328, %dma_wait3A_329] : memref<6x128x16xf32, #tpu.memory_space<vmem>> -> memref<1x128x16xf32, #tpu.memory_space<vmem>>
      %dma_wait3A_331 = tpu.memref_squeeze %dma_wait3A_330 : memref<1x128x16xf32, #tpu.memory_space<vmem>> -> memref<128x16xf32, #tpu.memory_space<vmem>>
      %dma_wait3A_332 = arith.constant 0 : i32
      %dma_wait3A_333 = tpu.memref_slice %arg6[%add3A_325, %dma_wait3A_332] : memref<79x128xi32, #tpu.memory_space<vmem>> -> memref<1x128xi32, #tpu.memory_space<vmem>>
      %dma_wait3A_334 = tpu.memref_squeeze %dma_wait3A_333 : memref<1x128xi32, #tpu.memory_space<vmem>> -> memref<128xi32, #tpu.memory_space<vmem>>
      %dma_wait3A_335 = arith.constant 0 : i32
      %dma_wait3A_336 = arith.constant 0 : i32
      %dma_wait3A_337 = tpu.memref_slice %arg2[%dma_wait3A_335, %dma_wait3A_336] : memref<10000x16xf32, #tpu.memory_space<hbm>> -> memref<10000x16xf32, #tpu.memory_space<hbm>>
      %dma_wait3A_338 = tpu.memref_slice %arg9[%dma_wait3A_327] : memref<6x!tpu.dma_semaphore, #tpu.memory_space<semaphore_mem>> -> memref<1x!tpu.dma_semaphore, #tpu.memory_space<semaphore_mem>>
      %dma_wait3A_339 = tpu.memref_squeeze %dma_wait3A_338 : memref<1x!tpu.dma_semaphore, #tpu.memory_space<semaphore_mem>> -> memref<!tpu.dma_semaphore, #tpu.memory_space<semaphore_mem>>
      tpu.wait_indirect_dma semaphore(%dma_wait3A_339 : memref<!tpu.dma_semaphore, #tpu.memory_space<semaphore_mem>>) src(%dma_wait3A_337 : memref<10000x16xf32, #tpu.memory_space<hbm>>) dst(%dma_wait3A_331 : memref<128x16xf32, #tpu.memory_space<vmem>>)
      %add3A_340 = arith.constant 3 : i32
      %add3A_341 = arith.addi %add3A_227, %add3A_340 : i32
      %dma_start3A_342 = arith.constant 3 : i32
      %dma_start3A_343 = arith.constant 3 : i32
      %dma_start3A_344 = arith.constant 0 : i32
      %dma_start3A_345 = arith.constant 0 : i32
      %dma_start3A_346 = tpu.memref_slice %arg8[%dma_start3A_342, %dma_start3A_344, %dma_start3A_345] : memref<6x128x16xf32, #tpu.memory_space<vmem>> -> memref<1x128x16xf32, #tpu.memory_space<vmem>>
      %dma_start3A_347 = tpu.memref_squeeze %dma_start3A_346 : memref<1x128x16xf32, #tpu.memory_space<vmem>> -> memref<128x16xf32, #tpu.memory_space<vmem>>
      %dma_start3A_348 = arith.constant 0 : i32
      %dma_start3A_349 = tpu.memref_slice %arg7[%add3A_341, %dma_start3A_348] : memref<79x128xi32, #tpu.memory_space<vmem>> -> memref<1x128xi32, #tpu.memory_space<vmem>>
      %dma_start3A_350 = tpu.memref_squeeze %dma_start3A_349 : memref<1x128xi32, #tpu.memory_space<vmem>> -> memref<128xi32, #tpu.memory_space<vmem>>
      %dma_start3A_351 = arith.constant 0 : i32
      %dma_start3A_352 = arith.constant 0 : i32
      %dma_start3A_353 = tpu.memref_slice %arg11[%dma_start3A_351, %dma_start3A_352] : memref<10000x16xf32, #tpu.memory_space<vmem_shared>> -> memref<10000x16xf32, #tpu.memory_space<vmem_shared>>
      %dma_start3A_354 = tpu.memref_slice %arg10[%dma_start3A_343] : memref<6x!tpu.dma_semaphore, #tpu.memory_space<semaphore_mem>> -> memref<1x!tpu.dma_semaphore, #tpu.memory_space<semaphore_mem>>
      %dma_start3A_355 = tpu.memref_squeeze %dma_start3A_354 : memref<1x!tpu.dma_semaphore, #tpu.memory_space<semaphore_mem>> -> memref<!tpu.dma_semaphore, #tpu.memory_space<semaphore_mem>>
      tpu.enqueue_indirect_dma source(%dma_start3A_347 : memref<128x16xf32, #tpu.memory_space<vmem>>) target(%dma_start3A_353 : memref<10000x16xf32, #tpu.memory_space<vmem_shared>>) offsets(%dma_start3A_350 : memref<128xi32, #tpu.memory_space<vmem>>) semaphore(%dma_start3A_355 : memref<!tpu.dma_semaphore, #tpu.memory_space<semaphore_mem>>) {add = true}
      %add3A_356 = arith.constant 4 : i32
      %add3A_357 = arith.addi %add3A_227, %add3A_356 : i32
      %dma_wait3A_358 = arith.constant 4 : i32
      %dma_wait3A_359 = arith.constant 4 : i32
      %dma_wait3A_360 = arith.constant 0 : i32
      %dma_wait3A_361 = arith.constant 0 : i32
      %dma_wait3A_362 = tpu.memref_slice %arg8[%dma_wait3A_358, %dma_wait3A_360, %dma_wait3A_361] : memref<6x128x16xf32, #tpu.memory_space<vmem>> -> memref<1x128x16xf32, #tpu.memory_space<vmem>>
      %dma_wait3A_363 = tpu.memref_squeeze %dma_wait3A_362 : memref<1x128x16xf32, #tpu.memory_space<vmem>> -> memref<128x16xf32, #tpu.memory_space<vmem>>
      %dma_wait3A_364 = arith.constant 0 : i32
      %dma_wait3A_365 = tpu.memref_slice %arg6[%add3A_357, %dma_wait3A_364] : memref<79x128xi32, #tpu.memory_space<vmem>> -> memref<1x128xi32, #tpu.memory_space<vmem>>
      %dma_wait3A_366 = tpu.memref_squeeze %dma_wait3A_365 : memref<1x128xi32, #tpu.memory_space<vmem>> -> memref<128xi32, #tpu.memory_space<vmem>>
      %dma_wait3A_367 = arith.constant 0 : i32
      %dma_wait3A_368 = arith.constant 0 : i32
      %dma_wait3A_369 = tpu.memref_slice %arg2[%dma_wait3A_367, %dma_wait3A_368] : memref<10000x16xf32, #tpu.memory_space<hbm>> -> memref<10000x16xf32, #tpu.memory_space<hbm>>
      %dma_wait3A_370 = tpu.memref_slice %arg9[%dma_wait3A_359] : memref<6x!tpu.dma_semaphore, #tpu.memory_space<semaphore_mem>> -> memref<1x!tpu.dma_semaphore, #tpu.memory_space<semaphore_mem>>
      %dma_wait3A_371 = tpu.memref_squeeze %dma_wait3A_370 : memref<1x!tpu.dma_semaphore, #tpu.memory_space<semaphore_mem>> -> memref<!tpu.dma_semaphore, #tpu.memory_space<semaphore_mem>>
      tpu.wait_indirect_dma semaphore(%dma_wait3A_371 : memref<!tpu.dma_semaphore, #tpu.memory_space<semaphore_mem>>) src(%dma_wait3A_369 : memref<10000x16xf32, #tpu.memory_space<hbm>>) dst(%dma_wait3A_363 : memref<128x16xf32, #tpu.memory_space<vmem>>)
      %add3A_372 = arith.constant 4 : i32
      %add3A_373 = arith.addi %add3A_227, %add3A_372 : i32
      %dma_start3A_374 = arith.constant 4 : i32
      %dma_start3A_375 = arith.constant 4 : i32
      %dma_start3A_376 = arith.constant 0 : i32
      %dma_start3A_377 = arith.constant 0 : i32
      %dma_start3A_378 = tpu.memref_slice %arg8[%dma_start3A_374, %dma_start3A_376, %dma_start3A_377] : memref<6x128x16xf32, #tpu.memory_space<vmem>> -> memref<1x128x16xf32, #tpu.memory_space<vmem>>
      %dma_start3A_379 = tpu.memref_squeeze %dma_start3A_378 : memref<1x128x16xf32, #tpu.memory_space<vmem>> -> memref<128x16xf32, #tpu.memory_space<vmem>>
      %dma_start3A_380 = arith.constant 0 : i32
      %dma_start3A_381 = tpu.memref_slice %arg7[%add3A_373, %dma_start3A_380] : memref<79x128xi32, #tpu.memory_space<vmem>> -> memref<1x128xi32, #tpu.memory_space<vmem>>
      %dma_start3A_382 = tpu.memref_squeeze %dma_start3A_381 : memref<1x128xi32, #tpu.memory_space<vmem>> -> memref<128xi32, #tpu.memory_space<vmem>>
      %dma_start3A_383 = arith.constant 0 : i32
      %dma_start3A_384 = arith.constant 0 : i32
      %dma_start3A_385 = tpu.memref_slice %arg11[%dma_start3A_383, %dma_start3A_384] : memref<10000x16xf32, #tpu.memory_space<vmem_shared>> -> memref<10000x16xf32, #tpu.memory_space<vmem_shared>>
      %dma_start3A_386 = tpu.memref_slice %arg10[%dma_start3A_375] : memref<6x!tpu.dma_semaphore, #tpu.memory_space<semaphore_mem>> -> memref<1x!tpu.dma_semaphore, #tpu.memory_space<semaphore_mem>>
      %dma_start3A_387 = tpu.memref_squeeze %dma_start3A_386 : memref<1x!tpu.dma_semaphore, #tpu.memory_space<semaphore_mem>> -> memref<!tpu.dma_semaphore, #tpu.memory_space<semaphore_mem>>
      tpu.enqueue_indirect_dma source(%dma_start3A_379 : memref<128x16xf32, #tpu.memory_space<vmem>>) target(%dma_start3A_385 : memref<10000x16xf32, #tpu.memory_space<vmem_shared>>) offsets(%dma_start3A_382 : memref<128xi32, #tpu.memory_space<vmem>>) semaphore(%dma_start3A_387 : memref<!tpu.dma_semaphore, #tpu.memory_space<semaphore_mem>>) {add = true}
      %add3A_388 = arith.constant 5 : i32
      %add3A_389 = arith.addi %add3A_227, %add3A_388 : i32
      %dma_wait3A_390 = arith.constant 5 : i32
      %dma_wait3A_391 = arith.constant 5 : i32
      %dma_wait3A_392 = arith.constant 0 : i32
      %dma_wait3A_393 = arith.constant 0 : i32
      %dma_wait3A_394 = tpu.memref_slice %arg8[%dma_wait3A_390, %dma_wait3A_392, %dma_wait3A_393] : memref<6x128x16xf32, #tpu.memory_space<vmem>> -> memref<1x128x16xf32, #tpu.memory_space<vmem>>
      %dma_wait3A_395 = tpu.memref_squeeze %dma_wait3A_394 : memref<1x128x16xf32, #tpu.memory_space<vmem>> -> memref<128x16xf32, #tpu.memory_space<vmem>>
      %dma_wait3A_396 = arith.constant 0 : i32
      %dma_wait3A_397 = tpu.memref_slice %arg6[%add3A_389, %dma_wait3A_396] : memref<79x128xi32, #tpu.memory_space<vmem>> -> memref<1x128xi32, #tpu.memory_space<vmem>>
      %dma_wait3A_398 = tpu.memref_squeeze %dma_wait3A_397 : memref<1x128xi32, #tpu.memory_space<vmem>> -> memref<128xi32, #tpu.memory_space<vmem>>
      %dma_wait3A_399 = arith.constant 0 : i32
      %dma_wait3A_400 = arith.constant 0 : i32
      %dma_wait3A_401 = tpu.memref_slice %arg2[%dma_wait3A_399, %dma_wait3A_400] : memref<10000x16xf32, #tpu.memory_space<hbm>> -> memref<10000x16xf32, #tpu.memory_space<hbm>>
      %dma_wait3A_402 = tpu.memref_slice %arg9[%dma_wait3A_391] : memref<6x!tpu.dma_semaphore, #tpu.memory_space<semaphore_mem>> -> memref<1x!tpu.dma_semaphore, #tpu.memory_space<semaphore_mem>>
      %dma_wait3A_403 = tpu.memref_squeeze %dma_wait3A_402 : memref<1x!tpu.dma_semaphore, #tpu.memory_space<semaphore_mem>> -> memref<!tpu.dma_semaphore, #tpu.memory_space<semaphore_mem>>
      tpu.wait_indirect_dma semaphore(%dma_wait3A_403 : memref<!tpu.dma_semaphore, #tpu.memory_space<semaphore_mem>>) src(%dma_wait3A_401 : memref<10000x16xf32, #tpu.memory_space<hbm>>) dst(%dma_wait3A_395 : memref<128x16xf32, #tpu.memory_space<vmem>>)
      %add3A_404 = arith.constant 5 : i32
      %add3A_405 = arith.addi %add3A_227, %add3A_404 : i32
      %dma_start3A_406 = arith.constant 5 : i32
      %dma_start3A_407 = arith.constant 5 : i32
      %dma_start3A_408 = arith.constant 0 : i32
      %dma_start3A_409 = arith.constant 0 : i32
      %dma_start3A_410 = tpu.memref_slice %arg8[%dma_start3A_406, %dma_start3A_408, %dma_start3A_409] : memref<6x128x16xf32, #tpu.memory_space<vmem>> -> memref<1x128x16xf32, #tpu.memory_space<vmem>>
      %dma_start3A_411 = tpu.memref_squeeze %dma_start3A_410 : memref<1x128x16xf32, #tpu.memory_space<vmem>> -> memref<128x16xf32, #tpu.memory_space<vmem>>
      %dma_start3A_412 = arith.constant 0 : i32
      %dma_start3A_413 = tpu.memref_slice %arg7[%add3A_405, %dma_start3A_412] : memref<79x128xi32, #tpu.memory_space<vmem>> -> memref<1x128xi32, #tpu.memory_space<vmem>>
      %dma_start3A_414 = tpu.memref_squeeze %dma_start3A_413 : memref<1x128xi32, #tpu.memory_space<vmem>> -> memref<128xi32, #tpu.memory_space<vmem>>
      %dma_start3A_415 = arith.constant 0 : i32
      %dma_start3A_416 = arith.constant 0 : i32
      %dma_start3A_417 = tpu.memref_slice %arg11[%dma_start3A_415, %dma_start3A_416] : memref<10000x16xf32, #tpu.memory_space<vmem_shared>> -> memref<10000x16xf32, #tpu.memory_space<vmem_shared>>
      %dma_start3A_418 = tpu.memref_slice %arg10[%dma_start3A_407] : memref<6x!tpu.dma_semaphore, #tpu.memory_space<semaphore_mem>> -> memref<1x!tpu.dma_semaphore, #tpu.memory_space<semaphore_mem>>
      %dma_start3A_419 = tpu.memref_squeeze %dma_start3A_418 : memref<1x!tpu.dma_semaphore, #tpu.memory_space<semaphore_mem>> -> memref<!tpu.dma_semaphore, #tpu.memory_space<semaphore_mem>>
      tpu.enqueue_indirect_dma source(%dma_start3A_411 : memref<128x16xf32, #tpu.memory_space<vmem>>) target(%dma_start3A_417 : memref<10000x16xf32, #tpu.memory_space<vmem_shared>>) offsets(%dma_start3A_414 : memref<128xi32, #tpu.memory_space<vmem>>) semaphore(%dma_start3A_419 : memref<!tpu.dma_semaphore, #tpu.memory_space<semaphore_mem>>) {add = true}
      %add3A_420 = arith.constant 6 : i32
      %add3A_421 = arith.addi %add3A_227, %add3A_420 : i32
      %add3A_422 = arith.constant 0 : i32
      %add3A_423 = arith.addi %add3A_421, %add3A_422 : i32
      %lt3A_424 = arith.constant 78 : i32
      %lt3A_425 = arith.cmpi slt, %add3A_423, %lt3A_424 : i32
      %convert_element_type3A_426 = arith.extui %lt3A_425 : i1 to i32
      %cond3A_427 = arith.constant 0 : i32
      %cond3A_428 = arith.constant 0 : i32
      %cond3A_429 = arith.constant 0 : i32
      %cond3A_430 = arith.cmpi ne, %convert_element_type3A_426, %cond3A_429 : i32
      scf.if %cond3A_430 {
        %dma_wait3A_486 = arith.constant 0 : i32
        %dma_wait3A_487 = arith.constant 0 : i32
        %dma_wait3A_488 = tpu.memref_slice %arg8[%cond3A_427, %dma_wait3A_486, %dma_wait3A_487] : memref<6x128x16xf32, #tpu.memory_space<vmem>> -> memref<1x128x16xf32, #tpu.memory_space<vmem>>
        %dma_wait3A_489 = tpu.memref_squeeze %dma_wait3A_488 : memref<1x128x16xf32, #tpu.memory_space<vmem>> -> memref<128x16xf32, #tpu.memory_space<vmem>>
        %dma_wait3A_490 = arith.constant 0 : i32
        %dma_wait3A_491 = tpu.memref_slice %arg7[%add3A_245, %dma_wait3A_490] : memref<79x128xi32, #tpu.memory_space<vmem>> -> memref<1x128xi32, #tpu.memory_space<vmem>>
        %dma_wait3A_492 = tpu.memref_squeeze %dma_wait3A_491 : memref<1x128xi32, #tpu.memory_space<vmem>> -> memref<128xi32, #tpu.memory_space<vmem>>
        %dma_wait3A_493 = arith.constant 0 : i32
        %dma_wait3A_494 = arith.constant 0 : i32
        %dma_wait3A_495 = tpu.memref_slice %arg11[%dma_wait3A_493, %dma_wait3A_494] : memref<10000x16xf32, #tpu.memory_space<vmem_shared>> -> memref<10000x16xf32, #tpu.memory_space<vmem_shared>>
        %dma_wait3A_496 = tpu.memref_slice %arg10[%cond3A_428] : memref<6x!tpu.dma_semaphore, #tpu.memory_space<semaphore_mem>> -> memref<1x!tpu.dma_semaphore, #tpu.memory_space<semaphore_mem>>
        %dma_wait3A_497 = tpu.memref_squeeze %dma_wait3A_496 : memref<1x!tpu.dma_semaphore, #tpu.memory_space<semaphore_mem>> -> memref<!tpu.dma_semaphore, #tpu.memory_space<semaphore_mem>>
        tpu.wait_indirect_dma semaphore(%dma_wait3A_497 : memref<!tpu.dma_semaphore, #tpu.memory_space<semaphore_mem>>) src(%dma_wait3A_489 : memref<128x16xf32, #tpu.memory_space<vmem>>) dst(%dma_wait3A_495 : memref<10000x16xf32, #tpu.memory_space<vmem_shared>>)
        %add3A_498 = arith.constant 6 : i32
        %add3A_499 = arith.addi %add3A_227, %add3A_498 : i32
        %add3A_500 = arith.constant 0 : i32
        %add3A_501 = arith.addi %add3A_499, %add3A_500 : i32
        %dma_start3A_502 = arith.constant 0 : i32
        %dma_start3A_503 = arith.constant 0 : i32
        %dma_start3A_504 = arith.constant 0 : i32
        %dma_start3A_505 = arith.constant 0 : i32
        %dma_start3A_506 = tpu.memref_slice %arg8[%dma_start3A_502, %dma_start3A_504, %dma_start3A_505] : memref<6x128x16xf32, #tpu.memory_space<vmem>> -> memref<1x128x16xf32, #tpu.memory_space<vmem>>
        %dma_start3A_507 = tpu.memref_squeeze %dma_start3A_506 : memref<1x128x16xf32, #tpu.memory_space<vmem>> -> memref<128x16xf32, #tpu.memory_space<vmem>>
        %dma_start3A_508 = arith.constant 0 : i32
        %dma_start3A_509 = tpu.memref_slice %arg6[%add3A_501, %dma_start3A_508] : memref<79x128xi32, #tpu.memory_space<vmem>> -> memref<1x128xi32, #tpu.memory_space<vmem>>
        %dma_start3A_510 = tpu.memref_squeeze %dma_start3A_509 : memref<1x128xi32, #tpu.memory_space<vmem>> -> memref<128xi32, #tpu.memory_space<vmem>>
        %dma_start3A_511 = arith.constant 0 : i32
        %dma_start3A_512 = arith.constant 0 : i32
        %dma_start3A_513 = tpu.memref_slice %arg2[%dma_start3A_511, %dma_start3A_512] : memref<10000x16xf32, #tpu.memory_space<hbm>> -> memref<10000x16xf32, #tpu.memory_space<hbm>>
        %dma_start3A_514 = tpu.memref_slice %arg9[%dma_start3A_503] : memref<6x!tpu.dma_semaphore, #tpu.memory_space<semaphore_mem>> -> memref<1x!tpu.dma_semaphore, #tpu.memory_space<semaphore_mem>>
        %dma_start3A_515 = tpu.memref_squeeze %dma_start3A_514 : memref<1x!tpu.dma_semaphore, #tpu.memory_space<semaphore_mem>> -> memref<!tpu.dma_semaphore, #tpu.memory_space<semaphore_mem>>
        tpu.enqueue_indirect_dma source(%dma_start3A_513 : memref<10000x16xf32, #tpu.memory_space<hbm>>) target(%dma_start3A_507 : memref<128x16xf32, #tpu.memory_space<vmem>>) offsets(%dma_start3A_510 : memref<128xi32, #tpu.memory_space<vmem>>) semaphore(%dma_start3A_515 : memref<!tpu.dma_semaphore, #tpu.memory_space<semaphore_mem>>)
      } else {
      }
      %add3A_431 = arith.constant 6 : i32
      %add3A_432 = arith.addi %add3A_227, %add3A_431 : i32
      %add3A_433 = arith.constant 1 : i32
      %add3A_434 = arith.addi %add3A_432, %add3A_433 : i32
      %lt3A_435 = arith.constant 78 : i32
      %lt3A_436 = arith.cmpi slt, %add3A_434, %lt3A_435 : i32
      %convert_element_type3A_437 = arith.extui %lt3A_436 : i1 to i32
      %cond3A_438 = arith.constant 1 : i32
      %cond3A_439 = arith.constant 1 : i32
      %cond3A_440 = arith.constant 0 : i32
      %cond3A_441 = arith.cmpi ne, %convert_element_type3A_437, %cond3A_440 : i32
      scf.if %cond3A_441 {
        %dma_wait3A_486 = arith.constant 0 : i32
        %dma_wait3A_487 = arith.constant 0 : i32
        %dma_wait3A_488 = tpu.memref_slice %arg8[%cond3A_438, %dma_wait3A_486, %dma_wait3A_487] : memref<6x128x16xf32, #tpu.memory_space<vmem>> -> memref<1x128x16xf32, #tpu.memory_space<vmem>>
        %dma_wait3A_489 = tpu.memref_squeeze %dma_wait3A_488 : memref<1x128x16xf32, #tpu.memory_space<vmem>> -> memref<128x16xf32, #tpu.memory_space<vmem>>
        %dma_wait3A_490 = arith.constant 0 : i32
        %dma_wait3A_491 = tpu.memref_slice %arg7[%add3A_277, %dma_wait3A_490] : memref<79x128xi32, #tpu.memory_space<vmem>> -> memref<1x128xi32, #tpu.memory_space<vmem>>
        %dma_wait3A_492 = tpu.memref_squeeze %dma_wait3A_491 : memref<1x128xi32, #tpu.memory_space<vmem>> -> memref<128xi32, #tpu.memory_space<vmem>>
        %dma_wait3A_493 = arith.constant 0 : i32
        %dma_wait3A_494 = arith.constant 0 : i32
        %dma_wait3A_495 = tpu.memref_slice %arg11[%dma_wait3A_493, %dma_wait3A_494] : memref<10000x16xf32, #tpu.memory_space<vmem_shared>> -> memref<10000x16xf32, #tpu.memory_space<vmem_shared>>
        %dma_wait3A_496 = tpu.memref_slice %arg10[%cond3A_439] : memref<6x!tpu.dma_semaphore, #tpu.memory_space<semaphore_mem>> -> memref<1x!tpu.dma_semaphore, #tpu.memory_space<semaphore_mem>>
        %dma_wait3A_497 = tpu.memref_squeeze %dma_wait3A_496 : memref<1x!tpu.dma_semaphore, #tpu.memory_space<semaphore_mem>> -> memref<!tpu.dma_semaphore, #tpu.memory_space<semaphore_mem>>
        tpu.wait_indirect_dma semaphore(%dma_wait3A_497 : memref<!tpu.dma_semaphore, #tpu.memory_space<semaphore_mem>>) src(%dma_wait3A_489 : memref<128x16xf32, #tpu.memory_space<vmem>>) dst(%dma_wait3A_495 : memref<10000x16xf32, #tpu.memory_space<vmem_shared>>)
        %add3A_498 = arith.constant 6 : i32
        %add3A_499 = arith.addi %add3A_227, %add3A_498 : i32
        %add3A_500 = arith.constant 1 : i32
        %add3A_501 = arith.addi %add3A_499, %add3A_500 : i32
        %dma_start3A_502 = arith.constant 1 : i32
        %dma_start3A_503 = arith.constant 1 : i32
        %dma_start3A_504 = arith.constant 0 : i32
        %dma_start3A_505 = arith.constant 0 : i32
        %dma_start3A_506 = tpu.memref_slice %arg8[%dma_start3A_502, %dma_start3A_504, %dma_start3A_505] : memref<6x128x16xf32, #tpu.memory_space<vmem>> -> memref<1x128x16xf32, #tpu.memory_space<vmem>>
        %dma_start3A_507 = tpu.memref_squeeze %dma_start3A_506 : memref<1x128x16xf32, #tpu.memory_space<vmem>> -> memref<128x16xf32, #tpu.memory_space<vmem>>
        %dma_start3A_508 = arith.constant 0 : i32
        %dma_start3A_509 = tpu.memref_slice %arg6[%add3A_501, %dma_start3A_508] : memref<79x128xi32, #tpu.memory_space<vmem>> -> memref<1x128xi32, #tpu.memory_space<vmem>>
        %dma_start3A_510 = tpu.memref_squeeze %dma_start3A_509 : memref<1x128xi32, #tpu.memory_space<vmem>> -> memref<128xi32, #tpu.memory_space<vmem>>
        %dma_start3A_511 = arith.constant 0 : i32
        %dma_start3A_512 = arith.constant 0 : i32
        %dma_start3A_513 = tpu.memref_slice %arg2[%dma_start3A_511, %dma_start3A_512] : memref<10000x16xf32, #tpu.memory_space<hbm>> -> memref<10000x16xf32, #tpu.memory_space<hbm>>
        %dma_start3A_514 = tpu.memref_slice %arg9[%dma_start3A_503] : memref<6x!tpu.dma_semaphore, #tpu.memory_space<semaphore_mem>> -> memref<1x!tpu.dma_semaphore, #tpu.memory_space<semaphore_mem>>
        %dma_start3A_515 = tpu.memref_squeeze %dma_start3A_514 : memref<1x!tpu.dma_semaphore, #tpu.memory_space<semaphore_mem>> -> memref<!tpu.dma_semaphore, #tpu.memory_space<semaphore_mem>>
        tpu.enqueue_indirect_dma source(%dma_start3A_513 : memref<10000x16xf32, #tpu.memory_space<hbm>>) target(%dma_start3A_507 : memref<128x16xf32, #tpu.memory_space<vmem>>) offsets(%dma_start3A_510 : memref<128xi32, #tpu.memory_space<vmem>>) semaphore(%dma_start3A_515 : memref<!tpu.dma_semaphore, #tpu.memory_space<semaphore_mem>>)
      } else {
      }
      %add3A_442 = arith.constant 6 : i32
      %add3A_443 = arith.addi %add3A_227, %add3A_442 : i32
      %add3A_444 = arith.constant 2 : i32
      %add3A_445 = arith.addi %add3A_443, %add3A_444 : i32
      %lt3A_446 = arith.constant 78 : i32
      %lt3A_447 = arith.cmpi slt, %add3A_445, %lt3A_446 : i32
      %convert_element_type3A_448 = arith.extui %lt3A_447 : i1 to i32
      %cond3A_449 = arith.constant 2 : i32
      %cond3A_450 = arith.constant 2 : i32
      %cond3A_451 = arith.constant 0 : i32
      %cond3A_452 = arith.cmpi ne, %convert_element_type3A_448, %cond3A_451 : i32
      scf.if %cond3A_452 {
        %dma_wait3A_486 = arith.constant 0 : i32
        %dma_wait3A_487 = arith.constant 0 : i32
        %dma_wait3A_488 = tpu.memref_slice %arg8[%cond3A_449, %dma_wait3A_486, %dma_wait3A_487] : memref<6x128x16xf32, #tpu.memory_space<vmem>> -> memref<1x128x16xf32, #tpu.memory_space<vmem>>
        %dma_wait3A_489 = tpu.memref_squeeze %dma_wait3A_488 : memref<1x128x16xf32, #tpu.memory_space<vmem>> -> memref<128x16xf32, #tpu.memory_space<vmem>>
        %dma_wait3A_490 = arith.constant 0 : i32
        %dma_wait3A_491 = tpu.memref_slice %arg7[%add3A_309, %dma_wait3A_490] : memref<79x128xi32, #tpu.memory_space<vmem>> -> memref<1x128xi32, #tpu.memory_space<vmem>>
        %dma_wait3A_492 = tpu.memref_squeeze %dma_wait3A_491 : memref<1x128xi32, #tpu.memory_space<vmem>> -> memref<128xi32, #tpu.memory_space<vmem>>
        %dma_wait3A_493 = arith.constant 0 : i32
        %dma_wait3A_494 = arith.constant 0 : i32
        %dma_wait3A_495 = tpu.memref_slice %arg11[%dma_wait3A_493, %dma_wait3A_494] : memref<10000x16xf32, #tpu.memory_space<vmem_shared>> -> memref<10000x16xf32, #tpu.memory_space<vmem_shared>>
        %dma_wait3A_496 = tpu.memref_slice %arg10[%cond3A_450] : memref<6x!tpu.dma_semaphore, #tpu.memory_space<semaphore_mem>> -> memref<1x!tpu.dma_semaphore, #tpu.memory_space<semaphore_mem>>
        %dma_wait3A_497 = tpu.memref_squeeze %dma_wait3A_496 : memref<1x!tpu.dma_semaphore, #tpu.memory_space<semaphore_mem>> -> memref<!tpu.dma_semaphore, #tpu.memory_space<semaphore_mem>>
        tpu.wait_indirect_dma semaphore(%dma_wait3A_497 : memref<!tpu.dma_semaphore, #tpu.memory_space<semaphore_mem>>) src(%dma_wait3A_489 : memref<128x16xf32, #tpu.memory_space<vmem>>) dst(%dma_wait3A_495 : memref<10000x16xf32, #tpu.memory_space<vmem_shared>>)
        %add3A_498 = arith.constant 6 : i32
        %add3A_499 = arith.addi %add3A_227, %add3A_498 : i32
        %add3A_500 = arith.constant 2 : i32
        %add3A_501 = arith.addi %add3A_499, %add3A_500 : i32
        %dma_start3A_502 = arith.constant 2 : i32
        %dma_start3A_503 = arith.constant 2 : i32
        %dma_start3A_504 = arith.constant 0 : i32
        %dma_start3A_505 = arith.constant 0 : i32
        %dma_start3A_506 = tpu.memref_slice %arg8[%dma_start3A_502, %dma_start3A_504, %dma_start3A_505] : memref<6x128x16xf32, #tpu.memory_space<vmem>> -> memref<1x128x16xf32, #tpu.memory_space<vmem>>
        %dma_start3A_507 = tpu.memref_squeeze %dma_start3A_506 : memref<1x128x16xf32, #tpu.memory_space<vmem>> -> memref<128x16xf32, #tpu.memory_space<vmem>>
        %dma_start3A_508 = arith.constant 0 : i32
        %dma_start3A_509 = tpu.memref_slice %arg6[%add3A_501, %dma_start3A_508] : memref<79x128xi32, #tpu.memory_space<vmem>> -> memref<1x128xi32, #tpu.memory_space<vmem>>
        %dma_start3A_510 = tpu.memref_squeeze %dma_start3A_509 : memref<1x128xi32, #tpu.memory_space<vmem>> -> memref<128xi32, #tpu.memory_space<vmem>>
        %dma_start3A_511 = arith.constant 0 : i32
        %dma_start3A_512 = arith.constant 0 : i32
        %dma_start3A_513 = tpu.memref_slice %arg2[%dma_start3A_511, %dma_start3A_512] : memref<10000x16xf32, #tpu.memory_space<hbm>> -> memref<10000x16xf32, #tpu.memory_space<hbm>>
        %dma_start3A_514 = tpu.memref_slice %arg9[%dma_start3A_503] : memref<6x!tpu.dma_semaphore, #tpu.memory_space<semaphore_mem>> -> memref<1x!tpu.dma_semaphore, #tpu.memory_space<semaphore_mem>>
        %dma_start3A_515 = tpu.memref_squeeze %dma_start3A_514 : memref<1x!tpu.dma_semaphore, #tpu.memory_space<semaphore_mem>> -> memref<!tpu.dma_semaphore, #tpu.memory_space<semaphore_mem>>
        tpu.enqueue_indirect_dma source(%dma_start3A_513 : memref<10000x16xf32, #tpu.memory_space<hbm>>) target(%dma_start3A_507 : memref<128x16xf32, #tpu.memory_space<vmem>>) offsets(%dma_start3A_510 : memref<128xi32, #tpu.memory_space<vmem>>) semaphore(%dma_start3A_515 : memref<!tpu.dma_semaphore, #tpu.memory_space<semaphore_mem>>)
      } else {
      }
      %add3A_453 = arith.constant 6 : i32
      %add3A_454 = arith.addi %add3A_227, %add3A_453 : i32
      %add3A_455 = arith.constant 3 : i32
      %add3A_456 = arith.addi %add3A_454, %add3A_455 : i32
      %lt3A_457 = arith.constant 78 : i32
      %lt3A_458 = arith.cmpi slt, %add3A_456, %lt3A_457 : i32
      %convert_element_type3A_459 = arith.extui %lt3A_458 : i1 to i32
      %cond3A_460 = arith.constant 3 : i32
      %cond3A_461 = arith.constant 3 : i32
      %cond3A_462 = arith.constant 0 : i32
      %cond3A_463 = arith.cmpi ne, %convert_element_type3A_459, %cond3A_462 : i32
      scf.if %cond3A_463 {
        %dma_wait3A_486 = arith.constant 0 : i32
        %dma_wait3A_487 = arith.constant 0 : i32
        %dma_wait3A_488 = tpu.memref_slice %arg8[%cond3A_460, %dma_wait3A_486, %dma_wait3A_487] : memref<6x128x16xf32, #tpu.memory_space<vmem>> -> memref<1x128x16xf32, #tpu.memory_space<vmem>>
        %dma_wait3A_489 = tpu.memref_squeeze %dma_wait3A_488 : memref<1x128x16xf32, #tpu.memory_space<vmem>> -> memref<128x16xf32, #tpu.memory_space<vmem>>
        %dma_wait3A_490 = arith.constant 0 : i32
        %dma_wait3A_491 = tpu.memref_slice %arg7[%add3A_341, %dma_wait3A_490] : memref<79x128xi32, #tpu.memory_space<vmem>> -> memref<1x128xi32, #tpu.memory_space<vmem>>
        %dma_wait3A_492 = tpu.memref_squeeze %dma_wait3A_491 : memref<1x128xi32, #tpu.memory_space<vmem>> -> memref<128xi32, #tpu.memory_space<vmem>>
        %dma_wait3A_493 = arith.constant 0 : i32
        %dma_wait3A_494 = arith.constant 0 : i32
        %dma_wait3A_495 = tpu.memref_slice %arg11[%dma_wait3A_493, %dma_wait3A_494] : memref<10000x16xf32, #tpu.memory_space<vmem_shared>> -> memref<10000x16xf32, #tpu.memory_space<vmem_shared>>
        %dma_wait3A_496 = tpu.memref_slice %arg10[%cond3A_461] : memref<6x!tpu.dma_semaphore, #tpu.memory_space<semaphore_mem>> -> memref<1x!tpu.dma_semaphore, #tpu.memory_space<semaphore_mem>>
        %dma_wait3A_497 = tpu.memref_squeeze %dma_wait3A_496 : memref<1x!tpu.dma_semaphore, #tpu.memory_space<semaphore_mem>> -> memref<!tpu.dma_semaphore, #tpu.memory_space<semaphore_mem>>
        tpu.wait_indirect_dma semaphore(%dma_wait3A_497 : memref<!tpu.dma_semaphore, #tpu.memory_space<semaphore_mem>>) src(%dma_wait3A_489 : memref<128x16xf32, #tpu.memory_space<vmem>>) dst(%dma_wait3A_495 : memref<10000x16xf32, #tpu.memory_space<vmem_shared>>)
        %add3A_498 = arith.constant 6 : i32
        %add3A_499 = arith.addi %add3A_227, %add3A_498 : i32
        %add3A_500 = arith.constant 3 : i32
        %add3A_501 = arith.addi %add3A_499, %add3A_500 : i32
        %dma_start3A_502 = arith.constant 3 : i32
        %dma_start3A_503 = arith.constant 3 : i32
        %dma_start3A_504 = arith.constant 0 : i32
        %dma_start3A_505 = arith.constant 0 : i32
        %dma_start3A_506 = tpu.memref_slice %arg8[%dma_start3A_502, %dma_start3A_504, %dma_start3A_505] : memref<6x128x16xf32, #tpu.memory_space<vmem>> -> memref<1x128x16xf32, #tpu.memory_space<vmem>>
        %dma_start3A_507 = tpu.memref_squeeze %dma_start3A_506 : memref<1x128x16xf32, #tpu.memory_space<vmem>> -> memref<128x16xf32, #tpu.memory_space<vmem>>
        %dma_start3A_508 = arith.constant 0 : i32
        %dma_start3A_509 = tpu.memref_slice %arg6[%add3A_501, %dma_start3A_508] : memref<79x128xi32, #tpu.memory_space<vmem>> -> memref<1x128xi32, #tpu.memory_space<vmem>>
        %dma_start3A_510 = tpu.memref_squeeze %dma_start3A_509 : memref<1x128xi32, #tpu.memory_space<vmem>> -> memref<128xi32, #tpu.memory_space<vmem>>
        %dma_start3A_511 = arith.constant 0 : i32
        %dma_start3A_512 = arith.constant 0 : i32
        %dma_start3A_513 = tpu.memref_slice %arg2[%dma_start3A_511, %dma_start3A_512] : memref<10000x16xf32, #tpu.memory_space<hbm>> -> memref<10000x16xf32, #tpu.memory_space<hbm>>
        %dma_start3A_514 = tpu.memref_slice %arg9[%dma_start3A_503] : memref<6x!tpu.dma_semaphore, #tpu.memory_space<semaphore_mem>> -> memref<1x!tpu.dma_semaphore, #tpu.memory_space<semaphore_mem>>
        %dma_start3A_515 = tpu.memref_squeeze %dma_start3A_514 : memref<1x!tpu.dma_semaphore, #tpu.memory_space<semaphore_mem>> -> memref<!tpu.dma_semaphore, #tpu.memory_space<semaphore_mem>>
        tpu.enqueue_indirect_dma source(%dma_start3A_513 : memref<10000x16xf32, #tpu.memory_space<hbm>>) target(%dma_start3A_507 : memref<128x16xf32, #tpu.memory_space<vmem>>) offsets(%dma_start3A_510 : memref<128xi32, #tpu.memory_space<vmem>>) semaphore(%dma_start3A_515 : memref<!tpu.dma_semaphore, #tpu.memory_space<semaphore_mem>>)
      } else {
      }
      %add3A_464 = arith.constant 6 : i32
      %add3A_465 = arith.addi %add3A_227, %add3A_464 : i32
      %add3A_466 = arith.constant 4 : i32
      %add3A_467 = arith.addi %add3A_465, %add3A_466 : i32
      %lt3A_468 = arith.constant 78 : i32
      %lt3A_469 = arith.cmpi slt, %add3A_467, %lt3A_468 : i32
      %convert_element_type3A_470 = arith.extui %lt3A_469 : i1 to i32
      %cond3A_471 = arith.constant 4 : i32
      %cond3A_472 = arith.constant 4 : i32
      %cond3A_473 = arith.constant 0 : i32
      %cond3A_474 = arith.cmpi ne, %convert_element_type3A_470, %cond3A_473 : i32
      scf.if %cond3A_474 {
        %dma_wait3A_486 = arith.constant 0 : i32
        %dma_wait3A_487 = arith.constant 0 : i32
        %dma_wait3A_488 = tpu.memref_slice %arg8[%cond3A_471, %dma_wait3A_486, %dma_wait3A_487] : memref<6x128x16xf32, #tpu.memory_space<vmem>> -> memref<1x128x16xf32, #tpu.memory_space<vmem>>
        %dma_wait3A_489 = tpu.memref_squeeze %dma_wait3A_488 : memref<1x128x16xf32, #tpu.memory_space<vmem>> -> memref<128x16xf32, #tpu.memory_space<vmem>>
        %dma_wait3A_490 = arith.constant 0 : i32
        %dma_wait3A_491 = tpu.memref_slice %arg7[%add3A_373, %dma_wait3A_490] : memref<79x128xi32, #tpu.memory_space<vmem>> -> memref<1x128xi32, #tpu.memory_space<vmem>>
        %dma_wait3A_492 = tpu.memref_squeeze %dma_wait3A_491 : memref<1x128xi32, #tpu.memory_space<vmem>> -> memref<128xi32, #tpu.memory_space<vmem>>
        %dma_wait3A_493 = arith.constant 0 : i32
        %dma_wait3A_494 = arith.constant 0 : i32
        %dma_wait3A_495 = tpu.memref_slice %arg11[%dma_wait3A_493, %dma_wait3A_494] : memref<10000x16xf32, #tpu.memory_space<vmem_shared>> -> memref<10000x16xf32, #tpu.memory_space<vmem_shared>>
        %dma_wait3A_496 = tpu.memref_slice %arg10[%cond3A_472] : memref<6x!tpu.dma_semaphore, #tpu.memory_space<semaphore_mem>> -> memref<1x!tpu.dma_semaphore, #tpu.memory_space<semaphore_mem>>
        %dma_wait3A_497 = tpu.memref_squeeze %dma_wait3A_496 : memref<1x!tpu.dma_semaphore, #tpu.memory_space<semaphore_mem>> -> memref<!tpu.dma_semaphore, #tpu.memory_space<semaphore_mem>>
        tpu.wait_indirect_dma semaphore(%dma_wait3A_497 : memref<!tpu.dma_semaphore, #tpu.memory_space<semaphore_mem>>) src(%dma_wait3A_489 : memref<128x16xf32, #tpu.memory_space<vmem>>) dst(%dma_wait3A_495 : memref<10000x16xf32, #tpu.memory_space<vmem_shared>>)
        %add3A_498 = arith.constant 6 : i32
        %add3A_499 = arith.addi %add3A_227, %add3A_498 : i32
        %add3A_500 = arith.constant 4 : i32
        %add3A_501 = arith.addi %add3A_499, %add3A_500 : i32
        %dma_start3A_502 = arith.constant 4 : i32
        %dma_start3A_503 = arith.constant 4 : i32
        %dma_start3A_504 = arith.constant 0 : i32
        %dma_start3A_505 = arith.constant 0 : i32
        %dma_start3A_506 = tpu.memref_slice %arg8[%dma_start3A_502, %dma_start3A_504, %dma_start3A_505] : memref<6x128x16xf32, #tpu.memory_space<vmem>> -> memref<1x128x16xf32, #tpu.memory_space<vmem>>
        %dma_start3A_507 = tpu.memref_squeeze %dma_start3A_506 : memref<1x128x16xf32, #tpu.memory_space<vmem>> -> memref<128x16xf32, #tpu.memory_space<vmem>>
        %dma_start3A_508 = arith.constant 0 : i32
        %dma_start3A_509 = tpu.memref_slice %arg6[%add3A_501, %dma_start3A_508] : memref<79x128xi32, #tpu.memory_space<vmem>> -> memref<1x128xi32, #tpu.memory_space<vmem>>
        %dma_start3A_510 = tpu.memref_squeeze %dma_start3A_509 : memref<1x128xi32, #tpu.memory_space<vmem>> -> memref<128xi32, #tpu.memory_space<vmem>>
        %dma_start3A_511 = arith.constant 0 : i32
        %dma_start3A_512 = arith.constant 0 : i32
        %dma_start3A_513 = tpu.memref_slice %arg2[%dma_start3A_511, %dma_start3A_512] : memref<10000x16xf32, #tpu.memory_space<hbm>> -> memref<10000x16xf32, #tpu.memory_space<hbm>>
        %dma_start3A_514 = tpu.memref_slice %arg9[%dma_start3A_503] : memref<6x!tpu.dma_semaphore, #tpu.memory_space<semaphore_mem>> -> memref<1x!tpu.dma_semaphore, #tpu.memory_space<semaphore_mem>>
        %dma_start3A_515 = tpu.memref_squeeze %dma_start3A_514 : memref<1x!tpu.dma_semaphore, #tpu.memory_space<semaphore_mem>> -> memref<!tpu.dma_semaphore, #tpu.memory_space<semaphore_mem>>
        tpu.enqueue_indirect_dma source(%dma_start3A_513 : memref<10000x16xf32, #tpu.memory_space<hbm>>) target(%dma_start3A_507 : memref<128x16xf32, #tpu.memory_space<vmem>>) offsets(%dma_start3A_510 : memref<128xi32, #tpu.memory_space<vmem>>) semaphore(%dma_start3A_515 : memref<!tpu.dma_semaphore, #tpu.memory_space<semaphore_mem>>)
      } else {
      }
      %add3A_475 = arith.constant 6 : i32
      %add3A_476 = arith.addi %add3A_227, %add3A_475 : i32
      %add3A_477 = arith.constant 5 : i32
      %add3A_478 = arith.addi %add3A_476, %add3A_477 : i32
      %lt3A_479 = arith.constant 78 : i32
      %lt3A_480 = arith.cmpi slt, %add3A_478, %lt3A_479 : i32
      %convert_element_type3A_481 = arith.extui %lt3A_480 : i1 to i32
      %cond3A_482 = arith.constant 5 : i32
      %cond3A_483 = arith.constant 5 : i32
      %cond3A_484 = arith.constant 0 : i32
      %cond3A_485 = arith.cmpi ne, %convert_element_type3A_481, %cond3A_484 : i32
      scf.if %cond3A_485 {
        %dma_wait3A_486 = arith.constant 0 : i32
        %dma_wait3A_487 = arith.constant 0 : i32
        %dma_wait3A_488 = tpu.memref_slice %arg8[%cond3A_482, %dma_wait3A_486, %dma_wait3A_487] : memref<6x128x16xf32, #tpu.memory_space<vmem>> -> memref<1x128x16xf32, #tpu.memory_space<vmem>>
        %dma_wait3A_489 = tpu.memref_squeeze %dma_wait3A_488 : memref<1x128x16xf32, #tpu.memory_space<vmem>> -> memref<128x16xf32, #tpu.memory_space<vmem>>
        %dma_wait3A_490 = arith.constant 0 : i32
        %dma_wait3A_491 = tpu.memref_slice %arg7[%add3A_405, %dma_wait3A_490] : memref<79x128xi32, #tpu.memory_space<vmem>> -> memref<1x128xi32, #tpu.memory_space<vmem>>
        %dma_wait3A_492 = tpu.memref_squeeze %dma_wait3A_491 : memref<1x128xi32, #tpu.memory_space<vmem>> -> memref<128xi32, #tpu.memory_space<vmem>>
        %dma_wait3A_493 = arith.constant 0 : i32
        %dma_wait3A_494 = arith.constant 0 : i32
        %dma_wait3A_495 = tpu.memref_slice %arg11[%dma_wait3A_493, %dma_wait3A_494] : memref<10000x16xf32, #tpu.memory_space<vmem_shared>> -> memref<10000x16xf32, #tpu.memory_space<vmem_shared>>
        %dma_wait3A_496 = tpu.memref_slice %arg10[%cond3A_483] : memref<6x!tpu.dma_semaphore, #tpu.memory_space<semaphore_mem>> -> memref<1x!tpu.dma_semaphore, #tpu.memory_space<semaphore_mem>>
        %dma_wait3A_497 = tpu.memref_squeeze %dma_wait3A_496 : memref<1x!tpu.dma_semaphore, #tpu.memory_space<semaphore_mem>> -> memref<!tpu.dma_semaphore, #tpu.memory_space<semaphore_mem>>
        tpu.wait_indirect_dma semaphore(%dma_wait3A_497 : memref<!tpu.dma_semaphore, #tpu.memory_space<semaphore_mem>>) src(%dma_wait3A_489 : memref<128x16xf32, #tpu.memory_space<vmem>>) dst(%dma_wait3A_495 : memref<10000x16xf32, #tpu.memory_space<vmem_shared>>)
        %add3A_498 = arith.constant 6 : i32
        %add3A_499 = arith.addi %add3A_227, %add3A_498 : i32
        %add3A_500 = arith.constant 5 : i32
        %add3A_501 = arith.addi %add3A_499, %add3A_500 : i32
        %dma_start3A_502 = arith.constant 5 : i32
        %dma_start3A_503 = arith.constant 5 : i32
        %dma_start3A_504 = arith.constant 0 : i32
        %dma_start3A_505 = arith.constant 0 : i32
        %dma_start3A_506 = tpu.memref_slice %arg8[%dma_start3A_502, %dma_start3A_504, %dma_start3A_505] : memref<6x128x16xf32, #tpu.memory_space<vmem>> -> memref<1x128x16xf32, #tpu.memory_space<vmem>>
        %dma_start3A_507 = tpu.memref_squeeze %dma_start3A_506 : memref<1x128x16xf32, #tpu.memory_space<vmem>> -> memref<128x16xf32, #tpu.memory_space<vmem>>
        %dma_start3A_508 = arith.constant 0 : i32
        %dma_start3A_509 = tpu.memref_slice %arg6[%add3A_501, %dma_start3A_508] : memref<79x128xi32, #tpu.memory_space<vmem>> -> memref<1x128xi32, #tpu.memory_space<vmem>>
        %dma_start3A_510 = tpu.memref_squeeze %dma_start3A_509 : memref<1x128xi32, #tpu.memory_space<vmem>> -> memref<128xi32, #tpu.memory_space<vmem>>
        %dma_start3A_511 = arith.constant 0 : i32
        %dma_start3A_512 = arith.constant 0 : i32
        %dma_start3A_513 = tpu.memref_slice %arg2[%dma_start3A_511, %dma_start3A_512] : memref<10000x16xf32, #tpu.memory_space<hbm>> -> memref<10000x16xf32, #tpu.memory_space<hbm>>
        %dma_start3A_514 = tpu.memref_slice %arg9[%dma_start3A_503] : memref<6x!tpu.dma_semaphore, #tpu.memory_space<semaphore_mem>> -> memref<1x!tpu.dma_semaphore, #tpu.memory_space<semaphore_mem>>
        %dma_start3A_515 = tpu.memref_squeeze %dma_start3A_514 : memref<1x!tpu.dma_semaphore, #tpu.memory_space<semaphore_mem>> -> memref<!tpu.dma_semaphore, #tpu.memory_space<semaphore_mem>>
        tpu.enqueue_indirect_dma source(%dma_start3A_513 : memref<10000x16xf32, #tpu.memory_space<hbm>>) target(%dma_start3A_507 : memref<128x16xf32, #tpu.memory_space<vmem>>) offsets(%dma_start3A_510 : memref<128xi32, #tpu.memory_space<vmem>>) semaphore(%dma_start3A_515 : memref<!tpu.dma_semaphore, #tpu.memory_space<semaphore_mem>>)
      } else {
      }
    }
    %scan3A_113 = arith.constant 13 : i32
    %dma_wait3A = arith.constant 0 : i32
    %dma_wait3A_114 = arith.constant 72 : i32
    %dma_wait3A_115 = arith.constant 0 : i32
    %dma_wait3A_116 = arith.constant 0 : i32
    %dma_wait3A_117 = arith.constant 0 : i32
    %dma_wait3A_118 = tpu.memref_slice %arg8[%dma_wait3A, %dma_wait3A_116, %dma_wait3A_117] : memref<6x128x16xf32, #tpu.memory_space<vmem>> -> memref<1x128x16xf32, #tpu.memory_space<vmem>>
    %dma_wait3A_119 = tpu.memref_squeeze %dma_wait3A_118 : memref<1x128x16xf32, #tpu.memory_space<vmem>> -> memref<128x16xf32, #tpu.memory_space<vmem>>
    %dma_wait3A_120 = arith.constant 0 : i32
    %dma_wait3A_121 = tpu.memref_slice %arg7[%dma_wait3A_114, %dma_wait3A_120] : memref<79x128xi32, #tpu.memory_space<vmem>> -> memref<1x128xi32, #tpu.memory_space<vmem>>
    %dma_wait3A_122 = tpu.memref_squeeze %dma_wait3A_121 : memref<1x128xi32, #tpu.memory_space<vmem>> -> memref<128xi32, #tpu.memory_space<vmem>>
    %dma_wait3A_123 = arith.constant 0 : i32
    %dma_wait3A_124 = arith.constant 0 : i32
    %dma_wait3A_125 = tpu.memref_slice %arg11[%dma_wait3A_123, %dma_wait3A_124] : memref<10000x16xf32, #tpu.memory_space<vmem_shared>> -> memref<10000x16xf32, #tpu.memory_space<vmem_shared>>
    %dma_wait3A_126 = tpu.memref_slice %arg10[%dma_wait3A_115] : memref<6x!tpu.dma_semaphore, #tpu.memory_space<semaphore_mem>> -> memref<1x!tpu.dma_semaphore, #tpu.memory_space<semaphore_mem>>
    %dma_wait3A_127 = tpu.memref_squeeze %dma_wait3A_126 : memref<1x!tpu.dma_semaphore, #tpu.memory_space<semaphore_mem>> -> memref<!tpu.dma_semaphore, #tpu.memory_space<semaphore_mem>>
    tpu.wait_indirect_dma semaphore(%dma_wait3A_127 : memref<!tpu.dma_semaphore, #tpu.memory_space<semaphore_mem>>) src(%dma_wait3A_119 : memref<128x16xf32, #tpu.memory_space<vmem>>) dst(%dma_wait3A_125 : memref<10000x16xf32, #tpu.memory_space<vmem_shared>>)
    %dma_wait3A_128 = arith.constant 1 : i32
    %dma_wait3A_129 = arith.constant 73 : i32
    %dma_wait3A_130 = arith.constant 1 : i32
    %dma_wait3A_131 = arith.constant 0 : i32
    %dma_wait3A_132 = arith.constant 0 : i32
    %dma_wait3A_133 = tpu.memref_slice %arg8[%dma_wait3A_128, %dma_wait3A_131, %dma_wait3A_132] : memref<6x128x16xf32, #tpu.memory_space<vmem>> -> memref<1x128x16xf32, #tpu.memory_space<vmem>>
    %dma_wait3A_134 = tpu.memref_squeeze %dma_wait3A_133 : memref<1x128x16xf32, #tpu.memory_space<vmem>> -> memref<128x16xf32, #tpu.memory_space<vmem>>
    %dma_wait3A_135 = arith.constant 0 : i32
    %dma_wait3A_136 = tpu.memref_slice %arg7[%dma_wait3A_129, %dma_wait3A_135] : memref<79x128xi32, #tpu.memory_space<vmem>> -> memref<1x128xi32, #tpu.memory_space<vmem>>
    %dma_wait3A_137 = tpu.memref_squeeze %dma_wait3A_136 : memref<1x128xi32, #tpu.memory_space<vmem>> -> memref<128xi32, #tpu.memory_space<vmem>>
    %dma_wait3A_138 = arith.constant 0 : i32
    %dma_wait3A_139 = arith.constant 0 : i32
    %dma_wait3A_140 = tpu.memref_slice %arg11[%dma_wait3A_138, %dma_wait3A_139] : memref<10000x16xf32, #tpu.memory_space<vmem_shared>> -> memref<10000x16xf32, #tpu.memory_space<vmem_shared>>
    %dma_wait3A_141 = tpu.memref_slice %arg10[%dma_wait3A_130] : memref<6x!tpu.dma_semaphore, #tpu.memory_space<semaphore_mem>> -> memref<1x!tpu.dma_semaphore, #tpu.memory_space<semaphore_mem>>
    %dma_wait3A_142 = tpu.memref_squeeze %dma_wait3A_141 : memref<1x!tpu.dma_semaphore, #tpu.memory_space<semaphore_mem>> -> memref<!tpu.dma_semaphore, #tpu.memory_space<semaphore_mem>>
    tpu.wait_indirect_dma semaphore(%dma_wait3A_142 : memref<!tpu.dma_semaphore, #tpu.memory_space<semaphore_mem>>) src(%dma_wait3A_134 : memref<128x16xf32, #tpu.memory_space<vmem>>) dst(%dma_wait3A_140 : memref<10000x16xf32, #tpu.memory_space<vmem_shared>>)
    %dma_wait3A_143 = arith.constant 2 : i32
    %dma_wait3A_144 = arith.constant 74 : i32
    %dma_wait3A_145 = arith.constant 2 : i32
    %dma_wait3A_146 = arith.constant 0 : i32
    %dma_wait3A_147 = arith.constant 0 : i32
    %dma_wait3A_148 = tpu.memref_slice %arg8[%dma_wait3A_143, %dma_wait3A_146, %dma_wait3A_147] : memref<6x128x16xf32, #tpu.memory_space<vmem>> -> memref<1x128x16xf32, #tpu.memory_space<vmem>>
    %dma_wait3A_149 = tpu.memref_squeeze %dma_wait3A_148 : memref<1x128x16xf32, #tpu.memory_space<vmem>> -> memref<128x16xf32, #tpu.memory_space<vmem>>
    %dma_wait3A_150 = arith.constant 0 : i32
    %dma_wait3A_151 = tpu.memref_slice %arg7[%dma_wait3A_144, %dma_wait3A_150] : memref<79x128xi32, #tpu.memory_space<vmem>> -> memref<1x128xi32, #tpu.memory_space<vmem>>
    %dma_wait3A_152 = tpu.memref_squeeze %dma_wait3A_151 : memref<1x128xi32, #tpu.memory_space<vmem>> -> memref<128xi32, #tpu.memory_space<vmem>>
    %dma_wait3A_153 = arith.constant 0 : i32
    %dma_wait3A_154 = arith.constant 0 : i32
    %dma_wait3A_155 = tpu.memref_slice %arg11[%dma_wait3A_153, %dma_wait3A_154] : memref<10000x16xf32, #tpu.memory_space<vmem_shared>> -> memref<10000x16xf32, #tpu.memory_space<vmem_shared>>
    %dma_wait3A_156 = tpu.memref_slice %arg10[%dma_wait3A_145] : memref<6x!tpu.dma_semaphore, #tpu.memory_space<semaphore_mem>> -> memref<1x!tpu.dma_semaphore, #tpu.memory_space<semaphore_mem>>
    %dma_wait3A_157 = tpu.memref_squeeze %dma_wait3A_156 : memref<1x!tpu.dma_semaphore, #tpu.memory_space<semaphore_mem>> -> memref<!tpu.dma_semaphore, #tpu.memory_space<semaphore_mem>>
    tpu.wait_indirect_dma semaphore(%dma_wait3A_157 : memref<!tpu.dma_semaphore, #tpu.memory_space<semaphore_mem>>) src(%dma_wait3A_149 : memref<128x16xf32, #tpu.memory_space<vmem>>) dst(%dma_wait3A_155 : memref<10000x16xf32, #tpu.memory_space<vmem_shared>>)
    %dma_wait3A_158 = arith.constant 3 : i32
    %dma_wait3A_159 = arith.constant 75 : i32
    %dma_wait3A_160 = arith.constant 3 : i32
    %dma_wait3A_161 = arith.constant 0 : i32
    %dma_wait3A_162 = arith.constant 0 : i32
    %dma_wait3A_163 = tpu.memref_slice %arg8[%dma_wait3A_158, %dma_wait3A_161, %dma_wait3A_162] : memref<6x128x16xf32, #tpu.memory_space<vmem>> -> memref<1x128x16xf32, #tpu.memory_space<vmem>>
    %dma_wait3A_164 = tpu.memref_squeeze %dma_wait3A_163 : memref<1x128x16xf32, #tpu.memory_space<vmem>> -> memref<128x16xf32, #tpu.memory_space<vmem>>
    %dma_wait3A_165 = arith.constant 0 : i32
    %dma_wait3A_166 = tpu.memref_slice %arg7[%dma_wait3A_159, %dma_wait3A_165] : memref<79x128xi32, #tpu.memory_space<vmem>> -> memref<1x128xi32, #tpu.memory_space<vmem>>
    %dma_wait3A_167 = tpu.memref_squeeze %dma_wait3A_166 : memref<1x128xi32, #tpu.memory_space<vmem>> -> memref<128xi32, #tpu.memory_space<vmem>>
    %dma_wait3A_168 = arith.constant 0 : i32
    %dma_wait3A_169 = arith.constant 0 : i32
    %dma_wait3A_170 = tpu.memref_slice %arg11[%dma_wait3A_168, %dma_wait3A_169] : memref<10000x16xf32, #tpu.memory_space<vmem_shared>> -> memref<10000x16xf32, #tpu.memory_space<vmem_shared>>
    %dma_wait3A_171 = tpu.memref_slice %arg10[%dma_wait3A_160] : memref<6x!tpu.dma_semaphore, #tpu.memory_space<semaphore_mem>> -> memref<1x!tpu.dma_semaphore, #tpu.memory_space<semaphore_mem>>
    %dma_wait3A_172 = tpu.memref_squeeze %dma_wait3A_171 : memref<1x!tpu.dma_semaphore, #tpu.memory_space<semaphore_mem>> -> memref<!tpu.dma_semaphore, #tpu.memory_space<semaphore_mem>>
    tpu.wait_indirect_dma semaphore(%dma_wait3A_172 : memref<!tpu.dma_semaphore, #tpu.memory_space<semaphore_mem>>) src(%dma_wait3A_164 : memref<128x16xf32, #tpu.memory_space<vmem>>) dst(%dma_wait3A_170 : memref<10000x16xf32, #tpu.memory_space<vmem_shared>>)
    %dma_wait3A_173 = arith.constant 4 : i32
    %dma_wait3A_174 = arith.constant 76 : i32
    %dma_wait3A_175 = arith.constant 4 : i32
    %dma_wait3A_176 = arith.constant 0 : i32
    %dma_wait3A_177 = arith.constant 0 : i32
    %dma_wait3A_178 = tpu.memref_slice %arg8[%dma_wait3A_173, %dma_wait3A_176, %dma_wait3A_177] : memref<6x128x16xf32, #tpu.memory_space<vmem>> -> memref<1x128x16xf32, #tpu.memory_space<vmem>>
    %dma_wait3A_179 = tpu.memref_squeeze %dma_wait3A_178 : memref<1x128x16xf32, #tpu.memory_space<vmem>> -> memref<128x16xf32, #tpu.memory_space<vmem>>
    %dma_wait3A_180 = arith.constant 0 : i32
    %dma_wait3A_181 = tpu.memref_slice %arg7[%dma_wait3A_174, %dma_wait3A_180] : memref<79x128xi32, #tpu.memory_space<vmem>> -> memref<1x128xi32, #tpu.memory_space<vmem>>
    %dma_wait3A_182 = tpu.memref_squeeze %dma_wait3A_181 : memref<1x128xi32, #tpu.memory_space<vmem>> -> memref<128xi32, #tpu.memory_space<vmem>>
    %dma_wait3A_183 = arith.constant 0 : i32
    %dma_wait3A_184 = arith.constant 0 : i32
    %dma_wait3A_185 = tpu.memref_slice %arg11[%dma_wait3A_183, %dma_wait3A_184] : memref<10000x16xf32, #tpu.memory_space<vmem_shared>> -> memref<10000x16xf32, #tpu.memory_space<vmem_shared>>
    %dma_wait3A_186 = tpu.memref_slice %arg10[%dma_wait3A_175] : memref<6x!tpu.dma_semaphore, #tpu.memory_space<semaphore_mem>> -> memref<1x!tpu.dma_semaphore, #tpu.memory_space<semaphore_mem>>
    %dma_wait3A_187 = tpu.memref_squeeze %dma_wait3A_186 : memref<1x!tpu.dma_semaphore, #tpu.memory_space<semaphore_mem>> -> memref<!tpu.dma_semaphore, #tpu.memory_space<semaphore_mem>>
    tpu.wait_indirect_dma semaphore(%dma_wait3A_187 : memref<!tpu.dma_semaphore, #tpu.memory_space<semaphore_mem>>) src(%dma_wait3A_179 : memref<128x16xf32, #tpu.memory_space<vmem>>) dst(%dma_wait3A_185 : memref<10000x16xf32, #tpu.memory_space<vmem_shared>>)
    %dma_wait3A_188 = arith.constant 5 : i32
    %dma_wait3A_189 = arith.constant 77 : i32
    %dma_wait3A_190 = arith.constant 5 : i32
    %dma_wait3A_191 = arith.constant 0 : i32
    %dma_wait3A_192 = arith.constant 0 : i32
    %dma_wait3A_193 = tpu.memref_slice %arg8[%dma_wait3A_188, %dma_wait3A_191, %dma_wait3A_192] : memref<6x128x16xf32, #tpu.memory_space<vmem>> -> memref<1x128x16xf32, #tpu.memory_space<vmem>>
    %dma_wait3A_194 = tpu.memref_squeeze %dma_wait3A_193 : memref<1x128x16xf32, #tpu.memory_space<vmem>> -> memref<128x16xf32, #tpu.memory_space<vmem>>
    %dma_wait3A_195 = arith.constant 0 : i32
    %dma_wait3A_196 = tpu.memref_slice %arg7[%dma_wait3A_189, %dma_wait3A_195] : memref<79x128xi32, #tpu.memory_space<vmem>> -> memref<1x128xi32, #tpu.memory_space<vmem>>
    %dma_wait3A_197 = tpu.memref_squeeze %dma_wait3A_196 : memref<1x128xi32, #tpu.memory_space<vmem>> -> memref<128xi32, #tpu.memory_space<vmem>>
    %dma_wait3A_198 = arith.constant 0 : i32
    %dma_wait3A_199 = arith.constant 0 : i32
    %dma_wait3A_200 = tpu.memref_slice %arg11[%dma_wait3A_198, %dma_wait3A_199] : memref<10000x16xf32, #tpu.memory_space<vmem_shared>> -> memref<10000x16xf32, #tpu.memory_space<vmem_shared>>
    %dma_wait3A_201 = tpu.memref_slice %arg10[%dma_wait3A_190] : memref<6x!tpu.dma_semaphore, #tpu.memory_space<semaphore_mem>> -> memref<1x!tpu.dma_semaphore, #tpu.memory_space<semaphore_mem>>
    %dma_wait3A_202 = tpu.memref_squeeze %dma_wait3A_201 : memref<1x!tpu.dma_semaphore, #tpu.memory_space<semaphore_mem>> -> memref<!tpu.dma_semaphore, #tpu.memory_space<semaphore_mem>>
    tpu.wait_indirect_dma semaphore(%dma_wait3A_202 : memref<!tpu.dma_semaphore, #tpu.memory_space<semaphore_mem>>) src(%dma_wait3A_194 : memref<128x16xf32, #tpu.memory_space<vmem>>) dst(%dma_wait3A_200 : memref<10000x16xf32, #tpu.memory_space<vmem_shared>>)
    %scan3A_203 = arith.constant 0 : i32
    %scan3A_204 = arith.constant 0 : i32
    %scan3A_205 = arith.addi %scan3A_203, %scan3A_204 : i32
    %scan3A_206 = arith.constant 0 : i32
    %lt3A_207 = arith.constant 4 : i32
    %lt3A_208 = arith.cmpi slt, %add3A, %lt3A_207 : i32
    %convert_element_type3A_209 = arith.extui %lt3A_208 : i1 to i32
    %cond3A_210 = arith.constant 0 : i32
    %cond3A_211 = arith.cmpi ne, %convert_element_type3A_209, %cond3A_210 : i32
    scf.if %cond3A_211 {
      %run_scoped3A_223 = arith.constant 78 : i32
      %run_scoped3A_224 = arith.constant 1 : i32
      "tpu.region"() ({
        %run_scoped3A_227 = tpu.sem_alloc : memref<!tpu.dma_semaphore, #tpu.memory_space<semaphore_mem>>
        %dma_start3A_228 = arith.constant 0 : i32
        %dma_start3A_229 = arith.constant 0 : i32
        %dma_start3A_230 = tpu.memref_slice %arg8[%run_scoped3A_224, %dma_start3A_228, %dma_start3A_229] : memref<6x128x16xf32, #tpu.memory_space<vmem>> -> memref<1x128x16xf32, #tpu.memory_space<vmem>>
        %dma_start3A_231 = tpu.memref_squeeze %dma_start3A_230 : memref<1x128x16xf32, #tpu.memory_space<vmem>> -> memref<128x16xf32, #tpu.memory_space<vmem>>
        %dma_start3A_232 = arith.constant 0 : i32
        %dma_start3A_233 = tpu.memref_slice %arg6[%run_scoped3A_223, %dma_start3A_232] : memref<79x128xi32, #tpu.memory_space<vmem>> -> memref<1x128xi32, #tpu.memory_space<vmem>>
        %dma_start3A_234 = tpu.memref_squeeze %dma_start3A_233 : memref<1x128xi32, #tpu.memory_space<vmem>> -> memref<128xi32, #tpu.memory_space<vmem>>
        %dma_start3A_235 = arith.constant 0 : i32
        %dma_start3A_236 = arith.constant 0 : i32
        %dma_start3A_237 = tpu.memref_slice %arg2[%dma_start3A_235, %dma_start3A_236] : memref<10000x16xf32, #tpu.memory_space<hbm>> -> memref<10000x16xf32, #tpu.memory_space<hbm>>
        tpu.enqueue_indirect_dma source(%dma_start3A_237 : memref<10000x16xf32, #tpu.memory_space<hbm>>) target(%dma_start3A_231 : memref<128x16xf32, #tpu.memory_space<vmem>>) offsets(%dma_start3A_234 : memref<128xi32, #tpu.memory_space<vmem>>) semaphore(%run_scoped3A_227 : memref<!tpu.dma_semaphore, #tpu.memory_space<semaphore_mem>>)
        %dma_wait3A_238 = arith.constant 0 : i32
        %dma_wait3A_239 = arith.constant 0 : i32
        %dma_wait3A_240 = tpu.memref_slice %arg8[%run_scoped3A_224, %dma_wait3A_238, %dma_wait3A_239] : memref<6x128x16xf32, #tpu.memory_space<vmem>> -> memref<1x128x16xf32, #tpu.memory_space<vmem>>
        %dma_wait3A_241 = tpu.memref_squeeze %dma_wait3A_240 : memref<1x128x16xf32, #tpu.memory_space<vmem>> -> memref<128x16xf32, #tpu.memory_space<vmem>>
        %dma_wait3A_242 = arith.constant 0 : i32
        %dma_wait3A_243 = tpu.memref_slice %arg6[%run_scoped3A_223, %dma_wait3A_242] : memref<79x128xi32, #tpu.memory_space<vmem>> -> memref<1x128xi32, #tpu.memory_space<vmem>>
        %dma_wait3A_244 = tpu.memref_squeeze %dma_wait3A_243 : memref<1x128xi32, #tpu.memory_space<vmem>> -> memref<128xi32, #tpu.memory_space<vmem>>
        %dma_wait3A_245 = arith.constant 0 : i32
        %dma_wait3A_246 = arith.constant 0 : i32
        %dma_wait3A_247 = tpu.memref_slice %arg2[%dma_wait3A_245, %dma_wait3A_246] : memref<10000x16xf32, #tpu.memory_space<hbm>> -> memref<10000x16xf32, #tpu.memory_space<hbm>>
        tpu.wait_indirect_dma semaphore(%run_scoped3A_227 : memref<!tpu.dma_semaphore, #tpu.memory_space<semaphore_mem>>) src(%dma_wait3A_247 : memref<10000x16xf32, #tpu.memory_space<hbm>>) dst(%dma_wait3A_241 : memref<128x16xf32, #tpu.memory_space<vmem>>)
        tpu.yield
      }) : () -> ()
      %run_scoped3A_225 = arith.constant 1 : i32
      %run_scoped3A_226 = arith.constant 78 : i32
      "tpu.region"() ({
        %run_scoped3A_227 = tpu.sem_alloc : memref<!tpu.dma_semaphore, #tpu.memory_space<semaphore_mem>>
        %dma_start3A_228 = arith.constant 0 : i32
        %dma_start3A_229 = arith.constant 0 : i32
        %dma_start3A_230 = tpu.memref_slice %arg8[%run_scoped3A_225, %dma_start3A_228, %dma_start3A_229] : memref<6x128x16xf32, #tpu.memory_space<vmem>> -> memref<1x128x16xf32, #tpu.memory_space<vmem>>
        %dma_start3A_231 = tpu.memref_squeeze %dma_start3A_230 : memref<1x128x16xf32, #tpu.memory_space<vmem>> -> memref<128x16xf32, #tpu.memory_space<vmem>>
        %dma_start3A_232 = arith.constant 0 : i32
        %dma_start3A_233 = tpu.memref_slice %arg7[%run_scoped3A_226, %dma_start3A_232] : memref<79x128xi32, #tpu.memory_space<vmem>> -> memref<1x128xi32, #tpu.memory_space<vmem>>
        %dma_start3A_234 = tpu.memref_squeeze %dma_start3A_233 : memref<1x128xi32, #tpu.memory_space<vmem>> -> memref<128xi32, #tpu.memory_space<vmem>>
        %dma_start3A_235 = arith.constant 0 : i32
        %dma_start3A_236 = arith.constant 0 : i32
        %dma_start3A_237 = tpu.memref_slice %arg11[%dma_start3A_235, %dma_start3A_236] : memref<10000x16xf32, #tpu.memory_space<vmem_shared>> -> memref<10000x16xf32, #tpu.memory_space<vmem_shared>>
        tpu.enqueue_indirect_dma source(%dma_start3A_231 : memref<128x16xf32, #tpu.memory_space<vmem>>) target(%dma_start3A_237 : memref<10000x16xf32, #tpu.memory_space<vmem_shared>>) offsets(%dma_start3A_234 : memref<128xi32, #tpu.memory_space<vmem>>) semaphore(%run_scoped3A_227 : memref<!tpu.dma_semaphore, #tpu.memory_space<semaphore_mem>>) {add = true}
        %dma_wait3A_238 = arith.constant 0 : i32
        %dma_wait3A_239 = arith.constant 0 : i32
        %dma_wait3A_240 = tpu.memref_slice %arg8[%run_scoped3A_225, %dma_wait3A_238, %dma_wait3A_239] : memref<6x128x16xf32, #tpu.memory_space<vmem>> -> memref<1x128x16xf32, #tpu.memory_space<vmem>>
        %dma_wait3A_241 = tpu.memref_squeeze %dma_wait3A_240 : memref<1x128x16xf32, #tpu.memory_space<vmem>> -> memref<128x16xf32, #tpu.memory_space<vmem>>
        %dma_wait3A_242 = arith.constant 0 : i32
        %dma_wait3A_243 = tpu.memref_slice %arg7[%run_scoped3A_226, %dma_wait3A_242] : memref<79x128xi32, #tpu.memory_space<vmem>> -> memref<1x128xi32, #tpu.memory_space<vmem>>
        %dma_wait3A_244 = tpu.memref_squeeze %dma_wait3A_243 : memref<1x128xi32, #tpu.memory_space<vmem>> -> memref<128xi32, #tpu.memory_space<vmem>>
        %dma_wait3A_245 = arith.constant 0 : i32
        %dma_wait3A_246 = arith.constant 0 : i32
        %dma_wait3A_247 = tpu.memref_slice %arg11[%dma_wait3A_245, %dma_wait3A_246] : memref<10000x16xf32, #tpu.memory_space<vmem_shared>> -> memref<10000x16xf32, #tpu.memory_space<vmem_shared>>
        tpu.wait_indirect_dma semaphore(%run_scoped3A_227 : memref<!tpu.dma_semaphore, #tpu.memory_space<semaphore_mem>>) src(%dma_wait3A_241 : memref<128x16xf32, #tpu.memory_space<vmem>>) dst(%dma_wait3A_247 : memref<10000x16xf32, #tpu.memory_space<vmem_shared>>)
        tpu.yield
      }) : () -> ()
    } else {
    }
    %barrier3A_212 = arith.constant 0 : index
    tpu.barrier barrier_id(%barrier3A_212)
    %lt3A_213 = arith.constant 15 : i32
    %lt3A_214 = arith.cmpi slt, %arg1, %lt3A_213 : i32
    %convert_element_type3A_215 = arith.extui %lt3A_214 : i1 to i32
    %cond3A_216 = arith.constant 0 : i32
    %cond3A_217 = arith.cmpi ne, %convert_element_type3A_215, %cond3A_216 : i32
    scf.if %cond3A_217 {
      "tpu.region"() ({
        %run_scoped3A_223 = tpu.sem_alloc : memref<!tpu.dma_semaphore, #tpu.memory_space<semaphore_mem>>
        %dma_start3A_224 = arith.constant 0 : i32
        %dma_start3A_225 = tpu.memref_slice %arg5[%arg0, %mul3A_2, %dma_start3A_224] : memref<2x10000x16xf32, #tpu.memory_space<hbm>> -> memref<1x624x16xf32, #tpu.memory_space<hbm>>
        %dma_start3A_226 = tpu.memref_squeeze %dma_start3A_225 : memref<1x624x16xf32, #tpu.memory_space<hbm>> -> memref<624x16xf32, #tpu.memory_space<hbm>>
        %dma_start3A_227 = arith.constant 0 : i32
        %dma_start3A_228 = tpu.memref_slice %arg11[%mul3A_2, %dma_start3A_227] : memref<10000x16xf32, #tpu.memory_space<vmem_shared>> -> memref<624x16xf32, #tpu.memory_space<vmem_shared>>
        tpu.enqueue_dma source(%dma_start3A_228 : memref<624x16xf32, #tpu.memory_space<vmem_shared>>) target(%dma_start3A_226 : memref<624x16xf32, #tpu.memory_space<hbm>>) target_semaphore(%run_scoped3A_223 : memref<!tpu.dma_semaphore, #tpu.memory_space<semaphore_mem>>)
        %dma_wait3A_229 = arith.constant 0 : i32
        %dma_wait3A_230 = tpu.memref_slice %arg5[%arg0, %mul3A_2, %dma_wait3A_229] : memref<2x10000x16xf32, #tpu.memory_space<hbm>> -> memref<1x624x16xf32, #tpu.memory_space<hbm>>
        %dma_wait3A_231 = tpu.memref_squeeze %dma_wait3A_230 : memref<1x624x16xf32, #tpu.memory_space<hbm>> -> memref<624x16xf32, #tpu.memory_space<hbm>>
        %dma_wait3A_232 = arith.constant 0 : i32
        %dma_wait3A_233 = tpu.memref_slice %arg11[%mul3A_2, %dma_wait3A_232] : memref<10000x16xf32, #tpu.memory_space<vmem_shared>> -> memref<624x16xf32, #tpu.memory_space<vmem_shared>>
        tpu.wait_dma2 semaphore(%run_scoped3A_223 : memref<!tpu.dma_semaphore, #tpu.memory_space<semaphore_mem>>) src(%dma_wait3A_233 : memref<624x16xf32, #tpu.memory_space<vmem_shared>>) dst(%dma_wait3A_231 : memref<624x16xf32, #tpu.memory_space<hbm>>)
        tpu.yield
      }) : () -> ()
    } else {
    }
    %eq3A_218 = arith.constant 15 : i32
    %eq3A_219 = arith.cmpi eq, %arg1, %eq3A_218 : i32
    %convert_element_type3A_220 = arith.extui %eq3A_219 : i1 to i32
    %cond3A_221 = arith.constant 0 : i32
    %cond3A_222 = arith.cmpi ne, %convert_element_type3A_220, %cond3A_221 : i32
    scf.if %cond3A_222 {
      "tpu.region"() ({
        %run_scoped3A_223 = tpu.sem_alloc : memref<!tpu.dma_semaphore, #tpu.memory_space<semaphore_mem>>
        %dma_start3A_224 = arith.constant 0 : i32
        %dma_start3A_225 = tpu.memref_slice %arg5[%arg0, %mul3A_2, %dma_start3A_224] : memref<2x10000x16xf32, #tpu.memory_space<hbm>> -> memref<1x640x16xf32, #tpu.memory_space<hbm>>
        %dma_start3A_226 = tpu.memref_squeeze %dma_start3A_225 : memref<1x640x16xf32, #tpu.memory_space<hbm>> -> memref<640x16xf32, #tpu.memory_space<hbm>>
        %dma_start3A_227 = arith.constant 0 : i32
        %dma_start3A_228 = tpu.memref_slice %arg11[%mul3A_2, %dma_start3A_227] : memref<10000x16xf32, #tpu.memory_space<vmem_shared>> -> memref<640x16xf32, #tpu.memory_space<vmem_shared>>
        tpu.enqueue_dma source(%dma_start3A_228 : memref<640x16xf32, #tpu.memory_space<vmem_shared>>) target(%dma_start3A_226 : memref<640x16xf32, #tpu.memory_space<hbm>>) target_semaphore(%run_scoped3A_223 : memref<!tpu.dma_semaphore, #tpu.memory_space<semaphore_mem>>)
        %dma_wait3A_229 = arith.constant 0 : i32
        %dma_wait3A_230 = tpu.memref_slice %arg5[%arg0, %mul3A_2, %dma_wait3A_229] : memref<2x10000x16xf32, #tpu.memory_space<hbm>> -> memref<1x640x16xf32, #tpu.memory_space<hbm>>
        %dma_wait3A_231 = tpu.memref_squeeze %dma_wait3A_230 : memref<1x640x16xf32, #tpu.memory_space<hbm>> -> memref<640x16xf32, #tpu.memory_space<hbm>>
        %dma_wait3A_232 = arith.constant 0 : i32
        %dma_wait3A_233 = tpu.memref_slice %arg11[%mul3A_2, %dma_wait3A_232] : memref<10000x16xf32, #tpu.memory_space<vmem_shared>> -> memref<640x16xf32, #tpu.memory_space<vmem_shared>>
        tpu.wait_dma2 semaphore(%run_scoped3A_223 : memref<!tpu.dma_semaphore, #tpu.memory_space<semaphore_mem>>) src(%dma_wait3A_233 : memref<640x16xf32, #tpu.memory_space<vmem_shared>>) dst(%dma_wait3A_231 : memref<640x16xf32, #tpu.memory_space<hbm>>)
        tpu.yield
      }) : () -> ()
    } else {
    }
    return
  }
}

module attributes {stable_mosaic.version = 14 : i64} {
  func.func @_tc1_body(%arg0: memref<10000x128xf32, #tpu.memory_space<vmem>>, %arg1: memref<128x16xf32, #tpu.memory_space<vmem>>, %arg2: memref<128x16xf32, #tpu.memory_space<vmem>>, %arg3: memref<2500x128xf32, #tpu.memory_space<vmem>>, %arg4: memref<2500x64xf32, #tpu.memory_space<vmem>>) attributes {dimension_semantics = [], scalar_prefetch = 0 : i64, scratch_operands = 0 : i64, tpu.core_type = #tpu.core_type<tc>} {
    %get3A = arith.constant 0 : index
    %get3A_0 = arith.constant 0 : index
    %get3A_1 = vector.load %arg0[%get3A, %get3A_0] : memref<10000x128xf32, #tpu.memory_space<vmem>>, vector<10000x128xf32>
    %reshape3A = vector.shape_cast %get3A_1 : vector<10000x128xf32> to vector<2500x4x128xf32>
    %get3A_2 = arith.constant 0 : index
    %get3A_3 = arith.constant 0 : index
    %get3A_4 = vector.load %arg1[%get3A_2, %get3A_3] : memref<128x16xf32, #tpu.memory_space<vmem>>, vector<128x16xf32>
    %get3A_5 = arith.constant 0 : index
    %get3A_6 = arith.constant 0 : index
    %get3A_7 = vector.load %arg2[%get3A_5, %get3A_6] : memref<128x16xf32, #tpu.memory_space<vmem>>, vector<128x16xf32>
    %broadcast_in_dim3A = arith.constant 0.000000e+00 : f32
    %broadcast_in_dim3A_8 = vector.broadcast %broadcast_in_dim3A : f32 to vector<128x32xf32>
    %broadcast_in_dim3A_9 = arith.constant 0.000000e+00 : f32
    %broadcast_in_dim3A_10 = vector.broadcast %broadcast_in_dim3A_9 : f32 to vector<128x16xf32>
    %concatenate3A = tpu.concatenate %get3A_4, %broadcast_in_dim3A_10 in 1 : vector<128x16xf32>, vector<128x16xf32> -> vector<128x32xf32>
    %broadcast_in_dim3A_11 = arith.constant 0.000000e+00 : f32
    %broadcast_in_dim3A_12 = vector.broadcast %broadcast_in_dim3A_11 : f32 to vector<128x48xf32>
    %concatenate3A_13 = tpu.concatenate %concatenate3A, %broadcast_in_dim3A_8, %broadcast_in_dim3A_8, %broadcast_in_dim3A_8, %get3A_7, %broadcast_in_dim3A_12 in 1 : vector<128x32xf32>, vector<128x32xf32>, vector<128x32xf32>, vector<128x32xf32>, vector<128x16xf32>, vector<128x48xf32> -> vector<128x192xf32>
    %slice3A = vector.extract_strided_slice %reshape3A {offsets = [0, 0, 0], sizes = [2500, 1, 128], strides = [1, 1, 1]} : vector<2500x4x128xf32> to vector<2500x1x128xf32>
    %squeeze3A = vector.shape_cast %slice3A : vector<2500x1x128xf32> to vector<2500x128xf32>
    %dot_general3A = arith.constant dense<0.000000e+00> : vector<2500x192xf32>
    %dot_general3A_14 = tpu.matmul %squeeze3A, %concatenate3A_13, %dot_general3A {dimension_numbers = #tpu.dot_dimension_numbers<[1], [0], [0], [1], [0, 0, 1, 1], [], []>, transpose_lhs_hint = false} : vector<2500x128xf32>, vector<128x192xf32>, vector<2500x192xf32> -> vector<2500x192xf32>
    %broadcast_in_dim3A_15 = arith.constant 0.000000e+00 : f32
    %broadcast_in_dim3A_16 = vector.broadcast %broadcast_in_dim3A_15 : f32 to vector<128x16xf32>
    %concatenate3A_17 = tpu.concatenate %get3A_4, %broadcast_in_dim3A_16 in 1 : vector<128x16xf32>, vector<128x16xf32> -> vector<128x32xf32>
    %broadcast_in_dim3A_18 = arith.constant 0.000000e+00 : f32
    %broadcast_in_dim3A_19 = vector.broadcast %broadcast_in_dim3A_18 : f32 to vector<128x16xf32>
    %broadcast_in_dim3A_20 = arith.constant 0.000000e+00 : f32
    %broadcast_in_dim3A_21 = vector.broadcast %broadcast_in_dim3A_20 : f32 to vector<128x32xf32>
    %concatenate3A_22 = tpu.concatenate %broadcast_in_dim3A_8, %concatenate3A_17, %broadcast_in_dim3A_8, %broadcast_in_dim3A_8, %broadcast_in_dim3A_19, %get3A_7, %broadcast_in_dim3A_21 in 1 : vector<128x32xf32>, vector<128x32xf32>, vector<128x32xf32>, vector<128x32xf32>, vector<128x16xf32>, vector<128x16xf32>, vector<128x32xf32> -> vector<128x192xf32>
    %slice3A_23 = vector.extract_strided_slice %reshape3A {offsets = [0, 1, 0], sizes = [2500, 1, 128], strides = [1, 1, 1]} : vector<2500x4x128xf32> to vector<2500x1x128xf32>
    %squeeze3A_24 = vector.shape_cast %slice3A_23 : vector<2500x1x128xf32> to vector<2500x128xf32>
    %dot_general3A_25 = arith.constant dense<0.000000e+00> : vector<2500x192xf32>
    %dot_general3A_26 = tpu.matmul %squeeze3A_24, %concatenate3A_22, %dot_general3A_25 {dimension_numbers = #tpu.dot_dimension_numbers<[1], [0], [0], [1], [0, 0, 1, 1], [], []>, transpose_lhs_hint = false} : vector<2500x128xf32>, vector<128x192xf32>, vector<2500x192xf32> -> vector<2500x192xf32>
    %add3A = arith.addf %dot_general3A_14, %dot_general3A_26 : vector<2500x192xf32>
    %broadcast_in_dim3A_27 = arith.constant 0.000000e+00 : f32
    %broadcast_in_dim3A_28 = vector.broadcast %broadcast_in_dim3A_27 : f32 to vector<128x16xf32>
    %concatenate3A_29 = tpu.concatenate %get3A_4, %broadcast_in_dim3A_28 in 1 : vector<128x16xf32>, vector<128x16xf32> -> vector<128x32xf32>
    %broadcast_in_dim3A_30 = arith.constant 0.000000e+00 : f32
    %broadcast_in_dim3A_31 = vector.broadcast %broadcast_in_dim3A_30 : f32 to vector<128x32xf32>
    %broadcast_in_dim3A_32 = arith.constant 0.000000e+00 : f32
    %broadcast_in_dim3A_33 = vector.broadcast %broadcast_in_dim3A_32 : f32 to vector<128x16xf32>
    %concatenate3A_34 = tpu.concatenate %broadcast_in_dim3A_8, %broadcast_in_dim3A_8, %concatenate3A_29, %broadcast_in_dim3A_8, %broadcast_in_dim3A_31, %get3A_7, %broadcast_in_dim3A_33 in 1 : vector<128x32xf32>, vector<128x32xf32>, vector<128x32xf32>, vector<128x32xf32>, vector<128x32xf32>, vector<128x16xf32>, vector<128x16xf32> -> vector<128x192xf32>
    %slice3A_35 = vector.extract_strided_slice %reshape3A {offsets = [0, 2, 0], sizes = [2500, 1, 128], strides = [1, 1, 1]} : vector<2500x4x128xf32> to vector<2500x1x128xf32>
    %squeeze3A_36 = vector.shape_cast %slice3A_35 : vector<2500x1x128xf32> to vector<2500x128xf32>
    %dot_general3A_37 = arith.constant dense<0.000000e+00> : vector<2500x192xf32>
    %dot_general3A_38 = tpu.matmul %squeeze3A_36, %concatenate3A_34, %dot_general3A_37 {dimension_numbers = #tpu.dot_dimension_numbers<[1], [0], [0], [1], [0, 0, 1, 1], [], []>, transpose_lhs_hint = false} : vector<2500x128xf32>, vector<128x192xf32>, vector<2500x192xf32> -> vector<2500x192xf32>
    %add3A_39 = arith.addf %add3A, %dot_general3A_38 : vector<2500x192xf32>
    %broadcast_in_dim3A_40 = arith.constant 0.000000e+00 : f32
    %broadcast_in_dim3A_41 = vector.broadcast %broadcast_in_dim3A_40 : f32 to vector<128x16xf32>
    %concatenate3A_42 = tpu.concatenate %get3A_4, %broadcast_in_dim3A_41 in 1 : vector<128x16xf32>, vector<128x16xf32> -> vector<128x32xf32>
    %broadcast_in_dim3A_43 = arith.constant 0.000000e+00 : f32
    %broadcast_in_dim3A_44 = vector.broadcast %broadcast_in_dim3A_43 : f32 to vector<128x48xf32>
    %concatenate3A_45 = tpu.concatenate %broadcast_in_dim3A_8, %broadcast_in_dim3A_8, %broadcast_in_dim3A_8, %concatenate3A_42, %broadcast_in_dim3A_44, %get3A_7 in 1 : vector<128x32xf32>, vector<128x32xf32>, vector<128x32xf32>, vector<128x32xf32>, vector<128x48xf32>, vector<128x16xf32> -> vector<128x192xf32>
    %slice3A_46 = vector.extract_strided_slice %reshape3A {offsets = [0, 3, 0], sizes = [2500, 1, 128], strides = [1, 1, 1]} : vector<2500x4x128xf32> to vector<2500x1x128xf32>
    %squeeze3A_47 = vector.shape_cast %slice3A_46 : vector<2500x1x128xf32> to vector<2500x128xf32>
    %dot_general3A_48 = arith.constant dense<0.000000e+00> : vector<2500x192xf32>
    %dot_general3A_49 = tpu.matmul %squeeze3A_47, %concatenate3A_45, %dot_general3A_48 {dimension_numbers = #tpu.dot_dimension_numbers<[1], [0], [0], [1], [0, 0, 1, 1], [], []>, transpose_lhs_hint = false} : vector<2500x128xf32>, vector<128x192xf32>, vector<2500x192xf32> -> vector<2500x192xf32>
    %add3A_50 = arith.addf %add3A_39, %dot_general3A_49 : vector<2500x192xf32>
    %iota3A = tpu.iota {dimensions = array<i32: 1>} : vector<2500x128xi32>
    %jit3A = arith.constant 32 : i32
    %eq3A = arith.constant 0 : i32
    %eq3A_51 = arith.cmpi eq, %jit3A, %eq3A : i32
    %jit3A_52 = arith.constant 1 : i32
    %select_n3A = arith.select %eq3A_51, %jit3A_52, %jit3A : i32
    %rem3A = vector.broadcast %select_n3A : i32 to vector<2500x128xi32>
    %rem3A_53 = arith.remsi %iota3A, %rem3A : vector<2500x128xi32>
    %ne3A = arith.constant 0 : i32
    %ne3A_54 = vector.broadcast %ne3A : i32 to vector<2500x128xi32>
    %ne3A_55 = arith.cmpi ne, %rem3A_53, %ne3A_54 : vector<2500x128xi32>
    %lt3A = arith.constant 0 : i32
    %lt3A_56 = vector.broadcast %lt3A : i32 to vector<2500x128xi32>
    %lt3A_57 = arith.cmpi slt, %rem3A_53, %lt3A_56 : vector<2500x128xi32>
    %lt3A_58 = arith.constant 0 : i32
    %lt3A_59 = arith.cmpi slt, %select_n3A, %lt3A_58 : i32
    %ne3A_60 = vector.broadcast %lt3A_59 : i1 to vector<2500x128xi1>
    %ne3A_61 = vector.broadcast %ne3A_60 : vector<2500x128xi1> to vector<2500x128xi1>
    %ne3A_62 = arith.xori %lt3A_57, %ne3A_61 : vector<2500x128xi1>
    %and3A = arith.andi %ne3A_62, %ne3A_55 : vector<2500x128xi1>
    %add3A_63 = vector.broadcast %select_n3A : i32 to vector<2500x128xi32>
    %add3A_64 = arith.addi %rem3A_53, %add3A_63 : vector<2500x128xi32>
    %select_n3A_65 = arith.select %and3A, %add3A_64, %rem3A_53 : vector<2500x128xi1>, vector<2500x128xi32>
    %ge3A = arith.constant 16 : i32
    %ge3A_66 = vector.broadcast %ge3A : i32 to vector<2500x128xi32>
    %ge3A_67 = arith.cmpi sge, %select_n3A_65, %ge3A_66 : vector<2500x128xi32>
    %convert_element_type3A = arith.extui %ge3A_67 : vector<2500x128xi1> to vector<2500x128xi32>
    %convert_element_type3A_68 = arith.sitofp %convert_element_type3A : vector<2500x128xi32> to vector<2500x128xf32>
    %slice3A_69 = vector.extract_strided_slice %add3A_50 {offsets = [0, 0], sizes = [2500, 128], strides = [1, 1]} : vector<2500x192xf32> to vector<2500x128xf32>
    %add3A_70 = arith.addf %slice3A_69, %convert_element_type3A_68 : vector<2500x128xf32>
    %swap3A = arith.constant 0 : index
    %swap3A_71 = arith.constant 0 : index
    %swap3A_72 = vector.load %arg3[%swap3A, %swap3A_71] : memref<2500x128xf32, #tpu.memory_space<vmem>>, vector<2500x128xf32>
    tpu.vector_store %arg3[%swap3A, %swap3A_71], %add3A_70 {strides = array<i32>} : memref<2500x128xf32, #tpu.memory_space<vmem>>, vector<2500x128xf32>,
    %slice3A_73 = vector.extract_strided_slice %add3A_50 {offsets = [0, 128], sizes = [2500, 64], strides = [1, 1]} : vector<2500x192xf32> to vector<2500x64xf32>
    %swap3A_74 = arith.constant 0 : index
    %swap3A_75 = arith.constant 0 : index
    %swap3A_76 = vector.load %arg4[%swap3A_74, %swap3A_75] : memref<2500x64xf32, #tpu.memory_space<vmem>>, vector<2500x64xf32>
    tpu.vector_store %arg4[%swap3A_74, %swap3A_75], %slice3A_73 {strides = array<i32>} : memref<2500x64xf32, #tpu.memory_space<vmem>>, vector<2500x64xf32>,
    return
  }
}

module attributes {stable_mosaic.version = 14 : i64} {
  func.func @_tc2_body(%arg0: memref<2x2500x128xf32, #tpu.memory_space<vmem>>, %arg1: memref<2500x64xf32, #tpu.memory_space<vmem>>, %arg2: memref<16xf32, #tpu.memory_space<vmem>>, %arg3: memref<1250x128xf32, #tpu.memory_space<vmem>>, %arg4: memref<1250x128xf32, #tpu.memory_space<vmem>>) attributes {dimension_semantics = [], scalar_prefetch = 0 : i64, scratch_operands = 0 : i64, tpu.core_type = #tpu.core_type<tc>} {
    %get3A = arith.constant 0 : index
    %get3A_0 = arith.constant 0 : index
    %get3A_1 = arith.constant 0 : index
    %get3A_2 = vector.load %arg0[%get3A, %get3A_0, %get3A_1] : memref<2x2500x128xf32, #tpu.memory_space<vmem>>, vector<2x2500x128xf32>
    %slice3A = vector.extract_strided_slice %get3A_2 {offsets = [0, 0, 0], sizes = [1, 2500, 128], strides = [1, 1, 1]} : vector<2x2500x128xf32> to vector<1x2500x128xf32>
    %squeeze3A = vector.shape_cast %slice3A : vector<1x2500x128xf32> to vector<2500x128xf32>
    %slice3A_3 = vector.extract_strided_slice %get3A_2 {offsets = [1, 0, 0], sizes = [1, 2500, 128], strides = [1, 1, 1]} : vector<2x2500x128xf32> to vector<1x2500x128xf32>
    %squeeze3A_4 = vector.shape_cast %slice3A_3 : vector<1x2500x128xf32> to vector<2500x128xf32>
    %add3A = arith.addf %squeeze3A, %squeeze3A_4 : vector<2500x128xf32>
    %get3A_5 = arith.constant 0 : index
    %get3A_6 = arith.constant 0 : index
    %get3A_7 = vector.load %arg1[%get3A_5, %get3A_6] : memref<2500x64xf32, #tpu.memory_space<vmem>>, vector<2500x64xf32>
    %slice3A_8 = vector.extract_strided_slice %add3A {offsets = [0, 16], sizes = [2500, 1], strides = [1, 1]} : vector<2500x128xf32> to vector<2500x1xf32>
    %max3A = arith.constant 1.000000e+00 : f32
    %max3A_9 = vector.broadcast %max3A : f32 to vector<2500x1xf32>
    %max3A_10 = arith.maximumf %slice3A_8, %max3A_9 : vector<2500x1xf32>
    %div3A = arith.constant 1.000000e+00 : f32
    %div3A_11 = vector.broadcast %div3A : f32 to vector<2500x1xf32>
    %div3A_12 = arith.divf %div3A_11, %max3A_10 : vector<2500x1xf32>
    %slice3A_13 = vector.extract_strided_slice %add3A {offsets = [0, 0], sizes = [2500, 16], strides = [1, 1]} : vector<2500x128xf32> to vector<2500x16xf32>
    %mul3A = vector.broadcast %div3A_12 : vector<2500x1xf32> to vector<2500x16xf32>
    %mul3A_14 = arith.mulf %slice3A_13, %mul3A : vector<2500x16xf32>
    %get3A_15 = arith.constant 0 : index
    %get3A_16 = vector.load %arg2[%get3A_15] : memref<16xf32, #tpu.memory_space<vmem>>, vector<16xf32>
    %broadcast_in_dim3A = vector.shape_cast %get3A_16 : vector<16xf32> to vector<1x16xf32>
    %add3A_17 = vector.broadcast %broadcast_in_dim3A : vector<1x16xf32> to vector<2500x16xf32>
    %add3A_18 = arith.addf %mul3A_14, %add3A_17 : vector<2500x16xf32>
    %slice3A_19 = vector.extract_strided_slice %get3A_7 {offsets = [0, 0], sizes = [2500, 16], strides = [1, 1]} : vector<2500x64xf32> to vector<2500x16xf32>
    %add3A_20 = arith.addf %add3A_18, %slice3A_19 : vector<2500x16xf32>
    %max3A_21 = arith.constant 0.000000e+00 : f32
    %max3A_22 = vector.broadcast %max3A_21 : f32 to vector<2500x16xf32>
    %max3A_23 = arith.maximumf %add3A_20, %max3A_22 : vector<2500x16xf32>
    %broadcast_in_dim3A_24 = vector.shape_cast %div3A_12 : vector<2500x1xf32> to vector<2500x1xf32>
    %broadcast_in_dim3A_25 = vector.broadcast %broadcast_in_dim3A_24 : vector<2500x1xf32> to vector<2500x16xf32>
    %slice3A_26 = vector.extract_strided_slice %add3A {offsets = [0, 48], sizes = [2500, 1], strides = [1, 1]} : vector<2500x128xf32> to vector<2500x1xf32>
    %max3A_27 = arith.constant 1.000000e+00 : f32
    %max3A_28 = vector.broadcast %max3A_27 : f32 to vector<2500x1xf32>
    %max3A_29 = arith.maximumf %slice3A_26, %max3A_28 : vector<2500x1xf32>
    %div3A_30 = arith.constant 1.000000e+00 : f32
    %div3A_31 = vector.broadcast %div3A_30 : f32 to vector<2500x1xf32>
    %div3A_32 = arith.divf %div3A_31, %max3A_29 : vector<2500x1xf32>
    %slice3A_33 = vector.extract_strided_slice %add3A {offsets = [0, 32], sizes = [2500, 16], strides = [1, 1]} : vector<2500x128xf32> to vector<2500x16xf32>
    %mul3A_34 = vector.broadcast %div3A_32 : vector<2500x1xf32> to vector<2500x16xf32>
    %mul3A_35 = arith.mulf %slice3A_33, %mul3A_34 : vector<2500x16xf32>
    %get3A_36 = arith.constant 0 : index
    %get3A_37 = vector.load %arg2[%get3A_36] : memref<16xf32, #tpu.memory_space<vmem>>, vector<16xf32>
    %broadcast_in_dim3A_38 = vector.shape_cast %get3A_37 : vector<16xf32> to vector<1x16xf32>
    %add3A_39 = vector.broadcast %broadcast_in_dim3A_38 : vector<1x16xf32> to vector<2500x16xf32>
    %add3A_40 = arith.addf %mul3A_35, %add3A_39 : vector<2500x16xf32>
    %slice3A_41 = vector.extract_strided_slice %get3A_7 {offsets = [0, 16], sizes = [2500, 16], strides = [1, 1]} : vector<2500x64xf32> to vector<2500x16xf32>
    %add3A_42 = arith.addf %add3A_40, %slice3A_41 : vector<2500x16xf32>
    %max3A_43 = arith.constant 0.000000e+00 : f32
    %max3A_44 = vector.broadcast %max3A_43 : f32 to vector<2500x16xf32>
    %max3A_45 = arith.maximumf %add3A_42, %max3A_44 : vector<2500x16xf32>
    %broadcast_in_dim3A_46 = vector.shape_cast %div3A_32 : vector<2500x1xf32> to vector<2500x1xf32>
    %broadcast_in_dim3A_47 = vector.broadcast %broadcast_in_dim3A_46 : vector<2500x1xf32> to vector<2500x16xf32>
    %slice3A_48 = vector.extract_strided_slice %add3A {offsets = [0, 80], sizes = [2500, 1], strides = [1, 1]} : vector<2500x128xf32> to vector<2500x1xf32>
    %max3A_49 = arith.constant 1.000000e+00 : f32
    %max3A_50 = vector.broadcast %max3A_49 : f32 to vector<2500x1xf32>
    %max3A_51 = arith.maximumf %slice3A_48, %max3A_50 : vector<2500x1xf32>
    %div3A_52 = arith.constant 1.000000e+00 : f32
    %div3A_53 = vector.broadcast %div3A_52 : f32 to vector<2500x1xf32>
    %div3A_54 = arith.divf %div3A_53, %max3A_51 : vector<2500x1xf32>
    %slice3A_55 = vector.extract_strided_slice %add3A {offsets = [0, 64], sizes = [2500, 16], strides = [1, 1]} : vector<2500x128xf32> to vector<2500x16xf32>
    %mul3A_56 = vector.broadcast %div3A_54 : vector<2500x1xf32> to vector<2500x16xf32>
    %mul3A_57 = arith.mulf %slice3A_55, %mul3A_56 : vector<2500x16xf32>
    %get3A_58 = arith.constant 0 : index
    %get3A_59 = vector.load %arg2[%get3A_58] : memref<16xf32, #tpu.memory_space<vmem>>, vector<16xf32>
    %broadcast_in_dim3A_60 = vector.shape_cast %get3A_59 : vector<16xf32> to vector<1x16xf32>
    %add3A_61 = vector.broadcast %broadcast_in_dim3A_60 : vector<1x16xf32> to vector<2500x16xf32>
    %add3A_62 = arith.addf %mul3A_57, %add3A_61 : vector<2500x16xf32>
    %slice3A_63 = vector.extract_strided_slice %get3A_7 {offsets = [0, 32], sizes = [2500, 16], strides = [1, 1]} : vector<2500x64xf32> to vector<2500x16xf32>
    %add3A_64 = arith.addf %add3A_62, %slice3A_63 : vector<2500x16xf32>
    %max3A_65 = arith.constant 0.000000e+00 : f32
    %max3A_66 = vector.broadcast %max3A_65 : f32 to vector<2500x16xf32>
    %max3A_67 = arith.maximumf %add3A_64, %max3A_66 : vector<2500x16xf32>
    %broadcast_in_dim3A_68 = vector.shape_cast %div3A_54 : vector<2500x1xf32> to vector<2500x1xf32>
    %broadcast_in_dim3A_69 = vector.broadcast %broadcast_in_dim3A_68 : vector<2500x1xf32> to vector<2500x16xf32>
    %slice3A_70 = vector.extract_strided_slice %add3A {offsets = [0, 112], sizes = [2500, 1], strides = [1, 1]} : vector<2500x128xf32> to vector<2500x1xf32>
    %max3A_71 = arith.constant 1.000000e+00 : f32
    %max3A_72 = vector.broadcast %max3A_71 : f32 to vector<2500x1xf32>
    %max3A_73 = arith.maximumf %slice3A_70, %max3A_72 : vector<2500x1xf32>
    %div3A_74 = arith.constant 1.000000e+00 : f32
    %div3A_75 = vector.broadcast %div3A_74 : f32 to vector<2500x1xf32>
    %div3A_76 = arith.divf %div3A_75, %max3A_73 : vector<2500x1xf32>
    %slice3A_77 = vector.extract_strided_slice %add3A {offsets = [0, 96], sizes = [2500, 16], strides = [1, 1]} : vector<2500x128xf32> to vector<2500x16xf32>
    %mul3A_78 = vector.broadcast %div3A_76 : vector<2500x1xf32> to vector<2500x16xf32>
    %mul3A_79 = arith.mulf %slice3A_77, %mul3A_78 : vector<2500x16xf32>
    %get3A_80 = arith.constant 0 : index
    %get3A_81 = vector.load %arg2[%get3A_80] : memref<16xf32, #tpu.memory_space<vmem>>, vector<16xf32>
    %broadcast_in_dim3A_82 = vector.shape_cast %get3A_81 : vector<16xf32> to vector<1x16xf32>
    %add3A_83 = vector.broadcast %broadcast_in_dim3A_82 : vector<1x16xf32> to vector<2500x16xf32>
    %add3A_84 = arith.addf %mul3A_79, %add3A_83 : vector<2500x16xf32>
    %slice3A_85 = vector.extract_strided_slice %get3A_7 {offsets = [0, 48], sizes = [2500, 16], strides = [1, 1]} : vector<2500x64xf32> to vector<2500x16xf32>
    %add3A_86 = arith.addf %add3A_84, %slice3A_85 : vector<2500x16xf32>
    %max3A_87 = arith.constant 0.000000e+00 : f32
    %max3A_88 = vector.broadcast %max3A_87 : f32 to vector<2500x16xf32>
    %max3A_89 = arith.maximumf %add3A_86, %max3A_88 : vector<2500x16xf32>
    %broadcast_in_dim3A_90 = vector.shape_cast %div3A_76 : vector<2500x1xf32> to vector<2500x1xf32>
    %broadcast_in_dim3A_91 = vector.broadcast %broadcast_in_dim3A_90 : vector<2500x1xf32> to vector<2500x16xf32>
    %concatenate3A = tpu.concatenate %max3A_23, %max3A_45, %max3A_67, %max3A_89 in 1 : vector<2500x16xf32>, vector<2500x16xf32>, vector<2500x16xf32>, vector<2500x16xf32> -> vector<2500x64xf32>
    %reshape3A = vector.shape_cast %concatenate3A : vector<2500x64xf32> to vector<1250x2x64xf32>
    %iota3A = tpu.iota {dimensions = array<i32: 1>} : vector<64x128xi32>
    %iota3A_92 = tpu.iota {dimensions = array<i32: 0>} : vector<64x128xi32>
    %add3A_93 = arith.constant 0 : i32
    %add3A_94 = vector.broadcast %add3A_93 : i32 to vector<64x128xi32>
    %add3A_95 = arith.addi %add3A_94, %iota3A_92 : vector<64x128xi32>
    %eq3A = arith.cmpi eq, %iota3A, %add3A_95 : vector<64x128xi32>
    %convert_element_type3A = arith.extui %eq3A : vector<64x128xi1> to vector<64x128xi32>
    %convert_element_type3A_96 = arith.sitofp %convert_element_type3A : vector<64x128xi32> to vector<64x128xf32>
    %slice3A_97 = vector.extract_strided_slice %reshape3A {offsets = [0, 0, 0], sizes = [1250, 1, 64], strides = [1, 1, 1]} : vector<1250x2x64xf32> to vector<1250x1x64xf32>
    %squeeze3A_98 = vector.shape_cast %slice3A_97 : vector<1250x1x64xf32> to vector<1250x64xf32>
    %dot_general3A = arith.constant dense<0.000000e+00> : vector<1250x128xf32>
    %dot_general3A_99 = tpu.matmul %squeeze3A_98, %convert_element_type3A_96, %dot_general3A {dimension_numbers = #tpu.dot_dimension_numbers<[1], [0], [0], [1], [0, 0, 1, 1], [], []>, transpose_lhs_hint = false} : vector<1250x64xf32>, vector<64x128xf32>, vector<1250x128xf32> -> vector<1250x128xf32>
    %add3A_100 = arith.constant 64 : i32
    %add3A_101 = vector.broadcast %add3A_100 : i32 to vector<64x128xi32>
    %add3A_102 = arith.addi %add3A_101, %iota3A_92 : vector<64x128xi32>
    %eq3A_103 = arith.cmpi eq, %iota3A, %add3A_102 : vector<64x128xi32>
    %convert_element_type3A_104 = arith.extui %eq3A_103 : vector<64x128xi1> to vector<64x128xi32>
    %convert_element_type3A_105 = arith.sitofp %convert_element_type3A_104 : vector<64x128xi32> to vector<64x128xf32>
    %slice3A_106 = vector.extract_strided_slice %reshape3A {offsets = [0, 1, 0], sizes = [1250, 1, 64], strides = [1, 1, 1]} : vector<1250x2x64xf32> to vector<1250x1x64xf32>
    %squeeze3A_107 = vector.shape_cast %slice3A_106 : vector<1250x1x64xf32> to vector<1250x64xf32>
    %dot_general3A_108 = arith.constant dense<0.000000e+00> : vector<1250x128xf32>
    %dot_general3A_109 = tpu.matmul %squeeze3A_107, %convert_element_type3A_105, %dot_general3A_108 {dimension_numbers = #tpu.dot_dimension_numbers<[1], [0], [0], [1], [0, 0, 1, 1], [], []>, transpose_lhs_hint = false} : vector<1250x64xf32>, vector<64x128xf32>, vector<1250x128xf32> -> vector<1250x128xf32>
    %add3A_110 = arith.addf %dot_general3A_99, %dot_general3A_109 : vector<1250x128xf32>
    %swap3A = arith.constant 0 : index
    %swap3A_111 = arith.constant 0 : index
    %swap3A_112 = vector.load %arg3[%swap3A, %swap3A_111] : memref<1250x128xf32, #tpu.memory_space<vmem>>, vector<1250x128xf32>
    tpu.vector_store %arg3[%swap3A, %swap3A_111], %add3A_110 {strides = array<i32>} : memref<1250x128xf32, #tpu.memory_space<vmem>>, vector<1250x128xf32>,
    %concatenate3A_113 = tpu.concatenate %broadcast_in_dim3A_25, %broadcast_in_dim3A_47, %broadcast_in_dim3A_69, %broadcast_in_dim3A_91 in 1 : vector<2500x16xf32>, vector<2500x16xf32>, vector<2500x16xf32>, vector<2500x16xf32> -> vector<2500x64xf32>
    %reshape3A_114 = vector.shape_cast %concatenate3A_113 : vector<2500x64xf32> to vector<1250x2x64xf32>
    %iota3A_115 = tpu.iota {dimensions = array<i32: 1>} : vector<64x128xi32>
    %iota3A_116 = tpu.iota {dimensions = array<i32: 0>} : vector<64x128xi32>
    %add3A_117 = arith.constant 0 : i32
    %add3A_118 = vector.broadcast %add3A_117 : i32 to vector<64x128xi32>
    %add3A_119 = arith.addi %add3A_118, %iota3A_116 : vector<64x128xi32>
    %eq3A_120 = arith.cmpi eq, %iota3A_115, %add3A_119 : vector<64x128xi32>
    %convert_element_type3A_121 = arith.extui %eq3A_120 : vector<64x128xi1> to vector<64x128xi32>
    %convert_element_type3A_122 = arith.sitofp %convert_element_type3A_121 : vector<64x128xi32> to vector<64x128xf32>
    %slice3A_123 = vector.extract_strided_slice %reshape3A_114 {offsets = [0, 0, 0], sizes = [1250, 1, 64], strides = [1, 1, 1]} : vector<1250x2x64xf32> to vector<1250x1x64xf32>
    %squeeze3A_124 = vector.shape_cast %slice3A_123 : vector<1250x1x64xf32> to vector<1250x64xf32>
    %dot_general3A_125 = arith.constant dense<0.000000e+00> : vector<1250x128xf32>
    %dot_general3A_126 = tpu.matmul %squeeze3A_124, %convert_element_type3A_122, %dot_general3A_125 {dimension_numbers = #tpu.dot_dimension_numbers<[1], [0], [0], [1], [0, 0, 1, 1], [], []>, transpose_lhs_hint = false} : vector<1250x64xf32>, vector<64x128xf32>, vector<1250x128xf32> -> vector<1250x128xf32>
    %add3A_127 = arith.constant 64 : i32
    %add3A_128 = vector.broadcast %add3A_127 : i32 to vector<64x128xi32>
    %add3A_129 = arith.addi %add3A_128, %iota3A_116 : vector<64x128xi32>
    %eq3A_130 = arith.cmpi eq, %iota3A_115, %add3A_129 : vector<64x128xi32>
    %convert_element_type3A_131 = arith.extui %eq3A_130 : vector<64x128xi1> to vector<64x128xi32>
    %convert_element_type3A_132 = arith.sitofp %convert_element_type3A_131 : vector<64x128xi32> to vector<64x128xf32>
    %slice3A_133 = vector.extract_strided_slice %reshape3A_114 {offsets = [0, 1, 0], sizes = [1250, 1, 64], strides = [1, 1, 1]} : vector<1250x2x64xf32> to vector<1250x1x64xf32>
    %squeeze3A_134 = vector.shape_cast %slice3A_133 : vector<1250x1x64xf32> to vector<1250x64xf32>
    %dot_general3A_135 = arith.constant dense<0.000000e+00> : vector<1250x128xf32>
    %dot_general3A_136 = tpu.matmul %squeeze3A_134, %convert_element_type3A_132, %dot_general3A_135 {dimension_numbers = #tpu.dot_dimension_numbers<[1], [0], [0], [1], [0, 0, 1, 1], [], []>, transpose_lhs_hint = false} : vector<1250x64xf32>, vector<64x128xf32>, vector<1250x128xf32> -> vector<1250x128xf32>
    %add3A_137 = arith.addf %dot_general3A_126, %dot_general3A_136 : vector<1250x128xf32>
    %swap3A_138 = arith.constant 0 : index
    %swap3A_139 = arith.constant 0 : index
    %swap3A_140 = vector.load %arg4[%swap3A_138, %swap3A_139] : memref<1250x128xf32, #tpu.memory_space<vmem>>, vector<1250x128xf32>
    tpu.vector_store %arg4[%swap3A_138, %swap3A_139], %add3A_137 {strides = array<i32>} : memref<1250x128xf32, #tpu.memory_space<vmem>>, vector<1250x128xf32>,
    return
  }
}

module attributes {stable_mosaic.version = 14 : i64} {
  func.func @_tc3_body(%arg0: memref<2x1250x128xf32, #tpu.memory_space<vmem>>, %arg1: memref<1250x128xf32, #tpu.memory_space<vmem>>, %arg2: memref<1250x128xf32, #tpu.memory_space<vmem>>, %arg3: memref<64x16xf32, #tpu.memory_space<vmem>>, %arg4: memref<64x16xf32, #tpu.memory_space<vmem>>, %arg5: memref<64xf32, #tpu.memory_space<vmem>>, %arg6: memref<10000x64xf32, #tpu.memory_space<vmem>>) attributes {dimension_semantics = [], scalar_prefetch = 0 : i64, scratch_operands = 0 : i64, tpu.core_type = #tpu.core_type<tc>} {
    %get3A = arith.constant 0 : index
    %get3A_0 = arith.constant 0 : index
    %get3A_1 = arith.constant 0 : index
    %get3A_2 = vector.load %arg0[%get3A, %get3A_0, %get3A_1] : memref<2x1250x128xf32, #tpu.memory_space<vmem>>, vector<2x1250x128xf32>
    %slice3A = vector.extract_strided_slice %get3A_2 {offsets = [0, 0, 0], sizes = [1, 1250, 128], strides = [1, 1, 1]} : vector<2x1250x128xf32> to vector<1x1250x128xf32>
    %squeeze3A = vector.shape_cast %slice3A : vector<1x1250x128xf32> to vector<1250x128xf32>
    %slice3A_3 = vector.extract_strided_slice %get3A_2 {offsets = [1, 0, 0], sizes = [1, 1250, 128], strides = [1, 1, 1]} : vector<2x1250x128xf32> to vector<1x1250x128xf32>
    %squeeze3A_4 = vector.shape_cast %slice3A_3 : vector<1x1250x128xf32> to vector<1250x128xf32>
    %add3A = arith.addf %squeeze3A, %squeeze3A_4 : vector<1250x128xf32>
    %get3A_5 = arith.constant 0 : index
    %get3A_6 = arith.constant 0 : index
    %get3A_7 = vector.load %arg2[%get3A_5, %get3A_6] : memref<1250x128xf32, #tpu.memory_space<vmem>>, vector<1250x128xf32>
    %mul3A = arith.mulf %add3A, %get3A_7 : vector<1250x128xf32>
    %get3A_8 = arith.constant 0 : index
    %get3A_9 = arith.constant 0 : index
    %get3A_10 = vector.load %arg3[%get3A_8, %get3A_9] : memref<64x16xf32, #tpu.memory_space<vmem>>, vector<64x16xf32>
    %transpose3A = tpu.transpose %get3A_10, [1, 0] : vector<64x16xf32> -> vector<16x64xf32>
    %concatenate3A = tpu.concatenate %transpose3A, %transpose3A, %transpose3A, %transpose3A, %transpose3A, %transpose3A, %transpose3A, %transpose3A in 1 : vector<16x64xf32>, vector<16x64xf32>, vector<16x64xf32>, vector<16x64xf32>, vector<16x64xf32>, vector<16x64xf32>, vector<16x64xf32>, vector<16x64xf32> -> vector<16x512xf32>
    %concatenate3A_11 = tpu.concatenate %concatenate3A, %concatenate3A, %concatenate3A, %concatenate3A, %concatenate3A, %concatenate3A, %concatenate3A, %concatenate3A in 0 : vector<16x512xf32>, vector<16x512xf32>, vector<16x512xf32>, vector<16x512xf32>, vector<16x512xf32>, vector<16x512xf32>, vector<16x512xf32>, vector<16x512xf32> -> vector<128x512xf32>
    %iota3A = tpu.iota {dimensions = array<i32: 0>} : vector<128x512xi32>
    %iota3A_12 = tpu.iota {dimensions = array<i32: 1>} : vector<128x512xi32>
    %jit3A = arith.constant 16 : i32
    %div3A = vector.broadcast %jit3A : i32 to vector<128x512xi32>
    %div3A_13 = arith.divsi %iota3A, %div3A : vector<128x512xi32>
    %sign3A = arith.constant 0 : i32
    %sign3A_14 = vector.broadcast %sign3A : i32 to vector<128x512xi32>
    %sign3A_15 = arith.cmpi sgt, %iota3A, %sign3A_14 : vector<128x512xi32>
    %sign3A_16 = arith.extui %sign3A_15 : vector<128x512xi1> to vector<128x512xi32>
    %sign3A_17 = arith.constant 0 : i32
    %sign3A_18 = vector.broadcast %sign3A_17 : i32 to vector<128x512xi32>
    %sign3A_19 = arith.cmpi slt, %iota3A, %sign3A_18 : vector<128x512xi32>
    %sign3A_20 = arith.extui %sign3A_19 : vector<128x512xi1> to vector<128x512xi32>
    %sign3A_21 = arith.subi %sign3A_16, %sign3A_20 : vector<128x512xi32>
    %sign3A_22 = arith.constant 0 : i32
    %sign3A_23 = arith.cmpi sgt, %jit3A, %sign3A_22 : i32
    %sign3A_24 = arith.extui %sign3A_23 : i1 to i32
    %sign3A_25 = arith.constant 0 : i32
    %sign3A_26 = arith.cmpi slt, %jit3A, %sign3A_25 : i32
    %sign3A_27 = arith.extui %sign3A_26 : i1 to i32
    %sign3A_28 = arith.subi %sign3A_24, %sign3A_27 : i32
    %ne3A = vector.broadcast %sign3A_28 : i32 to vector<128x512xi32>
    %ne3A_29 = arith.cmpi ne, %sign3A_21, %ne3A : vector<128x512xi32>
    %rem3A = vector.broadcast %jit3A : i32 to vector<128x512xi32>
    %rem3A_30 = arith.remsi %iota3A, %rem3A : vector<128x512xi32>
    %ne3A_31 = arith.constant 0 : i32
    %ne3A_32 = vector.broadcast %ne3A_31 : i32 to vector<128x512xi32>
    %ne3A_33 = arith.cmpi ne, %rem3A_30, %ne3A_32 : vector<128x512xi32>
    %and3A = arith.andi %ne3A_29, %ne3A_33 : vector<128x512xi1>
    %sub3A = arith.constant 1 : i32
    %sub3A_34 = vector.broadcast %sub3A : i32 to vector<128x512xi32>
    %sub3A_35 = arith.subi %div3A_13, %sub3A_34 : vector<128x512xi32>
    %select_n3A = arith.select %and3A, %sub3A_35, %div3A_13 : vector<128x512xi1>, vector<128x512xi32>
    %jit3A_36 = arith.constant 64 : i32
    %div3A_37 = vector.broadcast %jit3A_36 : i32 to vector<128x512xi32>
    %div3A_38 = arith.divsi %iota3A_12, %div3A_37 : vector<128x512xi32>
    %sign3A_39 = arith.constant 0 : i32
    %sign3A_40 = vector.broadcast %sign3A_39 : i32 to vector<128x512xi32>
    %sign3A_41 = arith.cmpi sgt, %iota3A_12, %sign3A_40 : vector<128x512xi32>
    %sign3A_42 = arith.extui %sign3A_41 : vector<128x512xi1> to vector<128x512xi32>
    %sign3A_43 = arith.constant 0 : i32
    %sign3A_44 = vector.broadcast %sign3A_43 : i32 to vector<128x512xi32>
    %sign3A_45 = arith.cmpi slt, %iota3A_12, %sign3A_44 : vector<128x512xi32>
    %sign3A_46 = arith.extui %sign3A_45 : vector<128x512xi1> to vector<128x512xi32>
    %sign3A_47 = arith.subi %sign3A_42, %sign3A_46 : vector<128x512xi32>
    %sign3A_48 = arith.constant 0 : i32
    %sign3A_49 = arith.cmpi sgt, %jit3A_36, %sign3A_48 : i32
    %sign3A_50 = arith.extui %sign3A_49 : i1 to i32
    %sign3A_51 = arith.constant 0 : i32
    %sign3A_52 = arith.cmpi slt, %jit3A_36, %sign3A_51 : i32
    %sign3A_53 = arith.extui %sign3A_52 : i1 to i32
    %sign3A_54 = arith.subi %sign3A_50, %sign3A_53 : i32
    %ne3A_55 = vector.broadcast %sign3A_54 : i32 to vector<128x512xi32>
    %ne3A_56 = arith.cmpi ne, %sign3A_47, %ne3A_55 : vector<128x512xi32>
    %rem3A_57 = vector.broadcast %jit3A_36 : i32 to vector<128x512xi32>
    %rem3A_58 = arith.remsi %iota3A_12, %rem3A_57 : vector<128x512xi32>
    %ne3A_59 = arith.constant 0 : i32
    %ne3A_60 = vector.broadcast %ne3A_59 : i32 to vector<128x512xi32>
    %ne3A_61 = arith.cmpi ne, %rem3A_58, %ne3A_60 : vector<128x512xi32>
    %and3A_62 = arith.andi %ne3A_56, %ne3A_61 : vector<128x512xi1>
    %sub3A_63 = arith.constant 1 : i32
    %sub3A_64 = vector.broadcast %sub3A_63 : i32 to vector<128x512xi32>
    %sub3A_65 = arith.subi %div3A_38, %sub3A_64 : vector<128x512xi32>
    %select_n3A_66 = arith.select %and3A_62, %sub3A_65, %div3A_38 : vector<128x512xi1>, vector<128x512xi32>
    %eq3A = arith.cmpi eq, %select_n3A, %select_n3A_66 : vector<128x512xi32>
    %jit3A_67 = arith.constant 0.000000e+00 : f32
    %broadcast_in_dim3A = vector.broadcast %jit3A_67 : f32 to vector<128x512xf32>
    %select_n3A_68 = arith.select %eq3A, %concatenate3A_11, %broadcast_in_dim3A : vector<128x512xi1>, vector<128x512xf32>
    %dot_general3A = arith.constant dense<0.000000e+00> : vector<1250x512xf32>
    %dot_general3A_69 = tpu.matmul %mul3A, %select_n3A_68, %dot_general3A {dimension_numbers = #tpu.dot_dimension_numbers<[1], [0], [0], [1], [0, 0, 1, 1], [], []>, transpose_lhs_hint = false} : vector<1250x128xf32>, vector<128x512xf32>, vector<1250x512xf32> -> vector<1250x512xf32>
    %get3A_70 = arith.constant 0 : index
    %get3A_71 = arith.constant 0 : index
    %get3A_72 = vector.load %arg1[%get3A_70, %get3A_71] : memref<1250x128xf32, #tpu.memory_space<vmem>>, vector<1250x128xf32>
    %get3A_73 = arith.constant 0 : index
    %get3A_74 = arith.constant 0 : index
    %get3A_75 = vector.load %arg4[%get3A_73, %get3A_74] : memref<64x16xf32, #tpu.memory_space<vmem>>, vector<64x16xf32>
    %transpose3A_76 = tpu.transpose %get3A_75, [1, 0] : vector<64x16xf32> -> vector<16x64xf32>
    %concatenate3A_77 = tpu.concatenate %transpose3A_76, %transpose3A_76, %transpose3A_76, %transpose3A_76, %transpose3A_76, %transpose3A_76, %transpose3A_76, %transpose3A_76 in 1 : vector<16x64xf32>, vector<16x64xf32>, vector<16x64xf32>, vector<16x64xf32>, vector<16x64xf32>, vector<16x64xf32>, vector<16x64xf32>, vector<16x64xf32> -> vector<16x512xf32>
    %concatenate3A_78 = tpu.concatenate %concatenate3A_77, %concatenate3A_77, %concatenate3A_77, %concatenate3A_77, %concatenate3A_77, %concatenate3A_77, %concatenate3A_77, %concatenate3A_77 in 0 : vector<16x512xf32>, vector<16x512xf32>, vector<16x512xf32>, vector<16x512xf32>, vector<16x512xf32>, vector<16x512xf32>, vector<16x512xf32>, vector<16x512xf32> -> vector<128x512xf32>
    %iota3A_79 = tpu.iota {dimensions = array<i32: 0>} : vector<128x512xi32>
    %iota3A_80 = tpu.iota {dimensions = array<i32: 1>} : vector<128x512xi32>
    %jit3A_81 = arith.constant 16 : i32
    %div3A_82 = vector.broadcast %jit3A_81 : i32 to vector<128x512xi32>
    %div3A_83 = arith.divsi %iota3A_79, %div3A_82 : vector<128x512xi32>
    %sign3A_84 = arith.constant 0 : i32
    %sign3A_85 = vector.broadcast %sign3A_84 : i32 to vector<128x512xi32>
    %sign3A_86 = arith.cmpi sgt, %iota3A_79, %sign3A_85 : vector<128x512xi32>
    %sign3A_87 = arith.extui %sign3A_86 : vector<128x512xi1> to vector<128x512xi32>
    %sign3A_88 = arith.constant 0 : i32
    %sign3A_89 = vector.broadcast %sign3A_88 : i32 to vector<128x512xi32>
    %sign3A_90 = arith.cmpi slt, %iota3A_79, %sign3A_89 : vector<128x512xi32>
    %sign3A_91 = arith.extui %sign3A_90 : vector<128x512xi1> to vector<128x512xi32>
    %sign3A_92 = arith.subi %sign3A_87, %sign3A_91 : vector<128x512xi32>
    %sign3A_93 = arith.constant 0 : i32
    %sign3A_94 = arith.cmpi sgt, %jit3A_81, %sign3A_93 : i32
    %sign3A_95 = arith.extui %sign3A_94 : i1 to i32
    %sign3A_96 = arith.constant 0 : i32
    %sign3A_97 = arith.cmpi slt, %jit3A_81, %sign3A_96 : i32
    %sign3A_98 = arith.extui %sign3A_97 : i1 to i32
    %sign3A_99 = arith.subi %sign3A_95, %sign3A_98 : i32
    %ne3A_100 = vector.broadcast %sign3A_99 : i32 to vector<128x512xi32>
    %ne3A_101 = arith.cmpi ne, %sign3A_92, %ne3A_100 : vector<128x512xi32>
    %rem3A_102 = vector.broadcast %jit3A_81 : i32 to vector<128x512xi32>
    %rem3A_103 = arith.remsi %iota3A_79, %rem3A_102 : vector<128x512xi32>
    %ne3A_104 = arith.constant 0 : i32
    %ne3A_105 = vector.broadcast %ne3A_104 : i32 to vector<128x512xi32>
    %ne3A_106 = arith.cmpi ne, %rem3A_103, %ne3A_105 : vector<128x512xi32>
    %and3A_107 = arith.andi %ne3A_101, %ne3A_106 : vector<128x512xi1>
    %sub3A_108 = arith.constant 1 : i32
    %sub3A_109 = vector.broadcast %sub3A_108 : i32 to vector<128x512xi32>
    %sub3A_110 = arith.subi %div3A_83, %sub3A_109 : vector<128x512xi32>
    %select_n3A_111 = arith.select %and3A_107, %sub3A_110, %div3A_83 : vector<128x512xi1>, vector<128x512xi32>
    %jit3A_112 = arith.constant 64 : i32
    %div3A_113 = vector.broadcast %jit3A_112 : i32 to vector<128x512xi32>
    %div3A_114 = arith.divsi %iota3A_80, %div3A_113 : vector<128x512xi32>
    %sign3A_115 = arith.constant 0 : i32
    %sign3A_116 = vector.broadcast %sign3A_115 : i32 to vector<128x512xi32>
    %sign3A_117 = arith.cmpi sgt, %iota3A_80, %sign3A_116 : vector<128x512xi32>
    %sign3A_118 = arith.extui %sign3A_117 : vector<128x512xi1> to vector<128x512xi32>
    %sign3A_119 = arith.constant 0 : i32
    %sign3A_120 = vector.broadcast %sign3A_119 : i32 to vector<128x512xi32>
    %sign3A_121 = arith.cmpi slt, %iota3A_80, %sign3A_120 : vector<128x512xi32>
    %sign3A_122 = arith.extui %sign3A_121 : vector<128x512xi1> to vector<128x512xi32>
    %sign3A_123 = arith.subi %sign3A_118, %sign3A_122 : vector<128x512xi32>
    %sign3A_124 = arith.constant 0 : i32
    %sign3A_125 = arith.cmpi sgt, %jit3A_112, %sign3A_124 : i32
    %sign3A_126 = arith.extui %sign3A_125 : i1 to i32
    %sign3A_127 = arith.constant 0 : i32
    %sign3A_128 = arith.cmpi slt, %jit3A_112, %sign3A_127 : i32
    %sign3A_129 = arith.extui %sign3A_128 : i1 to i32
    %sign3A_130 = arith.subi %sign3A_126, %sign3A_129 : i32
    %ne3A_131 = vector.broadcast %sign3A_130 : i32 to vector<128x512xi32>
    %ne3A_132 = arith.cmpi ne, %sign3A_123, %ne3A_131 : vector<128x512xi32>
    %rem3A_133 = vector.broadcast %jit3A_112 : i32 to vector<128x512xi32>
    %rem3A_134 = arith.remsi %iota3A_80, %rem3A_133 : vector<128x512xi32>
    %ne3A_135 = arith.constant 0 : i32
    %ne3A_136 = vector.broadcast %ne3A_135 : i32 to vector<128x512xi32>
    %ne3A_137 = arith.cmpi ne, %rem3A_134, %ne3A_136 : vector<128x512xi32>
    %and3A_138 = arith.andi %ne3A_132, %ne3A_137 : vector<128x512xi1>
    %sub3A_139 = arith.constant 1 : i32
    %sub3A_140 = vector.broadcast %sub3A_139 : i32 to vector<128x512xi32>
    %sub3A_141 = arith.subi %div3A_114, %sub3A_140 : vector<128x512xi32>
    %select_n3A_142 = arith.select %and3A_138, %sub3A_141, %div3A_114 : vector<128x512xi1>, vector<128x512xi32>
    %eq3A_143 = arith.cmpi eq, %select_n3A_111, %select_n3A_142 : vector<128x512xi32>
    %jit3A_144 = arith.constant 0.000000e+00 : f32
    %broadcast_in_dim3A_145 = vector.broadcast %jit3A_144 : f32 to vector<128x512xf32>
    %select_n3A_146 = arith.select %eq3A_143, %concatenate3A_78, %broadcast_in_dim3A_145 : vector<128x512xi1>, vector<128x512xf32>
    %dot_general3A_147 = arith.constant dense<0.000000e+00> : vector<1250x512xf32>
    %dot_general3A_148 = tpu.matmul %get3A_72, %select_n3A_146, %dot_general3A_147 {dimension_numbers = #tpu.dot_dimension_numbers<[1], [0], [0], [1], [0, 0, 1, 1], [], []>, transpose_lhs_hint = false} : vector<1250x128xf32>, vector<128x512xf32>, vector<1250x512xf32> -> vector<1250x512xf32>
    %add3A_149 = arith.addf %dot_general3A_69, %dot_general3A_148 : vector<1250x512xf32>
    %slice3A_150 = vector.extract_strided_slice %add3A_149 {offsets = [0, 0], sizes = [1250, 64], strides = [1, 1]} : vector<1250x512xf32> to vector<1250x64xf32>
    %get3A_151 = arith.constant 0 : index
    %get3A_152 = vector.load %arg5[%get3A_151] : memref<64xf32, #tpu.memory_space<vmem>>, vector<64xf32>
    %broadcast_in_dim3A_153 = vector.shape_cast %get3A_152 : vector<64xf32> to vector<1x64xf32>
    %add3A_154 = vector.broadcast %broadcast_in_dim3A_153 : vector<1x64xf32> to vector<1250x64xf32>
    %add3A_155 = arith.addf %slice3A_150, %add3A_154 : vector<1250x64xf32>
    %reduce_max3A = arith.constant dense<0xFF800000> : vector<1250xf32>
    %reduce_max3A_156 = vector.multi_reduction <maximumf>, %add3A_155, %reduce_max3A [1] : vector<1250x64xf32> to vector<1250xf32>
    %broadcast_in_dim3A_157 = vector.shape_cast %reduce_max3A_156 : vector<1250xf32> to vector<1250x1xf32>
    %sub3A_158 = vector.broadcast %broadcast_in_dim3A_157 : vector<1250x1xf32> to vector<1250x64xf32>
    %sub3A_159 = arith.subf %add3A_155, %sub3A_158 : vector<1250x64xf32>
    %exp3A = math.exp %sub3A_159 : vector<1250x64xf32>
    %reduce_sum3A = arith.constant dense<0.000000e+00> : vector<1250xf32>
    %reduce_sum3A_160 = vector.multi_reduction <add>, %exp3A, %reduce_sum3A [1] : vector<1250x64xf32> to vector<1250xf32>
    %broadcast_in_dim3A_161 = vector.shape_cast %reduce_sum3A_160 : vector<1250xf32> to vector<1250x1xf32>
    %log3A = math.log %broadcast_in_dim3A_161 : vector<1250x1xf32>
    %sub3A_162 = vector.broadcast %log3A : vector<1250x1xf32> to vector<1250x64xf32>
    %sub3A_163 = arith.subf %sub3A_159, %sub3A_162 : vector<1250x64xf32>
    %slice3A_164 = vector.extract_strided_slice %add3A_149 {offsets = [0, 64], sizes = [1250, 64], strides = [1, 1]} : vector<1250x512xf32> to vector<1250x64xf32>
    %get3A_165 = arith.constant 0 : index
    %get3A_166 = vector.load %arg5[%get3A_165] : memref<64xf32, #tpu.memory_space<vmem>>, vector<64xf32>
    %broadcast_in_dim3A_167 = vector.shape_cast %get3A_166 : vector<64xf32> to vector<1x64xf32>
    %add3A_168 = vector.broadcast %broadcast_in_dim3A_167 : vector<1x64xf32> to vector<1250x64xf32>
    %add3A_169 = arith.addf %slice3A_164, %add3A_168 : vector<1250x64xf32>
    %reduce_max3A_170 = arith.constant dense<0xFF800000> : vector<1250xf32>
    %reduce_max3A_171 = vector.multi_reduction <maximumf>, %add3A_169, %reduce_max3A_170 [1] : vector<1250x64xf32> to vector<1250xf32>
    %broadcast_in_dim3A_172 = vector.shape_cast %reduce_max3A_171 : vector<1250xf32> to vector<1250x1xf32>
    %sub3A_173 = vector.broadcast %broadcast_in_dim3A_172 : vector<1250x1xf32> to vector<1250x64xf32>
    %sub3A_174 = arith.subf %add3A_169, %sub3A_173 : vector<1250x64xf32>
    %exp3A_175 = math.exp %sub3A_174 : vector<1250x64xf32>
    %reduce_sum3A_176 = arith.constant dense<0.000000e+00> : vector<1250xf32>
    %reduce_sum3A_177 = vector.multi_reduction <add>, %exp3A_175, %reduce_sum3A_176 [1] : vector<1250x64xf32> to vector<1250xf32>
    %broadcast_in_dim3A_178 = vector.shape_cast %reduce_sum3A_177 : vector<1250xf32> to vector<1250x1xf32>
    %log3A_179 = math.log %broadcast_in_dim3A_178 : vector<1250x1xf32>
    %sub3A_180 = vector.broadcast %log3A_179 : vector<1250x1xf32> to vector<1250x64xf32>
    %sub3A_181 = arith.subf %sub3A_174, %sub3A_180 : vector<1250x64xf32>
    %slice3A_182 = vector.extract_strided_slice %add3A_149 {offsets = [0, 128], sizes = [1250, 64], strides = [1, 1]} : vector<1250x512xf32> to vector<1250x64xf32>
    %get3A_183 = arith.constant 0 : index
    %get3A_184 = vector.load %arg5[%get3A_183] : memref<64xf32, #tpu.memory_space<vmem>>, vector<64xf32>
    %broadcast_in_dim3A_185 = vector.shape_cast %get3A_184 : vector<64xf32> to vector<1x64xf32>
    %add3A_186 = vector.broadcast %broadcast_in_dim3A_185 : vector<1x64xf32> to vector<1250x64xf32>
    %add3A_187 = arith.addf %slice3A_182, %add3A_186 : vector<1250x64xf32>
    %reduce_max3A_188 = arith.constant dense<0xFF800000> : vector<1250xf32>
    %reduce_max3A_189 = vector.multi_reduction <maximumf>, %add3A_187, %reduce_max3A_188 [1] : vector<1250x64xf32> to vector<1250xf32>
    %broadcast_in_dim3A_190 = vector.shape_cast %reduce_max3A_189 : vector<1250xf32> to vector<1250x1xf32>
    %sub3A_191 = vector.broadcast %broadcast_in_dim3A_190 : vector<1250x1xf32> to vector<1250x64xf32>
    %sub3A_192 = arith.subf %add3A_187, %sub3A_191 : vector<1250x64xf32>
    %exp3A_193 = math.exp %sub3A_192 : vector<1250x64xf32>
    %reduce_sum3A_194 = arith.constant dense<0.000000e+00> : vector<1250xf32>
    %reduce_sum3A_195 = vector.multi_reduction <add>, %exp3A_193, %reduce_sum3A_194 [1] : vector<1250x64xf32> to vector<1250xf32>
    %broadcast_in_dim3A_196 = vector.shape_cast %reduce_sum3A_195 : vector<1250xf32> to vector<1250x1xf32>
    %log3A_197 = math.log %broadcast_in_dim3A_196 : vector<1250x1xf32>
    %sub3A_198 = vector.broadcast %log3A_197 : vector<1250x1xf32> to vector<1250x64xf32>
    %sub3A_199 = arith.subf %sub3A_192, %sub3A_198 : vector<1250x64xf32>
    %slice3A_200 = vector.extract_strided_slice %add3A_149 {offsets = [0, 192], sizes = [1250, 64], strides = [1, 1]} : vector<1250x512xf32> to vector<1250x64xf32>
    %get3A_201 = arith.constant 0 : index
    %get3A_202 = vector.load %arg5[%get3A_201] : memref<64xf32, #tpu.memory_space<vmem>>, vector<64xf32>
    %broadcast_in_dim3A_203 = vector.shape_cast %get3A_202 : vector<64xf32> to vector<1x64xf32>
    %add3A_204 = vector.broadcast %broadcast_in_dim3A_203 : vector<1x64xf32> to vector<1250x64xf32>
    %add3A_205 = arith.addf %slice3A_200, %add3A_204 : vector<1250x64xf32>
    %reduce_max3A_206 = arith.constant dense<0xFF800000> : vector<1250xf32>
    %reduce_max3A_207 = vector.multi_reduction <maximumf>, %add3A_205, %reduce_max3A_206 [1] : vector<1250x64xf32> to vector<1250xf32>
    %broadcast_in_dim3A_208 = vector.shape_cast %reduce_max3A_207 : vector<1250xf32> to vector<1250x1xf32>
    %sub3A_209 = vector.broadcast %broadcast_in_dim3A_208 : vector<1250x1xf32> to vector<1250x64xf32>
    %sub3A_210 = arith.subf %add3A_205, %sub3A_209 : vector<1250x64xf32>
    %exp3A_211 = math.exp %sub3A_210 : vector<1250x64xf32>
    %reduce_sum3A_212 = arith.constant dense<0.000000e+00> : vector<1250xf32>
    %reduce_sum3A_213 = vector.multi_reduction <add>, %exp3A_211, %reduce_sum3A_212 [1] : vector<1250x64xf32> to vector<1250xf32>
    %broadcast_in_dim3A_214 = vector.shape_cast %reduce_sum3A_213 : vector<1250xf32> to vector<1250x1xf32>
    %log3A_215 = math.log %broadcast_in_dim3A_214 : vector<1250x1xf32>
    %sub3A_216 = vector.broadcast %log3A_215 : vector<1250x1xf32> to vector<1250x64xf32>
    %sub3A_217 = arith.subf %sub3A_210, %sub3A_216 : vector<1250x64xf32>
    %slice3A_218 = vector.extract_strided_slice %add3A_149 {offsets = [0, 256], sizes = [1250, 64], strides = [1, 1]} : vector<1250x512xf32> to vector<1250x64xf32>
    %get3A_219 = arith.constant 0 : index
    %get3A_220 = vector.load %arg5[%get3A_219] : memref<64xf32, #tpu.memory_space<vmem>>, vector<64xf32>
    %broadcast_in_dim3A_221 = vector.shape_cast %get3A_220 : vector<64xf32> to vector<1x64xf32>
    %add3A_222 = vector.broadcast %broadcast_in_dim3A_221 : vector<1x64xf32> to vector<1250x64xf32>
    %add3A_223 = arith.addf %slice3A_218, %add3A_222 : vector<1250x64xf32>
    %reduce_max3A_224 = arith.constant dense<0xFF800000> : vector<1250xf32>
    %reduce_max3A_225 = vector.multi_reduction <maximumf>, %add3A_223, %reduce_max3A_224 [1] : vector<1250x64xf32> to vector<1250xf32>
    %broadcast_in_dim3A_226 = vector.shape_cast %reduce_max3A_225 : vector<1250xf32> to vector<1250x1xf32>
    %sub3A_227 = vector.broadcast %broadcast_in_dim3A_226 : vector<1250x1xf32> to vector<1250x64xf32>
    %sub3A_228 = arith.subf %add3A_223, %sub3A_227 : vector<1250x64xf32>
    %exp3A_229 = math.exp %sub3A_228 : vector<1250x64xf32>
    %reduce_sum3A_230 = arith.constant dense<0.000000e+00> : vector<1250xf32>
    %reduce_sum3A_231 = vector.multi_reduction <add>, %exp3A_229, %reduce_sum3A_230 [1] : vector<1250x64xf32> to vector<1250xf32>
    %broadcast_in_dim3A_232 = vector.shape_cast %reduce_sum3A_231 : vector<1250xf32> to vector<1250x1xf32>
    %log3A_233 = math.log %broadcast_in_dim3A_232 : vector<1250x1xf32>
    %sub3A_234 = vector.broadcast %log3A_233 : vector<1250x1xf32> to vector<1250x64xf32>
    %sub3A_235 = arith.subf %sub3A_228, %sub3A_234 : vector<1250x64xf32>
    %slice3A_236 = vector.extract_strided_slice %add3A_149 {offsets = [0, 320], sizes = [1250, 64], strides = [1, 1]} : vector<1250x512xf32> to vector<1250x64xf32>
    %get3A_237 = arith.constant 0 : index
    %get3A_238 = vector.load %arg5[%get3A_237] : memref<64xf32, #tpu.memory_space<vmem>>, vector<64xf32>
    %broadcast_in_dim3A_239 = vector.shape_cast %get3A_238 : vector<64xf32> to vector<1x64xf32>
    %add3A_240 = vector.broadcast %broadcast_in_dim3A_239 : vector<1x64xf32> to vector<1250x64xf32>
    %add3A_241 = arith.addf %slice3A_236, %add3A_240 : vector<1250x64xf32>
    %reduce_max3A_242 = arith.constant dense<0xFF800000> : vector<1250xf32>
    %reduce_max3A_243 = vector.multi_reduction <maximumf>, %add3A_241, %reduce_max3A_242 [1] : vector<1250x64xf32> to vector<1250xf32>
    %broadcast_in_dim3A_244 = vector.shape_cast %reduce_max3A_243 : vector<1250xf32> to vector<1250x1xf32>
    %sub3A_245 = vector.broadcast %broadcast_in_dim3A_244 : vector<1250x1xf32> to vector<1250x64xf32>
    %sub3A_246 = arith.subf %add3A_241, %sub3A_245 : vector<1250x64xf32>
    %exp3A_247 = math.exp %sub3A_246 : vector<1250x64xf32>
    %reduce_sum3A_248 = arith.constant dense<0.000000e+00> : vector<1250xf32>
    %reduce_sum3A_249 = vector.multi_reduction <add>, %exp3A_247, %reduce_sum3A_248 [1] : vector<1250x64xf32> to vector<1250xf32>
    %broadcast_in_dim3A_250 = vector.shape_cast %reduce_sum3A_249 : vector<1250xf32> to vector<1250x1xf32>
    %log3A_251 = math.log %broadcast_in_dim3A_250 : vector<1250x1xf32>
    %sub3A_252 = vector.broadcast %log3A_251 : vector<1250x1xf32> to vector<1250x64xf32>
    %sub3A_253 = arith.subf %sub3A_246, %sub3A_252 : vector<1250x64xf32>
    %slice3A_254 = vector.extract_strided_slice %add3A_149 {offsets = [0, 384], sizes = [1250, 64], strides = [1, 1]} : vector<1250x512xf32> to vector<1250x64xf32>
    %get3A_255 = arith.constant 0 : index
    %get3A_256 = vector.load %arg5[%get3A_255] : memref<64xf32, #tpu.memory_space<vmem>>, vector<64xf32>
    %broadcast_in_dim3A_257 = vector.shape_cast %get3A_256 : vector<64xf32> to vector<1x64xf32>
    %add3A_258 = vector.broadcast %broadcast_in_dim3A_257 : vector<1x64xf32> to vector<1250x64xf32>
    %add3A_259 = arith.addf %slice3A_254, %add3A_258 : vector<1250x64xf32>
    %reduce_max3A_260 = arith.constant dense<0xFF800000> : vector<1250xf32>
    %reduce_max3A_261 = vector.multi_reduction <maximumf>, %add3A_259, %reduce_max3A_260 [1] : vector<1250x64xf32> to vector<1250xf32>
    %broadcast_in_dim3A_262 = vector.shape_cast %reduce_max3A_261 : vector<1250xf32> to vector<1250x1xf32>
    %sub3A_263 = vector.broadcast %broadcast_in_dim3A_262 : vector<1250x1xf32> to vector<1250x64xf32>
    %sub3A_264 = arith.subf %add3A_259, %sub3A_263 : vector<1250x64xf32>
    %exp3A_265 = math.exp %sub3A_264 : vector<1250x64xf32>
    %reduce_sum3A_266 = arith.constant dense<0.000000e+00> : vector<1250xf32>
    %reduce_sum3A_267 = vector.multi_reduction <add>, %exp3A_265, %reduce_sum3A_266 [1] : vector<1250x64xf32> to vector<1250xf32>
    %broadcast_in_dim3A_268 = vector.shape_cast %reduce_sum3A_267 : vector<1250xf32> to vector<1250x1xf32>
    %log3A_269 = math.log %broadcast_in_dim3A_268 : vector<1250x1xf32>
    %sub3A_270 = vector.broadcast %log3A_269 : vector<1250x1xf32> to vector<1250x64xf32>
    %sub3A_271 = arith.subf %sub3A_264, %sub3A_270 : vector<1250x64xf32>
    %slice3A_272 = vector.extract_strided_slice %add3A_149 {offsets = [0, 448], sizes = [1250, 64], strides = [1, 1]} : vector<1250x512xf32> to vector<1250x64xf32>
    %get3A_273 = arith.constant 0 : index
    %get3A_274 = vector.load %arg5[%get3A_273] : memref<64xf32, #tpu.memory_space<vmem>>, vector<64xf32>
    %broadcast_in_dim3A_275 = vector.shape_cast %get3A_274 : vector<64xf32> to vector<1x64xf32>
    %add3A_276 = vector.broadcast %broadcast_in_dim3A_275 : vector<1x64xf32> to vector<1250x64xf32>
    %add3A_277 = arith.addf %slice3A_272, %add3A_276 : vector<1250x64xf32>
    %reduce_max3A_278 = arith.constant dense<0xFF800000> : vector<1250xf32>
    %reduce_max3A_279 = vector.multi_reduction <maximumf>, %add3A_277, %reduce_max3A_278 [1] : vector<1250x64xf32> to vector<1250xf32>
    %broadcast_in_dim3A_280 = vector.shape_cast %reduce_max3A_279 : vector<1250xf32> to vector<1250x1xf32>
    %sub3A_281 = vector.broadcast %broadcast_in_dim3A_280 : vector<1250x1xf32> to vector<1250x64xf32>
    %sub3A_282 = arith.subf %add3A_277, %sub3A_281 : vector<1250x64xf32>
    %exp3A_283 = math.exp %sub3A_282 : vector<1250x64xf32>
    %reduce_sum3A_284 = arith.constant dense<0.000000e+00> : vector<1250xf32>
    %reduce_sum3A_285 = vector.multi_reduction <add>, %exp3A_283, %reduce_sum3A_284 [1] : vector<1250x64xf32> to vector<1250xf32>
    %broadcast_in_dim3A_286 = vector.shape_cast %reduce_sum3A_285 : vector<1250xf32> to vector<1250x1xf32>
    %log3A_287 = math.log %broadcast_in_dim3A_286 : vector<1250x1xf32>
    %sub3A_288 = vector.broadcast %log3A_287 : vector<1250x1xf32> to vector<1250x64xf32>
    %sub3A_289 = arith.subf %sub3A_282, %sub3A_288 : vector<1250x64xf32>
    %stack3A = vector.shape_cast %sub3A_163 : vector<1250x64xf32> to vector<1250x1x64xf32>
    %stack3A_290 = vector.shape_cast %sub3A_181 : vector<1250x64xf32> to vector<1250x1x64xf32>
    %stack3A_291 = vector.shape_cast %sub3A_199 : vector<1250x64xf32> to vector<1250x1x64xf32>
    %stack3A_292 = vector.shape_cast %sub3A_217 : vector<1250x64xf32> to vector<1250x1x64xf32>
    %stack3A_293 = vector.shape_cast %sub3A_235 : vector<1250x64xf32> to vector<1250x1x64xf32>
    %stack3A_294 = vector.shape_cast %sub3A_253 : vector<1250x64xf32> to vector<1250x1x64xf32>
    %stack3A_295 = vector.shape_cast %sub3A_271 : vector<1250x64xf32> to vector<1250x1x64xf32>
    %stack3A_296 = vector.shape_cast %sub3A_289 : vector<1250x64xf32> to vector<1250x1x64xf32>
    %stack3A_297 = tpu.concatenate %stack3A, %stack3A_290, %stack3A_291, %stack3A_292, %stack3A_293, %stack3A_294, %stack3A_295, %stack3A_296 in 1 : vector<1250x1x64xf32>, vector<1250x1x64xf32>, vector<1250x1x64xf32>, vector<1250x1x64xf32>, vector<1250x1x64xf32>, vector<1250x1x64xf32>, vector<1250x1x64xf32>, vector<1250x1x64xf32> -> vector<1250x8x64xf32>
    %reshape3A = vector.shape_cast %stack3A_297 : vector<1250x8x64xf32> to vector<10000x64xf32>
    %swap3A = arith.constant 0 : index
    %swap3A_298 = arith.constant 0 : index
    %swap3A_299 = vector.load %arg6[%swap3A, %swap3A_298] : memref<10000x64xf32, #tpu.memory_space<vmem>>, vector<10000x64xf32>
    tpu.vector_store %arg6[%swap3A, %swap3A_298], %reshape3A {strides = array<i32>} : memref<10000x64xf32, #tpu.memory_space<vmem>>, vector<10000x64xf32>,
    return
  }
}

</mosaic_0001>

<sc_bundles>
// kernel: kernel.10.cloned.1.call-start
scs
__scs_entry_jumppad:
0x0: {  	(pc) =	sbr.rel $0x88, $3  }
0x1: {  	(tag) =	ssettag $0x0;
	lr =	simm.s32 $0x1  }
0x2: {  	[smem:$0x3F99] =	sst lr;
	_ =	strace $0xD0000000  }
0x3: {  	_ = 	snop  }
0x4: {  	_ = 	snop  }
0x5: {  	_ = 	snop  }
0x6: {  	_ = 	snop  }
0x7: {  	_ = 	snop  }
__scs_overlays_trampoline_lowered:
0x8: {  	[smem:$0x3FA8] =	sst s0  }
0x9: {  	[smem:$0x3FA9] =	sst s1  }
0xa: {  	[smem:$0x3FAA] =	sst s2  }
0xb: {  	[smem:$0x3FAB] =	sst s3  }
0xc: {  	[smem:$0x3FAC] =	sst s4  }
0xd: {  	[smem:$0x3FAD] =	sst s5  }
0xe: {  	[smem:$0x3FAE] =	sst s6  }
0xf: {  	[smem:$0x3FAF] =	sst s7  }
0x10: {  	[smem:$0x3FB0] =	sst s8  }
0x11: {  	[smem:$0x3FB1] =	sst s9;
	s0 =	simm.s32 @!p0 $0x0  }
0x12: {  	s1 =	sld [smem:$0x3F97];
	s0 =	simm.s32 @p0 $0x1  }
0x13: {  	[smem:$0x3FB2] =	sst s0;
	s0 =	simm.s32 @!p1 $0x0  }
0x14: {  	s2 =	sld [smem:$0x3F96];
	s0 =	simm.s32 @p1 $0x1  }
0x15: {  	[smem:$0x3FB3] =	sst s0;
	s0 =	simm.s32 @!p2 $0x0  }
0x16: {  	s3 =	sld [smem:$0x3FDB];
	s0 =	simm.s32 @p2 $0x1  }
0x17: {  	s4 =	simm.s32 $0x1BF5;
	[smem:$0x3FB5] =	sst s0  }
0x18: {  	s0 =	sld [smem:$0x3F98];
	_ =	swait.ge [sflag:s4], $0x0  }
0x19: {  	s7 =	sld [smem:$0x3F99]  }
0x1a: {  	s8 =	sadd.s32 $0xFFFFE003, lr  }
0x1b: {  	s9 =	sadd.s32 $0xFFFFFEF7, lr;
	s5 =	simm.s32 $0xFFFFFFFF;
	p2 =	slt.u32 s8, $0xFFFFF086  }
0x1c: {  	p1 =	slt.u32 s9, $0xF7A;
	s5 =	simm.s32 @!p2 $0x0  }
0x1d: {  	s5 =	simm.s32 @p1 $0x1;
	p0 =	seq.s32 s7, s2  }
0x1e: {  	s7 =	smul.u32 @!p0 $0xF7A, s2;
	p2 =	seq.s32 @!p0 s5, $0x0  }
0x1f: {  	s9 =	smul.u32 $0xF7A, s1;
	s8 =	simm.s32 @!p0 $0x1BF5;
	p2 =	por !p2, p0  }
0x20: {  	[sflag:s8] =	ssyncset.s32 @!p0 $0xFFFFF086;
	s6 =	sadd.s32 @!p0 s3, s7;
	s7 =	simm.s32 @!p0 $0x108  }
0x21: {  	s3 =	sadd.s32 s3, s9;
	s6 =	sadd.s32 @!p0 $0x88, s6;
	s7 =	simm.s32 @p2 $0x1082  }
0x22: {  	[simem:s7], [sflag:s8] =	dma.local @!p0 [hbm:s6], $0xF7A  }
0x23: {  	s9 =	sor.u32 $0xD0000000, s2;
	s6 =	simm.s32 $0x108;
	_ =	swait.ge @!p0 [sflag:s8], $0x0  }
0x24: {  	s3 =	sadd.s32 $0x88, s3;
	s6 =	simm.s32 @!p1 $0x1082;
	[sflag:s4] =	ssyncset.s32 $0xFFFFF086  }
0x25: {  	[simem:s6], [sflag:s4] =	dma.local [hbm:s3], $0xF7A  }
0x26: {  	[smem:$0x3F99] =	sst s1;
	(tag) =	ssettag s2;
	_ =	strace s9  }
0x27: {  	s1 =	sld [smem:$0x3FA9]  }
0x28: {  	s2 =	sld [smem:$0x3FAA]  }
0x29: {  	s4 =	sld [smem:$0x3FAC]  }
0x2a: {  	p0 =	seq.s32 s5, $0x0;
	s5 =	sld [smem:$0x3FAD]  }
0x2b: {  	s6 =	sld [smem:$0x3FAE]  }
0x2c: {  	s7 =	sld [smem:$0x3FAF]  }
0x2d: {  	s3 =	simm.s32 $0x108;
	s8 =	sld [smem:$0x3FB0]  }
0x2e: {  	s3 =	simm.s32 @!p0 $0x1082;
	s9 =	sld [smem:$0x3FB1]  }
0x2f: {  	lr =	sadd.s32 s0, s3;
	s0 =	sld [smem:$0x3FA8]  }
0x30: {  	s3 =	sld [smem:$0x3FAB]  }
0x31: {  	[smem:$0x3FB4] =	sst s10  }
0x32: {  	s10 =	sld [smem:$0x3FB2];
	_ =	sdelay $0x3  }
0x33: {  	p0 =	seq.s32 s10, $0x1;
	s10 =	sld [smem:$0x3FB4];
	_ =	sdelay $0x3  }
0x34: {  	[smem:$0x3FB4] =	sst s10  }
0x35: {  	s10 =	sld [smem:$0x3FB3];
	_ =	sdelay $0x3  }
0x36: {  	p1 =	seq.s32 s10, $0x1;
	s10 =	sld [smem:$0x3FB4];
	_ =	sdelay $0x3  }
0x37: {  	[smem:$0x3FB4] =	sst s10  }
0x38: {  	s10 =	sld [smem:$0x3FB5]  }
0x39: {  	_ = 	snop;
	(pc) =	sbr.ind lr, $3  }
0x3a: {  	_ = 	snop  }
0x3b: {  	_ = 	snop  }
0x3c: {  	p2 =	seq.s32 s10, $0x1;
	s10 =	sld [smem:$0x3FB4]  }
0x3d: {  	_ =	shalt  }
0x3e: {  	_ =	shalt  }
0x3f: {  	_ =	shalt  }
0x40: {  	_ =	shalt  }
0x41: {  	_ =	shalt  }
0x42: {  	_ =	shalt  }
0x43: {  	_ =	shalt  }
0x44: {  	_ =	shalt  }
0x45: {  	_ =	shalt  }
0x46: {  	_ =	shalt  }
0x47: {  	_ =	shalt  }
0x48: {  	_ =	shalt  }
0x49: {  	_ =	shalt  }
0x4a: {  	_ =	shalt  }
0x4b: {  	_ =	shalt  }
0x4c: {  	_ =	shalt  }
0x4d: {  	_ =	shalt  }
0x4e: {  	_ =	shalt  }
0x4f: {  	_ =	shalt  }
0x50: {  	_ =	shalt  }
0x51: {  	_ =	shalt  }
0x52: {  	_ =	shalt  }
0x53: {  	_ =	shalt  }
0x54: {  	_ =	shalt  }
0x55: {  	_ =	shalt  }
0x56: {  	_ =	shalt  }
0x57: {  	_ =	shalt  }
0x58: {  	_ =	shalt  }
0x59: {  	_ =	shalt  }
0x5a: {  	_ =	shalt  }
0x5b: {  	_ =	shalt  }
0x5c: {  	_ =	shalt  }
0x5d: {  	_ =	shalt  }
0x5e: {  	_ =	shalt  }
0x5f: {  	_ =	shalt  }
0x60: {  	_ =	shalt  }
0x61: {  	_ =	shalt  }
0x62: {  	_ =	shalt  }
0x63: {  	_ =	shalt  }
0x64: {  	_ =	shalt  }
0x65: {  	_ =	shalt  }
0x66: {  	_ =	shalt  }
0x67: {  	_ =	shalt  }
0x68: {  	_ =	shalt  }
0x69: {  	_ =	shalt  }
0x6a: {  	_ =	shalt  }
0x6b: {  	_ =	shalt  }
0x6c: {  	_ =	shalt  }
0x6d: {  	_ =	shalt  }
0x6e: {  	_ =	shalt  }
0x6f: {  	_ =	shalt  }
0x70: {  	_ =	shalt  }
0x71: {  	_ =	shalt  }
0x72: {  	_ =	shalt  }
0x73: {  	_ =	shalt  }
0x74: {  	_ =	shalt  }
0x75: {  	_ =	shalt  }
0x76: {  	_ =	shalt  }
0x77: {  	_ =	shalt  }
0x78: {  	_ =	shalt  }
0x79: {  	_ =	shalt  }
0x7a: {  	_ =	shalt  }
0x7b: {  	_ =	shalt  }
0x7c: {  	_ =	shalt  }
0x7d: {  	_ =	shalt  }
0x7e: {  	_ =	shalt  }
0x7f: {  	_ =	shalt  }
0x80: {  	_ =	shalt  }
0x81: {  	_ =	shalt  }
0x82: {  	_ =	shalt  }
0x83: {  	_ =	shalt  }
0x84: {  	_ =	shalt  }
0x85: {  	_ =	shalt  }
0x86: {  	_ =	shalt  }
0x87: {  	_ =	shalt  }
.Lfunc_end0:
.L_simem_size_0:
called_computation.1_lowered:
.L_overlay_start_0:
0x88: {  	s2 =	sld [smem:$0x3FD9]  }
0x89: {  	s3 =	sld [smem:$0x3FFE];
	_ =	sdelay $0x1  }
0x8a: {  	s1 =	srdreg.scid  }
0x8b: {  	s0 =	sand.u32 $0x1, s1  }
0x8c: {  	s17 =	sshll.u32 s0, $0xA;
	s2 =	sadd.s32 s3, s2  }
0x8d: {  	s2 =	sadd.s32 s2, s17  }
0x8e: {  	[smem:$0x3FC0] =	sst s2  }
0x8f: {  	_ = 	snop  }
0x90: {  	s2 =	sld [smem:$0x3FD0];
	(tm) =	ssettm $0x1  }
0x91: {  	s18 =	sld [smem:$0x3FFB];
	_ =	sdelay $0x3  }
0x92: {  	_ =	strace s18  }
0x93: {  	s3 =	sld [smem:$0x3FFC];
	_ =	sdelay $0x3  }
0x94: {  	_ =	strace s3  }
0x95: {  	s3 =	sld [smem:$0x3FFD];
	_ =	sdelay $0x3  }
0x96: {  	_ =	strace s3  }
0x97: {  	_ =	strace $0x8FFFFFFF  }
0x98: {  	s19 =	sld [smem:$0x3FDB];
	_ =	sdelay $0x1  }
0x99: {  	s4 =	simm.s32 $_scs_section_size  }
0x9a: {  	s5 =	simm.s32 $_size__tile_overlayer_lowered;
	s6 =	simm.s32 $_tile_overlayer_lowered  }
0x9b: {  	s22 =	simm.s32 $0x1BFF;
	s21 =	sshll.u32 s6, $0x1;
	s3 =	sadd.s32 s4, s19  }
0x9c: {  	s7 =	simm.s32 $0x0;
	s20 =	sshll.u32 s5, $0x1;
	s5 =	sadd.s32 s21, s3  }
0x9d: {  	[timem:s7], [sflag:s22] =	dma.local [hbm:s5], s20  }
0x9e: {  	_ =	swait.ge [sflag:s22], s20  }
0x9f: {  	s4 =	ssub.s32 $0x0, s20;
	[sflag:s22] =	ssyncset.done $0x0  }
0xa0: {  	[sflag:s22] =	ssyncadd.s32 s4;
	_ =	sdelay $0x1  }
0xa1: {  	s23 =	simm.s32 $0x1B8B  }
0xa2: {  	_ =	swait.ge [sflag:s23], $0x1  }
0xa3: {  	[sflag:s23] =	ssyncset.done $0x0  }
0xa4: {  	s25 =	simm.s32 $0x1B8E;
	s24 =	sld [smem:$0x3FFE];
	[sflag:s23] =	ssyncadd.s32 $0xFFFFFFFF  }
0xa5: {  	s26 =	simm.s32 $execute0_lowered;
	[smem:$0x3FD2] =	sst s25  }
0xa6: {  	s5 =	sshll.u32 s26, $0x1;
	_ =	strace $0x80000049;
	[dreg:$0x1] =	wrdreg $0xFFFFFFFF  }
0xa7: {  	s28 =	simm.s32 $_size_execute0_lowered;
	s3 =	sadd.s32 s3, s5;
	[dreg:$0x0] =	wrdreg $0x0  }
0xa8: {  	s5 =	sshll.u32 s28, $0x1;
	[dreg:$0x2] =	wrdreg s3  }
0xa9: {  	[dreg:$0x3] =	wrdreg s5  }
0xaa: {  	[dreg:$0x4] =	wrdreg $0xC0  }
0xab: {  	_ =	task [dreg:s7], $0x5FFFF  }
0xac: {  	[dreg:$0x1] =	wrdreg $0xFFFFFFFF  }
0xad: {  	[dreg:$0x0] =	wrdreg $0x60  }
0xae: {  	[dreg:$0x2] =	wrdreg s24  }
0xaf: {  	[dreg:$0x3] =	wrdreg s2  }
0xb0: {  	[dreg:$0x4] =	wrdreg $0x7F000  }
0xb1: {  	[dreg:$0x5] =	wrdreg $0x9  }
0xb2: {  	_ =	task.clear_ibuf [dreg:s7], $0x6FFFF;
	_ =	strace $0x90000049  }
0xb3: {  	s29 =	simm.s32 $0x9;
	_ =	strace $0x8000004B  }
0xb4: {  	_ =	swait.ge [sflag:s29], $0x1  }
0xb5: {  	[sflag:s29] =	ssyncadd.s32 $0xFFFFFFFF  }
0xb6: {  	_ =	strace $0x9000004B  }
0xb7: {  	_ =	sfence  }
0xb8: {  	s30 =	sld [smem:$0x0];
	_ =	sdelay $0x2  }
0xb9: {  	s31 =	sshll.u32 s1, $0xD;
	s1 =	sshrl.u32 s1, $0x2  }
0xba: {  	s3 =	sand.u32 $0x4000, s31;
	s1 =	sadd.s32 s1, s30  }
0xbb: {  	s0 =	sor.u32 s3, s0;
	s1 =	sshll.u32 s1, $0x11  }
0xbc: {  	s0 =	sor.u32 s1, s0  }
0xbd: {  	s0 =	sadd.s32 $0x8F2B, s0  }
0xbe: {  	[sflag:s0] =	ssyncadd.remote.s32 $0x1  }
0xbf: {  	_ =	sfence.sel $0xFFFF  }
0xc0: {  	[dreg:$0x0] =	wrdreg $0xFFFFFFFF;
	(pc) =	sbr.abs _section_cstart, $3  }
0xc1: {  	[dreg:$0x1] =	wrdreg $0xFFFFFFFF  }
0xc2: {  	_ =	task.clear_ibuf [dreg:s7], $0x2FFFF;
	_ =	strace $0x9FFFFFFF  }
0xc3: {  	(tm) =	ssettm $0x7FFFFFFF  }
tec
execute0_lowered:
.L_overlay_start_1:
0x0: {  	(tag) =	ssettag $0x1  }
0x1: {  	s0 =	rddreg [dreg:$0x0]  }
0x2: {  	s3 =	rddreg [dreg:$0x1]  }
0x3: {  	s1 =	rddreg [dreg:$0x2];
	s2 =	simm.s32 $0x0;
	s5 =	srdreg.scid  }
0x4: {  	s14 =	stileid.u32;
	s19 =	simm.s32 $0x80;
	s20 =	simm.s32 $0x4F00  }
0x5: {  	s21 =	simm.s32 $0x5700;
	s29 =	simm.s32 $0x6F00;
	s31 =	simm.s32 $0x7700  }
0x6: {  	s28 =	simm.s32 $0x8;
	s30 =	simm.s32 $0x9;
	[smem:$0x7FF] =	sst s2  }
0x7: {  	s4 =	sadd.s32 $0x1C00, s0;
	s6 =	sand.u32 $0x1, s5;
	s5 =	sadd.s32 $0x6C00, s0  }
0x8: {  	s9 =	smul.u32 $0x9C00, s14;
	s0 =	sadd.s32 $0x7200, s0;
	s15 =	sadd.s32 $0x24900, s1  }
0x9: {  	s22 =	smul.u32 $0x2700, s14;
	s13 =	sshll.u32 s14, $0x4;
	p0 =	seq.s32 s14, $0xF  }
0xa: {  	_ =	strace $0x8000004A;
	s7 =	sshll.u32 s6, $0x4;
	s8 =	ssub.s32 $0x2, s6  }
0xb: {  	s6 =	smul.u32 $0x27100, s6;
	s17 =	sor.u32 $0x9C00, s13;
	[dreg:$0x4] =	wrdreg s15  }
0xc: {  	s7 =	sor.u32 s14, s7;
	s10 =	sshrl.u32 s8, $0x1;
	s9 =	sshrl.u32 s9, $0x2  }
0xd: {  	s25 =	sadd.s32 s22, s1;
	s11 =	smul.u32 $0x4E0, s7;
	s8 =	ssub.s32 s8, s10  }
0xe: {  	s9 =	sadd.s32 s9, s1;
	s23 =	sshrl.u32 s6, $0x3;
	s6 =	sadd.s32 s22, s6  }
0xf: {  	p1 =	sgt.u32 s7, $0x3;
	s22 =	simm.s32 $0x6;
	s10 =	simm.s32 $0xA  }
0x10: {  	s7 =	simm.s32 $0xC;
	s24 =	sadd.s32 s0, s23;
	s6 =	sshrl.u32 s6, $0x3  }
0x11: {  	s26 =	smax.u32 s8, $0x1;
	s23 =	simm.s32 $0x5F00;
	s8 =	simm.s32 $0x0  }
0x12: {  	s12 =	sadd.s32 s3, s11;
	s0 =	sadd.s32 s0, s6;
	[dreg:$0x9] =	wrdreg s26  }
0x13: {  	s6 =	sshrl.u32 @p0 s15, $0x3;
	s15 =	simm.s32 $0xD;
	[dreg:$0x5] =	wrdreg s12  }
0x14: {  	s26 =	simm.s32 $0x6700;
	s12 =	sadd.s32 $0x9C40, s3;
	[dreg:$0x8] =	wrdreg s0  }
0x15: {  	s3 =	sadd.s32 s3, s17;
	[dreg:$0xa] =	wrdreg s6;
	s0 =	sshrl.u32 s25, $0x3  }
0x16: {  	s6 =	simm.s32 $0x3;
	s25 =	simm.s32 $0xB;
	[dreg:$0x6] =	wrdreg s3  }
.Ltmp0:
0x17: {  	s3 =	sadd.s32 $0x4920, s24;
	s16 =	sadd.s32 s11, s12;
	(pc) =	sbr.rel .LBB2_1-.Ltmp0, $4  }
0x18: {  	s18 =	sadd.s32 @!p1 s17, s12;
	[dreg:$0xc] =	wrdreg s0;
	s0 =	simm.s32 $0x1  }
0x19: {  	s17 =	simm.s32 $0x5;
	[dreg:$0x7] =	wrdreg s3;
	s3 =	sshll.u32 @!p0 s14, $0x6  }
0x1a: {  	s24 =	simm.s32 $0x7;
	s14 =	sshrl.u32 @!p0 s9, $0x3;
	s3 =	sor.u32 @!p0 $0x1C0D, s3  }
0x1b: {  	s9 =	simm.s32 $0x2;
	[dreg:$0xb] =	wrdreg s3;
	s3 =	simm.s32 $0x4  }
.LBB2_7:
0x1c: {  	s11 =	rddreg [dreg:$0x4]  }
0x1d: {  	s12 =	rddreg [dreg:$0x7];
	s13 =	simm.s32 $0x1FCD;
	s11 =	sshrl.u32 s11, $0x3  }
0x1e: {  	[hbm:s12], [sflag:s13] =	dma.local [spmem:s11], $0x500  }
0x1f: {  	_ =	swait.ge [sflag:s15], $0x500  }
0x20: {  	[sflag:s15] =	ssyncset.done $0x0  }
0x21: {  	[sflag:s15] =	ssyncadd.s32 $0xFFFFFB00  }
.LBB2_8:
0x22: {  	s8 =	sadd.s32 $0x1, s8;
	s11 =	rddreg [dreg:$0x9]  }
0x23: {  	p2 =	sne.s32 s8, s11  }
.Ltmp1:
0x24: {  	_ = 	snop;
	(pc) =	sbr.rel @!p2 .LBB2_9-.Ltmp1, $1  }
0x25: {  	_ =	sdelay $0x3  }
.LBB2_1:
0x26: {  	s11 =	simm.s32 @p0 $0x1FCD;
	s12 =	rddreg [dreg:$0xa]  }
0x27: {  	[spmem:s12], [sflag:s11] =	dma.local @p0 [hbm:s5], $0x500  }
0x28: {  	s11 =	simm.s32 @p0 $0xD  }
0x29: {  	_ =	swait.ge @p0 [sflag:s11], $0x500  }
0x2a: {  	[sflag:s11] =	ssyncset.done @p0 $0x0  }
0x2b: {  	[sflag:s11] =	ssyncadd.s32 @p0 $0xFFFFFB00;
	s11 =	rddreg [dreg:$0xb]  }
0x2c: {  	[spmem:s14], [sflag:s11] =	dma.local @!p0 [hbm:s5], $0x4E0  }
0x2d: {  	s11 =	simm.s32 @!p0 $0xD  }
0x2e: {  	_ =	swait.ge @!p0 [sflag:s11], $0x4E0  }
0x2f: {  	[sflag:s11] =	ssyncset.done @!p0 $0x0  }
0x30: {  	s13 =	rddreg [dreg:$0x5];
	[sflag:s11] =	ssyncadd.s32 @!p0 $0xFFFFFB20  }
0x31: {  	[tilespmem:s2], [sflag:$0xD] =	stream.linear.gather [hbm4b:s13+s2], $0x2700, $0x38;
	[tilespmem:$0xA610] =	vst v63  }
0x32: {  	_ =	swait.ge [sflag:s15], $0x2700  }
0x33: {  	[sflag:s15] =	ssyncset.done $0x0  }
0x34: {  	s12 =	simm.s32 $0x2780;
	[sflag:s15] =	ssyncadd.s32 $0xFFFFD900  }
0x35: {  	[tilespmem:s12], [sflag:$0xD] =	stream.linear.gather [hbm4b:s16+s2], $0x2700, $0x38;
	[tilespmem:$0xA610] =	vst v63  }
0x36: {  	_ =	swait.ge [sflag:s15], $0x2700  }
0x37: {  	s11 =	simm.s32 @!p1 $0x0;
	[sflag:s15] =	ssyncset.done $0x0  }
0x38: {  	s12 =	simm.s32 @!p1 $0x2700;
	s13 =	rddreg [dreg:$0x6];
	[sflag:s15] =	ssyncadd.s32 $0xFFFFD900  }
0x39: {  	[tilespmem:s12], [sflag:$0xD] =	stream.linear.gather @!p1 [hbm4b:s13+s11], $0x80, $0x38;
	[tilespmem:$0xA610] =	vst v63  }
0x3a: {  	s12 =	simm.s32 @!p1 $0xD  }
0x3b: {  	_ =	swait.ge @!p1 [sflag:s12], $0x80  }
0x3c: {  	[sflag:s12] =	ssyncset.done @!p1 $0x0  }
0x3d: {  	s13 =	simm.s32 @!p1 $0x4E80;
	[sflag:s12] =	ssyncadd.s32 @!p1 $0xFFFFFF80  }
0x3e: {  	[tilespmem:s13], [sflag:$0xD] =	stream.linear.gather @!p1 [hbm4b:s18+s11], $0x80, $0x38;
	[tilespmem:$0xA610] =	vst v63  }
0x3f: {  	_ =	swait.ge @!p1 [sflag:s12], $0x80  }
0x40: {  	[sflag:s12] =	ssyncset.done @!p1 $0x0  }
0x41: {  	[sflag:s12] =	ssyncadd.s32 @!p1 $0xFFFFFF80  }
0x42: {  	[bflag:$0x0] =	sbarrier.arrive $0xFFFF  }
0x43: {  	[tilespmem:s20], [sflag:$0x1] =	stream.indirect.gather [hbm4b:s4+s19], $0x10, s2, s19, $0xb8;
	[tilespmem:$0xA610] =	vst v63  }
0x44: {  	_ = 	snop  }
0x45: {  	[tilespmem:s21], [sflag:$0x2] =	stream.indirect.gather [hbm4b:s4+s19], $0x10, s19, s19, $0xb8;
	[tilespmem:$0xA610] =	vst v63  }
0x46: {  	s13 =	simm.s32 $0x100  }
0x47: {  	[tilespmem:s23], [sflag:$0x3] =	stream.indirect.gather [hbm4b:s4+s19], $0x10, s13, s19, $0xb8;
	[tilespmem:$0xA610] =	vst v63  }
0x48: {  	s12 =	simm.s32 $0x180  }
0x49: {  	[tilespmem:s26], [sflag:$0x4] =	stream.indirect.gather [hbm4b:s4+s19], $0x10, s12, s19, $0xb8;
	[tilespmem:$0xA610] =	vst v63  }
0x4a: {  	s13 =	simm.s32 $0x200  }
0x4b: {  	[tilespmem:s29], [sflag:$0x5] =	stream.indirect.gather [hbm4b:s4+s19], $0x10, s13, s19, $0xb8;
	[tilespmem:$0xA610] =	vst v63  }
0x4c: {  	s12 =	simm.s32 $0x280  }
0x4d: {  	[tilespmem:s31], [sflag:$0x6] =	stream.indirect.gather [hbm4b:s4+s19], $0x10, s12, s19, $0xb8;
	[tilespmem:$0xA610] =	vst v63  }
0x4e: {  	_ =	swait.ge [sflag:s0], $0x800  }
0x4f: {  	[sflag:s0] =	ssyncset.done $0x0  }
0x50: {  	s13 =	simm.s32 $0x2780;
	[sflag:s0] =	ssyncadd.s32 $0xFFFFF800  }
0x51: {  	[spmem:s1] =	stream.indirect.scatter.add.f32 [tilespmem:s20], [sflag:$0x7], $0x10, s13, s19, $0xb8;
	[tilespmem:$0xA610] =	vst v63  }
0x52: {  	_ =	swait.ge [sflag:s9], $0x800  }
0x53: {  	[sflag:s9] =	ssyncset.done $0x0  }
0x54: {  	s12 =	simm.s32 $0x2800;
	[sflag:s9] =	ssyncadd.s32 $0xFFFFF800  }
0x55: {  	[spmem:s1] =	stream.indirect.scatter.add.f32 [tilespmem:s21], [sflag:$0x8], $0x10, s12, s19, $0xb8;
	[tilespmem:$0xA610] =	vst v63  }
0x56: {  	_ =	swait.ge [sflag:s6], $0x800  }
0x57: {  	[sflag:s6] =	ssyncset.done $0x0  }
0x58: {  	s13 =	simm.s32 $0x2880;
	[sflag:s6] =	ssyncadd.s32 $0xFFFFF800  }
0x59: {  	[spmem:s1] =	stream.indirect.scatter.add.f32 [tilespmem:s23], [sflag:$0x9], $0x10, s13, s19, $0xb8;
	[tilespmem:$0xA610] =	vst v63  }
0x5a: {  	_ =	swait.ge [sflag:s3], $0x800  }
0x5b: {  	[sflag:s3] =	ssyncset.done $0x0  }
0x5c: {  	s12 =	simm.s32 $0x2900;
	[sflag:s3] =	ssyncadd.s32 $0xFFFFF800  }
0x5d: {  	[spmem:s1] =	stream.indirect.scatter.add.f32 [tilespmem:s26], [sflag:$0xA], $0x10, s12, s19, $0xb8;
	[tilespmem:$0xA610] =	vst v63  }
0x5e: {  	_ =	swait.ge [sflag:s17], $0x800  }
0x5f: {  	[sflag:s17] =	ssyncset.done $0x0  }
0x60: {  	s13 =	simm.s32 $0x2980;
	[sflag:s17] =	ssyncadd.s32 $0xFFFFF800  }
0x61: {  	[spmem:s1] =	stream.indirect.scatter.add.f32 [tilespmem:s29], [sflag:$0xB], $0x10, s13, s19, $0xb8;
	[tilespmem:$0xA610] =	vst v63  }
0x62: {  	_ =	swait.ge [sflag:s22], $0x800  }
0x63: {  	[sflag:s22] =	ssyncset.done $0x0  }
0x64: {  	s12 =	simm.s32 $0x2A00;
	[sflag:s22] =	ssyncadd.s32 $0xFFFFF800  }
0x65: {  	[spmem:s1] =	stream.indirect.scatter.add.f32 [tilespmem:s31], [sflag:$0xC], $0x10, s12, s19, $0xb8;
	[tilespmem:$0xA610] =	vst v63  }
0x66: {  	_ =	swait.ge [sflag:s24], $0x800  }
0x67: {  	[sflag:s24] =	ssyncset.done $0x0  }
0x68: {  	s13 =	simm.s32 $0x300;
	[sflag:s24] =	ssyncadd.s32 $0xFFFFF800  }
0x69: {  	[tilespmem:s20], [sflag:$0x1] =	stream.indirect.gather [hbm4b:s4+s19], $0x10, s13, s19, $0xb8;
	[tilespmem:$0xA610] =	vst v63  }
0x6a: {  	_ =	swait.ge [sflag:s28], $0x800  }
0x6b: {  	[sflag:s28] =	ssyncset.done $0x0  }
0x6c: {  	s12 =	simm.s32 $0x380;
	[sflag:s28] =	ssyncadd.s32 $0xFFFFF800  }
0x6d: {  	[tilespmem:s21], [sflag:$0x2] =	stream.indirect.gather [hbm4b:s4+s19], $0x10, s12, s19, $0xb8;
	[tilespmem:$0xA610] =	vst v63  }
0x6e: {  	_ =	swait.ge [sflag:s30], $0x800  }
0x6f: {  	[sflag:s30] =	ssyncset.done $0x0  }
0x70: {  	s13 =	simm.s32 $0x400;
	[sflag:s30] =	ssyncadd.s32 $0xFFFFF800  }
0x71: {  	[tilespmem:s23], [sflag:$0x3] =	stream.indirect.gather [hbm4b:s4+s19], $0x10, s13, s19, $0xb8;
	[tilespmem:$0xA610] =	vst v63  }
0x72: {  	_ =	swait.ge [sflag:s10], $0x800  }
0x73: {  	[sflag:s10] =	ssyncset.done $0x0  }
0x74: {  	s12 =	simm.s32 $0x480;
	[sflag:s10] =	ssyncadd.s32 $0xFFFFF800  }
0x75: {  	[tilespmem:s26], [sflag:$0x4] =	stream.indirect.gather [hbm4b:s4+s19], $0x10, s12, s19, $0xb8;
	[tilespmem:$0xA610] =	vst v63  }
0x76: {  	_ =	swait.ge [sflag:s25], $0x800  }
0x77: {  	[sflag:s25] =	ssyncset.done $0x0  }
0x78: {  	s13 =	simm.s32 $0x500;
	[sflag:s25] =	ssyncadd.s32 $0xFFFFF800  }
0x79: {  	[tilespmem:s29], [sflag:$0x5] =	stream.indirect.gather [hbm4b:s4+s19], $0x10, s13, s19, $0xb8;
	[tilespmem:$0xA610] =	vst v63  }
0x7a: {  	_ =	swait.ge [sflag:s7], $0x800  }
0x7b: {  	[sflag:s7] =	ssyncset.done $0x0  }
0x7c: {  	s11 =	simm.s32 $0xC00;
	s12 =	simm.s32 $0x580;
	[sflag:s7] =	ssyncadd.s32 $0xFFFFF800  }
.LBB2_2:
0x7d: {  	[tilespmem:s31], [sflag:$0x6] =	stream.indirect.gather [hbm4b:s4+s19], $0x10, s12, s19, $0xb8;
	[tilespmem:$0xA610] =	vst v63  }
0x7e: {  	s12 =	smov.u32 s11  }
0x7f: {  	p2 =	sne.s32 s11, $0x8400;
	s11 =	sadd.s32 $0xC00, s11;
	_ =	swait.ge [sflag:s0], $0x800  }
0x80: {  	s12 =	sshra.s32 s12, $0x2;
	[sflag:s0] =	ssyncset.done $0x0  }
0x81: {  	s13 =	sadd.s32 $0x2780, s12;
	[sflag:s0] =	ssyncadd.s32 $0xFFFFF800  }
0x82: {  	[spmem:s1] =	stream.indirect.scatter.add.f32 [tilespmem:s20], [sflag:$0x7], $0x10, s13, s19, $0xb8;
	[tilespmem:$0xA610] =	vst v63  }
0x83: {  	_ =	swait.ge [sflag:s9], $0x800  }
0x84: {  	[sflag:s9] =	ssyncset.done $0x0  }
0x85: {  	s13 =	sadd.s32 $0x2800, s12;
	[sflag:s9] =	ssyncadd.s32 $0xFFFFF800  }
0x86: {  	[spmem:s1] =	stream.indirect.scatter.add.f32 [tilespmem:s21], [sflag:$0x8], $0x10, s13, s19, $0xb8;
	[tilespmem:$0xA610] =	vst v63  }
0x87: {  	_ =	swait.ge [sflag:s6], $0x800  }
0x88: {  	[sflag:s6] =	ssyncset.done $0x0  }
0x89: {  	s13 =	sadd.s32 $0x2880, s12;
	[sflag:s6] =	ssyncadd.s32 $0xFFFFF800  }
0x8a: {  	[spmem:s1] =	stream.indirect.scatter.add.f32 [tilespmem:s23], [sflag:$0x9], $0x10, s13, s19, $0xb8;
	[tilespmem:$0xA610] =	vst v63  }
0x8b: {  	_ =	swait.ge [sflag:s3], $0x800  }
0x8c: {  	[sflag:s3] =	ssyncset.done $0x0  }
0x8d: {  	s13 =	sadd.s32 $0x2900, s12;
	[sflag:s3] =	ssyncadd.s32 $0xFFFFF800  }
0x8e: {  	[spmem:s1] =	stream.indirect.scatter.add.f32 [tilespmem:s26], [sflag:$0xA], $0x10, s13, s19, $0xb8;
	[tilespmem:$0xA610] =	vst v63  }
0x8f: {  	_ =	swait.ge [sflag:s17], $0x800  }
0x90: {  	[sflag:s17] =	ssyncset.done $0x0  }
0x91: {  	s13 =	sadd.s32 $0x2980, s12;
	[sflag:s17] =	ssyncadd.s32 $0xFFFFF800  }
0x92: {  	[spmem:s1] =	stream.indirect.scatter.add.f32 [tilespmem:s29], [sflag:$0xB], $0x10, s13, s19, $0xb8;
	[tilespmem:$0xA610] =	vst v63  }
0x93: {  	_ =	swait.ge [sflag:s22], $0x800  }
0x94: {  	[sflag:s22] =	ssyncset.done $0x0  }
0x95: {  	s13 =	sadd.s32 $0x2A00, s12;
	[sflag:s22] =	ssyncadd.s32 $0xFFFFF800  }
0x96: {  	[spmem:s1] =	stream.indirect.scatter.add.f32 [tilespmem:s31], [sflag:$0xC], $0x10, s13, s19, $0xb8;
	[tilespmem:$0xA610] =	vst v63  }
0x97: {  	_ =	swait.ge [sflag:s24], $0x800  }
0x98: {  	[sflag:s24] =	ssyncset.done $0x0  }
0x99: {  	s13 =	sadd.s32 $0x300, s12;
	[sflag:s24] =	ssyncadd.s32 $0xFFFFF800  }
0x9a: {  	[tilespmem:s20], [sflag:$0x1] =	stream.indirect.gather [hbm4b:s4+s19], $0x10, s13, s19, $0xb8;
	[tilespmem:$0xA610] =	vst v63  }
0x9b: {  	_ =	swait.ge [sflag:s28], $0x800  }
0x9c: {  	[sflag:s28] =	ssyncset.done $0x0  }
0x9d: {  	s13 =	sadd.s32 $0x380, s12;
	[sflag:s28] =	ssyncadd.s32 $0xFFFFF800  }
0x9e: {  	[tilespmem:s21], [sflag:$0x2] =	stream.indirect.gather [hbm4b:s4+s19], $0x10, s13, s19, $0xb8;
	[tilespmem:$0xA610] =	vst v63  }
0x9f: {  	_ =	swait.ge [sflag:s30], $0x800  }
0xa0: {  	[sflag:s30] =	ssyncset.done $0x0  }
0xa1: {  	s13 =	sadd.s32 $0x400, s12;
	[sflag:s30] =	ssyncadd.s32 $0xFFFFF800  }
0xa2: {  	[tilespmem:s23], [sflag:$0x3] =	stream.indirect.gather [hbm4b:s4+s19], $0x10, s13, s19, $0xb8;
	[tilespmem:$0xA610] =	vst v63  }
0xa3: {  	_ =	swait.ge [sflag:s10], $0x800  }
0xa4: {  	[sflag:s10] =	ssyncset.done $0x0  }
0xa5: {  	s13 =	sadd.s32 $0x480, s12;
	[sflag:s10] =	ssyncadd.s32 $0xFFFFF800  }
0xa6: {  	[tilespmem:s26], [sflag:$0x4] =	stream.indirect.gather [hbm4b:s4+s19], $0x10, s13, s19, $0xb8;
	[tilespmem:$0xA610] =	vst v63  }
0xa7: {  	_ =	swait.ge [sflag:s25], $0x800  }
0xa8: {  	[sflag:s25] =	ssyncset.done $0x0  }
.Ltmp2:
0xa9: {  	s13 =	sadd.s32 $0x500, s12;
	[sflag:s25] =	ssyncadd.s32 $0xFFFFF800;
	(pc) =	sbr.rel @p2 .LBB2_2-.Ltmp2, $4  }
0xaa: {  	[tilespmem:s29], [sflag:$0x5] =	stream.indirect.gather [hbm4b:s4+s19], $0x10, s13, s19, $0xb8;
	[tilespmem:$0xA610] =	vst v63  }
0xab: {  	_ =	swait.ge [sflag:s7], $0x800  }
0xac: {  	[sflag:s7] =	ssyncset.done $0x0  }
0xad: {  	s12 =	sadd.s32 $0x580, s12;
	[sflag:s7] =	ssyncadd.s32 $0xFFFFF800  }
0xae: {  	[tilespmem:s31], [sflag:$0x6] =	stream.indirect.gather [hbm4b:s4+s19], $0x10, s12, s19, $0xb8;
	[tilespmem:$0xA610] =	vst v63  }
0xaf: {  	_ =	swait.ge [sflag:s0], $0x800  }
0xb0: {  	[sflag:s0] =	ssyncset.done $0x0  }
0xb1: {  	s11 =	simm.s32 $0x4B80;
	[sflag:s0] =	ssyncadd.s32 $0xFFFFF800  }
0xb2: {  	[spmem:s1] =	stream.indirect.scatter.add.f32 [tilespmem:s20], [sflag:$0x7], $0x10, s11, s19, $0xb8;
	[tilespmem:$0xA610] =	vst v63  }
0xb3: {  	_ =	swait.ge [sflag:s9], $0x800  }
0xb4: {  	[sflag:s9] =	ssyncset.done $0x0  }
0xb5: {  	s13 =	simm.s32 $0x4C00;
	[sflag:s9] =	ssyncadd.s32 $0xFFFFF800  }
0xb6: {  	[spmem:s1] =	stream.indirect.scatter.add.f32 [tilespmem:s21], [sflag:$0x8], $0x10, s13, s19, $0xb8;
	[tilespmem:$0xA610] =	vst v63  }
0xb7: {  	_ =	swait.ge [sflag:s6], $0x800  }
0xb8: {  	[sflag:s6] =	ssyncset.done $0x0  }
0xb9: {  	s12 =	simm.s32 $0x4C80;
	[sflag:s6] =	ssyncadd.s32 $0xFFFFF800  }
0xba: {  	[spmem:s1] =	stream.indirect.scatter.add.f32 [tilespmem:s23], [sflag:$0x9], $0x10, s12, s19, $0xb8;
	[tilespmem:$0xA610] =	vst v63  }
0xbb: {  	_ =	swait.ge [sflag:s3], $0x800  }
0xbc: {  	[sflag:s3] =	ssyncset.done $0x0  }
0xbd: {  	s13 =	simm.s32 $0x4D00;
	[sflag:s3] =	ssyncadd.s32 $0xFFFFF800  }
0xbe: {  	[spmem:s1] =	stream.indirect.scatter.add.f32 [tilespmem:s26], [sflag:$0xA], $0x10, s13, s19, $0xb8;
	[tilespmem:$0xA610] =	vst v63  }
0xbf: {  	_ =	swait.ge [sflag:s17], $0x800  }
0xc0: {  	[sflag:s17] =	ssyncset.done $0x0  }
0xc1: {  	s12 =	simm.s32 $0x4D80;
	[sflag:s17] =	ssyncadd.s32 $0xFFFFF800  }
0xc2: {  	[spmem:s1] =	stream.indirect.scatter.add.f32 [tilespmem:s29], [sflag:$0xB], $0x10, s12, s19, $0xb8;
	[tilespmem:$0xA610] =	vst v63  }
0xc3: {  	_ =	swait.ge [sflag:s22], $0x800  }
0xc4: {  	[sflag:s22] =	ssyncset.done $0x0  }
0xc5: {  	s13 =	simm.s32 $0x4E00;
	[sflag:s22] =	ssyncadd.s32 $0xFFFFF800  }
0xc6: {  	[spmem:s1] =	stream.indirect.scatter.add.f32 [tilespmem:s31], [sflag:$0xC], $0x10, s13, s19, $0xb8;
	[tilespmem:$0xA610] =	vst v63  }
0xc7: {  	_ =	swait.ge [sflag:s24], $0x800  }
0xc8: {  	[sflag:s24] =	ssyncset.done $0x0  }
0xc9: {  	[sflag:s24] =	ssyncadd.s32 $0xFFFFF800  }
0xca: {  	_ =	swait.ge [sflag:s28], $0x800  }
0xcb: {  	[sflag:s28] =	ssyncset.done $0x0  }
0xcc: {  	[sflag:s28] =	ssyncadd.s32 $0xFFFFF800  }
0xcd: {  	_ =	swait.ge [sflag:s30], $0x800  }
0xce: {  	[sflag:s30] =	ssyncset.done $0x0  }
0xcf: {  	[sflag:s30] =	ssyncadd.s32 $0xFFFFF800  }
0xd0: {  	_ =	swait.ge [sflag:s10], $0x800  }
0xd1: {  	[sflag:s10] =	ssyncset.done $0x0  }
0xd2: {  	[sflag:s10] =	ssyncadd.s32 $0xFFFFF800  }
0xd3: {  	_ =	swait.ge [sflag:s25], $0x800  }
.Ltmp3:
0xd4: {  	[sflag:s25] =	ssyncset.done $0x0;
	(pc) =	sbr.rel @p1 .LBB2_5-.Ltmp3, $4  }
0xd5: {  	[sflag:s25] =	ssyncadd.s32 $0xFFFFF800  }
0xd6: {  	_ =	swait.ge [sflag:s7], $0x800  }
0xd7: {  	[sflag:s7] =	ssyncset.done $0x0  }
0xd8: {  	[sflag:s7] =	ssyncadd.s32 $0xFFFFF800  }
0xd9: {  	s11 =	simm.s32 $0x2700  }
0xda: {  	[tilespmem:s21], [sflag:$0xD] =	stream.indirect.gather [hbm4b:s4+s19], $0x10, s11, s19, $0xb8;
	[tilespmem:$0xA610] =	vst v63  }
0xdb: {  	_ =	swait.ge [sflag:s15], $0x800  }
0xdc: {  	[sflag:s15] =	ssyncset.done $0x0  }
0xdd: {  	s13 =	simm.s32 $0x4E80;
	[sflag:s15] =	ssyncadd.s32 $0xFFFFF800  }
0xde: {  	[spmem:s1] =	stream.indirect.scatter.add.f32 [tilespmem:s21], [sflag:$0xD], $0x10, s13, s19, $0xb8;
	[tilespmem:$0xA610] =	vst v63  }
.Ltmp4:
0xdf: {  	_ =	swait.ge [sflag:s15], $0x800;
	(pc) =	sbr.rel .LBB2_6-.Ltmp4, $3  }
0xe0: {  	[sflag:s15] =	ssyncset.done $0x0  }
0xe1: {  	[sflag:s15] =	ssyncadd.s32 $0xFFFFF800  }
0xe2: {  	[bflag:$0x0] =	sbarrier.arrive $0xFFFF;
	_ =	sdelay $0x1  }
.LBB2_5:
.Ltmp5:
0xe3: {  	(pc) =	sbr.rel @p0 .LBB2_7-.Ltmp5, $2  }
0xe4: {  	_ =	sdelay $0x1  }
0xe5: {  	[bflag:$0x0] =	sbarrier.arrive $0xFFFF;
	_ =	sdelay $0x1  }
.LBB2_6:
0xe6: {  	s11 =	stileid.u32  }
0xe7: {  	s12 =	rddreg [dreg:$0x8];
	s11 =	sshll.u32 s11, $0x6  }
.Ltmp6:
0xe8: {  	s13 =	rddreg [dreg:$0xc];
	s11 =	sor.u32 $0x1C0D, s11;
	(pc) =	sbr.rel .LBB2_8-.Ltmp6, $4  }
0xe9: {  	[hbm:s12], [sflag:s11] =	dma.local [spmem:s13], $0x4E0  }
0xea: {  	_ =	swait.ge [sflag:s15], $0x4E0  }
0xeb: {  	[sflag:s15] =	ssyncset.done $0x0  }
0xec: {  	[sflag:s15] =	ssyncadd.s32 $0xFFFFFB20  }
.LBB2_9:
0xed: {  	_ =	sfence.sel $0x180000  }
0xee: {  	[bflag:$0x0] =	sbarrier.arrive $0xFFFF  }
0xef: {  	_ =	strace $0x9000004A  }
0xf0: {  	s0 =	stileid.u32;
	[bflag:$0x2] =	sbarrier.arrive $0xFFFF  }
0xf1: {  	p0 =	sne.s32 s0, $0x0;
	s0 =	rddreg [dreg:$0x3]  }
0xf2: {  	s0 =	sadd.s32 @!p0 $0x100000, s0  }
0xf3: {  	[sflag:s0] =	ssyncadd.tile.s32 @!p0 $0x1;
	_ =	shalt  }
.Lfunc_end2:
_tile_overlayer_lowered:
.L_overlay_start_2:
0xf4: {  	(tag) =	ssettag $0x2  }
0xf5: {  	s0 =	rddreg [dreg:$0x0];
	s2 =	stileid.u32  }
0xf6: {  	s1 =	rddreg [dreg:$0x1];
	p0 =	sne.s32 s2, $0x0  }
0xf7: {  	s3 =	rddreg [dreg:$0x2];
	[bflag:$0x3] =	sbarrier.arrive $0xFFFF;
	s2 =	simm.s32 @!p0 $0x1C0D  }
0xf8: {  	[timem:s3], [sflag:s2] =	dma.local @!p0 [hbm:s0], s1  }
0xf9: {  	s0 =	simm.s32 @!p0 $0xD  }
0xfa: {  	_ =	swait.ge @!p0 [sflag:s0], s1  }
0xfb: {  	s1 =	ssub.s32 @!p0 $0x0, s1;
	[sflag:s0] =	ssyncset.done @!p0 $0x0  }
0xfc: {  	[sflag:s0] =	ssyncadd.s32 @!p0 s1  }
0xfd: {  	[bflag:$0x3] =	sbarrier.arrive $0xFFFF  }
0xfe: {  	_ =	shalt  }

// kernel: kernel.7.cloned.1.call-start
scs
__scs_entry_jumppad:
0x0: {  	(pc) =	sbr.rel $0x88, $3  }
0x1: {  	(tag) =	ssettag $0x0;
	lr =	simm.s32 $0x1  }
0x2: {  	[smem:$0x3F99] =	sst lr;
	_ =	strace $0xD0000000  }
0x3: {  	_ = 	snop  }
0x4: {  	_ = 	snop  }
0x5: {  	_ = 	snop  }
0x6: {  	_ = 	snop  }
0x7: {  	_ = 	snop  }
__scs_overlays_trampoline_lowered:
0x8: {  	[smem:$0x3FA8] =	sst s0  }
0x9: {  	[smem:$0x3FA9] =	sst s1  }
0xa: {  	[smem:$0x3FAA] =	sst s2  }
0xb: {  	[smem:$0x3FAB] =	sst s3  }
0xc: {  	[smem:$0x3FAC] =	sst s4  }
0xd: {  	[smem:$0x3FAD] =	sst s5  }
0xe: {  	[smem:$0x3FAE] =	sst s6  }
0xf: {  	[smem:$0x3FAF] =	sst s7  }
0x10: {  	[smem:$0x3FB0] =	sst s8  }
0x11: {  	[smem:$0x3FB1] =	sst s9;
	s0 =	simm.s32 @!p0 $0x0  }
0x12: {  	s1 =	sld [smem:$0x3F97];
	s0 =	simm.s32 @p0 $0x1  }
0x13: {  	[smem:$0x3FB2] =	sst s0;
	s0 =	simm.s32 @!p1 $0x0  }
0x14: {  	s2 =	sld [smem:$0x3F96];
	s0 =	simm.s32 @p1 $0x1  }
0x15: {  	[smem:$0x3FB3] =	sst s0;
	s0 =	simm.s32 @!p2 $0x0  }
0x16: {  	s3 =	sld [smem:$0x3FDB];
	s0 =	simm.s32 @p2 $0x1  }
0x17: {  	s4 =	simm.s32 $0x1BF5;
	[smem:$0x3FB5] =	sst s0  }
0x18: {  	s0 =	sld [smem:$0x3F98];
	_ =	swait.ge [sflag:s4], $0x0  }
0x19: {  	s7 =	sld [smem:$0x3F99]  }
0x1a: {  	s8 =	sadd.s32 $0xFFFFE003, lr  }
0x1b: {  	s9 =	sadd.s32 $0xFFFFFEF7, lr;
	s5 =	simm.s32 $0xFFFFFFFF;
	p2 =	slt.u32 s8, $0xFFFFF086  }
0x1c: {  	p1 =	slt.u32 s9, $0xF7A;
	s5 =	simm.s32 @!p2 $0x0  }
0x1d: {  	s5 =	simm.s32 @p1 $0x1;
	p0 =	seq.s32 s7, s2  }
0x1e: {  	s7 =	smul.u32 @!p0 $0xF7A, s2;
	p2 =	seq.s32 @!p0 s5, $0x0  }
0x1f: {  	s9 =	smul.u32 $0xF7A, s1;
	s8 =	simm.s32 @!p0 $0x1BF5;
	p2 =	por !p2, p0  }
0x20: {  	[sflag:s8] =	ssyncset.s32 @!p0 $0xFFFFF086;
	s6 =	sadd.s32 @!p0 s3, s7;
	s7 =	simm.s32 @!p0 $0x108  }
0x21: {  	s3 =	sadd.s32 s3, s9;
	s6 =	sadd.s32 @!p0 $0x88, s6;
	s7 =	simm.s32 @p2 $0x1082  }
0x22: {  	[simem:s7], [sflag:s8] =	dma.local @!p0 [hbm:s6], $0xF7A  }
0x23: {  	s9 =	sor.u32 $0xD0000000, s2;
	s6 =	simm.s32 $0x108;
	_ =	swait.ge @!p0 [sflag:s8], $0x0  }
0x24: {  	s3 =	sadd.s32 $0x88, s3;
	s6 =	simm.s32 @!p1 $0x1082;
	[sflag:s4] =	ssyncset.s32 $0xFFFFF086  }
0x25: {  	[simem:s6], [sflag:s4] =	dma.local [hbm:s3], $0xF7A  }
0x26: {  	[smem:$0x3F99] =	sst s1;
	(tag) =	ssettag s2;
	_ =	strace s9  }
0x27: {  	s1 =	sld [smem:$0x3FA9]  }
0x28: {  	s2 =	sld [smem:$0x3FAA]  }
0x29: {  	s4 =	sld [smem:$0x3FAC]  }
0x2a: {  	p0 =	seq.s32 s5, $0x0;
	s5 =	sld [smem:$0x3FAD]  }
0x2b: {  	s6 =	sld [smem:$0x3FAE]  }
0x2c: {  	s7 =	sld [smem:$0x3FAF]  }
0x2d: {  	s3 =	simm.s32 $0x108;
	s8 =	sld [smem:$0x3FB0]  }
0x2e: {  	s3 =	simm.s32 @!p0 $0x1082;
	s9 =	sld [smem:$0x3FB1]  }
0x2f: {  	lr =	sadd.s32 s0, s3;
	s0 =	sld [smem:$0x3FA8]  }
0x30: {  	s3 =	sld [smem:$0x3FAB]  }
0x31: {  	[smem:$0x3FB4] =	sst s10  }
0x32: {  	s10 =	sld [smem:$0x3FB2];
	_ =	sdelay $0x3  }
0x33: {  	p0 =	seq.s32 s10, $0x1;
	s10 =	sld [smem:$0x3FB4];
	_ =	sdelay $0x3  }
0x34: {  	[smem:$0x3FB4] =	sst s10  }
0x35: {  	s10 =	sld [smem:$0x3FB3];
	_ =	sdelay $0x3  }
0x36: {  	p1 =	seq.s32 s10, $0x1;
	s10 =	sld [smem:$0x3FB4];
	_ =	sdelay $0x3  }
0x37: {  	[smem:$0x3FB4] =	sst s10  }
0x38: {  	s10 =	sld [smem:$0x3FB5]  }
0x39: {  	_ = 	snop;
	(pc) =	sbr.ind lr, $3  }
0x3a: {  	_ = 	snop  }
0x3b: {  	_ = 	snop  }
0x3c: {  	p2 =	seq.s32 s10, $0x1;
	s10 =	sld [smem:$0x3FB4]  }
0x3d: {  	_ =	shalt  }
0x3e: {  	_ =	shalt  }
0x3f: {  	_ =	shalt  }
0x40: {  	_ =	shalt  }
0x41: {  	_ =	shalt  }
0x42: {  	_ =	shalt  }
0x43: {  	_ =	shalt  }
0x44: {  	_ =	shalt  }
0x45: {  	_ =	shalt  }
0x46: {  	_ =	shalt  }
0x47: {  	_ =	shalt  }
0x48: {  	_ =	shalt  }
0x49: {  	_ =	shalt  }
0x4a: {  	_ =	shalt  }
0x4b: {  	_ =	shalt  }
0x4c: {  	_ =	shalt  }
0x4d: {  	_ =	shalt  }
0x4e: {  	_ =	shalt  }
0x4f: {  	_ =	shalt  }
0x50: {  	_ =	shalt  }
0x51: {  	_ =	shalt  }
0x52: {  	_ =	shalt  }
0x53: {  	_ =	shalt  }
0x54: {  	_ =	shalt  }
0x55: {  	_ =	shalt  }
0x56: {  	_ =	shalt  }
0x57: {  	_ =	shalt  }
0x58: {  	_ =	shalt  }
0x59: {  	_ =	shalt  }
0x5a: {  	_ =	shalt  }
0x5b: {  	_ =	shalt  }
0x5c: {  	_ =	shalt  }
0x5d: {  	_ =	shalt  }
0x5e: {  	_ =	shalt  }
0x5f: {  	_ =	shalt  }
0x60: {  	_ =	shalt  }
0x61: {  	_ =	shalt  }
0x62: {  	_ =	shalt  }
0x63: {  	_ =	shalt  }
0x64: {  	_ =	shalt  }
0x65: {  	_ =	shalt  }
0x66: {  	_ =	shalt  }
0x67: {  	_ =	shalt  }
0x68: {  	_ =	shalt  }
0x69: {  	_ =	shalt  }
0x6a: {  	_ =	shalt  }
0x6b: {  	_ =	shalt  }
0x6c: {  	_ =	shalt  }
0x6d: {  	_ =	shalt  }
0x6e: {  	_ =	shalt  }
0x6f: {  	_ =	shalt  }
0x70: {  	_ =	shalt  }
0x71: {  	_ =	shalt  }
0x72: {  	_ =	shalt  }
0x73: {  	_ =	shalt  }
0x74: {  	_ =	shalt  }
0x75: {  	_ =	shalt  }
0x76: {  	_ =	shalt  }
0x77: {  	_ =	shalt  }
0x78: {  	_ =	shalt  }
0x79: {  	_ =	shalt  }
0x7a: {  	_ =	shalt  }
0x7b: {  	_ =	shalt  }
0x7c: {  	_ =	shalt  }
0x7d: {  	_ =	shalt  }
0x7e: {  	_ =	shalt  }
0x7f: {  	_ =	shalt  }
0x80: {  	_ =	shalt  }
0x81: {  	_ =	shalt  }
0x82: {  	_ =	shalt  }
0x83: {  	_ =	shalt  }
0x84: {  	_ =	shalt  }
0x85: {  	_ =	shalt  }
0x86: {  	_ =	shalt  }
0x87: {  	_ =	shalt  }
.Lfunc_end0:
.L_simem_size_0:
called_computation_lowered:
.L_overlay_start_0:
0x88: {  	s2 =	sld [smem:$0x3FD9]  }
0x89: {  	s3 =	sld [smem:$0x3FFE];
	_ =	sdelay $0x1  }
0x8a: {  	s1 =	srdreg.scid  }
0x8b: {  	s0 =	sand.u32 $0x1, s1  }
0x8c: {  	s17 =	sshll.u32 s0, $0xA;
	s2 =	sadd.s32 s3, s2  }
0x8d: {  	s2 =	sadd.s32 s2, s17  }
0x8e: {  	[smem:$0x3FC0] =	sst s2  }
0x8f: {  	_ = 	snop  }
0x90: {  	s2 =	sld [smem:$0x3FD0];
	(tm) =	ssettm $0x1  }
0x91: {  	s18 =	sld [smem:$0x3FFB];
	_ =	sdelay $0x3  }
0x92: {  	_ =	strace s18  }
0x93: {  	s3 =	sld [smem:$0x3FFC];
	_ =	sdelay $0x3  }
0x94: {  	_ =	strace s3  }
0x95: {  	s3 =	sld [smem:$0x3FFD];
	_ =	sdelay $0x3  }
0x96: {  	_ =	strace s3  }
0x97: {  	_ =	strace $0x8FFFFFFF  }
0x98: {  	s19 =	sld [smem:$0x3FDB];
	_ =	sdelay $0x1  }
0x99: {  	s4 =	simm.s32 $_scs_section_size  }
0x9a: {  	s5 =	simm.s32 $_size__tile_overlayer_lowered;
	s6 =	simm.s32 $_tile_overlayer_lowered  }
0x9b: {  	s22 =	simm.s32 $0x1BFF;
	s21 =	sshll.u32 s6, $0x1;
	s3 =	sadd.s32 s4, s19  }
0x9c: {  	s7 =	simm.s32 $0x0;
	s20 =	sshll.u32 s5, $0x1;
	s5 =	sadd.s32 s21, s3  }
0x9d: {  	[timem:s7], [sflag:s22] =	dma.local [hbm:s5], s20  }
0x9e: {  	_ =	swait.ge [sflag:s22], s20  }
0x9f: {  	s4 =	ssub.s32 $0x0, s20;
	[sflag:s22] =	ssyncset.done $0x0  }
0xa0: {  	[sflag:s22] =	ssyncadd.s32 s4;
	_ =	sdelay $0x1  }
0xa1: {  	s23 =	simm.s32 $0x1B8B  }
0xa2: {  	_ =	swait.ge [sflag:s23], $0x1  }
0xa3: {  	[sflag:s23] =	ssyncset.done $0x0  }
0xa4: {  	s25 =	simm.s32 $0x1B8E;
	s24 =	sld [smem:$0x3FFE];
	[sflag:s23] =	ssyncadd.s32 $0xFFFFFFFF  }
0xa5: {  	s26 =	simm.s32 $execute0_lowered;
	[smem:$0x3FD2] =	sst s25  }
0xa6: {  	s5 =	sshll.u32 s26, $0x1;
	_ =	strace $0x80000046;
	[dreg:$0x1] =	wrdreg $0xFFFFFFFF  }
0xa7: {  	s28 =	simm.s32 $_size_execute0_lowered;
	s3 =	sadd.s32 s3, s5;
	[dreg:$0x0] =	wrdreg $0x0  }
0xa8: {  	s5 =	sshll.u32 s28, $0x1;
	[dreg:$0x2] =	wrdreg s3  }
0xa9: {  	[dreg:$0x3] =	wrdreg s5  }
0xaa: {  	[dreg:$0x4] =	wrdreg $0xC0  }
0xab: {  	_ =	task [dreg:s7], $0x5FFFF  }
0xac: {  	[dreg:$0x1] =	wrdreg $0xFFFFFFFF  }
0xad: {  	[dreg:$0x0] =	wrdreg $0x60  }
0xae: {  	[dreg:$0x2] =	wrdreg s24  }
0xaf: {  	[dreg:$0x3] =	wrdreg s2  }
0xb0: {  	[dreg:$0x4] =	wrdreg $0xAF000  }
0xb1: {  	[dreg:$0x5] =	wrdreg $0x9  }
0xb2: {  	_ =	task.clear_ibuf [dreg:s7], $0x6FFFF;
	_ =	strace $0x90000046  }
0xb3: {  	s29 =	simm.s32 $0x9;
	_ =	strace $0x80000048  }
0xb4: {  	_ =	swait.ge [sflag:s29], $0x1  }
0xb5: {  	[sflag:s29] =	ssyncadd.s32 $0xFFFFFFFF  }
0xb6: {  	_ =	strace $0x90000048  }
0xb7: {  	_ =	sfence  }
0xb8: {  	s30 =	sld [smem:$0x0];
	_ =	sdelay $0x2  }
0xb9: {  	s31 =	sshll.u32 s1, $0xD;
	s1 =	sshrl.u32 s1, $0x2  }
0xba: {  	s3 =	sand.u32 $0x4000, s31;
	s1 =	sadd.s32 s1, s30  }
0xbb: {  	s0 =	sor.u32 s3, s0;
	s1 =	sshll.u32 s1, $0x11  }
0xbc: {  	s0 =	sor.u32 s1, s0  }
0xbd: {  	s0 =	sadd.s32 $0x8F2B, s0  }
0xbe: {  	[sflag:s0] =	ssyncadd.remote.s32 $0x1  }
0xbf: {  	_ =	sfence.sel $0xFFFF  }
0xc0: {  	[dreg:$0x0] =	wrdreg $0xFFFFFFFF;
	(pc) =	sbr.abs _section_cstart, $3  }
0xc1: {  	[dreg:$0x1] =	wrdreg $0xFFFFFFFF  }
0xc2: {  	_ =	task.clear_ibuf [dreg:s7], $0x2FFFF;
	_ =	strace $0x9FFFFFFF  }
0xc3: {  	(tm) =	ssettm $0x7FFFFFFF  }
tec
execute0_lowered:
.L_overlay_start_1:
0x0: {  	(tag) =	ssettag $0x1  }
0x1: {  	s0 =	rddreg [dreg:$0x0]  }
0x2: {  	s3 =	rddreg [dreg:$0x1]  }
0x3: {  	s1 =	rddreg [dreg:$0x2];
	s2 =	simm.s32 $0x0;
	s5 =	srdreg.scid  }
0x4: {  	s14 =	stileid.u32;
	s19 =	simm.s32 $0x80;
	s20 =	simm.s32 $0x4F00  }
0x5: {  	s21 =	simm.s32 $0x5F00;
	s29 =	simm.s32 $0x8F00;
	s31 =	simm.s32 $0x9F00  }
0x6: {  	s28 =	simm.s32 $0x8;
	s30 =	simm.s32 $0x9;
	[smem:$0x7FF] =	sst s2  }
0x7: {  	s4 =	sadd.s32 $0x1C00, s0;
	s6 =	sand.u32 $0x1, s5;
	s5 =	sadd.s32 $0xBA00, s0  }
0x8: {  	s9 =	smul.u32 $0x13800, s14;
	s0 =	sadd.s32 $0xC400, s0;
	s15 =	sadd.s32 $0x49200, s1  }
0x9: {  	s22 =	smul.u32 $0x4E00, s14;
	s13 =	sshll.u32 s14, $0x4;
	p0 =	seq.s32 s14, $0xF  }
0xa: {  	_ =	strace $0x80000047;
	s7 =	sshll.u32 s6, $0x4;
	s8 =	ssub.s32 $0x2, s6  }
0xb: {  	s6 =	smul.u32 $0x4E200, s6;
	s17 =	sor.u32 $0x9C00, s13;
	[dreg:$0x4] =	wrdreg s15  }
0xc: {  	s7 =	sor.u32 s14, s7;
	s10 =	sshrl.u32 s8, $0x1;
	s9 =	sshrl.u32 s9, $0x2  }
0xd: {  	s25 =	sadd.s32 s22, s1;
	s11 =	smul.u32 $0x4E0, s7;
	s8 =	ssub.s32 s8, s10  }
0xe: {  	s9 =	sadd.s32 s9, s1;
	s23 =	sshrl.u32 s6, $0x3;
	s6 =	sadd.s32 s22, s6  }
0xf: {  	p1 =	sgt.u32 s7, $0x3;
	s22 =	simm.s32 $0x6;
	s10 =	simm.s32 $0xA  }
0x10: {  	s7 =	simm.s32 $0xC;
	s24 =	sadd.s32 s0, s23;
	s6 =	sshrl.u32 s6, $0x3  }
0x11: {  	s26 =	smax.u32 s8, $0x1;
	s23 =	simm.s32 $0x6F00;
	s8 =	simm.s32 $0x0  }
0x12: {  	s12 =	sadd.s32 s3, s11;
	s0 =	sadd.s32 s0, s6;
	[dreg:$0x9] =	wrdreg s26  }
0x13: {  	s6 =	sshrl.u32 @p0 s15, $0x3;
	s15 =	simm.s32 $0xD;
	[dreg:$0x5] =	wrdreg s12  }
0x14: {  	s26 =	simm.s32 $0x7F00;
	s12 =	sadd.s32 $0x9C40, s3;
	[dreg:$0x8] =	wrdreg s0  }
0x15: {  	s3 =	sadd.s32 s3, s17;
	[dreg:$0xa] =	wrdreg s6;
	s0 =	sshrl.u32 s25, $0x3  }
0x16: {  	s6 =	simm.s32 $0x3;
	s25 =	simm.s32 $0xB;
	[dreg:$0x6] =	wrdreg s3  }
.Ltmp0:
0x17: {  	s3 =	sadd.s32 $0x9240, s24;
	s16 =	sadd.s32 s11, s12;
	(pc) =	sbr.rel .LBB2_1-.Ltmp0, $4  }
0x18: {  	s18 =	sadd.s32 @!p1 s17, s12;
	[dreg:$0xc] =	wrdreg s0;
	s0 =	simm.s32 $0x1  }
0x19: {  	s17 =	simm.s32 $0x5;
	[dreg:$0x7] =	wrdreg s3;
	s3 =	sshll.u32 @!p0 s14, $0x6  }
0x1a: {  	s24 =	simm.s32 $0x7;
	s14 =	sshrl.u32 @!p0 s9, $0x3;
	s3 =	sor.u32 @!p0 $0x1C0D, s3  }
0x1b: {  	s9 =	simm.s32 $0x2;
	[dreg:$0xb] =	wrdreg s3;
	s3 =	simm.s32 $0x4  }
.LBB2_7:
0x1c: {  	s11 =	rddreg [dreg:$0x4]  }
0x1d: {  	s12 =	rddreg [dreg:$0x7];
	s13 =	simm.s32 $0x1FCD;
	s11 =	sshrl.u32 s11, $0x3  }
0x1e: {  	[hbm:s12], [sflag:s13] =	dma.local [spmem:s11], $0xA00  }
0x1f: {  	_ =	swait.ge [sflag:s15], $0xA00  }
0x20: {  	[sflag:s15] =	ssyncset.done $0x0  }
0x21: {  	[sflag:s15] =	ssyncadd.s32 $0xFFFFF600  }
.LBB2_8:
0x22: {  	s8 =	sadd.s32 $0x1, s8;
	s11 =	rddreg [dreg:$0x9]  }
0x23: {  	p2 =	sne.s32 s8, s11  }
.Ltmp1:
0x24: {  	_ = 	snop;
	(pc) =	sbr.rel @!p2 .LBB2_9-.Ltmp1, $1  }
0x25: {  	_ =	sdelay $0x3  }
.LBB2_1:
0x26: {  	s11 =	simm.s32 @p0 $0x1FCD;
	s12 =	rddreg [dreg:$0xa]  }
0x27: {  	[spmem:s12], [sflag:s11] =	dma.local @p0 [hbm:s5], $0xA00  }
0x28: {  	s11 =	simm.s32 @p0 $0xD  }
0x29: {  	_ =	swait.ge @p0 [sflag:s11], $0xA00  }
0x2a: {  	[sflag:s11] =	ssyncset.done @p0 $0x0  }
0x2b: {  	[sflag:s11] =	ssyncadd.s32 @p0 $0xFFFFF600;
	s11 =	rddreg [dreg:$0xb]  }
0x2c: {  	[spmem:s14], [sflag:s11] =	dma.local @!p0 [hbm:s5], $0x9C0  }
0x2d: {  	s11 =	simm.s32 @!p0 $0xD  }
0x2e: {  	_ =	swait.ge @!p0 [sflag:s11], $0x9C0  }
0x2f: {  	[sflag:s11] =	ssyncset.done @!p0 $0x0  }
0x30: {  	s13 =	rddreg [dreg:$0x5];
	[sflag:s11] =	ssyncadd.s32 @!p0 $0xFFFFF640  }
0x31: {  	[tilespmem:s2], [sflag:$0xD] =	stream.linear.gather [hbm4b:s13+s2], $0x2700, $0x38;
	[tilespmem:$0xFD20] =	vst v63  }
0x32: {  	_ =	swait.ge [sflag:s15], $0x2700  }
0x33: {  	[sflag:s15] =	ssyncset.done $0x0  }
0x34: {  	s12 =	simm.s32 $0x2780;
	[sflag:s15] =	ssyncadd.s32 $0xFFFFD900  }
0x35: {  	[tilespmem:s12], [sflag:$0xD] =	stream.linear.gather [hbm4b:s16+s2], $0x2700, $0x38;
	[tilespmem:$0xFD20] =	vst v63  }
0x36: {  	_ =	swait.ge [sflag:s15], $0x2700  }
0x37: {  	s11 =	simm.s32 @!p1 $0x0;
	[sflag:s15] =	ssyncset.done $0x0  }
0x38: {  	s12 =	simm.s32 @!p1 $0x2700;
	s13 =	rddreg [dreg:$0x6];
	[sflag:s15] =	ssyncadd.s32 $0xFFFFD900  }
0x39: {  	[tilespmem:s12], [sflag:$0xD] =	stream.linear.gather @!p1 [hbm4b:s13+s11], $0x80, $0x38;
	[tilespmem:$0xFD20] =	vst v63  }
0x3a: {  	s12 =	simm.s32 @!p1 $0xD  }
0x3b: {  	_ =	swait.ge @!p1 [sflag:s12], $0x80  }
0x3c: {  	[sflag:s12] =	ssyncset.done @!p1 $0x0  }
0x3d: {  	s13 =	simm.s32 @!p1 $0x4E80;
	[sflag:s12] =	ssyncadd.s32 @!p1 $0xFFFFFF80  }
0x3e: {  	[tilespmem:s13], [sflag:$0xD] =	stream.linear.gather @!p1 [hbm4b:s18+s11], $0x80, $0x38;
	[tilespmem:$0xFD20] =	vst v63  }
0x3f: {  	_ =	swait.ge @!p1 [sflag:s12], $0x80  }
0x40: {  	[sflag:s12] =	ssyncset.done @!p1 $0x0  }
0x41: {  	[sflag:s12] =	ssyncadd.s32 @!p1 $0xFFFFFF80  }
0x42: {  	[bflag:$0x0] =	sbarrier.arrive $0xFFFF  }
0x43: {  	[tilespmem:s20], [sflag:$0x1] =	stream.indirect.gather [hbm4b:s4+s19], $0x20, s2, s19, $0xb8;
	[tilespmem:$0xFD20] =	vst v63  }
0x44: {  	_ = 	snop  }
0x45: {  	[tilespmem:s21], [sflag:$0x2] =	stream.indirect.gather [hbm4b:s4+s19], $0x20, s19, s19, $0xb8;
	[tilespmem:$0xFD20] =	vst v63  }
0x46: {  	s13 =	simm.s32 $0x100  }
0x47: {  	[tilespmem:s23], [sflag:$0x3] =	stream.indirect.gather [hbm4b:s4+s19], $0x20, s13, s19, $0xb8;
	[tilespmem:$0xFD20] =	vst v63  }
0x48: {  	s12 =	simm.s32 $0x180  }
0x49: {  	[tilespmem:s26], [sflag:$0x4] =	stream.indirect.gather [hbm4b:s4+s19], $0x20, s12, s19, $0xb8;
	[tilespmem:$0xFD20] =	vst v63  }
0x4a: {  	s13 =	simm.s32 $0x200  }
0x4b: {  	[tilespmem:s29], [sflag:$0x5] =	stream.indirect.gather [hbm4b:s4+s19], $0x20, s13, s19, $0xb8;
	[tilespmem:$0xFD20] =	vst v63  }
0x4c: {  	s12 =	simm.s32 $0x280  }
0x4d: {  	[tilespmem:s31], [sflag:$0x6] =	stream.indirect.gather [hbm4b:s4+s19], $0x20, s12, s19, $0xb8;
	[tilespmem:$0xFD20] =	vst v63  }
0x4e: {  	_ =	swait.ge [sflag:s0], $0x1000  }
0x4f: {  	[sflag:s0] =	ssyncset.done $0x0  }
0x50: {  	s13 =	simm.s32 $0x2780;
	[sflag:s0] =	ssyncadd.s32 $0xFFFFF000  }
0x51: {  	[spmem:s1] =	stream.indirect.scatter.add.f32 [tilespmem:s20], [sflag:$0x7], $0x20, s13, s19, $0xb8;
	[tilespmem:$0xFD20] =	vst v63  }
0x52: {  	_ =	swait.ge [sflag:s9], $0x1000  }
0x53: {  	[sflag:s9] =	ssyncset.done $0x0  }
0x54: {  	s12 =	simm.s32 $0x2800;
	[sflag:s9] =	ssyncadd.s32 $0xFFFFF000  }
0x55: {  	[spmem:s1] =	stream.indirect.scatter.add.f32 [tilespmem:s21], [sflag:$0x8], $0x20, s12, s19, $0xb8;
	[tilespmem:$0xFD20] =	vst v63  }
0x56: {  	_ =	swait.ge [sflag:s6], $0x1000  }
0x57: {  	[sflag:s6] =	ssyncset.done $0x0  }
0x58: {  	s13 =	simm.s32 $0x2880;
	[sflag:s6] =	ssyncadd.s32 $0xFFFFF000  }
0x59: {  	[spmem:s1] =	stream.indirect.scatter.add.f32 [tilespmem:s23], [sflag:$0x9], $0x20, s13, s19, $0xb8;
	[tilespmem:$0xFD20] =	vst v63  }
0x5a: {  	_ =	swait.ge [sflag:s3], $0x1000  }
0x5b: {  	[sflag:s3] =	ssyncset.done $0x0  }
0x5c: {  	s12 =	simm.s32 $0x2900;
	[sflag:s3] =	ssyncadd.s32 $0xFFFFF000  }
0x5d: {  	[spmem:s1] =	stream.indirect.scatter.add.f32 [tilespmem:s26], [sflag:$0xA], $0x20, s12, s19, $0xb8;
	[tilespmem:$0xFD20] =	vst v63  }
0x5e: {  	_ =	swait.ge [sflag:s17], $0x1000  }
0x5f: {  	[sflag:s17] =	ssyncset.done $0x0  }
0x60: {  	s13 =	simm.s32 $0x2980;
	[sflag:s17] =	ssyncadd.s32 $0xFFFFF000  }
0x61: {  	[spmem:s1] =	stream.indirect.scatter.add.f32 [tilespmem:s29], [sflag:$0xB], $0x20, s13, s19, $0xb8;
	[tilespmem:$0xFD20] =	vst v63  }
0x62: {  	_ =	swait.ge [sflag:s22], $0x1000  }
0x63: {  	[sflag:s22] =	ssyncset.done $0x0  }
0x64: {  	s12 =	simm.s32 $0x2A00;
	[sflag:s22] =	ssyncadd.s32 $0xFFFFF000  }
0x65: {  	[spmem:s1] =	stream.indirect.scatter.add.f32 [tilespmem:s31], [sflag:$0xC], $0x20, s12, s19, $0xb8;
	[tilespmem:$0xFD20] =	vst v63  }
0x66: {  	_ =	swait.ge [sflag:s24], $0x1000  }
0x67: {  	[sflag:s24] =	ssyncset.done $0x0  }
0x68: {  	s13 =	simm.s32 $0x300;
	[sflag:s24] =	ssyncadd.s32 $0xFFFFF000  }
0x69: {  	[tilespmem:s20], [sflag:$0x1] =	stream.indirect.gather [hbm4b:s4+s19], $0x20, s13, s19, $0xb8;
	[tilespmem:$0xFD20] =	vst v63  }
0x6a: {  	_ =	swait.ge [sflag:s28], $0x1000  }
0x6b: {  	[sflag:s28] =	ssyncset.done $0x0  }
0x6c: {  	s12 =	simm.s32 $0x380;
	[sflag:s28] =	ssyncadd.s32 $0xFFFFF000  }
0x6d: {  	[tilespmem:s21], [sflag:$0x2] =	stream.indirect.gather [hbm4b:s4+s19], $0x20, s12, s19, $0xb8;
	[tilespmem:$0xFD20] =	vst v63  }
0x6e: {  	_ =	swait.ge [sflag:s30], $0x1000  }
0x6f: {  	[sflag:s30] =	ssyncset.done $0x0  }
0x70: {  	s13 =	simm.s32 $0x400;
	[sflag:s30] =	ssyncadd.s32 $0xFFFFF000  }
0x71: {  	[tilespmem:s23], [sflag:$0x3] =	stream.indirect.gather [hbm4b:s4+s19], $0x20, s13, s19, $0xb8;
	[tilespmem:$0xFD20] =	vst v63  }
0x72: {  	_ =	swait.ge [sflag:s10], $0x1000  }
0x73: {  	[sflag:s10] =	ssyncset.done $0x0  }
0x74: {  	s12 =	simm.s32 $0x480;
	[sflag:s10] =	ssyncadd.s32 $0xFFFFF000  }
0x75: {  	[tilespmem:s26], [sflag:$0x4] =	stream.indirect.gather [hbm4b:s4+s19], $0x20, s12, s19, $0xb8;
	[tilespmem:$0xFD20] =	vst v63  }
0x76: {  	_ =	swait.ge [sflag:s25], $0x1000  }
0x77: {  	[sflag:s25] =	ssyncset.done $0x0  }
0x78: {  	s13 =	simm.s32 $0x500;
	[sflag:s25] =	ssyncadd.s32 $0xFFFFF000  }
0x79: {  	[tilespmem:s29], [sflag:$0x5] =	stream.indirect.gather [hbm4b:s4+s19], $0x20, s13, s19, $0xb8;
	[tilespmem:$0xFD20] =	vst v63  }
0x7a: {  	_ =	swait.ge [sflag:s7], $0x1000  }
0x7b: {  	[sflag:s7] =	ssyncset.done $0x0  }
0x7c: {  	s11 =	simm.s32 $0xC00;
	s12 =	simm.s32 $0x580;
	[sflag:s7] =	ssyncadd.s32 $0xFFFFF000  }
.LBB2_2:
0x7d: {  	[tilespmem:s31], [sflag:$0x6] =	stream.indirect.gather [hbm4b:s4+s19], $0x20, s12, s19, $0xb8;
	[tilespmem:$0xFD20] =	vst v63  }
0x7e: {  	s12 =	smov.u32 s11  }
0x7f: {  	p2 =	sne.s32 s11, $0x8400;
	s11 =	sadd.s32 $0xC00, s11;
	_ =	swait.ge [sflag:s0], $0x1000  }
0x80: {  	s12 =	sshra.s32 s12, $0x2;
	[sflag:s0] =	ssyncset.done $0x0  }
0x81: {  	s13 =	sadd.s32 $0x2780, s12;
	[sflag:s0] =	ssyncadd.s32 $0xFFFFF000  }
0x82: {  	[spmem:s1] =	stream.indirect.scatter.add.f32 [tilespmem:s20], [sflag:$0x7], $0x20, s13, s19, $0xb8;
	[tilespmem:$0xFD20] =	vst v63  }
0x83: {  	_ =	swait.ge [sflag:s9], $0x1000  }
0x84: {  	[sflag:s9] =	ssyncset.done $0x0  }
0x85: {  	s13 =	sadd.s32 $0x2800, s12;
	[sflag:s9] =	ssyncadd.s32 $0xFFFFF000  }
0x86: {  	[spmem:s1] =	stream.indirect.scatter.add.f32 [tilespmem:s21], [sflag:$0x8], $0x20, s13, s19, $0xb8;
	[tilespmem:$0xFD20] =	vst v63  }
0x87: {  	_ =	swait.ge [sflag:s6], $0x1000  }
0x88: {  	[sflag:s6] =	ssyncset.done $0x0  }
0x89: {  	s13 =	sadd.s32 $0x2880, s12;
	[sflag:s6] =	ssyncadd.s32 $0xFFFFF000  }
0x8a: {  	[spmem:s1] =	stream.indirect.scatter.add.f32 [tilespmem:s23], [sflag:$0x9], $0x20, s13, s19, $0xb8;
	[tilespmem:$0xFD20] =	vst v63  }
0x8b: {  	_ =	swait.ge [sflag:s3], $0x1000  }
0x8c: {  	[sflag:s3] =	ssyncset.done $0x0  }
0x8d: {  	s13 =	sadd.s32 $0x2900, s12;
	[sflag:s3] =	ssyncadd.s32 $0xFFFFF000  }
0x8e: {  	[spmem:s1] =	stream.indirect.scatter.add.f32 [tilespmem:s26], [sflag:$0xA], $0x20, s13, s19, $0xb8;
	[tilespmem:$0xFD20] =	vst v63  }
0x8f: {  	_ =	swait.ge [sflag:s17], $0x1000  }
0x90: {  	[sflag:s17] =	ssyncset.done $0x0  }
0x91: {  	s13 =	sadd.s32 $0x2980, s12;
	[sflag:s17] =	ssyncadd.s32 $0xFFFFF000  }
0x92: {  	[spmem:s1] =	stream.indirect.scatter.add.f32 [tilespmem:s29], [sflag:$0xB], $0x20, s13, s19, $0xb8;
	[tilespmem:$0xFD20] =	vst v63  }
0x93: {  	_ =	swait.ge [sflag:s22], $0x1000  }
0x94: {  	[sflag:s22] =	ssyncset.done $0x0  }
0x95: {  	s13 =	sadd.s32 $0x2A00, s12;
	[sflag:s22] =	ssyncadd.s32 $0xFFFFF000  }
0x96: {  	[spmem:s1] =	stream.indirect.scatter.add.f32 [tilespmem:s31], [sflag:$0xC], $0x20, s13, s19, $0xb8;
	[tilespmem:$0xFD20] =	vst v63  }
0x97: {  	_ =	swait.ge [sflag:s24], $0x1000  }
0x98: {  	[sflag:s24] =	ssyncset.done $0x0  }
0x99: {  	s13 =	sadd.s32 $0x300, s12;
	[sflag:s24] =	ssyncadd.s32 $0xFFFFF000  }
0x9a: {  	[tilespmem:s20], [sflag:$0x1] =	stream.indirect.gather [hbm4b:s4+s19], $0x20, s13, s19, $0xb8;
	[tilespmem:$0xFD20] =	vst v63  }
0x9b: {  	_ =	swait.ge [sflag:s28], $0x1000  }
0x9c: {  	[sflag:s28] =	ssyncset.done $0x0  }
0x9d: {  	s13 =	sadd.s32 $0x380, s12;
	[sflag:s28] =	ssyncadd.s32 $0xFFFFF000  }
0x9e: {  	[tilespmem:s21], [sflag:$0x2] =	stream.indirect.gather [hbm4b:s4+s19], $0x20, s13, s19, $0xb8;
	[tilespmem:$0xFD20] =	vst v63  }
0x9f: {  	_ =	swait.ge [sflag:s30], $0x1000  }
0xa0: {  	[sflag:s30] =	ssyncset.done $0x0  }
0xa1: {  	s13 =	sadd.s32 $0x400, s12;
	[sflag:s30] =	ssyncadd.s32 $0xFFFFF000  }
0xa2: {  	[tilespmem:s23], [sflag:$0x3] =	stream.indirect.gather [hbm4b:s4+s19], $0x20, s13, s19, $0xb8;
	[tilespmem:$0xFD20] =	vst v63  }
0xa3: {  	_ =	swait.ge [sflag:s10], $0x1000  }
0xa4: {  	[sflag:s10] =	ssyncset.done $0x0  }
0xa5: {  	s13 =	sadd.s32 $0x480, s12;
	[sflag:s10] =	ssyncadd.s32 $0xFFFFF000  }
0xa6: {  	[tilespmem:s26], [sflag:$0x4] =	stream.indirect.gather [hbm4b:s4+s19], $0x20, s13, s19, $0xb8;
	[tilespmem:$0xFD20] =	vst v63  }
0xa7: {  	_ =	swait.ge [sflag:s25], $0x1000  }
0xa8: {  	[sflag:s25] =	ssyncset.done $0x0  }
.Ltmp2:
0xa9: {  	s13 =	sadd.s32 $0x500, s12;
	[sflag:s25] =	ssyncadd.s32 $0xFFFFF000;
	(pc) =	sbr.rel @p2 .LBB2_2-.Ltmp2, $4  }
0xaa: {  	[tilespmem:s29], [sflag:$0x5] =	stream.indirect.gather [hbm4b:s4+s19], $0x20, s13, s19, $0xb8;
	[tilespmem:$0xFD20] =	vst v63  }
0xab: {  	_ =	swait.ge [sflag:s7], $0x1000  }
0xac: {  	[sflag:s7] =	ssyncset.done $0x0  }
0xad: {  	s12 =	sadd.s32 $0x580, s12;
	[sflag:s7] =	ssyncadd.s32 $0xFFFFF000  }
0xae: {  	[tilespmem:s31], [sflag:$0x6] =	stream.indirect.gather [hbm4b:s4+s19], $0x20, s12, s19, $0xb8;
	[tilespmem:$0xFD20] =	vst v63  }
0xaf: {  	_ =	swait.ge [sflag:s0], $0x1000  }
0xb0: {  	[sflag:s0] =	ssyncset.done $0x0  }
0xb1: {  	s11 =	simm.s32 $0x4B80;
	[sflag:s0] =	ssyncadd.s32 $0xFFFFF000  }
0xb2: {  	[spmem:s1] =	stream.indirect.scatter.add.f32 [tilespmem:s20], [sflag:$0x7], $0x20, s11, s19, $0xb8;
	[tilespmem:$0xFD20] =	vst v63  }
0xb3: {  	_ =	swait.ge [sflag:s9], $0x1000  }
0xb4: {  	[sflag:s9] =	ssyncset.done $0x0  }
0xb5: {  	s13 =	simm.s32 $0x4C00;
	[sflag:s9] =	ssyncadd.s32 $0xFFFFF000  }
0xb6: {  	[spmem:s1] =	stream.indirect.scatter.add.f32 [tilespmem:s21], [sflag:$0x8], $0x20, s13, s19, $0xb8;
	[tilespmem:$0xFD20] =	vst v63  }
0xb7: {  	_ =	swait.ge [sflag:s6], $0x1000  }
0xb8: {  	[sflag:s6] =	ssyncset.done $0x0  }
0xb9: {  	s12 =	simm.s32 $0x4C80;
	[sflag:s6] =	ssyncadd.s32 $0xFFFFF000  }
0xba: {  	[spmem:s1] =	stream.indirect.scatter.add.f32 [tilespmem:s23], [sflag:$0x9], $0x20, s12, s19, $0xb8;
	[tilespmem:$0xFD20] =	vst v63  }
0xbb: {  	_ =	swait.ge [sflag:s3], $0x1000  }
0xbc: {  	[sflag:s3] =	ssyncset.done $0x0  }
0xbd: {  	s13 =	simm.s32 $0x4D00;
	[sflag:s3] =	ssyncadd.s32 $0xFFFFF000  }
0xbe: {  	[spmem:s1] =	stream.indirect.scatter.add.f32 [tilespmem:s26], [sflag:$0xA], $0x20, s13, s19, $0xb8;
	[tilespmem:$0xFD20] =	vst v63  }
0xbf: {  	_ =	swait.ge [sflag:s17], $0x1000  }
0xc0: {  	[sflag:s17] =	ssyncset.done $0x0  }
0xc1: {  	s12 =	simm.s32 $0x4D80;
	[sflag:s17] =	ssyncadd.s32 $0xFFFFF000  }
0xc2: {  	[spmem:s1] =	stream.indirect.scatter.add.f32 [tilespmem:s29], [sflag:$0xB], $0x20, s12, s19, $0xb8;
	[tilespmem:$0xFD20] =	vst v63  }
0xc3: {  	_ =	swait.ge [sflag:s22], $0x1000  }
0xc4: {  	[sflag:s22] =	ssyncset.done $0x0  }
0xc5: {  	s13 =	simm.s32 $0x4E00;
	[sflag:s22] =	ssyncadd.s32 $0xFFFFF000  }
0xc6: {  	[spmem:s1] =	stream.indirect.scatter.add.f32 [tilespmem:s31], [sflag:$0xC], $0x20, s13, s19, $0xb8;
	[tilespmem:$0xFD20] =	vst v63  }
0xc7: {  	_ =	swait.ge [sflag:s24], $0x1000  }
0xc8: {  	[sflag:s24] =	ssyncset.done $0x0  }
0xc9: {  	[sflag:s24] =	ssyncadd.s32 $0xFFFFF000  }
0xca: {  	_ =	swait.ge [sflag:s28], $0x1000  }
0xcb: {  	[sflag:s28] =	ssyncset.done $0x0  }
0xcc: {  	[sflag:s28] =	ssyncadd.s32 $0xFFFFF000  }
0xcd: {  	_ =	swait.ge [sflag:s30], $0x1000  }
0xce: {  	[sflag:s30] =	ssyncset.done $0x0  }
0xcf: {  	[sflag:s30] =	ssyncadd.s32 $0xFFFFF000  }
0xd0: {  	_ =	swait.ge [sflag:s10], $0x1000  }
0xd1: {  	[sflag:s10] =	ssyncset.done $0x0  }
0xd2: {  	[sflag:s10] =	ssyncadd.s32 $0xFFFFF000  }
0xd3: {  	_ =	swait.ge [sflag:s25], $0x1000  }
.Ltmp3:
0xd4: {  	[sflag:s25] =	ssyncset.done $0x0;
	(pc) =	sbr.rel @p1 .LBB2_5-.Ltmp3, $4  }
0xd5: {  	[sflag:s25] =	ssyncadd.s32 $0xFFFFF000  }
0xd6: {  	_ =	swait.ge [sflag:s7], $0x1000  }
0xd7: {  	[sflag:s7] =	ssyncset.done $0x0  }
0xd8: {  	[sflag:s7] =	ssyncadd.s32 $0xFFFFF000  }
0xd9: {  	s11 =	simm.s32 $0x2700  }
0xda: {  	[tilespmem:s21], [sflag:$0xD] =	stream.indirect.gather [hbm4b:s4+s19], $0x20, s11, s19, $0xb8;
	[tilespmem:$0xFD20] =	vst v63  }
0xdb: {  	_ =	swait.ge [sflag:s15], $0x1000  }
0xdc: {  	[sflag:s15] =	ssyncset.done $0x0  }
0xdd: {  	s13 =	simm.s32 $0x4E80;
	[sflag:s15] =	ssyncadd.s32 $0xFFFFF000  }
0xde: {  	[spmem:s1] =	stream.indirect.scatter.add.f32 [tilespmem:s21], [sflag:$0xD], $0x20, s13, s19, $0xb8;
	[tilespmem:$0xFD20] =	vst v63  }
.Ltmp4:
0xdf: {  	_ =	swait.ge [sflag:s15], $0x1000;
	(pc) =	sbr.rel .LBB2_6-.Ltmp4, $3  }
0xe0: {  	[sflag:s15] =	ssyncset.done $0x0  }
0xe1: {  	[sflag:s15] =	ssyncadd.s32 $0xFFFFF000  }
0xe2: {  	[bflag:$0x0] =	sbarrier.arrive $0xFFFF;
	_ =	sdelay $0x1  }
.LBB2_5:
.Ltmp5:
0xe3: {  	(pc) =	sbr.rel @p0 .LBB2_7-.Ltmp5, $2  }
0xe4: {  	_ =	sdelay $0x1  }
0xe5: {  	[bflag:$0x0] =	sbarrier.arrive $0xFFFF;
	_ =	sdelay $0x1  }
.LBB2_6:
0xe6: {  	s11 =	stileid.u32  }
0xe7: {  	s12 =	rddreg [dreg:$0x8];
	s11 =	sshll.u32 s11, $0x6  }
.Ltmp6:
0xe8: {  	s13 =	rddreg [dreg:$0xc];
	s11 =	sor.u32 $0x1C0D, s11;
	(pc) =	sbr.rel .LBB2_8-.Ltmp6, $4  }
0xe9: {  	[hbm:s12], [sflag:s11] =	dma.local [spmem:s13], $0x9C0  }
0xea: {  	_ =	swait.ge [sflag:s15], $0x9C0  }
0xeb: {  	[sflag:s15] =	ssyncset.done $0x0  }
0xec: {  	[sflag:s15] =	ssyncadd.s32 $0xFFFFF640  }
.LBB2_9:
0xed: {  	_ =	sfence.sel $0x180000  }
0xee: {  	[bflag:$0x0] =	sbarrier.arrive $0xFFFF  }
0xef: {  	_ =	strace $0x90000047  }
0xf0: {  	s0 =	stileid.u32;
	[bflag:$0x2] =	sbarrier.arrive $0xFFFF  }
0xf1: {  	p0 =	sne.s32 s0, $0x0;
	s0 =	rddreg [dreg:$0x3]  }
0xf2: {  	s0 =	sadd.s32 @!p0 $0x100000, s0  }
0xf3: {  	[sflag:s0] =	ssyncadd.tile.s32 @!p0 $0x1;
	_ =	shalt  }
.Lfunc_end2:
_tile_overlayer_lowered:
.L_overlay_start_2:
0xf4: {  	(tag) =	ssettag $0x2  }
0xf5: {  	s0 =	rddreg [dreg:$0x0];
	s2 =	stileid.u32  }
0xf6: {  	s1 =	rddreg [dreg:$0x1];
	p0 =	sne.s32 s2, $0x0  }
0xf7: {  	s3 =	rddreg [dreg:$0x2];
	[bflag:$0x3] =	sbarrier.arrive $0xFFFF;
	s2 =	simm.s32 @!p0 $0x1C0D  }
0xf8: {  	[timem:s3], [sflag:s2] =	dma.local @!p0 [hbm:s0], s1  }
0xf9: {  	s0 =	simm.s32 @!p0 $0xD  }
0xfa: {  	_ =	swait.ge @!p0 [sflag:s0], s1  }
0xfb: {  	s1 =	ssub.s32 @!p0 $0x0, s1;
	[sflag:s0] =	ssyncset.done @!p0 $0x0  }
0xfc: {  	[sflag:s0] =	ssyncadd.s32 @!p0 s1  }
0xfd: {  	[bflag:$0x3] =	sbarrier.arrive $0xFFFF  }
0xfe: {  	_ =	shalt  }

</sc_bundles>
